<compile_context>
chip_gen: v7x
topology: tpu7x:2x2x1
jax: 0.10.2.dev20260603
libtpu: 0.0.44.dev20260713+nightly
codegen_flags: <defaults>
</compile_context>

<pallas_src>
import jax
import jax.numpy as jnp
from jax import lax
from jax.experimental import pallas as pl
from jax.experimental.pallas import tpu as pltpu
from jax.experimental.pallas import tpu_sc as plsc

N = 10000
NP = 10240
D = 128
E = 320000
TILES = 32
PER_TILE = 10240
CH = 128
NCH = PER_TILE // CH
EP = TILES * PER_TILE
BLK = 1024
GRID = NP // BLK

_f32 = jnp.float32
_i32 = jnp.int32

_MESH = plsc.VectorSubcoreMesh(core_axis_name="c", subcore_axis_name="s")
_SC_PARAMS = pltpu.CompilerParams(needs_layout_passes=False)


def _hist_body(eidx_hbm, out_hbm, est, ub, acc, ss0, ss1):
    cid = lax.axis_index("c")
    sid = lax.axis_index("s")
    wid = cid * 16 + sid
    ehb = eidx_hbm.at[wid]

    z16 = jnp.zeros((16,), _f32)

    def zf(t, _):
        for k in range(8):
            ub[t, pl.ds(k * 16, 16)] = z16
        return _
    lax.fori_loop(0, CH, zf, None)
    for k in range(5):
        pltpu.sync_copy(ub, acc.at[pl.ds(sid * 640 + k * CH, CH), :])

    onehot = jnp.where(jnp.arange(16, dtype=_i32) == 0, 1.0, 0.0).astype(_f32)

    def of(t, _):
        ub[t, pl.ds(0, 16)] = onehot
        return _
    lax.fori_loop(0, CH, of, None)
    plsc.subcore_barrier()

    def load_half(h):
        pltpu.sync_copy(ehb.at[pl.ds(h * _HALF, _HALF)], est)

        def fixall(t, _):
            for k in range(8):
                s = est[t, 0, pl.ds(k * 16, 16)]
                d = est[t, 1, pl.ds(k * 16, 16)]
                est[t, 0, pl.ds(k * 16, 16)] = jnp.where(s == d, N, s)
            return _
        lax.fori_loop(0, _HALF, fixall, None)

    def run_half():
        pltpu.async_copy(ub, acc.at[est.at[0, 0]], ss0, add=True)
        pltpu.async_copy(ub, acc.at[est.at[1, 0]], ss1, add=True)

        def pair(jj, _):
            j0 = 2 * jj
            j1 = j0 + 1
            pltpu.make_async_copy(ub, acc.at[est.at[j0, 0]], ss0).wait()

            @pl.when(jj < _HALF // 2 - 1)
            def _n0():
                pltpu.async_copy(ub, acc.at[est.at[j0 + 2, 0]], ss0, add=True)

            pltpu.make_async_copy(ub, acc.at[est.at[j1, 0]], ss1).wait()

            @pl.when(jj < _HALF // 2 - 1)
            def _n1():
                pltpu.async_copy(ub, acc.at[est.at[j1 + 2, 0]], ss1, add=True)
            return _
        lax.fori_loop(0, _HALF // 2, pair, None)

    load_half(0)
    run_half()
    load_half(1)
    run_half()

    plsc.subcore_barrier()
    pltpu.sync_copy(acc.at[pl.ds(sid * 640, 640), :],
                    out_hbm.at[cid, pl.ds(sid * 640, 640), :])


_sc_hist = pl.kernel(
    _hist_body,
    out_type=jax.ShapeDtypeStruct((2, NP, D), _f32),
    mesh=_MESH,
    scratch_types=[
        pltpu.VMEM((NCH // 2, 2, CH), _i32),
        pltpu.VMEM((CH, D), _f32),
        pltpu.VMEM_SHARED((NP, D), _f32),
        pltpu.SemaphoreType.DMA,
        pltpu.SemaphoreType.DMA,
    ],
    compiler_params=_SC_PARAMS,
)


_HALF = NCH // 2


def _scat_body(eidx_hbm, y_hbm, out_hbm,
               est, buf0, buf1, acc, sg0, sg1, ss0, ss1):
    cid = lax.axis_index("c")
    sid = lax.axis_index("s")
    wid = cid * 16 + sid
    ehb = eidx_hbm.at[wid]

    z16 = jnp.zeros((16,), _f32)

    def zb(t, _):
        for k in range(8):
            buf0[t, pl.ds(k * 16, 16)] = z16
        return _
    lax.fori_loop(0, CH, zb, None)
    for k in range(5):
        pltpu.sync_copy(buf0, acc.at[pl.ds(sid * 640 + k * CH, CH), :])
    plsc.subcore_barrier()

    def load_half(h):
        pltpu.sync_copy(ehb.at[pl.ds(h * _HALF, _HALF)], est)

        def fixall(t, _):
            for k in range(8):
                s = est[t, 0, pl.ds(k * 16, 16)]
                d = est[t, 1, pl.ds(k * 16, 16)]
                est[t, 0, pl.ds(k * 16, 16)] = jnp.where(s == d, N, s)
            return _
        lax.fori_loop(0, _HALF, fixall, None)

    def run_half():
        pltpu.async_copy(y_hbm.at[est.at[0, 0]], buf0, sg0)
        pltpu.async_copy(y_hbm.at[est.at[1, 0]], buf1, sg1)

        def pair(jj, _):
            j0 = 2 * jj
            j1 = j0 + 1
            pltpu.make_async_copy(y_hbm.at[est.at[j0, 0]], buf0, sg0).wait()
            pltpu.async_copy(buf0, acc.at[est.at[j0, 1]], ss0, add=True)
            pltpu.make_async_copy(y_hbm.at[est.at[j1, 0]], buf1, sg1).wait()
            pltpu.async_copy(buf1, acc.at[est.at[j1, 1]], ss1, add=True)

            @pl.when(jj < _HALF // 2 - 1)
            def _refill():
                pltpu.make_async_copy(buf0, acc.at[est.at[j0, 1]], ss0).wait()
                pltpu.async_copy(y_hbm.at[est.at[j0 + 2, 0]], buf0, sg0)
                pltpu.make_async_copy(buf1, acc.at[est.at[j1, 1]], ss1).wait()
                pltpu.async_copy(y_hbm.at[est.at[j1 + 2, 0]], buf1, sg1)
            return _
        lax.fori_loop(0, _HALF // 2, pair, None)
        pltpu.make_async_copy(buf0, acc.at[est.at[_HALF - 2, 1]], ss0).wait()
        pltpu.make_async_copy(buf1, acc.at[est.at[_HALF - 1, 1]], ss1).wait()

    load_half(0)
    run_half()
    load_half(1)
    run_half()

    plsc.subcore_barrier()
    pltpu.sync_copy(acc.at[pl.ds(sid * 640, 640), :],
                    out_hbm.at[cid, pl.ds(sid * 640, 640), :])


_sc_scatter = pl.kernel(
    _scat_body,
    out_type=jax.ShapeDtypeStruct((2, NP, D), _f32),
    mesh=_MESH,
    scratch_types=[
        pltpu.VMEM((_HALF, 2, CH), _i32),
        pltpu.VMEM((CH, D), _f32),
        pltpu.VMEM((CH, D), _f32),
        pltpu.VMEM_SHARED((NP, D), _f32),
        pltpu.SemaphoreType.DMA,
        pltpu.SemaphoreType.DMA,
        pltpu.SemaphoreType.DMA,
        pltpu.SemaphoreType.DMA,
    ],
    compiler_params=_SC_PARAMS,
)


def _prep1_body(x_ref, w0_ref, w1_ref, q0_ref, q1_ref,
                xw0_ref, xw1_ref, y_ref, dinv_ref, diag_ref):
    xb = x_ref[...]
    xw0_ref[...] = jnp.dot(xb, w0_ref[...], preferred_element_type=_f32)
    xw1 = jnp.dot(xb, w1_ref[...], preferred_element_type=_f32)
    xw1_ref[...] = xw1
    deg = q0_ref[...] + q1_ref[...]
    pos = deg > 0
    dinv = jnp.where(pos, lax.rsqrt(jnp.where(pos, deg, 1.0)), 0.0)
    dinv_ref[...] = dinv
    diag_ref[...] = jnp.where(pos, 0.0, -1.0)
    y_ref[...] = dinv * xw1


def _prep1(xp, W0, W1, q0, q1):
    col = pl.BlockSpec((BLK, 1), lambda i: (i, 0))
    mat = pl.BlockSpec((BLK, D), lambda i: (i, 0))
    w = pl.BlockSpec((D, D), lambda i: (0, 0))
    return pl.pallas_call(
        _prep1_body,
        grid=(GRID,),
        in_specs=[mat, w, w, col, col],
        out_specs=[mat, mat, mat, col, col],
        out_shape=[
            jax.ShapeDtypeStruct((NP, D), _f32),
            jax.ShapeDtypeStruct((NP, D), _f32),
            jax.ShapeDtypeStruct((NP, D), _f32),
            jax.ShapeDtypeStruct((NP, 1), _f32),
            jax.ShapeDtypeStruct((NP, 1), _f32),
        ],
    )(xp, W0, W1, q0, q1)


def _mid_body(xw0_ref, xw1_ref, diag_ref, dinv_ref, p_ref, b_ref,
              w0_ref, w1_ref, hw0_ref, hw1_ref, y2_ref):
    dinv = dinv_ref[...]
    scat = -dinv * (p_ref[0] + p_ref[1])
    z = xw0_ref[...] + diag_ref[...] * xw1_ref[...] + scat + b_ref[...]
    h = jnp.maximum(z, 0.0)
    hw0_ref[...] = jnp.dot(h, w0_ref[...], preferred_element_type=_f32)
    hw1 = jnp.dot(h, w1_ref[...], preferred_element_type=_f32)
    hw1_ref[...] = hw1
    y2_ref[...] = dinv * hw1


def _mid(xw0, xw1, diag, dinv, p, b, W0, W1):
    col = pl.BlockSpec((BLK, 1), lambda i: (i, 0))
    mat = pl.BlockSpec((BLK, D), lambda i: (i, 0))
    w = pl.BlockSpec((D, D), lambda i: (0, 0))
    return pl.pallas_call(
        _mid_body,
        grid=(GRID,),
        in_specs=[mat, mat, col, col,
                  pl.BlockSpec((2, BLK, D), lambda i: (0, i, 0)),
                  pl.BlockSpec((1, D), lambda i: (0, 0)), w, w],
        out_specs=[mat, mat, mat],
        out_shape=[
            jax.ShapeDtypeStruct((NP, D), _f32),
            jax.ShapeDtypeStruct((NP, D), _f32),
            jax.ShapeDtypeStruct((NP, D), _f32),
        ],
    )(xw0, xw1, diag, dinv, p, b, W0, W1)


def _fuse_body_lsm(xw0_ref, xw1_ref, diag_ref, dinv_ref, p_ref, b_ref, o_ref):
    scat = -dinv_ref[...] * (p_ref[0] + p_ref[1])
    z = xw0_ref[...] + diag_ref[...] * xw1_ref[...] + scat + b_ref[...]
    s = z - jnp.max(z, axis=1, keepdims=True)
    o_ref[...] = s - jnp.log(jnp.sum(jnp.exp(s), axis=1, keepdims=True))


def _fuse(xw0, xw1, diag, dinv, p, b):
    col = pl.BlockSpec((BLK, 1), lambda i: (i, 0))
    mat = pl.BlockSpec((BLK, D), lambda i: (i, 0))
    return pl.pallas_call(
        _fuse_body_lsm,
        grid=(GRID,),
        in_specs=[mat, mat, col, col,
                  pl.BlockSpec((2, BLK, D), lambda i: (0, i, 0)),
                  pl.BlockSpec((1, D), lambda i: (0, 0))],
        out_specs=mat,
        out_shape=jax.ShapeDtypeStruct((NP, D), _f32),
    )(xw0, xw1, diag, dinv, p, b)


def kernel(x, edge_index, W1_0, W1_1, b1, W2_0, W2_1, b2):
    src = edge_index[0]
    dst = edge_index[1]
    padz = jnp.zeros((EP - E,), _i32)
    srcp = jnp.concatenate([src, padz]).reshape(TILES, NCH, CH)
    dstp = jnp.concatenate([dst, padz]).reshape(TILES, NCH, CH)
    eidx = jnp.stack([srcp, dstp], axis=2)
    xp = jnp.pad(x, ((0, NP - N), (0, 0)))

    q = _sc_hist(eidx)
    q0 = q[0][:, 0:1]
    q1 = q[1][:, 0:1]

    xw0, xw1, y1, dinv, diag = _prep1(xp, W1_0, W1_1, q0, q1)
    p1 = _sc_scatter(eidx, y1)
    hw0, hw1, y2 = _mid(xw0, xw1, diag, dinv, p1, b1.reshape(1, D), W2_0, W2_1)
    p2 = _sc_scatter(eidx, y2)
    o = _fuse(hw0, hw1, diag, dinv, p2, b2.reshape(1, D))
    return o[:N]

# --- scband reference (transcript-rebuilt; emitter-appended) ---
"""Pipeline reference for scband-cheb-net-29386166239457 (READ-ONLY COPY).

The authoritative reference and input builder live on the scoring server;
editing this copy changes nothing except your own understanding.
"""

import jax, jax.numpy as jnp
import numpy as np

N = 10000
E = 320000
D = 128


def _uniform(key, shape, scale):
    return jax.random.uniform(key, shape, jnp.float32, -scale, scale)


def setup_inputs(seed: int = 0) -> dict:
    key = jax.random.key(seed)
    ks = jax.random.split(key, 8)
    x = jax.random.normal(ks[0], (N, D), dtype=jnp.float32)
    edge_index = jax.random.randint(ks[1], (2, E), 0, N, dtype=jnp.int32)
    s = 1.0 / np.sqrt(D)
    W1_0 = _uniform(ks[2], (D, D), s)
    W1_1 = _uniform(ks[3], (D, D), s)
    b1 = _uniform(ks[4], (D,), s)
    W2_0 = _uniform(ks[5], (D, D), s)
    W2_1 = _uniform(ks[6], (D, D), s)
    b2 = _uniform(ks[7], (D,), s)
    return {"x": x, "edge_index": edge_index, "W1_0": W1_0, "W1_1": W1_1,
            "b1": b1, "W2_0": W2_0, "W2_1": W2_1, "b2": b2}


def _cheb_conv(x, edge_index, W0, W1, b):
    # PyG ChebConv(K=2), normalization='sym', lambda_max=2.0
    # L_hat = 2L/lambda_max - I = (I - D^{-1/2} A D^{-1/2}) - I
    src = edge_index[0]
    dst = edge_index[1]
    # remove self loops (emulated by zeroing their weight)
    w = jnp.where(src != dst, 1.0, 0.0).astype(x.dtype)
    deg = jnp.zeros((N,), dtype=x.dtype).at[src].add(w)
    dinv = jnp.where(deg > 0, 1.0 / jnp.sqrt(jnp.where(deg > 0, deg, 1.0)), 0.0)
    norm = -dinv[src] * w * dinv[dst]
    # diagonal of L_hat: (1 if deg>0 else 0) - 1
    diag = jnp.where(deg > 0, 1.0, 0.0).astype(x.dtype) - 1.0
    Tx0 = x
    Tx1 = jnp.zeros_like(x).at[dst].add(norm[:, None] * x[src]) + diag[:, None] * x
    return Tx0 @ W0 + Tx1 @ W1 + b


def reference(x, edge_index, W1_0, W1_1, b1, W2_0, W2_1, b2):
    h = jax.nn.relu(_cheb_conv(x, edge_index, W1_0, W1_1, b1))
    # F.dropout is identity in eval mode (deterministic reference)
    o = _cheb_conv(h, edge_index, W2_0, W2_1, b2)
    return jax.nn.log_softmax(o, axis=1)

if __name__ == "__main__":
    import jax
    _d = setup_inputs()
    print(jax.jit(kernel)(*tuple(_d.values())))

</pallas_src>

<mosaic_0001>
#map = affine_map<(d0, d1) -> (0, 0, 0, 0)>
#map1 = affine_map<(d0, d1) -> (0, 0, 0)>
module attributes {stable_mosaic.version = 14 : i64} {
  func.func @_hist_body(%arg0: i32, %arg1: i32, %arg2: memref<32x80x2x128xi32, #tpu.memory_space<hbm>>, %arg3: memref<2x10240x128xf32, #tpu.memory_space<hbm>>, %arg4: memref<40x2x128xi32, #tpu.memory_space<vmem>>, %arg5: memref<128x128xf32, #tpu.memory_space<vmem>>, %arg6: memref<10240x128xf32, #tpu.memory_space<vmem_shared>>, %arg7: memref<!tpu.dma_semaphore, #tpu.memory_space<semaphore_mem>>, %arg8: memref<!tpu.dma_semaphore, #tpu.memory_space<semaphore_mem>>) attributes {dimension_semantics = [#tpu.dimension_semantics<core_parallel>, #tpu.dimension_semantics<subcore_parallel>], iteration_bounds = array<i64: 2, 16>, scalar_prefetch = 0 : i64, scratch_operands = 5 : i64, tpu.core_type = #tpu.core_type<sc_vector_subcore>, window_params = [{transform_indices = #map}, {transform_indices = #map1}]} {
    %mul3A = arith.constant 16 : i32
    %mul3A_0 = arith.muli %arg0, %mul3A : i32
    %add3A = arith.addi %mul3A_0, %arg1 : i32
    %broadcast_in_dim3A = arith.constant 0.000000e+00 : f32
    %broadcast_in_dim3A_1 = vector.broadcast %broadcast_in_dim3A : f32 to vector<16xf32>
    %scan3A = arith.constant 0 : i32
    %scan3A_2 = arith.constant 128 : i32
    %scan3A_3 = arith.addi %scan3A, %scan3A_2 : i32
    %scan3A_4 = arith.constant 1 : i32
    scf.for %scan3A_92 = %scan3A to %scan3A_3 step %scan3A_4  : i32 {
      %swap3A = arith.index_cast %scan3A_92 : i32 to index
      %swap3A_93 = arith.constant 0 : index
      %swap3A_94 = tpu.vector_load %arg5[%swap3A, %swap3A_93] {strides = array<i32>} : memref<128x128xf32, #tpu.memory_space<vmem>>, vector<16xf32>,
      tpu.vector_store %arg5[%swap3A, %swap3A_93], %broadcast_in_dim3A_1 {strides = array<i32>} : memref<128x128xf32, #tpu.memory_space<vmem>>, vector<16xf32>,
      %swap3A_95 = arith.index_cast %scan3A_92 : i32 to index
      %swap3A_96 = arith.constant 16 : index
      %swap3A_97 = tpu.vector_load %arg5[%swap3A_95, %swap3A_96] {strides = array<i32>} : memref<128x128xf32, #tpu.memory_space<vmem>>, vector<16xf32>,
      tpu.vector_store %arg5[%swap3A_95, %swap3A_96], %broadcast_in_dim3A_1 {strides = array<i32>} : memref<128x128xf32, #tpu.memory_space<vmem>>, vector<16xf32>,
      %swap3A_98 = arith.index_cast %scan3A_92 : i32 to index
      %swap3A_99 = arith.constant 32 : index
      %swap3A_100 = tpu.vector_load %arg5[%swap3A_98, %swap3A_99] {strides = array<i32>} : memref<128x128xf32, #tpu.memory_space<vmem>>, vector<16xf32>,
      tpu.vector_store %arg5[%swap3A_98, %swap3A_99], %broadcast_in_dim3A_1 {strides = array<i32>} : memref<128x128xf32, #tpu.memory_space<vmem>>, vector<16xf32>,
      %swap3A_101 = arith.index_cast %scan3A_92 : i32 to index
      %swap3A_102 = arith.constant 48 : index
      %swap3A_103 = tpu.vector_load %arg5[%swap3A_101, %swap3A_102] {strides = array<i32>} : memref<128x128xf32, #tpu.memory_space<vmem>>, vector<16xf32>,
      tpu.vector_store %arg5[%swap3A_101, %swap3A_102], %broadcast_in_dim3A_1 {strides = array<i32>} : memref<128x128xf32, #tpu.memory_space<vmem>>, vector<16xf32>,
      %swap3A_104 = arith.index_cast %scan3A_92 : i32 to index
      %swap3A_105 = arith.constant 64 : index
      %swap3A_106 = tpu.vector_load %arg5[%swap3A_104, %swap3A_105] {strides = array<i32>} : memref<128x128xf32, #tpu.memory_space<vmem>>, vector<16xf32>,
      tpu.vector_store %arg5[%swap3A_104, %swap3A_105], %broadcast_in_dim3A_1 {strides = array<i32>} : memref<128x128xf32, #tpu.memory_space<vmem>>, vector<16xf32>,
      %swap3A_107 = arith.index_cast %scan3A_92 : i32 to index
      %swap3A_108 = arith.constant 80 : index
      %swap3A_109 = tpu.vector_load %arg5[%swap3A_107, %swap3A_108] {strides = array<i32>} : memref<128x128xf32, #tpu.memory_space<vmem>>, vector<16xf32>,
      tpu.vector_store %arg5[%swap3A_107, %swap3A_108], %broadcast_in_dim3A_1 {strides = array<i32>} : memref<128x128xf32, #tpu.memory_space<vmem>>, vector<16xf32>,
      %swap3A_110 = arith.index_cast %scan3A_92 : i32 to index
      %swap3A_111 = arith.constant 96 : index
      %swap3A_112 = tpu.vector_load %arg5[%swap3A_110, %swap3A_111] {strides = array<i32>} : memref<128x128xf32, #tpu.memory_space<vmem>>, vector<16xf32>,
      tpu.vector_store %arg5[%swap3A_110, %swap3A_111], %broadcast_in_dim3A_1 {strides = array<i32>} : memref<128x128xf32, #tpu.memory_space<vmem>>, vector<16xf32>,
      %swap3A_113 = arith.index_cast %scan3A_92 : i32 to index
      %swap3A_114 = arith.constant 112 : index
      %swap3A_115 = tpu.vector_load %arg5[%swap3A_113, %swap3A_114] {strides = array<i32>} : memref<128x128xf32, #tpu.memory_space<vmem>>, vector<16xf32>,
      tpu.vector_store %arg5[%swap3A_113, %swap3A_114], %broadcast_in_dim3A_1 {strides = array<i32>} : memref<128x128xf32, #tpu.memory_space<vmem>>, vector<16xf32>,
    }
    %scan3A_5 = arith.constant 128 : i32
    %mul3A_6 = arith.constant 640 : i32
    %mul3A_7 = arith.muli %arg1, %mul3A_6 : i32
    %add3A_8 = arith.constant 0 : i32
    %add3A_9 = arith.addi %mul3A_7, %add3A_8 : i32
    "tpu.region"() ({
      %run_scoped3A = tpu.sem_alloc : memref<!tpu.dma_semaphore, #tpu.memory_space<semaphore_mem>>
      %dma_start3A_92 = arith.constant 0 : i32
      %dma_start3A_93 = tpu.memref_slice %arg6[%add3A_9, %dma_start3A_92] : memref<10240x128xf32, #tpu.memory_space<vmem_shared>> -> memref<128x128xf32, #tpu.memory_space<vmem_shared>>
      %dma_start3A_94 = arith.constant 0 : i32
      %dma_start3A_95 = tpu.memref_slice %arg6[%add3A_9, %dma_start3A_94] : memref<10240x128xf32, #tpu.memory_space<vmem_shared>> -> memref<128x128xf32, #tpu.memory_space<vmem_shared>>
      tpu.enqueue_dma source(%arg5 : memref<128x128xf32, #tpu.memory_space<vmem>>) target(%dma_start3A_95 : memref<128x128xf32, #tpu.memory_space<vmem_shared>>) target_semaphore(%run_scoped3A : memref<!tpu.dma_semaphore, #tpu.memory_space<semaphore_mem>>)
      %dma_wait3A = arith.constant 0 : i32
      %dma_wait3A_96 = tpu.memref_slice %arg6[%add3A_9, %dma_wait3A] : memref<10240x128xf32, #tpu.memory_space<vmem_shared>> -> memref<128x128xf32, #tpu.memory_space<vmem_shared>>
      %dma_wait3A_97 = arith.constant 0 : i32
      %dma_wait3A_98 = tpu.memref_slice %arg6[%add3A_9, %dma_wait3A_97] : memref<10240x128xf32, #tpu.memory_space<vmem_shared>> -> memref<128x128xf32, #tpu.memory_space<vmem_shared>>
      tpu.wait_dma2 semaphore(%run_scoped3A : memref<!tpu.dma_semaphore, #tpu.memory_space<semaphore_mem>>) src(%arg5 : memref<128x128xf32, #tpu.memory_space<vmem>>) dst(%dma_wait3A_98 : memref<128x128xf32, #tpu.memory_space<vmem_shared>>)
      tpu.yield
    }) : () -> ()
    %mul3A_10 = arith.constant 640 : i32
    %mul3A_11 = arith.muli %arg1, %mul3A_10 : i32
    %add3A_12 = arith.constant 128 : i32
    %add3A_13 = arith.addi %mul3A_11, %add3A_12 : i32
    "tpu.region"() ({
      %run_scoped3A = tpu.sem_alloc : memref<!tpu.dma_semaphore, #tpu.memory_space<semaphore_mem>>
      %dma_start3A_92 = arith.constant 0 : i32
      %dma_start3A_93 = tpu.memref_slice %arg6[%add3A_13, %dma_start3A_92] : memref<10240x128xf32, #tpu.memory_space<vmem_shared>> -> memref<128x128xf32, #tpu.memory_space<vmem_shared>>
      %dma_start3A_94 = arith.constant 0 : i32
      %dma_start3A_95 = tpu.memref_slice %arg6[%add3A_13, %dma_start3A_94] : memref<10240x128xf32, #tpu.memory_space<vmem_shared>> -> memref<128x128xf32, #tpu.memory_space<vmem_shared>>
      tpu.enqueue_dma source(%arg5 : memref<128x128xf32, #tpu.memory_space<vmem>>) target(%dma_start3A_95 : memref<128x128xf32, #tpu.memory_space<vmem_shared>>) target_semaphore(%run_scoped3A : memref<!tpu.dma_semaphore, #tpu.memory_space<semaphore_mem>>)
      %dma_wait3A = arith.constant 0 : i32
      %dma_wait3A_96 = tpu.memref_slice %arg6[%add3A_13, %dma_wait3A] : memref<10240x128xf32, #tpu.memory_space<vmem_shared>> -> memref<128x128xf32, #tpu.memory_space<vmem_shared>>
      %dma_wait3A_97 = arith.constant 0 : i32
      %dma_wait3A_98 = tpu.memref_slice %arg6[%add3A_13, %dma_wait3A_97] : memref<10240x128xf32, #tpu.memory_space<vmem_shared>> -> memref<128x128xf32, #tpu.memory_space<vmem_shared>>
      tpu.wait_dma2 semaphore(%run_scoped3A : memref<!tpu.dma_semaphore, #tpu.memory_space<semaphore_mem>>) src(%arg5 : memref<128x128xf32, #tpu.memory_space<vmem>>) dst(%dma_wait3A_98 : memref<128x128xf32, #tpu.memory_space<vmem_shared>>)
      tpu.yield
    }) : () -> ()
    %mul3A_14 = arith.constant 640 : i32
    %mul3A_15 = arith.muli %arg1, %mul3A_14 : i32
    %add3A_16 = arith.constant 256 : i32
    %add3A_17 = arith.addi %mul3A_15, %add3A_16 : i32
    "tpu.region"() ({
      %run_scoped3A = tpu.sem_alloc : memref<!tpu.dma_semaphore, #tpu.memory_space<semaphore_mem>>
      %dma_start3A_92 = arith.constant 0 : i32
      %dma_start3A_93 = tpu.memref_slice %arg6[%add3A_17, %dma_start3A_92] : memref<10240x128xf32, #tpu.memory_space<vmem_shared>> -> memref<128x128xf32, #tpu.memory_space<vmem_shared>>
      %dma_start3A_94 = arith.constant 0 : i32
      %dma_start3A_95 = tpu.memref_slice %arg6[%add3A_17, %dma_start3A_94] : memref<10240x128xf32, #tpu.memory_space<vmem_shared>> -> memref<128x128xf32, #tpu.memory_space<vmem_shared>>
      tpu.enqueue_dma source(%arg5 : memref<128x128xf32, #tpu.memory_space<vmem>>) target(%dma_start3A_95 : memref<128x128xf32, #tpu.memory_space<vmem_shared>>) target_semaphore(%run_scoped3A : memref<!tpu.dma_semaphore, #tpu.memory_space<semaphore_mem>>)
      %dma_wait3A = arith.constant 0 : i32
      %dma_wait3A_96 = tpu.memref_slice %arg6[%add3A_17, %dma_wait3A] : memref<10240x128xf32, #tpu.memory_space<vmem_shared>> -> memref<128x128xf32, #tpu.memory_space<vmem_shared>>
      %dma_wait3A_97 = arith.constant 0 : i32
      %dma_wait3A_98 = tpu.memref_slice %arg6[%add3A_17, %dma_wait3A_97] : memref<10240x128xf32, #tpu.memory_space<vmem_shared>> -> memref<128x128xf32, #tpu.memory_space<vmem_shared>>
      tpu.wait_dma2 semaphore(%run_scoped3A : memref<!tpu.dma_semaphore, #tpu.memory_space<semaphore_mem>>) src(%arg5 : memref<128x128xf32, #tpu.memory_space<vmem>>) dst(%dma_wait3A_98 : memref<128x128xf32, #tpu.memory_space<vmem_shared>>)
      tpu.yield
    }) : () -> ()
    %mul3A_18 = arith.constant 640 : i32
    %mul3A_19 = arith.muli %arg1, %mul3A_18 : i32
    %add3A_20 = arith.constant 384 : i32
    %add3A_21 = arith.addi %mul3A_19, %add3A_20 : i32
    "tpu.region"() ({
      %run_scoped3A = tpu.sem_alloc : memref<!tpu.dma_semaphore, #tpu.memory_space<semaphore_mem>>
      %dma_start3A_92 = arith.constant 0 : i32
      %dma_start3A_93 = tpu.memref_slice %arg6[%add3A_21, %dma_start3A_92] : memref<10240x128xf32, #tpu.memory_space<vmem_shared>> -> memref<128x128xf32, #tpu.memory_space<vmem_shared>>
      %dma_start3A_94 = arith.constant 0 : i32
      %dma_start3A_95 = tpu.memref_slice %arg6[%add3A_21, %dma_start3A_94] : memref<10240x128xf32, #tpu.memory_space<vmem_shared>> -> memref<128x128xf32, #tpu.memory_space<vmem_shared>>
      tpu.enqueue_dma source(%arg5 : memref<128x128xf32, #tpu.memory_space<vmem>>) target(%dma_start3A_95 : memref<128x128xf32, #tpu.memory_space<vmem_shared>>) target_semaphore(%run_scoped3A : memref<!tpu.dma_semaphore, #tpu.memory_space<semaphore_mem>>)
      %dma_wait3A = arith.constant 0 : i32
      %dma_wait3A_96 = tpu.memref_slice %arg6[%add3A_21, %dma_wait3A] : memref<10240x128xf32, #tpu.memory_space<vmem_shared>> -> memref<128x128xf32, #tpu.memory_space<vmem_shared>>
      %dma_wait3A_97 = arith.constant 0 : i32
      %dma_wait3A_98 = tpu.memref_slice %arg6[%add3A_21, %dma_wait3A_97] : memref<10240x128xf32, #tpu.memory_space<vmem_shared>> -> memref<128x128xf32, #tpu.memory_space<vmem_shared>>
      tpu.wait_dma2 semaphore(%run_scoped3A : memref<!tpu.dma_semaphore, #tpu.memory_space<semaphore_mem>>) src(%arg5 : memref<128x128xf32, #tpu.memory_space<vmem>>) dst(%dma_wait3A_98 : memref<128x128xf32, #tpu.memory_space<vmem_shared>>)
      tpu.yield
    }) : () -> ()
    %mul3A_22 = arith.constant 640 : i32
    %mul3A_23 = arith.muli %arg1, %mul3A_22 : i32
    %add3A_24 = arith.constant 512 : i32
    %add3A_25 = arith.addi %mul3A_23, %add3A_24 : i32
    "tpu.region"() ({
      %run_scoped3A = tpu.sem_alloc : memref<!tpu.dma_semaphore, #tpu.memory_space<semaphore_mem>>
      %dma_start3A_92 = arith.constant 0 : i32
      %dma_start3A_93 = tpu.memref_slice %arg6[%add3A_25, %dma_start3A_92] : memref<10240x128xf32, #tpu.memory_space<vmem_shared>> -> memref<128x128xf32, #tpu.memory_space<vmem_shared>>
      %dma_start3A_94 = arith.constant 0 : i32
      %dma_start3A_95 = tpu.memref_slice %arg6[%add3A_25, %dma_start3A_94] : memref<10240x128xf32, #tpu.memory_space<vmem_shared>> -> memref<128x128xf32, #tpu.memory_space<vmem_shared>>
      tpu.enqueue_dma source(%arg5 : memref<128x128xf32, #tpu.memory_space<vmem>>) target(%dma_start3A_95 : memref<128x128xf32, #tpu.memory_space<vmem_shared>>) target_semaphore(%run_scoped3A : memref<!tpu.dma_semaphore, #tpu.memory_space<semaphore_mem>>)
      %dma_wait3A = arith.constant 0 : i32
      %dma_wait3A_96 = tpu.memref_slice %arg6[%add3A_25, %dma_wait3A] : memref<10240x128xf32, #tpu.memory_space<vmem_shared>> -> memref<128x128xf32, #tpu.memory_space<vmem_shared>>
      %dma_wait3A_97 = arith.constant 0 : i32
      %dma_wait3A_98 = tpu.memref_slice %arg6[%add3A_25, %dma_wait3A_97] : memref<10240x128xf32, #tpu.memory_space<vmem_shared>> -> memref<128x128xf32, #tpu.memory_space<vmem_shared>>
      tpu.wait_dma2 semaphore(%run_scoped3A : memref<!tpu.dma_semaphore, #tpu.memory_space<semaphore_mem>>) src(%arg5 : memref<128x128xf32, #tpu.memory_space<vmem>>) dst(%dma_wait3A_98 : memref<128x128xf32, #tpu.memory_space<vmem_shared>>)
      tpu.yield
    }) : () -> ()
    %iota3A = tpu.iota {dimensions = array<i32: 0>} : vector<16xi32>
    %eq3A = arith.constant 0 : i32
    %eq3A_26 = vector.broadcast %eq3A : i32 to vector<16xi32>
    %eq3A_27 = arith.cmpi eq, %iota3A, %eq3A_26 : vector<16xi32>
    %jit3A = arith.constant 1.000000e+00 : f32
    %jit3A_28 = arith.constant 0.000000e+00 : f32
    %broadcast_in_dim3A_29 = vector.broadcast %jit3A : f32 to vector<16xf32>
    %broadcast_in_dim3A_30 = vector.broadcast %jit3A_28 : f32 to vector<16xf32>
    %select_n3A = arith.select %eq3A_27, %broadcast_in_dim3A_29, %broadcast_in_dim3A_30 : vector<16xi1>, vector<16xf32>
    %scan3A_31 = arith.constant 0 : i32
    %scan3A_32 = arith.constant 128 : i32
    %scan3A_33 = arith.addi %scan3A_31, %scan3A_32 : i32
    %scan3A_34 = arith.constant 1 : i32
    scf.for %scan3A_92 = %scan3A_31 to %scan3A_33 step %scan3A_34  : i32 {
      %swap3A = arith.index_cast %scan3A_92 : i32 to index
      %swap3A_93 = arith.constant 0 : index
      %swap3A_94 = tpu.vector_load %arg5[%swap3A, %swap3A_93] {strides = array<i32>} : memref<128x128xf32, #tpu.memory_space<vmem>>, vector<16xf32>,
      tpu.vector_store %arg5[%swap3A, %swap3A_93], %select_n3A {strides = array<i32>} : memref<128x128xf32, #tpu.memory_space<vmem>>, vector<16xf32>,
    }
    %scan3A_35 = arith.constant 128 : i32
    %barrier3A = arith.constant 0 : index
    tpu.barrier barrier_id(%barrier3A)
    "tpu.region"() ({
      %run_scoped3A = tpu.sem_alloc : memref<!tpu.dma_semaphore, #tpu.memory_space<semaphore_mem>>
      %dma_start3A_92 = arith.constant 0 : i32
      %dma_start3A_93 = arith.constant 0 : i32
      %dma_start3A_94 = arith.constant 0 : i32
      %dma_start3A_95 = tpu.memref_slice %arg2[%add3A, %dma_start3A_92, %dma_start3A_93, %dma_start3A_94] : memref<32x80x2x128xi32, #tpu.memory_space<hbm>> -> memref<1x80x2x128xi32, #tpu.memory_space<hbm>>
      %dma_start3A_96 = tpu.memref_squeeze %dma_start3A_95 : memref<1x80x2x128xi32, #tpu.memory_space<hbm>> -> memref<80x2x128xi32, #tpu.memory_space<hbm>>
      %dma_start3A_97 = arith.constant 0 : i32
      %dma_start3A_98 = arith.constant 0 : i32
      %dma_start3A_99 = arith.constant 0 : i32
      %dma_start3A_100 = tpu.memref_slice %dma_start3A_96[%dma_start3A_97, %dma_start3A_98, %dma_start3A_99] : memref<80x2x128xi32, #tpu.memory_space<hbm>> -> memref<40x2x128xi32, #tpu.memory_space<hbm>>
      %dma_start3A_101 = arith.constant 0 : i32
      %dma_start3A_102 = arith.constant 0 : i32
      %dma_start3A_103 = arith.constant 0 : i32
      %dma_start3A_104 = tpu.memref_slice %arg2[%add3A, %dma_start3A_101, %dma_start3A_102, %dma_start3A_103] : memref<32x80x2x128xi32, #tpu.memory_space<hbm>> -> memref<1x80x2x128xi32, #tpu.memory_space<hbm>>
      %dma_start3A_105 = tpu.memref_squeeze %dma_start3A_104 : memref<1x80x2x128xi32, #tpu.memory_space<hbm>> -> memref<80x2x128xi32, #tpu.memory_space<hbm>>
      %dma_start3A_106 = arith.constant 0 : i32
      %dma_start3A_107 = arith.constant 0 : i32
      %dma_start3A_108 = arith.constant 0 : i32
      %dma_start3A_109 = tpu.memref_slice %dma_start3A_105[%dma_start3A_106, %dma_start3A_107, %dma_start3A_108] : memref<80x2x128xi32, #tpu.memory_space<hbm>> -> memref<40x2x128xi32, #tpu.memory_space<hbm>>
      tpu.enqueue_dma source(%dma_start3A_109 : memref<40x2x128xi32, #tpu.memory_space<hbm>>) target(%arg4 : memref<40x2x128xi32, #tpu.memory_space<vmem>>) target_semaphore(%run_scoped3A : memref<!tpu.dma_semaphore, #tpu.memory_space<semaphore_mem>>)
      %dma_wait3A = arith.constant 0 : i32
      %dma_wait3A_110 = arith.constant 0 : i32
      %dma_wait3A_111 = arith.constant 0 : i32
      %dma_wait3A_112 = tpu.memref_slice %arg2[%add3A, %dma_wait3A, %dma_wait3A_110, %dma_wait3A_111] : memref<32x80x2x128xi32, #tpu.memory_space<hbm>> -> memref<1x80x2x128xi32, #tpu.memory_space<hbm>>
      %dma_wait3A_113 = tpu.memref_squeeze %dma_wait3A_112 : memref<1x80x2x128xi32, #tpu.memory_space<hbm>> -> memref<80x2x128xi32, #tpu.memory_space<hbm>>
      %dma_wait3A_114 = arith.constant 0 : i32
      %dma_wait3A_115 = arith.constant 0 : i32
      %dma_wait3A_116 = arith.constant 0 : i32
      %dma_wait3A_117 = tpu.memref_slice %dma_wait3A_113[%dma_wait3A_114, %dma_wait3A_115, %dma_wait3A_116] : memref<80x2x128xi32, #tpu.memory_space<hbm>> -> memref<40x2x128xi32, #tpu.memory_space<hbm>>
      %dma_wait3A_118 = arith.constant 0 : i32
      %dma_wait3A_119 = arith.constant 0 : i32
      %dma_wait3A_120 = arith.constant 0 : i32
      %dma_wait3A_121 = tpu.memref_slice %arg2[%add3A, %dma_wait3A_118, %dma_wait3A_119, %dma_wait3A_120] : memref<32x80x2x128xi32, #tpu.memory_space<hbm>> -> memref<1x80x2x128xi32, #tpu.memory_space<hbm>>
      %dma_wait3A_122 = tpu.memref_squeeze %dma_wait3A_121 : memref<1x80x2x128xi32, #tpu.memory_space<hbm>> -> memref<80x2x128xi32, #tpu.memory_space<hbm>>
      %dma_wait3A_123 = arith.constant 0 : i32
      %dma_wait3A_124 = arith.constant 0 : i32
      %dma_wait3A_125 = arith.constant 0 : i32
      %dma_wait3A_126 = tpu.memref_slice %dma_wait3A_122[%dma_wait3A_123, %dma_wait3A_124, %dma_wait3A_125] : memref<80x2x128xi32, #tpu.memory_space<hbm>> -> memref<40x2x128xi32, #tpu.memory_space<hbm>>
      tpu.wait_dma2 semaphore(%run_scoped3A : memref<!tpu.dma_semaphore, #tpu.memory_space<semaphore_mem>>) src(%dma_wait3A_126 : memref<40x2x128xi32, #tpu.memory_space<hbm>>) dst(%arg4 : memref<40x2x128xi32, #tpu.memory_space<vmem>>)
      tpu.yield
    }) : () -> ()
    %scan3A_36 = arith.constant 0 : i32
    %scan3A_37 = arith.constant 40 : i32
    %scan3A_38 = arith.addi %scan3A_36, %scan3A_37 : i32
    %scan3A_39 = arith.constant 1 : i32
    scf.for %scan3A_92 = %scan3A_36 to %scan3A_38 step %scan3A_39  : i32 {
      %get3A = arith.constant 0 : i32
      %get3A_93 = arith.index_cast %scan3A_92 : i32 to index
      %get3A_94 = arith.index_cast %get3A : i32 to index
      %get3A_95 = arith.constant 0 : index
      %get3A_96 = tpu.vector_load %arg4[%get3A_93, %get3A_94, %get3A_95] {strides = array<i32>} : memref<40x2x128xi32, #tpu.memory_space<vmem>>, vector<16xi32>,
      %get3A_97 = arith.constant 1 : i32
      %get3A_98 = arith.index_cast %scan3A_92 : i32 to index
      %get3A_99 = arith.index_cast %get3A_97 : i32 to index
      %get3A_100 = arith.constant 0 : index
      %get3A_101 = tpu.vector_load %arg4[%get3A_98, %get3A_99, %get3A_100] {strides = array<i32>} : memref<40x2x128xi32, #tpu.memory_space<vmem>>, vector<16xi32>,
      %eq3A_102 = arith.cmpi eq, %get3A_96, %get3A_101 : vector<16xi32>
      %jit3A_103 = arith.constant 10000 : i32
      %broadcast_in_dim3A_104 = vector.broadcast %jit3A_103 : i32 to vector<16xi32>
      %select_n3A_105 = arith.select %eq3A_102, %broadcast_in_dim3A_104, %get3A_96 : vector<16xi1>, vector<16xi32>
      %swap3A = arith.constant 0 : i32
      %swap3A_106 = arith.index_cast %scan3A_92 : i32 to index
      %swap3A_107 = arith.index_cast %swap3A : i32 to index
      %swap3A_108 = arith.constant 0 : index
      %swap3A_109 = tpu.vector_load %arg4[%swap3A_106, %swap3A_107, %swap3A_108] {strides = array<i32>} : memref<40x2x128xi32, #tpu.memory_space<vmem>>, vector<16xi32>,
      tpu.vector_store %arg4[%swap3A_106, %swap3A_107, %swap3A_108], %select_n3A_105 {strides = array<i32>} : memref<40x2x128xi32, #tpu.memory_space<vmem>>, vector<16xi32>,
      %get3A_110 = arith.constant 0 : i32
      %get3A_111 = arith.index_cast %scan3A_92 : i32 to index
      %get3A_112 = arith.index_cast %get3A_110 : i32 to index
      %get3A_113 = arith.constant 16 : index
      %get3A_114 = tpu.vector_load %arg4[%get3A_111, %get3A_112, %get3A_113] {strides = array<i32>} : memref<40x2x128xi32, #tpu.memory_space<vmem>>, vector<16xi32>,
      %get3A_115 = arith.constant 1 : i32
      %get3A_116 = arith.index_cast %scan3A_92 : i32 to index
      %get3A_117 = arith.index_cast %get3A_115 : i32 to index
      %get3A_118 = arith.constant 16 : index
      %get3A_119 = tpu.vector_load %arg4[%get3A_116, %get3A_117, %get3A_118] {strides = array<i32>} : memref<40x2x128xi32, #tpu.memory_space<vmem>>, vector<16xi32>,
      %eq3A_120 = arith.cmpi eq, %get3A_114, %get3A_119 : vector<16xi32>
      %jit3A_121 = arith.constant 10000 : i32
      %broadcast_in_dim3A_122 = vector.broadcast %jit3A_121 : i32 to vector<16xi32>
      %select_n3A_123 = arith.select %eq3A_120, %broadcast_in_dim3A_122, %get3A_114 : vector<16xi1>, vector<16xi32>
      %swap3A_124 = arith.constant 0 : i32
      %swap3A_125 = arith.index_cast %scan3A_92 : i32 to index
      %swap3A_126 = arith.index_cast %swap3A_124 : i32 to index
      %swap3A_127 = arith.constant 16 : index
      %swap3A_128 = tpu.vector_load %arg4[%swap3A_125, %swap3A_126, %swap3A_127] {strides = array<i32>} : memref<40x2x128xi32, #tpu.memory_space<vmem>>, vector<16xi32>,
      tpu.vector_store %arg4[%swap3A_125, %swap3A_126, %swap3A_127], %select_n3A_123 {strides = array<i32>} : memref<40x2x128xi32, #tpu.memory_space<vmem>>, vector<16xi32>,
      %get3A_129 = arith.constant 0 : i32
      %get3A_130 = arith.index_cast %scan3A_92 : i32 to index
      %get3A_131 = arith.index_cast %get3A_129 : i32 to index
      %get3A_132 = arith.constant 32 : index
      %get3A_133 = tpu.vector_load %arg4[%get3A_130, %get3A_131, %get3A_132] {strides = array<i32>} : memref<40x2x128xi32, #tpu.memory_space<vmem>>, vector<16xi32>,
      %get3A_134 = arith.constant 1 : i32
      %get3A_135 = arith.index_cast %scan3A_92 : i32 to index
      %get3A_136 = arith.index_cast %get3A_134 : i32 to index
      %get3A_137 = arith.constant 32 : index
      %get3A_138 = tpu.vector_load %arg4[%get3A_135, %get3A_136, %get3A_137] {strides = array<i32>} : memref<40x2x128xi32, #tpu.memory_space<vmem>>, vector<16xi32>,
      %eq3A_139 = arith.cmpi eq, %get3A_133, %get3A_138 : vector<16xi32>
      %jit3A_140 = arith.constant 10000 : i32
      %broadcast_in_dim3A_141 = vector.broadcast %jit3A_140 : i32 to vector<16xi32>
      %select_n3A_142 = arith.select %eq3A_139, %broadcast_in_dim3A_141, %get3A_133 : vector<16xi1>, vector<16xi32>
      %swap3A_143 = arith.constant 0 : i32
      %swap3A_144 = arith.index_cast %scan3A_92 : i32 to index
      %swap3A_145 = arith.index_cast %swap3A_143 : i32 to index
      %swap3A_146 = arith.constant 32 : index
      %swap3A_147 = tpu.vector_load %arg4[%swap3A_144, %swap3A_145, %swap3A_146] {strides = array<i32>} : memref<40x2x128xi32, #tpu.memory_space<vmem>>, vector<16xi32>,
      tpu.vector_store %arg4[%swap3A_144, %swap3A_145, %swap3A_146], %select_n3A_142 {strides = array<i32>} : memref<40x2x128xi32, #tpu.memory_space<vmem>>, vector<16xi32>,
      %get3A_148 = arith.constant 0 : i32
      %get3A_149 = arith.index_cast %scan3A_92 : i32 to index
      %get3A_150 = arith.index_cast %get3A_148 : i32 to index
      %get3A_151 = arith.constant 48 : index
      %get3A_152 = tpu.vector_load %arg4[%get3A_149, %get3A_150, %get3A_151] {strides = array<i32>} : memref<40x2x128xi32, #tpu.memory_space<vmem>>, vector<16xi32>,
      %get3A_153 = arith.constant 1 : i32
      %get3A_154 = arith.index_cast %scan3A_92 : i32 to index
      %get3A_155 = arith.index_cast %get3A_153 : i32 to index
      %get3A_156 = arith.constant 48 : index
      %get3A_157 = tpu.vector_load %arg4[%get3A_154, %get3A_155, %get3A_156] {strides = array<i32>} : memref<40x2x128xi32, #tpu.memory_space<vmem>>, vector<16xi32>,
      %eq3A_158 = arith.cmpi eq, %get3A_152, %get3A_157 : vector<16xi32>
      %jit3A_159 = arith.constant 10000 : i32
      %broadcast_in_dim3A_160 = vector.broadcast %jit3A_159 : i32 to vector<16xi32>
      %select_n3A_161 = arith.select %eq3A_158, %broadcast_in_dim3A_160, %get3A_152 : vector<16xi1>, vector<16xi32>
      %swap3A_162 = arith.constant 0 : i32
      %swap3A_163 = arith.index_cast %scan3A_92 : i32 to index
      %swap3A_164 = arith.index_cast %swap3A_162 : i32 to index
      %swap3A_165 = arith.constant 48 : index
      %swap3A_166 = tpu.vector_load %arg4[%swap3A_163, %swap3A_164, %swap3A_165] {strides = array<i32>} : memref<40x2x128xi32, #tpu.memory_space<vmem>>, vector<16xi32>,
      tpu.vector_store %arg4[%swap3A_163, %swap3A_164, %swap3A_165], %select_n3A_161 {strides = array<i32>} : memref<40x2x128xi32, #tpu.memory_space<vmem>>, vector<16xi32>,
      %get3A_167 = arith.constant 0 : i32
      %get3A_168 = arith.index_cast %scan3A_92 : i32 to index
      %get3A_169 = arith.index_cast %get3A_167 : i32 to index
      %get3A_170 = arith.constant 64 : index
      %get3A_171 = tpu.vector_load %arg4[%get3A_168, %get3A_169, %get3A_170] {strides = array<i32>} : memref<40x2x128xi32, #tpu.memory_space<vmem>>, vector<16xi32>,
      %get3A_172 = arith.constant 1 : i32
      %get3A_173 = arith.index_cast %scan3A_92 : i32 to index
      %get3A_174 = arith.index_cast %get3A_172 : i32 to index
      %get3A_175 = arith.constant 64 : index
      %get3A_176 = tpu.vector_load %arg4[%get3A_173, %get3A_174, %get3A_175] {strides = array<i32>} : memref<40x2x128xi32, #tpu.memory_space<vmem>>, vector<16xi32>,
      %eq3A_177 = arith.cmpi eq, %get3A_171, %get3A_176 : vector<16xi32>
      %jit3A_178 = arith.constant 10000 : i32
      %broadcast_in_dim3A_179 = vector.broadcast %jit3A_178 : i32 to vector<16xi32>
      %select_n3A_180 = arith.select %eq3A_177, %broadcast_in_dim3A_179, %get3A_171 : vector<16xi1>, vector<16xi32>
      %swap3A_181 = arith.constant 0 : i32
      %swap3A_182 = arith.index_cast %scan3A_92 : i32 to index
      %swap3A_183 = arith.index_cast %swap3A_181 : i32 to index
      %swap3A_184 = arith.constant 64 : index
      %swap3A_185 = tpu.vector_load %arg4[%swap3A_182, %swap3A_183, %swap3A_184] {strides = array<i32>} : memref<40x2x128xi32, #tpu.memory_space<vmem>>, vector<16xi32>,
      tpu.vector_store %arg4[%swap3A_182, %swap3A_183, %swap3A_184], %select_n3A_180 {strides = array<i32>} : memref<40x2x128xi32, #tpu.memory_space<vmem>>, vector<16xi32>,
      %get3A_186 = arith.constant 0 : i32
      %get3A_187 = arith.index_cast %scan3A_92 : i32 to index
      %get3A_188 = arith.index_cast %get3A_186 : i32 to index
      %get3A_189 = arith.constant 80 : index
      %get3A_190 = tpu.vector_load %arg4[%get3A_187, %get3A_188, %get3A_189] {strides = array<i32>} : memref<40x2x128xi32, #tpu.memory_space<vmem>>, vector<16xi32>,
      %get3A_191 = arith.constant 1 : i32
      %get3A_192 = arith.index_cast %scan3A_92 : i32 to index
      %get3A_193 = arith.index_cast %get3A_191 : i32 to index
      %get3A_194 = arith.constant 80 : index
      %get3A_195 = tpu.vector_load %arg4[%get3A_192, %get3A_193, %get3A_194] {strides = array<i32>} : memref<40x2x128xi32, #tpu.memory_space<vmem>>, vector<16xi32>,
      %eq3A_196 = arith.cmpi eq, %get3A_190, %get3A_195 : vector<16xi32>
      %jit3A_197 = arith.constant 10000 : i32
      %broadcast_in_dim3A_198 = vector.broadcast %jit3A_197 : i32 to vector<16xi32>
      %select_n3A_199 = arith.select %eq3A_196, %broadcast_in_dim3A_198, %get3A_190 : vector<16xi1>, vector<16xi32>
      %swap3A_200 = arith.constant 0 : i32
      %swap3A_201 = arith.index_cast %scan3A_92 : i32 to index
      %swap3A_202 = arith.index_cast %swap3A_200 : i32 to index
      %swap3A_203 = arith.constant 80 : index
      %swap3A_204 = tpu.vector_load %arg4[%swap3A_201, %swap3A_202, %swap3A_203] {strides = array<i32>} : memref<40x2x128xi32, #tpu.memory_space<vmem>>, vector<16xi32>,
      tpu.vector_store %arg4[%swap3A_201, %swap3A_202, %swap3A_203], %select_n3A_199 {strides = array<i32>} : memref<40x2x128xi32, #tpu.memory_space<vmem>>, vector<16xi32>,
      %get3A_205 = arith.constant 0 : i32
      %get3A_206 = arith.index_cast %scan3A_92 : i32 to index
      %get3A_207 = arith.index_cast %get3A_205 : i32 to index
      %get3A_208 = arith.constant 96 : index
      %get3A_209 = tpu.vector_load %arg4[%get3A_206, %get3A_207, %get3A_208] {strides = array<i32>} : memref<40x2x128xi32, #tpu.memory_space<vmem>>, vector<16xi32>,
      %get3A_210 = arith.constant 1 : i32
      %get3A_211 = arith.index_cast %scan3A_92 : i32 to index
      %get3A_212 = arith.index_cast %get3A_210 : i32 to index
      %get3A_213 = arith.constant 96 : index
      %get3A_214 = tpu.vector_load %arg4[%get3A_211, %get3A_212, %get3A_213] {strides = array<i32>} : memref<40x2x128xi32, #tpu.memory_space<vmem>>, vector<16xi32>,
      %eq3A_215 = arith.cmpi eq, %get3A_209, %get3A_214 : vector<16xi32>
      %jit3A_216 = arith.constant 10000 : i32
      %broadcast_in_dim3A_217 = vector.broadcast %jit3A_216 : i32 to vector<16xi32>
      %select_n3A_218 = arith.select %eq3A_215, %broadcast_in_dim3A_217, %get3A_209 : vector<16xi1>, vector<16xi32>
      %swap3A_219 = arith.constant 0 : i32
      %swap3A_220 = arith.index_cast %scan3A_92 : i32 to index
      %swap3A_221 = arith.index_cast %swap3A_219 : i32 to index
      %swap3A_222 = arith.constant 96 : index
      %swap3A_223 = tpu.vector_load %arg4[%swap3A_220, %swap3A_221, %swap3A_222] {strides = array<i32>} : memref<40x2x128xi32, #tpu.memory_space<vmem>>, vector<16xi32>,
      tpu.vector_store %arg4[%swap3A_220, %swap3A_221, %swap3A_222], %select_n3A_218 {strides = array<i32>} : memref<40x2x128xi32, #tpu.memory_space<vmem>>, vector<16xi32>,
      %get3A_224 = arith.constant 0 : i32
      %get3A_225 = arith.index_cast %scan3A_92 : i32 to index
      %get3A_226 = arith.index_cast %get3A_224 : i32 to index
      %get3A_227 = arith.constant 112 : index
      %get3A_228 = tpu.vector_load %arg4[%get3A_225, %get3A_226, %get3A_227] {strides = array<i32>} : memref<40x2x128xi32, #tpu.memory_space<vmem>>, vector<16xi32>,
      %get3A_229 = arith.constant 1 : i32
      %get3A_230 = arith.index_cast %scan3A_92 : i32 to index
      %get3A_231 = arith.index_cast %get3A_229 : i32 to index
      %get3A_232 = arith.constant 112 : index
      %get3A_233 = tpu.vector_load %arg4[%get3A_230, %get3A_231, %get3A_232] {strides = array<i32>} : memref<40x2x128xi32, #tpu.memory_space<vmem>>, vector<16xi32>,
      %eq3A_234 = arith.cmpi eq, %get3A_228, %get3A_233 : vector<16xi32>
      %jit3A_235 = arith.constant 10000 : i32
      %broadcast_in_dim3A_236 = vector.broadcast %jit3A_235 : i32 to vector<16xi32>
      %select_n3A_237 = arith.select %eq3A_234, %broadcast_in_dim3A_236, %get3A_228 : vector<16xi1>, vector<16xi32>
      %swap3A_238 = arith.constant 0 : i32
      %swap3A_239 = arith.index_cast %scan3A_92 : i32 to index
      %swap3A_240 = arith.index_cast %swap3A_238 : i32 to index
      %swap3A_241 = arith.constant 112 : index
      %swap3A_242 = tpu.vector_load %arg4[%swap3A_239, %swap3A_240, %swap3A_241] {strides = array<i32>} : memref<40x2x128xi32, #tpu.memory_space<vmem>>, vector<16xi32>,
      tpu.vector_store %arg4[%swap3A_239, %swap3A_240, %swap3A_241], %select_n3A_237 {strides = array<i32>} : memref<40x2x128xi32, #tpu.memory_space<vmem>>, vector<16xi32>,
    }
    %scan3A_40 = arith.constant 40 : i32
    %dma_start3A = arith.constant 0 : i32
    %dma_start3A_41 = arith.constant 0 : i32
    %dma_start3A_42 = arith.constant 0 : i32
    %dma_start3A_43 = tpu.memref_slice %arg4[%dma_start3A, %dma_start3A_41, %dma_start3A_42] : memref<40x2x128xi32, #tpu.memory_space<vmem>> -> memref<1x1x128xi32, #tpu.memory_space<vmem>>
    %dma_start3A_44 = tpu.memref_squeeze %dma_start3A_43 : memref<1x1x128xi32, #tpu.memory_space<vmem>> -> memref<128xi32, #tpu.memory_space<vmem>>
    %dma_start3A_45 = arith.constant 0 : i32
    %dma_start3A_46 = arith.constant 0 : i32
    %dma_start3A_47 = tpu.memref_slice %arg6[%dma_start3A_45, %dma_start3A_46] : memref<10240x128xf32, #tpu.memory_space<vmem_shared>> -> memref<10240x128xf32, #tpu.memory_space<vmem_shared>>
    tpu.enqueue_indirect_dma source(%arg5 : memref<128x128xf32, #tpu.memory_space<vmem>>) target(%dma_start3A_47 : memref<10240x128xf32, #tpu.memory_space<vmem_shared>>) offsets(%dma_start3A_44 : memref<128xi32, #tpu.memory_space<vmem>>) semaphore(%arg7 : memref<!tpu.dma_semaphore, #tpu.memory_space<semaphore_mem>>) {add = true}
    %dma_start3A_48 = arith.constant 1 : i32
    %dma_start3A_49 = arith.constant 0 : i32
    %dma_start3A_50 = arith.constant 0 : i32
    %dma_start3A_51 = tpu.memref_slice %arg4[%dma_start3A_48, %dma_start3A_49, %dma_start3A_50] : memref<40x2x128xi32, #tpu.memory_space<vmem>> -> memref<1x1x128xi32, #tpu.memory_space<vmem>>
    %dma_start3A_52 = tpu.memref_squeeze %dma_start3A_51 : memref<1x1x128xi32, #tpu.memory_space<vmem>> -> memref<128xi32, #tpu.memory_space<vmem>>
    %dma_start3A_53 = arith.constant 0 : i32
    %dma_start3A_54 = arith.constant 0 : i32
    %dma_start3A_55 = tpu.memref_slice %arg6[%dma_start3A_53, %dma_start3A_54] : memref<10240x128xf32, #tpu.memory_space<vmem_shared>> -> memref<10240x128xf32, #tpu.memory_space<vmem_shared>>
    tpu.enqueue_indirect_dma source(%arg5 : memref<128x128xf32, #tpu.memory_space<vmem>>) target(%dma_start3A_55 : memref<10240x128xf32, #tpu.memory_space<vmem_shared>>) offsets(%dma_start3A_52 : memref<128xi32, #tpu.memory_space<vmem>>) semaphore(%arg8 : memref<!tpu.dma_semaphore, #tpu.memory_space<semaphore_mem>>) {add = true}
    %scan3A_56 = arith.constant 0 : i32
    %scan3A_57 = arith.constant 20 : i32
    %scan3A_58 = arith.addi %scan3A_56, %scan3A_57 : i32
    %scan3A_59 = arith.constant 1 : i32
    scf.for %scan3A_92 = %scan3A_56 to %scan3A_58 step %scan3A_59  : i32 {
      %mul3A_93 = arith.constant 2 : i32
      %mul3A_94 = arith.muli %mul3A_93, %scan3A_92 : i32
      %add3A_95 = arith.constant 1 : i32
      %add3A_96 = arith.addi %mul3A_94, %add3A_95 : i32
      %dma_wait3A = arith.constant 0 : i32
      %dma_wait3A_97 = arith.constant 0 : i32
      %dma_wait3A_98 = tpu.memref_slice %arg4[%mul3A_94, %dma_wait3A, %dma_wait3A_97] : memref<40x2x128xi32, #tpu.memory_space<vmem>> -> memref<1x1x128xi32, #tpu.memory_space<vmem>>
      %dma_wait3A_99 = tpu.memref_squeeze %dma_wait3A_98 : memref<1x1x128xi32, #tpu.memory_space<vmem>> -> memref<128xi32, #tpu.memory_space<vmem>>
      %dma_wait3A_100 = arith.constant 0 : i32
      %dma_wait3A_101 = arith.constant 0 : i32
      %dma_wait3A_102 = tpu.memref_slice %arg6[%dma_wait3A_100, %dma_wait3A_101] : memref<10240x128xf32, #tpu.memory_space<vmem_shared>> -> memref<10240x128xf32, #tpu.memory_space<vmem_shared>>
      tpu.wait_indirect_dma semaphore(%arg7 : memref<!tpu.dma_semaphore, #tpu.memory_space<semaphore_mem>>) src(%arg5 : memref<128x128xf32, #tpu.memory_space<vmem>>) dst(%dma_wait3A_102 : memref<10240x128xf32, #tpu.memory_space<vmem_shared>>)
      %lt3A = arith.constant 19 : i32
      %lt3A_103 = arith.cmpi slt, %scan3A_92, %lt3A : i32
      %convert_element_type3A = arith.extui %lt3A_103 : i1 to i32
      %cond3A = arith.constant 0 : i32
      %cond3A_104 = arith.cmpi ne, %convert_element_type3A, %cond3A : i32
      scf.if %cond3A_104 {
        %add3A_117 = arith.constant 2 : i32
        %add3A_118 = arith.addi %mul3A_94, %add3A_117 : i32
        %dma_start3A_119 = arith.constant 0 : i32
        %dma_start3A_120 = arith.constant 0 : i32
        %dma_start3A_121 = tpu.memref_slice %arg4[%add3A_118, %dma_start3A_119, %dma_start3A_120] : memref<40x2x128xi32, #tpu.memory_space<vmem>> -> memref<1x1x128xi32, #tpu.memory_space<vmem>>
        %dma_start3A_122 = tpu.memref_squeeze %dma_start3A_121 : memref<1x1x128xi32, #tpu.memory_space<vmem>> -> memref<128xi32, #tpu.memory_space<vmem>>
        %dma_start3A_123 = arith.constant 0 : i32
        %dma_start3A_124 = arith.constant 0 : i32
        %dma_start3A_125 = tpu.memref_slice %arg6[%dma_start3A_123, %dma_start3A_124] : memref<10240x128xf32, #tpu.memory_space<vmem_shared>> -> memref<10240x128xf32, #tpu.memory_space<vmem_shared>>
        tpu.enqueue_indirect_dma source(%arg5 : memref<128x128xf32, #tpu.memory_space<vmem>>) target(%dma_start3A_125 : memref<10240x128xf32, #tpu.memory_space<vmem_shared>>) offsets(%dma_start3A_122 : memref<128xi32, #tpu.memory_space<vmem>>) semaphore(%arg7 : memref<!tpu.dma_semaphore, #tpu.memory_space<semaphore_mem>>) {add = true}
      } else {
      }
      %dma_wait3A_105 = arith.constant 0 : i32
      %dma_wait3A_106 = arith.constant 0 : i32
      %dma_wait3A_107 = tpu.memref_slice %arg4[%add3A_96, %dma_wait3A_105, %dma_wait3A_106] : memref<40x2x128xi32, #tpu.memory_space<vmem>> -> memref<1x1x128xi32, #tpu.memory_space<vmem>>
      %dma_wait3A_108 = tpu.memref_squeeze %dma_wait3A_107 : memref<1x1x128xi32, #tpu.memory_space<vmem>> -> memref<128xi32, #tpu.memory_space<vmem>>
      %dma_wait3A_109 = arith.constant 0 : i32
      %dma_wait3A_110 = arith.constant 0 : i32
      %dma_wait3A_111 = tpu.memref_slice %arg6[%dma_wait3A_109, %dma_wait3A_110] : memref<10240x128xf32, #tpu.memory_space<vmem_shared>> -> memref<10240x128xf32, #tpu.memory_space<vmem_shared>>
      tpu.wait_indirect_dma semaphore(%arg8 : memref<!tpu.dma_semaphore, #tpu.memory_space<semaphore_mem>>) src(%arg5 : memref<128x128xf32, #tpu.memory_space<vmem>>) dst(%dma_wait3A_111 : memref<10240x128xf32, #tpu.memory_space<vmem_shared>>)
      %lt3A_112 = arith.constant 19 : i32
      %lt3A_113 = arith.cmpi slt, %scan3A_92, %lt3A_112 : i32
      %convert_element_type3A_114 = arith.extui %lt3A_113 : i1 to i32
      %cond3A_115 = arith.constant 0 : i32
      %cond3A_116 = arith.cmpi ne, %convert_element_type3A_114, %cond3A_115 : i32
      scf.if %cond3A_116 {
        %add3A_117 = arith.constant 2 : i32
        %add3A_118 = arith.addi %add3A_96, %add3A_117 : i32
        %dma_start3A_119 = arith.constant 0 : i32
        %dma_start3A_120 = arith.constant 0 : i32
        %dma_start3A_121 = tpu.memref_slice %arg4[%add3A_118, %dma_start3A_119, %dma_start3A_120] : memref<40x2x128xi32, #tpu.memory_space<vmem>> -> memref<1x1x128xi32, #tpu.memory_space<vmem>>
        %dma_start3A_122 = tpu.memref_squeeze %dma_start3A_121 : memref<1x1x128xi32, #tpu.memory_space<vmem>> -> memref<128xi32, #tpu.memory_space<vmem>>
        %dma_start3A_123 = arith.constant 0 : i32
        %dma_start3A_124 = arith.constant 0 : i32
        %dma_start3A_125 = tpu.memref_slice %arg6[%dma_start3A_123, %dma_start3A_124] : memref<10240x128xf32, #tpu.memory_space<vmem_shared>> -> memref<10240x128xf32, #tpu.memory_space<vmem_shared>>
        tpu.enqueue_indirect_dma source(%arg5 : memref<128x128xf32, #tpu.memory_space<vmem>>) target(%dma_start3A_125 : memref<10240x128xf32, #tpu.memory_space<vmem_shared>>) offsets(%dma_start3A_122 : memref<128xi32, #tpu.memory_space<vmem>>) semaphore(%arg8 : memref<!tpu.dma_semaphore, #tpu.memory_space<semaphore_mem>>) {add = true}
      } else {
      }
    }
    %scan3A_60 = arith.constant 20 : i32
    "tpu.region"() ({
      %run_scoped3A = tpu.sem_alloc : memref<!tpu.dma_semaphore, #tpu.memory_space<semaphore_mem>>
      %dma_start3A_92 = arith.constant 0 : i32
      %dma_start3A_93 = arith.constant 0 : i32
      %dma_start3A_94 = arith.constant 0 : i32
      %dma_start3A_95 = tpu.memref_slice %arg2[%add3A, %dma_start3A_92, %dma_start3A_93, %dma_start3A_94] : memref<32x80x2x128xi32, #tpu.memory_space<hbm>> -> memref<1x80x2x128xi32, #tpu.memory_space<hbm>>
      %dma_start3A_96 = tpu.memref_squeeze %dma_start3A_95 : memref<1x80x2x128xi32, #tpu.memory_space<hbm>> -> memref<80x2x128xi32, #tpu.memory_space<hbm>>
      %dma_start3A_97 = arith.constant 40 : i32
      %dma_start3A_98 = arith.constant 0 : i32
      %dma_start3A_99 = arith.constant 0 : i32
      %dma_start3A_100 = tpu.memref_slice %dma_start3A_96[%dma_start3A_97, %dma_start3A_98, %dma_start3A_99] : memref<80x2x128xi32, #tpu.memory_space<hbm>> -> memref<40x2x128xi32, #tpu.memory_space<hbm>>
      %dma_start3A_101 = arith.constant 0 : i32
      %dma_start3A_102 = arith.constant 0 : i32
      %dma_start3A_103 = arith.constant 0 : i32
      %dma_start3A_104 = tpu.memref_slice %arg2[%add3A, %dma_start3A_101, %dma_start3A_102, %dma_start3A_103] : memref<32x80x2x128xi32, #tpu.memory_space<hbm>> -> memref<1x80x2x128xi32, #tpu.memory_space<hbm>>
      %dma_start3A_105 = tpu.memref_squeeze %dma_start3A_104 : memref<1x80x2x128xi32, #tpu.memory_space<hbm>> -> memref<80x2x128xi32, #tpu.memory_space<hbm>>
      %dma_start3A_106 = arith.constant 40 : i32
      %dma_start3A_107 = arith.constant 0 : i32
      %dma_start3A_108 = arith.constant 0 : i32
      %dma_start3A_109 = tpu.memref_slice %dma_start3A_105[%dma_start3A_106, %dma_start3A_107, %dma_start3A_108] : memref<80x2x128xi32, #tpu.memory_space<hbm>> -> memref<40x2x128xi32, #tpu.memory_space<hbm>>
      tpu.enqueue_dma source(%dma_start3A_109 : memref<40x2x128xi32, #tpu.memory_space<hbm>>) target(%arg4 : memref<40x2x128xi32, #tpu.memory_space<vmem>>) target_semaphore(%run_scoped3A : memref<!tpu.dma_semaphore, #tpu.memory_space<semaphore_mem>>)
      %dma_wait3A = arith.constant 0 : i32
      %dma_wait3A_110 = arith.constant 0 : i32
      %dma_wait3A_111 = arith.constant 0 : i32
      %dma_wait3A_112 = tpu.memref_slice %arg2[%add3A, %dma_wait3A, %dma_wait3A_110, %dma_wait3A_111] : memref<32x80x2x128xi32, #tpu.memory_space<hbm>> -> memref<1x80x2x128xi32, #tpu.memory_space<hbm>>
      %dma_wait3A_113 = tpu.memref_squeeze %dma_wait3A_112 : memref<1x80x2x128xi32, #tpu.memory_space<hbm>> -> memref<80x2x128xi32, #tpu.memory_space<hbm>>
      %dma_wait3A_114 = arith.constant 40 : i32
      %dma_wait3A_115 = arith.constant 0 : i32
      %dma_wait3A_116 = arith.constant 0 : i32
      %dma_wait3A_117 = tpu.memref_slice %dma_wait3A_113[%dma_wait3A_114, %dma_wait3A_115, %dma_wait3A_116] : memref<80x2x128xi32, #tpu.memory_space<hbm>> -> memref<40x2x128xi32, #tpu.memory_space<hbm>>
      %dma_wait3A_118 = arith.constant 0 : i32
      %dma_wait3A_119 = arith.constant 0 : i32
      %dma_wait3A_120 = arith.constant 0 : i32
      %dma_wait3A_121 = tpu.memref_slice %arg2[%add3A, %dma_wait3A_118, %dma_wait3A_119, %dma_wait3A_120] : memref<32x80x2x128xi32, #tpu.memory_space<hbm>> -> memref<1x80x2x128xi32, #tpu.memory_space<hbm>>
      %dma_wait3A_122 = tpu.memref_squeeze %dma_wait3A_121 : memref<1x80x2x128xi32, #tpu.memory_space<hbm>> -> memref<80x2x128xi32, #tpu.memory_space<hbm>>
      %dma_wait3A_123 = arith.constant 40 : i32
      %dma_wait3A_124 = arith.constant 0 : i32
      %dma_wait3A_125 = arith.constant 0 : i32
      %dma_wait3A_126 = tpu.memref_slice %dma_wait3A_122[%dma_wait3A_123, %dma_wait3A_124, %dma_wait3A_125] : memref<80x2x128xi32, #tpu.memory_space<hbm>> -> memref<40x2x128xi32, #tpu.memory_space<hbm>>
      tpu.wait_dma2 semaphore(%run_scoped3A : memref<!tpu.dma_semaphore, #tpu.memory_space<semaphore_mem>>) src(%dma_wait3A_126 : memref<40x2x128xi32, #tpu.memory_space<hbm>>) dst(%arg4 : memref<40x2x128xi32, #tpu.memory_space<vmem>>)
      tpu.yield
    }) : () -> ()
    %scan3A_61 = arith.constant 0 : i32
    %scan3A_62 = arith.constant 40 : i32
    %scan3A_63 = arith.addi %scan3A_61, %scan3A_62 : i32
    %scan3A_64 = arith.constant 1 : i32
    scf.for %scan3A_92 = %scan3A_61 to %scan3A_63 step %scan3A_64  : i32 {
      %get3A = arith.constant 0 : i32
      %get3A_93 = arith.index_cast %scan3A_92 : i32 to index
      %get3A_94 = arith.index_cast %get3A : i32 to index
      %get3A_95 = arith.constant 0 : index
      %get3A_96 = tpu.vector_load %arg4[%get3A_93, %get3A_94, %get3A_95] {strides = array<i32>} : memref<40x2x128xi32, #tpu.memory_space<vmem>>, vector<16xi32>,
      %get3A_97 = arith.constant 1 : i32
      %get3A_98 = arith.index_cast %scan3A_92 : i32 to index
      %get3A_99 = arith.index_cast %get3A_97 : i32 to index
      %get3A_100 = arith.constant 0 : index
      %get3A_101 = tpu.vector_load %arg4[%get3A_98, %get3A_99, %get3A_100] {strides = array<i32>} : memref<40x2x128xi32, #tpu.memory_space<vmem>>, vector<16xi32>,
      %eq3A_102 = arith.cmpi eq, %get3A_96, %get3A_101 : vector<16xi32>
      %jit3A_103 = arith.constant 10000 : i32
      %broadcast_in_dim3A_104 = vector.broadcast %jit3A_103 : i32 to vector<16xi32>
      %select_n3A_105 = arith.select %eq3A_102, %broadcast_in_dim3A_104, %get3A_96 : vector<16xi1>, vector<16xi32>
      %swap3A = arith.constant 0 : i32
      %swap3A_106 = arith.index_cast %scan3A_92 : i32 to index
      %swap3A_107 = arith.index_cast %swap3A : i32 to index
      %swap3A_108 = arith.constant 0 : index
      %swap3A_109 = tpu.vector_load %arg4[%swap3A_106, %swap3A_107, %swap3A_108] {strides = array<i32>} : memref<40x2x128xi32, #tpu.memory_space<vmem>>, vector<16xi32>,
      tpu.vector_store %arg4[%swap3A_106, %swap3A_107, %swap3A_108], %select_n3A_105 {strides = array<i32>} : memref<40x2x128xi32, #tpu.memory_space<vmem>>, vector<16xi32>,
      %get3A_110 = arith.constant 0 : i32
      %get3A_111 = arith.index_cast %scan3A_92 : i32 to index
      %get3A_112 = arith.index_cast %get3A_110 : i32 to index
      %get3A_113 = arith.constant 16 : index
      %get3A_114 = tpu.vector_load %arg4[%get3A_111, %get3A_112, %get3A_113] {strides = array<i32>} : memref<40x2x128xi32, #tpu.memory_space<vmem>>, vector<16xi32>,
      %get3A_115 = arith.constant 1 : i32
      %get3A_116 = arith.index_cast %scan3A_92 : i32 to index
      %get3A_117 = arith.index_cast %get3A_115 : i32 to index
      %get3A_118 = arith.constant 16 : index
      %get3A_119 = tpu.vector_load %arg4[%get3A_116, %get3A_117, %get3A_118] {strides = array<i32>} : memref<40x2x128xi32, #tpu.memory_space<vmem>>, vector<16xi32>,
      %eq3A_120 = arith.cmpi eq, %get3A_114, %get3A_119 : vector<16xi32>
      %jit3A_121 = arith.constant 10000 : i32
      %broadcast_in_dim3A_122 = vector.broadcast %jit3A_121 : i32 to vector<16xi32>
      %select_n3A_123 = arith.select %eq3A_120, %broadcast_in_dim3A_122, %get3A_114 : vector<16xi1>, vector<16xi32>
      %swap3A_124 = arith.constant 0 : i32
      %swap3A_125 = arith.index_cast %scan3A_92 : i32 to index
      %swap3A_126 = arith.index_cast %swap3A_124 : i32 to index
      %swap3A_127 = arith.constant 16 : index
      %swap3A_128 = tpu.vector_load %arg4[%swap3A_125, %swap3A_126, %swap3A_127] {strides = array<i32>} : memref<40x2x128xi32, #tpu.memory_space<vmem>>, vector<16xi32>,
      tpu.vector_store %arg4[%swap3A_125, %swap3A_126, %swap3A_127], %select_n3A_123 {strides = array<i32>} : memref<40x2x128xi32, #tpu.memory_space<vmem>>, vector<16xi32>,
      %get3A_129 = arith.constant 0 : i32
      %get3A_130 = arith.index_cast %scan3A_92 : i32 to index
      %get3A_131 = arith.index_cast %get3A_129 : i32 to index
      %get3A_132 = arith.constant 32 : index
      %get3A_133 = tpu.vector_load %arg4[%get3A_130, %get3A_131, %get3A_132] {strides = array<i32>} : memref<40x2x128xi32, #tpu.memory_space<vmem>>, vector<16xi32>,
      %get3A_134 = arith.constant 1 : i32
      %get3A_135 = arith.index_cast %scan3A_92 : i32 to index
      %get3A_136 = arith.index_cast %get3A_134 : i32 to index
      %get3A_137 = arith.constant 32 : index
      %get3A_138 = tpu.vector_load %arg4[%get3A_135, %get3A_136, %get3A_137] {strides = array<i32>} : memref<40x2x128xi32, #tpu.memory_space<vmem>>, vector<16xi32>,
      %eq3A_139 = arith.cmpi eq, %get3A_133, %get3A_138 : vector<16xi32>
      %jit3A_140 = arith.constant 10000 : i32
      %broadcast_in_dim3A_141 = vector.broadcast %jit3A_140 : i32 to vector<16xi32>
      %select_n3A_142 = arith.select %eq3A_139, %broadcast_in_dim3A_141, %get3A_133 : vector<16xi1>, vector<16xi32>
      %swap3A_143 = arith.constant 0 : i32
      %swap3A_144 = arith.index_cast %scan3A_92 : i32 to index
      %swap3A_145 = arith.index_cast %swap3A_143 : i32 to index
      %swap3A_146 = arith.constant 32 : index
      %swap3A_147 = tpu.vector_load %arg4[%swap3A_144, %swap3A_145, %swap3A_146] {strides = array<i32>} : memref<40x2x128xi32, #tpu.memory_space<vmem>>, vector<16xi32>,
      tpu.vector_store %arg4[%swap3A_144, %swap3A_145, %swap3A_146], %select_n3A_142 {strides = array<i32>} : memref<40x2x128xi32, #tpu.memory_space<vmem>>, vector<16xi32>,
      %get3A_148 = arith.constant 0 : i32
      %get3A_149 = arith.index_cast %scan3A_92 : i32 to index
      %get3A_150 = arith.index_cast %get3A_148 : i32 to index
      %get3A_151 = arith.constant 48 : index
      %get3A_152 = tpu.vector_load %arg4[%get3A_149, %get3A_150, %get3A_151] {strides = array<i32>} : memref<40x2x128xi32, #tpu.memory_space<vmem>>, vector<16xi32>,
      %get3A_153 = arith.constant 1 : i32
      %get3A_154 = arith.index_cast %scan3A_92 : i32 to index
      %get3A_155 = arith.index_cast %get3A_153 : i32 to index
      %get3A_156 = arith.constant 48 : index
      %get3A_157 = tpu.vector_load %arg4[%get3A_154, %get3A_155, %get3A_156] {strides = array<i32>} : memref<40x2x128xi32, #tpu.memory_space<vmem>>, vector<16xi32>,
      %eq3A_158 = arith.cmpi eq, %get3A_152, %get3A_157 : vector<16xi32>
      %jit3A_159 = arith.constant 10000 : i32
      %broadcast_in_dim3A_160 = vector.broadcast %jit3A_159 : i32 to vector<16xi32>
      %select_n3A_161 = arith.select %eq3A_158, %broadcast_in_dim3A_160, %get3A_152 : vector<16xi1>, vector<16xi32>
      %swap3A_162 = arith.constant 0 : i32
      %swap3A_163 = arith.index_cast %scan3A_92 : i32 to index
      %swap3A_164 = arith.index_cast %swap3A_162 : i32 to index
      %swap3A_165 = arith.constant 48 : index
      %swap3A_166 = tpu.vector_load %arg4[%swap3A_163, %swap3A_164, %swap3A_165] {strides = array<i32>} : memref<40x2x128xi32, #tpu.memory_space<vmem>>, vector<16xi32>,
      tpu.vector_store %arg4[%swap3A_163, %swap3A_164, %swap3A_165], %select_n3A_161 {strides = array<i32>} : memref<40x2x128xi32, #tpu.memory_space<vmem>>, vector<16xi32>,
      %get3A_167 = arith.constant 0 : i32
      %get3A_168 = arith.index_cast %scan3A_92 : i32 to index
      %get3A_169 = arith.index_cast %get3A_167 : i32 to index
      %get3A_170 = arith.constant 64 : index
      %get3A_171 = tpu.vector_load %arg4[%get3A_168, %get3A_169, %get3A_170] {strides = array<i32>} : memref<40x2x128xi32, #tpu.memory_space<vmem>>, vector<16xi32>,
      %get3A_172 = arith.constant 1 : i32
      %get3A_173 = arith.index_cast %scan3A_92 : i32 to index
      %get3A_174 = arith.index_cast %get3A_172 : i32 to index
      %get3A_175 = arith.constant 64 : index
      %get3A_176 = tpu.vector_load %arg4[%get3A_173, %get3A_174, %get3A_175] {strides = array<i32>} : memref<40x2x128xi32, #tpu.memory_space<vmem>>, vector<16xi32>,
      %eq3A_177 = arith.cmpi eq, %get3A_171, %get3A_176 : vector<16xi32>
      %jit3A_178 = arith.constant 10000 : i32
      %broadcast_in_dim3A_179 = vector.broadcast %jit3A_178 : i32 to vector<16xi32>
      %select_n3A_180 = arith.select %eq3A_177, %broadcast_in_dim3A_179, %get3A_171 : vector<16xi1>, vector<16xi32>
      %swap3A_181 = arith.constant 0 : i32
      %swap3A_182 = arith.index_cast %scan3A_92 : i32 to index
      %swap3A_183 = arith.index_cast %swap3A_181 : i32 to index
      %swap3A_184 = arith.constant 64 : index
      %swap3A_185 = tpu.vector_load %arg4[%swap3A_182, %swap3A_183, %swap3A_184] {strides = array<i32>} : memref<40x2x128xi32, #tpu.memory_space<vmem>>, vector<16xi32>,
      tpu.vector_store %arg4[%swap3A_182, %swap3A_183, %swap3A_184], %select_n3A_180 {strides = array<i32>} : memref<40x2x128xi32, #tpu.memory_space<vmem>>, vector<16xi32>,
      %get3A_186 = arith.constant 0 : i32
      %get3A_187 = arith.index_cast %scan3A_92 : i32 to index
      %get3A_188 = arith.index_cast %get3A_186 : i32 to index
      %get3A_189 = arith.constant 80 : index
      %get3A_190 = tpu.vector_load %arg4[%get3A_187, %get3A_188, %get3A_189] {strides = array<i32>} : memref<40x2x128xi32, #tpu.memory_space<vmem>>, vector<16xi32>,
      %get3A_191 = arith.constant 1 : i32
      %get3A_192 = arith.index_cast %scan3A_92 : i32 to index
      %get3A_193 = arith.index_cast %get3A_191 : i32 to index
      %get3A_194 = arith.constant 80 : index
      %get3A_195 = tpu.vector_load %arg4[%get3A_192, %get3A_193, %get3A_194] {strides = array<i32>} : memref<40x2x128xi32, #tpu.memory_space<vmem>>, vector<16xi32>,
      %eq3A_196 = arith.cmpi eq, %get3A_190, %get3A_195 : vector<16xi32>
      %jit3A_197 = arith.constant 10000 : i32
      %broadcast_in_dim3A_198 = vector.broadcast %jit3A_197 : i32 to vector<16xi32>
      %select_n3A_199 = arith.select %eq3A_196, %broadcast_in_dim3A_198, %get3A_190 : vector<16xi1>, vector<16xi32>
      %swap3A_200 = arith.constant 0 : i32
      %swap3A_201 = arith.index_cast %scan3A_92 : i32 to index
      %swap3A_202 = arith.index_cast %swap3A_200 : i32 to index
      %swap3A_203 = arith.constant 80 : index
      %swap3A_204 = tpu.vector_load %arg4[%swap3A_201, %swap3A_202, %swap3A_203] {strides = array<i32>} : memref<40x2x128xi32, #tpu.memory_space<vmem>>, vector<16xi32>,
      tpu.vector_store %arg4[%swap3A_201, %swap3A_202, %swap3A_203], %select_n3A_199 {strides = array<i32>} : memref<40x2x128xi32, #tpu.memory_space<vmem>>, vector<16xi32>,
      %get3A_205 = arith.constant 0 : i32
      %get3A_206 = arith.index_cast %scan3A_92 : i32 to index
      %get3A_207 = arith.index_cast %get3A_205 : i32 to index
      %get3A_208 = arith.constant 96 : index
      %get3A_209 = tpu.vector_load %arg4[%get3A_206, %get3A_207, %get3A_208] {strides = array<i32>} : memref<40x2x128xi32, #tpu.memory_space<vmem>>, vector<16xi32>,
      %get3A_210 = arith.constant 1 : i32
      %get3A_211 = arith.index_cast %scan3A_92 : i32 to index
      %get3A_212 = arith.index_cast %get3A_210 : i32 to index
      %get3A_213 = arith.constant 96 : index
      %get3A_214 = tpu.vector_load %arg4[%get3A_211, %get3A_212, %get3A_213] {strides = array<i32>} : memref<40x2x128xi32, #tpu.memory_space<vmem>>, vector<16xi32>,
      %eq3A_215 = arith.cmpi eq, %get3A_209, %get3A_214 : vector<16xi32>
      %jit3A_216 = arith.constant 10000 : i32
      %broadcast_in_dim3A_217 = vector.broadcast %jit3A_216 : i32 to vector<16xi32>
      %select_n3A_218 = arith.select %eq3A_215, %broadcast_in_dim3A_217, %get3A_209 : vector<16xi1>, vector<16xi32>
      %swap3A_219 = arith.constant 0 : i32
      %swap3A_220 = arith.index_cast %scan3A_92 : i32 to index
      %swap3A_221 = arith.index_cast %swap3A_219 : i32 to index
      %swap3A_222 = arith.constant 96 : index
      %swap3A_223 = tpu.vector_load %arg4[%swap3A_220, %swap3A_221, %swap3A_222] {strides = array<i32>} : memref<40x2x128xi32, #tpu.memory_space<vmem>>, vector<16xi32>,
      tpu.vector_store %arg4[%swap3A_220, %swap3A_221, %swap3A_222], %select_n3A_218 {strides = array<i32>} : memref<40x2x128xi32, #tpu.memory_space<vmem>>, vector<16xi32>,
      %get3A_224 = arith.constant 0 : i32
      %get3A_225 = arith.index_cast %scan3A_92 : i32 to index
      %get3A_226 = arith.index_cast %get3A_224 : i32 to index
      %get3A_227 = arith.constant 112 : index
      %get3A_228 = tpu.vector_load %arg4[%get3A_225, %get3A_226, %get3A_227] {strides = array<i32>} : memref<40x2x128xi32, #tpu.memory_space<vmem>>, vector<16xi32>,
      %get3A_229 = arith.constant 1 : i32
      %get3A_230 = arith.index_cast %scan3A_92 : i32 to index
      %get3A_231 = arith.index_cast %get3A_229 : i32 to index
      %get3A_232 = arith.constant 112 : index
      %get3A_233 = tpu.vector_load %arg4[%get3A_230, %get3A_231, %get3A_232] {strides = array<i32>} : memref<40x2x128xi32, #tpu.memory_space<vmem>>, vector<16xi32>,
      %eq3A_234 = arith.cmpi eq, %get3A_228, %get3A_233 : vector<16xi32>
      %jit3A_235 = arith.constant 10000 : i32
      %broadcast_in_dim3A_236 = vector.broadcast %jit3A_235 : i32 to vector<16xi32>
      %select_n3A_237 = arith.select %eq3A_234, %broadcast_in_dim3A_236, %get3A_228 : vector<16xi1>, vector<16xi32>
      %swap3A_238 = arith.constant 0 : i32
      %swap3A_239 = arith.index_cast %scan3A_92 : i32 to index
      %swap3A_240 = arith.index_cast %swap3A_238 : i32 to index
      %swap3A_241 = arith.constant 112 : index
      %swap3A_242 = tpu.vector_load %arg4[%swap3A_239, %swap3A_240, %swap3A_241] {strides = array<i32>} : memref<40x2x128xi32, #tpu.memory_space<vmem>>, vector<16xi32>,
      tpu.vector_store %arg4[%swap3A_239, %swap3A_240, %swap3A_241], %select_n3A_237 {strides = array<i32>} : memref<40x2x128xi32, #tpu.memory_space<vmem>>, vector<16xi32>,
    }
    %scan3A_65 = arith.constant 40 : i32
    %dma_start3A_66 = arith.constant 0 : i32
    %dma_start3A_67 = arith.constant 0 : i32
    %dma_start3A_68 = arith.constant 0 : i32
    %dma_start3A_69 = tpu.memref_slice %arg4[%dma_start3A_66, %dma_start3A_67, %dma_start3A_68] : memref<40x2x128xi32, #tpu.memory_space<vmem>> -> memref<1x1x128xi32, #tpu.memory_space<vmem>>
    %dma_start3A_70 = tpu.memref_squeeze %dma_start3A_69 : memref<1x1x128xi32, #tpu.memory_space<vmem>> -> memref<128xi32, #tpu.memory_space<vmem>>
    %dma_start3A_71 = arith.constant 0 : i32
    %dma_start3A_72 = arith.constant 0 : i32
    %dma_start3A_73 = tpu.memref_slice %arg6[%dma_start3A_71, %dma_start3A_72] : memref<10240x128xf32, #tpu.memory_space<vmem_shared>> -> memref<10240x128xf32, #tpu.memory_space<vmem_shared>>
    tpu.enqueue_indirect_dma source(%arg5 : memref<128x128xf32, #tpu.memory_space<vmem>>) target(%dma_start3A_73 : memref<10240x128xf32, #tpu.memory_space<vmem_shared>>) offsets(%dma_start3A_70 : memref<128xi32, #tpu.memory_space<vmem>>) semaphore(%arg7 : memref<!tpu.dma_semaphore, #tpu.memory_space<semaphore_mem>>) {add = true}
    %dma_start3A_74 = arith.constant 1 : i32
    %dma_start3A_75 = arith.constant 0 : i32
    %dma_start3A_76 = arith.constant 0 : i32
    %dma_start3A_77 = tpu.memref_slice %arg4[%dma_start3A_74, %dma_start3A_75, %dma_start3A_76] : memref<40x2x128xi32, #tpu.memory_space<vmem>> -> memref<1x1x128xi32, #tpu.memory_space<vmem>>
    %dma_start3A_78 = tpu.memref_squeeze %dma_start3A_77 : memref<1x1x128xi32, #tpu.memory_space<vmem>> -> memref<128xi32, #tpu.memory_space<vmem>>
    %dma_start3A_79 = arith.constant 0 : i32
    %dma_start3A_80 = arith.constant 0 : i32
    %dma_start3A_81 = tpu.memref_slice %arg6[%dma_start3A_79, %dma_start3A_80] : memref<10240x128xf32, #tpu.memory_space<vmem_shared>> -> memref<10240x128xf32, #tpu.memory_space<vmem_shared>>
    tpu.enqueue_indirect_dma source(%arg5 : memref<128x128xf32, #tpu.memory_space<vmem>>) target(%dma_start3A_81 : memref<10240x128xf32, #tpu.memory_space<vmem_shared>>) offsets(%dma_start3A_78 : memref<128xi32, #tpu.memory_space<vmem>>) semaphore(%arg8 : memref<!tpu.dma_semaphore, #tpu.memory_space<semaphore_mem>>) {add = true}
    %scan3A_82 = arith.constant 0 : i32
    %scan3A_83 = arith.constant 20 : i32
    %scan3A_84 = arith.addi %scan3A_82, %scan3A_83 : i32
    %scan3A_85 = arith.constant 1 : i32
    scf.for %scan3A_92 = %scan3A_82 to %scan3A_84 step %scan3A_85  : i32 {
      %mul3A_93 = arith.constant 2 : i32
      %mul3A_94 = arith.muli %mul3A_93, %scan3A_92 : i32
      %add3A_95 = arith.constant 1 : i32
      %add3A_96 = arith.addi %mul3A_94, %add3A_95 : i32
      %dma_wait3A = arith.constant 0 : i32
      %dma_wait3A_97 = arith.constant 0 : i32
      %dma_wait3A_98 = tpu.memref_slice %arg4[%mul3A_94, %dma_wait3A, %dma_wait3A_97] : memref<40x2x128xi32, #tpu.memory_space<vmem>> -> memref<1x1x128xi32, #tpu.memory_space<vmem>>
      %dma_wait3A_99 = tpu.memref_squeeze %dma_wait3A_98 : memref<1x1x128xi32, #tpu.memory_space<vmem>> -> memref<128xi32, #tpu.memory_space<vmem>>
      %dma_wait3A_100 = arith.constant 0 : i32
      %dma_wait3A_101 = arith.constant 0 : i32
      %dma_wait3A_102 = tpu.memref_slice %arg6[%dma_wait3A_100, %dma_wait3A_101] : memref<10240x128xf32, #tpu.memory_space<vmem_shared>> -> memref<10240x128xf32, #tpu.memory_space<vmem_shared>>
      tpu.wait_indirect_dma semaphore(%arg7 : memref<!tpu.dma_semaphore, #tpu.memory_space<semaphore_mem>>) src(%arg5 : memref<128x128xf32, #tpu.memory_space<vmem>>) dst(%dma_wait3A_102 : memref<10240x128xf32, #tpu.memory_space<vmem_shared>>)
      %lt3A = arith.constant 19 : i32
      %lt3A_103 = arith.cmpi slt, %scan3A_92, %lt3A : i32
      %convert_element_type3A = arith.extui %lt3A_103 : i1 to i32
      %cond3A = arith.constant 0 : i32
      %cond3A_104 = arith.cmpi ne, %convert_element_type3A, %cond3A : i32
      scf.if %cond3A_104 {
        %add3A_117 = arith.constant 2 : i32
        %add3A_118 = arith.addi %mul3A_94, %add3A_117 : i32
        %dma_start3A_119 = arith.constant 0 : i32
        %dma_start3A_120 = arith.constant 0 : i32
        %dma_start3A_121 = tpu.memref_slice %arg4[%add3A_118, %dma_start3A_119, %dma_start3A_120] : memref<40x2x128xi32, #tpu.memory_space<vmem>> -> memref<1x1x128xi32, #tpu.memory_space<vmem>>
        %dma_start3A_122 = tpu.memref_squeeze %dma_start3A_121 : memref<1x1x128xi32, #tpu.memory_space<vmem>> -> memref<128xi32, #tpu.memory_space<vmem>>
        %dma_start3A_123 = arith.constant 0 : i32
        %dma_start3A_124 = arith.constant 0 : i32
        %dma_start3A_125 = tpu.memref_slice %arg6[%dma_start3A_123, %dma_start3A_124] : memref<10240x128xf32, #tpu.memory_space<vmem_shared>> -> memref<10240x128xf32, #tpu.memory_space<vmem_shared>>
        tpu.enqueue_indirect_dma source(%arg5 : memref<128x128xf32, #tpu.memory_space<vmem>>) target(%dma_start3A_125 : memref<10240x128xf32, #tpu.memory_space<vmem_shared>>) offsets(%dma_start3A_122 : memref<128xi32, #tpu.memory_space<vmem>>) semaphore(%arg7 : memref<!tpu.dma_semaphore, #tpu.memory_space<semaphore_mem>>) {add = true}
      } else {
      }
      %dma_wait3A_105 = arith.constant 0 : i32
      %dma_wait3A_106 = arith.constant 0 : i32
      %dma_wait3A_107 = tpu.memref_slice %arg4[%add3A_96, %dma_wait3A_105, %dma_wait3A_106] : memref<40x2x128xi32, #tpu.memory_space<vmem>> -> memref<1x1x128xi32, #tpu.memory_space<vmem>>
      %dma_wait3A_108 = tpu.memref_squeeze %dma_wait3A_107 : memref<1x1x128xi32, #tpu.memory_space<vmem>> -> memref<128xi32, #tpu.memory_space<vmem>>
      %dma_wait3A_109 = arith.constant 0 : i32
      %dma_wait3A_110 = arith.constant 0 : i32
      %dma_wait3A_111 = tpu.memref_slice %arg6[%dma_wait3A_109, %dma_wait3A_110] : memref<10240x128xf32, #tpu.memory_space<vmem_shared>> -> memref<10240x128xf32, #tpu.memory_space<vmem_shared>>
      tpu.wait_indirect_dma semaphore(%arg8 : memref<!tpu.dma_semaphore, #tpu.memory_space<semaphore_mem>>) src(%arg5 : memref<128x128xf32, #tpu.memory_space<vmem>>) dst(%dma_wait3A_111 : memref<10240x128xf32, #tpu.memory_space<vmem_shared>>)
      %lt3A_112 = arith.constant 19 : i32
      %lt3A_113 = arith.cmpi slt, %scan3A_92, %lt3A_112 : i32
      %convert_element_type3A_114 = arith.extui %lt3A_113 : i1 to i32
      %cond3A_115 = arith.constant 0 : i32
      %cond3A_116 = arith.cmpi ne, %convert_element_type3A_114, %cond3A_115 : i32
      scf.if %cond3A_116 {
        %add3A_117 = arith.constant 2 : i32
        %add3A_118 = arith.addi %add3A_96, %add3A_117 : i32
        %dma_start3A_119 = arith.constant 0 : i32
        %dma_start3A_120 = arith.constant 0 : i32
        %dma_start3A_121 = tpu.memref_slice %arg4[%add3A_118, %dma_start3A_119, %dma_start3A_120] : memref<40x2x128xi32, #tpu.memory_space<vmem>> -> memref<1x1x128xi32, #tpu.memory_space<vmem>>
        %dma_start3A_122 = tpu.memref_squeeze %dma_start3A_121 : memref<1x1x128xi32, #tpu.memory_space<vmem>> -> memref<128xi32, #tpu.memory_space<vmem>>
        %dma_start3A_123 = arith.constant 0 : i32
        %dma_start3A_124 = arith.constant 0 : i32
        %dma_start3A_125 = tpu.memref_slice %arg6[%dma_start3A_123, %dma_start3A_124] : memref<10240x128xf32, #tpu.memory_space<vmem_shared>> -> memref<10240x128xf32, #tpu.memory_space<vmem_shared>>
        tpu.enqueue_indirect_dma source(%arg5 : memref<128x128xf32, #tpu.memory_space<vmem>>) target(%dma_start3A_125 : memref<10240x128xf32, #tpu.memory_space<vmem_shared>>) offsets(%dma_start3A_122 : memref<128xi32, #tpu.memory_space<vmem>>) semaphore(%arg8 : memref<!tpu.dma_semaphore, #tpu.memory_space<semaphore_mem>>) {add = true}
      } else {
      }
    }
    %scan3A_86 = arith.constant 20 : i32
    %barrier3A_87 = arith.constant 0 : index
    tpu.barrier barrier_id(%barrier3A_87)
    %mul3A_88 = arith.constant 640 : i32
    %mul3A_89 = arith.muli %arg1, %mul3A_88 : i32
    %mul3A_90 = arith.constant 640 : i32
    %mul3A_91 = arith.muli %arg1, %mul3A_90 : i32
    "tpu.region"() ({
      %run_scoped3A = tpu.sem_alloc : memref<!tpu.dma_semaphore, #tpu.memory_space<semaphore_mem>>
      %dma_start3A_92 = arith.constant 0 : i32
      %dma_start3A_93 = tpu.memref_slice %arg3[%arg0, %mul3A_91, %dma_start3A_92] : memref<2x10240x128xf32, #tpu.memory_space<hbm>> -> memref<1x640x128xf32, #tpu.memory_space<hbm>>
      %dma_start3A_94 = tpu.memref_squeeze %dma_start3A_93 : memref<1x640x128xf32, #tpu.memory_space<hbm>> -> memref<640x128xf32, #tpu.memory_space<hbm>>
      %dma_start3A_95 = arith.constant 0 : i32
      %dma_start3A_96 = tpu.memref_slice %arg6[%mul3A_89, %dma_start3A_95] : memref<10240x128xf32, #tpu.memory_space<vmem_shared>> -> memref<640x128xf32, #tpu.memory_space<vmem_shared>>
      tpu.enqueue_dma source(%dma_start3A_96 : memref<640x128xf32, #tpu.memory_space<vmem_shared>>) target(%dma_start3A_94 : memref<640x128xf32, #tpu.memory_space<hbm>>) target_semaphore(%run_scoped3A : memref<!tpu.dma_semaphore, #tpu.memory_space<semaphore_mem>>)
      %dma_wait3A = arith.constant 0 : i32
      %dma_wait3A_97 = tpu.memref_slice %arg3[%arg0, %mul3A_91, %dma_wait3A] : memref<2x10240x128xf32, #tpu.memory_space<hbm>> -> memref<1x640x128xf32, #tpu.memory_space<hbm>>
      %dma_wait3A_98 = tpu.memref_squeeze %dma_wait3A_97 : memref<1x640x128xf32, #tpu.memory_space<hbm>> -> memref<640x128xf32, #tpu.memory_space<hbm>>
      %dma_wait3A_99 = arith.constant 0 : i32
      %dma_wait3A_100 = tpu.memref_slice %arg6[%mul3A_89, %dma_wait3A_99] : memref<10240x128xf32, #tpu.memory_space<vmem_shared>> -> memref<640x128xf32, #tpu.memory_space<vmem_shared>>
      tpu.wait_dma2 semaphore(%run_scoped3A : memref<!tpu.dma_semaphore, #tpu.memory_space<semaphore_mem>>) src(%dma_wait3A_100 : memref<640x128xf32, #tpu.memory_space<vmem_shared>>) dst(%dma_wait3A_98 : memref<640x128xf32, #tpu.memory_space<hbm>>)
      tpu.yield
    }) : () -> ()
    return
  }
}

#map = affine_map<(d0, d1) -> (0, 0, 0, 0)>
#map1 = affine_map<(d0, d1) -> (0, 0)>
#map2 = affine_map<(d0, d1) -> (0, 0, 0)>
module attributes {stable_mosaic.version = 14 : i64} {
  func.func @_scat_body(%arg0: i32, %arg1: i32, %arg2: memref<32x80x2x128xi32, #tpu.memory_space<hbm>>, %arg3: memref<10240x128xf32, #tpu.memory_space<hbm>>, %arg4: memref<2x10240x128xf32, #tpu.memory_space<hbm>>, %arg5: memref<40x2x128xi32, #tpu.memory_space<vmem>>, %arg6: memref<128x128xf32, #tpu.memory_space<vmem>>, %arg7: memref<128x128xf32, #tpu.memory_space<vmem>>, %arg8: memref<10240x128xf32, #tpu.memory_space<vmem_shared>>, %arg9: memref<!tpu.dma_semaphore, #tpu.memory_space<semaphore_mem>>, %arg10: memref<!tpu.dma_semaphore, #tpu.memory_space<semaphore_mem>>, %arg11: memref<!tpu.dma_semaphore, #tpu.memory_space<semaphore_mem>>, %arg12: memref<!tpu.dma_semaphore, #tpu.memory_space<semaphore_mem>>) attributes {dimension_semantics = [#tpu.dimension_semantics<core_parallel>, #tpu.dimension_semantics<subcore_parallel>], iteration_bounds = array<i64: 2, 16>, scalar_prefetch = 0 : i64, scratch_operands = 8 : i64, tpu.core_type = #tpu.core_type<sc_vector_subcore>, window_params = [{transform_indices = #map}, {transform_indices = #map1}, {transform_indices = #map2}]} {
    %mul3A = arith.constant 16 : i32
    %mul3A_0 = arith.muli %arg0, %mul3A : i32
    %add3A = arith.addi %mul3A_0, %arg1 : i32
    %broadcast_in_dim3A = arith.constant 0.000000e+00 : f32
    %broadcast_in_dim3A_1 = vector.broadcast %broadcast_in_dim3A : f32 to vector<16xf32>
    %scan3A = arith.constant 0 : i32
    %scan3A_2 = arith.constant 128 : i32
    %scan3A_3 = arith.addi %scan3A, %scan3A_2 : i32
    %scan3A_4 = arith.constant 1 : i32
    scf.for %scan3A_113 = %scan3A to %scan3A_3 step %scan3A_4  : i32 {
      %swap3A = arith.index_cast %scan3A_113 : i32 to index
      %swap3A_114 = arith.constant 0 : index
      %swap3A_115 = tpu.vector_load %arg6[%swap3A, %swap3A_114] {strides = array<i32>} : memref<128x128xf32, #tpu.memory_space<vmem>>, vector<16xf32>,
      tpu.vector_store %arg6[%swap3A, %swap3A_114], %broadcast_in_dim3A_1 {strides = array<i32>} : memref<128x128xf32, #tpu.memory_space<vmem>>, vector<16xf32>,
      %swap3A_116 = arith.index_cast %scan3A_113 : i32 to index
      %swap3A_117 = arith.constant 16 : index
      %swap3A_118 = tpu.vector_load %arg6[%swap3A_116, %swap3A_117] {strides = array<i32>} : memref<128x128xf32, #tpu.memory_space<vmem>>, vector<16xf32>,
      tpu.vector_store %arg6[%swap3A_116, %swap3A_117], %broadcast_in_dim3A_1 {strides = array<i32>} : memref<128x128xf32, #tpu.memory_space<vmem>>, vector<16xf32>,
      %swap3A_119 = arith.index_cast %scan3A_113 : i32 to index
      %swap3A_120 = arith.constant 32 : index
      %swap3A_121 = tpu.vector_load %arg6[%swap3A_119, %swap3A_120] {strides = array<i32>} : memref<128x128xf32, #tpu.memory_space<vmem>>, vector<16xf32>,
      tpu.vector_store %arg6[%swap3A_119, %swap3A_120], %broadcast_in_dim3A_1 {strides = array<i32>} : memref<128x128xf32, #tpu.memory_space<vmem>>, vector<16xf32>,
      %swap3A_122 = arith.index_cast %scan3A_113 : i32 to index
      %swap3A_123 = arith.constant 48 : index
      %swap3A_124 = tpu.vector_load %arg6[%swap3A_122, %swap3A_123] {strides = array<i32>} : memref<128x128xf32, #tpu.memory_space<vmem>>, vector<16xf32>,
      tpu.vector_store %arg6[%swap3A_122, %swap3A_123], %broadcast_in_dim3A_1 {strides = array<i32>} : memref<128x128xf32, #tpu.memory_space<vmem>>, vector<16xf32>,
      %swap3A_125 = arith.index_cast %scan3A_113 : i32 to index
      %swap3A_126 = arith.constant 64 : index
      %swap3A_127 = tpu.vector_load %arg6[%swap3A_125, %swap3A_126] {strides = array<i32>} : memref<128x128xf32, #tpu.memory_space<vmem>>, vector<16xf32>,
      tpu.vector_store %arg6[%swap3A_125, %swap3A_126], %broadcast_in_dim3A_1 {strides = array<i32>} : memref<128x128xf32, #tpu.memory_space<vmem>>, vector<16xf32>,
      %swap3A_128 = arith.index_cast %scan3A_113 : i32 to index
      %swap3A_129 = arith.constant 80 : index
      %swap3A_130 = tpu.vector_load %arg6[%swap3A_128, %swap3A_129] {strides = array<i32>} : memref<128x128xf32, #tpu.memory_space<vmem>>, vector<16xf32>,
      tpu.vector_store %arg6[%swap3A_128, %swap3A_129], %broadcast_in_dim3A_1 {strides = array<i32>} : memref<128x128xf32, #tpu.memory_space<vmem>>, vector<16xf32>,
      %swap3A_131 = arith.index_cast %scan3A_113 : i32 to index
      %swap3A_132 = arith.constant 96 : index
      %swap3A_133 = tpu.vector_load %arg6[%swap3A_131, %swap3A_132] {strides = array<i32>} : memref<128x128xf32, #tpu.memory_space<vmem>>, vector<16xf32>,
      tpu.vector_store %arg6[%swap3A_131, %swap3A_132], %broadcast_in_dim3A_1 {strides = array<i32>} : memref<128x128xf32, #tpu.memory_space<vmem>>, vector<16xf32>,
      %swap3A_134 = arith.index_cast %scan3A_113 : i32 to index
      %swap3A_135 = arith.constant 112 : index
      %swap3A_136 = tpu.vector_load %arg6[%swap3A_134, %swap3A_135] {strides = array<i32>} : memref<128x128xf32, #tpu.memory_space<vmem>>, vector<16xf32>,
      tpu.vector_store %arg6[%swap3A_134, %swap3A_135], %broadcast_in_dim3A_1 {strides = array<i32>} : memref<128x128xf32, #tpu.memory_space<vmem>>, vector<16xf32>,
    }
    %scan3A_5 = arith.constant 128 : i32
    %mul3A_6 = arith.constant 640 : i32
    %mul3A_7 = arith.muli %arg1, %mul3A_6 : i32
    %add3A_8 = arith.constant 0 : i32
    %add3A_9 = arith.addi %mul3A_7, %add3A_8 : i32
    "tpu.region"() ({
      %run_scoped3A = tpu.sem_alloc : memref<!tpu.dma_semaphore, #tpu.memory_space<semaphore_mem>>
      %dma_start3A_113 = arith.constant 0 : i32
      %dma_start3A_114 = tpu.memref_slice %arg8[%add3A_9, %dma_start3A_113] : memref<10240x128xf32, #tpu.memory_space<vmem_shared>> -> memref<128x128xf32, #tpu.memory_space<vmem_shared>>
      %dma_start3A_115 = arith.constant 0 : i32
      %dma_start3A_116 = tpu.memref_slice %arg8[%add3A_9, %dma_start3A_115] : memref<10240x128xf32, #tpu.memory_space<vmem_shared>> -> memref<128x128xf32, #tpu.memory_space<vmem_shared>>
      tpu.enqueue_dma source(%arg6 : memref<128x128xf32, #tpu.memory_space<vmem>>) target(%dma_start3A_116 : memref<128x128xf32, #tpu.memory_space<vmem_shared>>) target_semaphore(%run_scoped3A : memref<!tpu.dma_semaphore, #tpu.memory_space<semaphore_mem>>)
      %dma_wait3A_117 = arith.constant 0 : i32
      %dma_wait3A_118 = tpu.memref_slice %arg8[%add3A_9, %dma_wait3A_117] : memref<10240x128xf32, #tpu.memory_space<vmem_shared>> -> memref<128x128xf32, #tpu.memory_space<vmem_shared>>
      %dma_wait3A_119 = arith.constant 0 : i32
      %dma_wait3A_120 = tpu.memref_slice %arg8[%add3A_9, %dma_wait3A_119] : memref<10240x128xf32, #tpu.memory_space<vmem_shared>> -> memref<128x128xf32, #tpu.memory_space<vmem_shared>>
      tpu.wait_dma2 semaphore(%run_scoped3A : memref<!tpu.dma_semaphore, #tpu.memory_space<semaphore_mem>>) src(%arg6 : memref<128x128xf32, #tpu.memory_space<vmem>>) dst(%dma_wait3A_120 : memref<128x128xf32, #tpu.memory_space<vmem_shared>>)
      tpu.yield
    }) : () -> ()
    %mul3A_10 = arith.constant 640 : i32
    %mul3A_11 = arith.muli %arg1, %mul3A_10 : i32
    %add3A_12 = arith.constant 128 : i32
    %add3A_13 = arith.addi %mul3A_11, %add3A_12 : i32
    "tpu.region"() ({
      %run_scoped3A = tpu.sem_alloc : memref<!tpu.dma_semaphore, #tpu.memory_space<semaphore_mem>>
      %dma_start3A_113 = arith.constant 0 : i32
      %dma_start3A_114 = tpu.memref_slice %arg8[%add3A_13, %dma_start3A_113] : memref<10240x128xf32, #tpu.memory_space<vmem_shared>> -> memref<128x128xf32, #tpu.memory_space<vmem_shared>>
      %dma_start3A_115 = arith.constant 0 : i32
      %dma_start3A_116 = tpu.memref_slice %arg8[%add3A_13, %dma_start3A_115] : memref<10240x128xf32, #tpu.memory_space<vmem_shared>> -> memref<128x128xf32, #tpu.memory_space<vmem_shared>>
      tpu.enqueue_dma source(%arg6 : memref<128x128xf32, #tpu.memory_space<vmem>>) target(%dma_start3A_116 : memref<128x128xf32, #tpu.memory_space<vmem_shared>>) target_semaphore(%run_scoped3A : memref<!tpu.dma_semaphore, #tpu.memory_space<semaphore_mem>>)
      %dma_wait3A_117 = arith.constant 0 : i32
      %dma_wait3A_118 = tpu.memref_slice %arg8[%add3A_13, %dma_wait3A_117] : memref<10240x128xf32, #tpu.memory_space<vmem_shared>> -> memref<128x128xf32, #tpu.memory_space<vmem_shared>>
      %dma_wait3A_119 = arith.constant 0 : i32
      %dma_wait3A_120 = tpu.memref_slice %arg8[%add3A_13, %dma_wait3A_119] : memref<10240x128xf32, #tpu.memory_space<vmem_shared>> -> memref<128x128xf32, #tpu.memory_space<vmem_shared>>
      tpu.wait_dma2 semaphore(%run_scoped3A : memref<!tpu.dma_semaphore, #tpu.memory_space<semaphore_mem>>) src(%arg6 : memref<128x128xf32, #tpu.memory_space<vmem>>) dst(%dma_wait3A_120 : memref<128x128xf32, #tpu.memory_space<vmem_shared>>)
      tpu.yield
    }) : () -> ()
    %mul3A_14 = arith.constant 640 : i32
    %mul3A_15 = arith.muli %arg1, %mul3A_14 : i32
    %add3A_16 = arith.constant 256 : i32
    %add3A_17 = arith.addi %mul3A_15, %add3A_16 : i32
    "tpu.region"() ({
      %run_scoped3A = tpu.sem_alloc : memref<!tpu.dma_semaphore, #tpu.memory_space<semaphore_mem>>
      %dma_start3A_113 = arith.constant 0 : i32
      %dma_start3A_114 = tpu.memref_slice %arg8[%add3A_17, %dma_start3A_113] : memref<10240x128xf32, #tpu.memory_space<vmem_shared>> -> memref<128x128xf32, #tpu.memory_space<vmem_shared>>
      %dma_start3A_115 = arith.constant 0 : i32
      %dma_start3A_116 = tpu.memref_slice %arg8[%add3A_17, %dma_start3A_115] : memref<10240x128xf32, #tpu.memory_space<vmem_shared>> -> memref<128x128xf32, #tpu.memory_space<vmem_shared>>
      tpu.enqueue_dma source(%arg6 : memref<128x128xf32, #tpu.memory_space<vmem>>) target(%dma_start3A_116 : memref<128x128xf32, #tpu.memory_space<vmem_shared>>) target_semaphore(%run_scoped3A : memref<!tpu.dma_semaphore, #tpu.memory_space<semaphore_mem>>)
      %dma_wait3A_117 = arith.constant 0 : i32
      %dma_wait3A_118 = tpu.memref_slice %arg8[%add3A_17, %dma_wait3A_117] : memref<10240x128xf32, #tpu.memory_space<vmem_shared>> -> memref<128x128xf32, #tpu.memory_space<vmem_shared>>
      %dma_wait3A_119 = arith.constant 0 : i32
      %dma_wait3A_120 = tpu.memref_slice %arg8[%add3A_17, %dma_wait3A_119] : memref<10240x128xf32, #tpu.memory_space<vmem_shared>> -> memref<128x128xf32, #tpu.memory_space<vmem_shared>>
      tpu.wait_dma2 semaphore(%run_scoped3A : memref<!tpu.dma_semaphore, #tpu.memory_space<semaphore_mem>>) src(%arg6 : memref<128x128xf32, #tpu.memory_space<vmem>>) dst(%dma_wait3A_120 : memref<128x128xf32, #tpu.memory_space<vmem_shared>>)
      tpu.yield
    }) : () -> ()
    %mul3A_18 = arith.constant 640 : i32
    %mul3A_19 = arith.muli %arg1, %mul3A_18 : i32
    %add3A_20 = arith.constant 384 : i32
    %add3A_21 = arith.addi %mul3A_19, %add3A_20 : i32
    "tpu.region"() ({
      %run_scoped3A = tpu.sem_alloc : memref<!tpu.dma_semaphore, #tpu.memory_space<semaphore_mem>>
      %dma_start3A_113 = arith.constant 0 : i32
      %dma_start3A_114 = tpu.memref_slice %arg8[%add3A_21, %dma_start3A_113] : memref<10240x128xf32, #tpu.memory_space<vmem_shared>> -> memref<128x128xf32, #tpu.memory_space<vmem_shared>>
      %dma_start3A_115 = arith.constant 0 : i32
      %dma_start3A_116 = tpu.memref_slice %arg8[%add3A_21, %dma_start3A_115] : memref<10240x128xf32, #tpu.memory_space<vmem_shared>> -> memref<128x128xf32, #tpu.memory_space<vmem_shared>>
      tpu.enqueue_dma source(%arg6 : memref<128x128xf32, #tpu.memory_space<vmem>>) target(%dma_start3A_116 : memref<128x128xf32, #tpu.memory_space<vmem_shared>>) target_semaphore(%run_scoped3A : memref<!tpu.dma_semaphore, #tpu.memory_space<semaphore_mem>>)
      %dma_wait3A_117 = arith.constant 0 : i32
      %dma_wait3A_118 = tpu.memref_slice %arg8[%add3A_21, %dma_wait3A_117] : memref<10240x128xf32, #tpu.memory_space<vmem_shared>> -> memref<128x128xf32, #tpu.memory_space<vmem_shared>>
      %dma_wait3A_119 = arith.constant 0 : i32
      %dma_wait3A_120 = tpu.memref_slice %arg8[%add3A_21, %dma_wait3A_119] : memref<10240x128xf32, #tpu.memory_space<vmem_shared>> -> memref<128x128xf32, #tpu.memory_space<vmem_shared>>
      tpu.wait_dma2 semaphore(%run_scoped3A : memref<!tpu.dma_semaphore, #tpu.memory_space<semaphore_mem>>) src(%arg6 : memref<128x128xf32, #tpu.memory_space<vmem>>) dst(%dma_wait3A_120 : memref<128x128xf32, #tpu.memory_space<vmem_shared>>)
      tpu.yield
    }) : () -> ()
    %mul3A_22 = arith.constant 640 : i32
    %mul3A_23 = arith.muli %arg1, %mul3A_22 : i32
    %add3A_24 = arith.constant 512 : i32
    %add3A_25 = arith.addi %mul3A_23, %add3A_24 : i32
    "tpu.region"() ({
      %run_scoped3A = tpu.sem_alloc : memref<!tpu.dma_semaphore, #tpu.memory_space<semaphore_mem>>
      %dma_start3A_113 = arith.constant 0 : i32
      %dma_start3A_114 = tpu.memref_slice %arg8[%add3A_25, %dma_start3A_113] : memref<10240x128xf32, #tpu.memory_space<vmem_shared>> -> memref<128x128xf32, #tpu.memory_space<vmem_shared>>
      %dma_start3A_115 = arith.constant 0 : i32
      %dma_start3A_116 = tpu.memref_slice %arg8[%add3A_25, %dma_start3A_115] : memref<10240x128xf32, #tpu.memory_space<vmem_shared>> -> memref<128x128xf32, #tpu.memory_space<vmem_shared>>
      tpu.enqueue_dma source(%arg6 : memref<128x128xf32, #tpu.memory_space<vmem>>) target(%dma_start3A_116 : memref<128x128xf32, #tpu.memory_space<vmem_shared>>) target_semaphore(%run_scoped3A : memref<!tpu.dma_semaphore, #tpu.memory_space<semaphore_mem>>)
      %dma_wait3A_117 = arith.constant 0 : i32
      %dma_wait3A_118 = tpu.memref_slice %arg8[%add3A_25, %dma_wait3A_117] : memref<10240x128xf32, #tpu.memory_space<vmem_shared>> -> memref<128x128xf32, #tpu.memory_space<vmem_shared>>
      %dma_wait3A_119 = arith.constant 0 : i32
      %dma_wait3A_120 = tpu.memref_slice %arg8[%add3A_25, %dma_wait3A_119] : memref<10240x128xf32, #tpu.memory_space<vmem_shared>> -> memref<128x128xf32, #tpu.memory_space<vmem_shared>>
      tpu.wait_dma2 semaphore(%run_scoped3A : memref<!tpu.dma_semaphore, #tpu.memory_space<semaphore_mem>>) src(%arg6 : memref<128x128xf32, #tpu.memory_space<vmem>>) dst(%dma_wait3A_120 : memref<128x128xf32, #tpu.memory_space<vmem_shared>>)
      tpu.yield
    }) : () -> ()
    %barrier3A = arith.constant 0 : index
    tpu.barrier barrier_id(%barrier3A)
    "tpu.region"() ({
      %run_scoped3A = tpu.sem_alloc : memref<!tpu.dma_semaphore, #tpu.memory_space<semaphore_mem>>
      %dma_start3A_113 = arith.constant 0 : i32
      %dma_start3A_114 = arith.constant 0 : i32
      %dma_start3A_115 = arith.constant 0 : i32
      %dma_start3A_116 = tpu.memref_slice %arg2[%add3A, %dma_start3A_113, %dma_start3A_114, %dma_start3A_115] : memref<32x80x2x128xi32, #tpu.memory_space<hbm>> -> memref<1x80x2x128xi32, #tpu.memory_space<hbm>>
      %dma_start3A_117 = tpu.memref_squeeze %dma_start3A_116 : memref<1x80x2x128xi32, #tpu.memory_space<hbm>> -> memref<80x2x128xi32, #tpu.memory_space<hbm>>
      %dma_start3A_118 = arith.constant 0 : i32
      %dma_start3A_119 = arith.constant 0 : i32
      %dma_start3A_120 = arith.constant 0 : i32
      %dma_start3A_121 = tpu.memref_slice %dma_start3A_117[%dma_start3A_118, %dma_start3A_119, %dma_start3A_120] : memref<80x2x128xi32, #tpu.memory_space<hbm>> -> memref<40x2x128xi32, #tpu.memory_space<hbm>>
      %dma_start3A_122 = arith.constant 0 : i32
      %dma_start3A_123 = arith.constant 0 : i32
      %dma_start3A_124 = arith.constant 0 : i32
      %dma_start3A_125 = tpu.memref_slice %arg2[%add3A, %dma_start3A_122, %dma_start3A_123, %dma_start3A_124] : memref<32x80x2x128xi32, #tpu.memory_space<hbm>> -> memref<1x80x2x128xi32, #tpu.memory_space<hbm>>
      %dma_start3A_126 = tpu.memref_squeeze %dma_start3A_125 : memref<1x80x2x128xi32, #tpu.memory_space<hbm>> -> memref<80x2x128xi32, #tpu.memory_space<hbm>>
      %dma_start3A_127 = arith.constant 0 : i32
      %dma_start3A_128 = arith.constant 0 : i32
      %dma_start3A_129 = arith.constant 0 : i32
      %dma_start3A_130 = tpu.memref_slice %dma_start3A_126[%dma_start3A_127, %dma_start3A_128, %dma_start3A_129] : memref<80x2x128xi32, #tpu.memory_space<hbm>> -> memref<40x2x128xi32, #tpu.memory_space<hbm>>
      tpu.enqueue_dma source(%dma_start3A_130 : memref<40x2x128xi32, #tpu.memory_space<hbm>>) target(%arg5 : memref<40x2x128xi32, #tpu.memory_space<vmem>>) target_semaphore(%run_scoped3A : memref<!tpu.dma_semaphore, #tpu.memory_space<semaphore_mem>>)
      %dma_wait3A_131 = arith.constant 0 : i32
      %dma_wait3A_132 = arith.constant 0 : i32
      %dma_wait3A_133 = arith.constant 0 : i32
      %dma_wait3A_134 = tpu.memref_slice %arg2[%add3A, %dma_wait3A_131, %dma_wait3A_132, %dma_wait3A_133] : memref<32x80x2x128xi32, #tpu.memory_space<hbm>> -> memref<1x80x2x128xi32, #tpu.memory_space<hbm>>
      %dma_wait3A_135 = tpu.memref_squeeze %dma_wait3A_134 : memref<1x80x2x128xi32, #tpu.memory_space<hbm>> -> memref<80x2x128xi32, #tpu.memory_space<hbm>>
      %dma_wait3A_136 = arith.constant 0 : i32
      %dma_wait3A_137 = arith.constant 0 : i32
      %dma_wait3A_138 = arith.constant 0 : i32
      %dma_wait3A_139 = tpu.memref_slice %dma_wait3A_135[%dma_wait3A_136, %dma_wait3A_137, %dma_wait3A_138] : memref<80x2x128xi32, #tpu.memory_space<hbm>> -> memref<40x2x128xi32, #tpu.memory_space<hbm>>
      %dma_wait3A_140 = arith.constant 0 : i32
      %dma_wait3A_141 = arith.constant 0 : i32
      %dma_wait3A_142 = arith.constant 0 : i32
      %dma_wait3A_143 = tpu.memref_slice %arg2[%add3A, %dma_wait3A_140, %dma_wait3A_141, %dma_wait3A_142] : memref<32x80x2x128xi32, #tpu.memory_space<hbm>> -> memref<1x80x2x128xi32, #tpu.memory_space<hbm>>
      %dma_wait3A_144 = tpu.memref_squeeze %dma_wait3A_143 : memref<1x80x2x128xi32, #tpu.memory_space<hbm>> -> memref<80x2x128xi32, #tpu.memory_space<hbm>>
      %dma_wait3A_145 = arith.constant 0 : i32
      %dma_wait3A_146 = arith.constant 0 : i32
      %dma_wait3A_147 = arith.constant 0 : i32
      %dma_wait3A_148 = tpu.memref_slice %dma_wait3A_144[%dma_wait3A_145, %dma_wait3A_146, %dma_wait3A_147] : memref<80x2x128xi32, #tpu.memory_space<hbm>> -> memref<40x2x128xi32, #tpu.memory_space<hbm>>
      tpu.wait_dma2 semaphore(%run_scoped3A : memref<!tpu.dma_semaphore, #tpu.memory_space<semaphore_mem>>) src(%dma_wait3A_148 : memref<40x2x128xi32, #tpu.memory_space<hbm>>) dst(%arg5 : memref<40x2x128xi32, #tpu.memory_space<vmem>>)
      tpu.yield
    }) : () -> ()
    %scan3A_26 = arith.constant 0 : i32
    %scan3A_27 = arith.constant 40 : i32
    %scan3A_28 = arith.addi %scan3A_26, %scan3A_27 : i32
    %scan3A_29 = arith.constant 1 : i32
    scf.for %scan3A_113 = %scan3A_26 to %scan3A_28 step %scan3A_29  : i32 {
      %get3A = arith.constant 0 : i32
      %get3A_114 = arith.index_cast %scan3A_113 : i32 to index
      %get3A_115 = arith.index_cast %get3A : i32 to index
      %get3A_116 = arith.constant 0 : index
      %get3A_117 = tpu.vector_load %arg5[%get3A_114, %get3A_115, %get3A_116] {strides = array<i32>} : memref<40x2x128xi32, #tpu.memory_space<vmem>>, vector<16xi32>,
      %get3A_118 = arith.constant 1 : i32
      %get3A_119 = arith.index_cast %scan3A_113 : i32 to index
      %get3A_120 = arith.index_cast %get3A_118 : i32 to index
      %get3A_121 = arith.constant 0 : index
      %get3A_122 = tpu.vector_load %arg5[%get3A_119, %get3A_120, %get3A_121] {strides = array<i32>} : memref<40x2x128xi32, #tpu.memory_space<vmem>>, vector<16xi32>,
      %eq3A = arith.cmpi eq, %get3A_117, %get3A_122 : vector<16xi32>
      %jit3A = arith.constant 10000 : i32
      %broadcast_in_dim3A_123 = vector.broadcast %jit3A : i32 to vector<16xi32>
      %select_n3A = arith.select %eq3A, %broadcast_in_dim3A_123, %get3A_117 : vector<16xi1>, vector<16xi32>
      %swap3A = arith.constant 0 : i32
      %swap3A_124 = arith.index_cast %scan3A_113 : i32 to index
      %swap3A_125 = arith.index_cast %swap3A : i32 to index
      %swap3A_126 = arith.constant 0 : index
      %swap3A_127 = tpu.vector_load %arg5[%swap3A_124, %swap3A_125, %swap3A_126] {strides = array<i32>} : memref<40x2x128xi32, #tpu.memory_space<vmem>>, vector<16xi32>,
      tpu.vector_store %arg5[%swap3A_124, %swap3A_125, %swap3A_126], %select_n3A {strides = array<i32>} : memref<40x2x128xi32, #tpu.memory_space<vmem>>, vector<16xi32>,
      %get3A_128 = arith.constant 0 : i32
      %get3A_129 = arith.index_cast %scan3A_113 : i32 to index
      %get3A_130 = arith.index_cast %get3A_128 : i32 to index
      %get3A_131 = arith.constant 16 : index
      %get3A_132 = tpu.vector_load %arg5[%get3A_129, %get3A_130, %get3A_131] {strides = array<i32>} : memref<40x2x128xi32, #tpu.memory_space<vmem>>, vector<16xi32>,
      %get3A_133 = arith.constant 1 : i32
      %get3A_134 = arith.index_cast %scan3A_113 : i32 to index
      %get3A_135 = arith.index_cast %get3A_133 : i32 to index
      %get3A_136 = arith.constant 16 : index
      %get3A_137 = tpu.vector_load %arg5[%get3A_134, %get3A_135, %get3A_136] {strides = array<i32>} : memref<40x2x128xi32, #tpu.memory_space<vmem>>, vector<16xi32>,
      %eq3A_138 = arith.cmpi eq, %get3A_132, %get3A_137 : vector<16xi32>
      %jit3A_139 = arith.constant 10000 : i32
      %broadcast_in_dim3A_140 = vector.broadcast %jit3A_139 : i32 to vector<16xi32>
      %select_n3A_141 = arith.select %eq3A_138, %broadcast_in_dim3A_140, %get3A_132 : vector<16xi1>, vector<16xi32>
      %swap3A_142 = arith.constant 0 : i32
      %swap3A_143 = arith.index_cast %scan3A_113 : i32 to index
      %swap3A_144 = arith.index_cast %swap3A_142 : i32 to index
      %swap3A_145 = arith.constant 16 : index
      %swap3A_146 = tpu.vector_load %arg5[%swap3A_143, %swap3A_144, %swap3A_145] {strides = array<i32>} : memref<40x2x128xi32, #tpu.memory_space<vmem>>, vector<16xi32>,
      tpu.vector_store %arg5[%swap3A_143, %swap3A_144, %swap3A_145], %select_n3A_141 {strides = array<i32>} : memref<40x2x128xi32, #tpu.memory_space<vmem>>, vector<16xi32>,
      %get3A_147 = arith.constant 0 : i32
      %get3A_148 = arith.index_cast %scan3A_113 : i32 to index
      %get3A_149 = arith.index_cast %get3A_147 : i32 to index
      %get3A_150 = arith.constant 32 : index
      %get3A_151 = tpu.vector_load %arg5[%get3A_148, %get3A_149, %get3A_150] {strides = array<i32>} : memref<40x2x128xi32, #tpu.memory_space<vmem>>, vector<16xi32>,
      %get3A_152 = arith.constant 1 : i32
      %get3A_153 = arith.index_cast %scan3A_113 : i32 to index
      %get3A_154 = arith.index_cast %get3A_152 : i32 to index
      %get3A_155 = arith.constant 32 : index
      %get3A_156 = tpu.vector_load %arg5[%get3A_153, %get3A_154, %get3A_155] {strides = array<i32>} : memref<40x2x128xi32, #tpu.memory_space<vmem>>, vector<16xi32>,
      %eq3A_157 = arith.cmpi eq, %get3A_151, %get3A_156 : vector<16xi32>
      %jit3A_158 = arith.constant 10000 : i32
      %broadcast_in_dim3A_159 = vector.broadcast %jit3A_158 : i32 to vector<16xi32>
      %select_n3A_160 = arith.select %eq3A_157, %broadcast_in_dim3A_159, %get3A_151 : vector<16xi1>, vector<16xi32>
      %swap3A_161 = arith.constant 0 : i32
      %swap3A_162 = arith.index_cast %scan3A_113 : i32 to index
      %swap3A_163 = arith.index_cast %swap3A_161 : i32 to index
      %swap3A_164 = arith.constant 32 : index
      %swap3A_165 = tpu.vector_load %arg5[%swap3A_162, %swap3A_163, %swap3A_164] {strides = array<i32>} : memref<40x2x128xi32, #tpu.memory_space<vmem>>, vector<16xi32>,
      tpu.vector_store %arg5[%swap3A_162, %swap3A_163, %swap3A_164], %select_n3A_160 {strides = array<i32>} : memref<40x2x128xi32, #tpu.memory_space<vmem>>, vector<16xi32>,
      %get3A_166 = arith.constant 0 : i32
      %get3A_167 = arith.index_cast %scan3A_113 : i32 to index
      %get3A_168 = arith.index_cast %get3A_166 : i32 to index
      %get3A_169 = arith.constant 48 : index
      %get3A_170 = tpu.vector_load %arg5[%get3A_167, %get3A_168, %get3A_169] {strides = array<i32>} : memref<40x2x128xi32, #tpu.memory_space<vmem>>, vector<16xi32>,
      %get3A_171 = arith.constant 1 : i32
      %get3A_172 = arith.index_cast %scan3A_113 : i32 to index
      %get3A_173 = arith.index_cast %get3A_171 : i32 to index
      %get3A_174 = arith.constant 48 : index
      %get3A_175 = tpu.vector_load %arg5[%get3A_172, %get3A_173, %get3A_174] {strides = array<i32>} : memref<40x2x128xi32, #tpu.memory_space<vmem>>, vector<16xi32>,
      %eq3A_176 = arith.cmpi eq, %get3A_170, %get3A_175 : vector<16xi32>
      %jit3A_177 = arith.constant 10000 : i32
      %broadcast_in_dim3A_178 = vector.broadcast %jit3A_177 : i32 to vector<16xi32>
      %select_n3A_179 = arith.select %eq3A_176, %broadcast_in_dim3A_178, %get3A_170 : vector<16xi1>, vector<16xi32>
      %swap3A_180 = arith.constant 0 : i32
      %swap3A_181 = arith.index_cast %scan3A_113 : i32 to index
      %swap3A_182 = arith.index_cast %swap3A_180 : i32 to index
      %swap3A_183 = arith.constant 48 : index
      %swap3A_184 = tpu.vector_load %arg5[%swap3A_181, %swap3A_182, %swap3A_183] {strides = array<i32>} : memref<40x2x128xi32, #tpu.memory_space<vmem>>, vector<16xi32>,
      tpu.vector_store %arg5[%swap3A_181, %swap3A_182, %swap3A_183], %select_n3A_179 {strides = array<i32>} : memref<40x2x128xi32, #tpu.memory_space<vmem>>, vector<16xi32>,
      %get3A_185 = arith.constant 0 : i32
      %get3A_186 = arith.index_cast %scan3A_113 : i32 to index
      %get3A_187 = arith.index_cast %get3A_185 : i32 to index
      %get3A_188 = arith.constant 64 : index
      %get3A_189 = tpu.vector_load %arg5[%get3A_186, %get3A_187, %get3A_188] {strides = array<i32>} : memref<40x2x128xi32, #tpu.memory_space<vmem>>, vector<16xi32>,
      %get3A_190 = arith.constant 1 : i32
      %get3A_191 = arith.index_cast %scan3A_113 : i32 to index
      %get3A_192 = arith.index_cast %get3A_190 : i32 to index
      %get3A_193 = arith.constant 64 : index
      %get3A_194 = tpu.vector_load %arg5[%get3A_191, %get3A_192, %get3A_193] {strides = array<i32>} : memref<40x2x128xi32, #tpu.memory_space<vmem>>, vector<16xi32>,
      %eq3A_195 = arith.cmpi eq, %get3A_189, %get3A_194 : vector<16xi32>
      %jit3A_196 = arith.constant 10000 : i32
      %broadcast_in_dim3A_197 = vector.broadcast %jit3A_196 : i32 to vector<16xi32>
      %select_n3A_198 = arith.select %eq3A_195, %broadcast_in_dim3A_197, %get3A_189 : vector<16xi1>, vector<16xi32>
      %swap3A_199 = arith.constant 0 : i32
      %swap3A_200 = arith.index_cast %scan3A_113 : i32 to index
      %swap3A_201 = arith.index_cast %swap3A_199 : i32 to index
      %swap3A_202 = arith.constant 64 : index
      %swap3A_203 = tpu.vector_load %arg5[%swap3A_200, %swap3A_201, %swap3A_202] {strides = array<i32>} : memref<40x2x128xi32, #tpu.memory_space<vmem>>, vector<16xi32>,
      tpu.vector_store %arg5[%swap3A_200, %swap3A_201, %swap3A_202], %select_n3A_198 {strides = array<i32>} : memref<40x2x128xi32, #tpu.memory_space<vmem>>, vector<16xi32>,
      %get3A_204 = arith.constant 0 : i32
      %get3A_205 = arith.index_cast %scan3A_113 : i32 to index
      %get3A_206 = arith.index_cast %get3A_204 : i32 to index
      %get3A_207 = arith.constant 80 : index
      %get3A_208 = tpu.vector_load %arg5[%get3A_205, %get3A_206, %get3A_207] {strides = array<i32>} : memref<40x2x128xi32, #tpu.memory_space<vmem>>, vector<16xi32>,
      %get3A_209 = arith.constant 1 : i32
      %get3A_210 = arith.index_cast %scan3A_113 : i32 to index
      %get3A_211 = arith.index_cast %get3A_209 : i32 to index
      %get3A_212 = arith.constant 80 : index
      %get3A_213 = tpu.vector_load %arg5[%get3A_210, %get3A_211, %get3A_212] {strides = array<i32>} : memref<40x2x128xi32, #tpu.memory_space<vmem>>, vector<16xi32>,
      %eq3A_214 = arith.cmpi eq, %get3A_208, %get3A_213 : vector<16xi32>
      %jit3A_215 = arith.constant 10000 : i32
      %broadcast_in_dim3A_216 = vector.broadcast %jit3A_215 : i32 to vector<16xi32>
      %select_n3A_217 = arith.select %eq3A_214, %broadcast_in_dim3A_216, %get3A_208 : vector<16xi1>, vector<16xi32>
      %swap3A_218 = arith.constant 0 : i32
      %swap3A_219 = arith.index_cast %scan3A_113 : i32 to index
      %swap3A_220 = arith.index_cast %swap3A_218 : i32 to index
      %swap3A_221 = arith.constant 80 : index
      %swap3A_222 = tpu.vector_load %arg5[%swap3A_219, %swap3A_220, %swap3A_221] {strides = array<i32>} : memref<40x2x128xi32, #tpu.memory_space<vmem>>, vector<16xi32>,
      tpu.vector_store %arg5[%swap3A_219, %swap3A_220, %swap3A_221], %select_n3A_217 {strides = array<i32>} : memref<40x2x128xi32, #tpu.memory_space<vmem>>, vector<16xi32>,
      %get3A_223 = arith.constant 0 : i32
      %get3A_224 = arith.index_cast %scan3A_113 : i32 to index
      %get3A_225 = arith.index_cast %get3A_223 : i32 to index
      %get3A_226 = arith.constant 96 : index
      %get3A_227 = tpu.vector_load %arg5[%get3A_224, %get3A_225, %get3A_226] {strides = array<i32>} : memref<40x2x128xi32, #tpu.memory_space<vmem>>, vector<16xi32>,
      %get3A_228 = arith.constant 1 : i32
      %get3A_229 = arith.index_cast %scan3A_113 : i32 to index
      %get3A_230 = arith.index_cast %get3A_228 : i32 to index
      %get3A_231 = arith.constant 96 : index
      %get3A_232 = tpu.vector_load %arg5[%get3A_229, %get3A_230, %get3A_231] {strides = array<i32>} : memref<40x2x128xi32, #tpu.memory_space<vmem>>, vector<16xi32>,
      %eq3A_233 = arith.cmpi eq, %get3A_227, %get3A_232 : vector<16xi32>
      %jit3A_234 = arith.constant 10000 : i32
      %broadcast_in_dim3A_235 = vector.broadcast %jit3A_234 : i32 to vector<16xi32>
      %select_n3A_236 = arith.select %eq3A_233, %broadcast_in_dim3A_235, %get3A_227 : vector<16xi1>, vector<16xi32>
      %swap3A_237 = arith.constant 0 : i32
      %swap3A_238 = arith.index_cast %scan3A_113 : i32 to index
      %swap3A_239 = arith.index_cast %swap3A_237 : i32 to index
      %swap3A_240 = arith.constant 96 : index
      %swap3A_241 = tpu.vector_load %arg5[%swap3A_238, %swap3A_239, %swap3A_240] {strides = array<i32>} : memref<40x2x128xi32, #tpu.memory_space<vmem>>, vector<16xi32>,
      tpu.vector_store %arg5[%swap3A_238, %swap3A_239, %swap3A_240], %select_n3A_236 {strides = array<i32>} : memref<40x2x128xi32, #tpu.memory_space<vmem>>, vector<16xi32>,
      %get3A_242 = arith.constant 0 : i32
      %get3A_243 = arith.index_cast %scan3A_113 : i32 to index
      %get3A_244 = arith.index_cast %get3A_242 : i32 to index
      %get3A_245 = arith.constant 112 : index
      %get3A_246 = tpu.vector_load %arg5[%get3A_243, %get3A_244, %get3A_245] {strides = array<i32>} : memref<40x2x128xi32, #tpu.memory_space<vmem>>, vector<16xi32>,
      %get3A_247 = arith.constant 1 : i32
      %get3A_248 = arith.index_cast %scan3A_113 : i32 to index
      %get3A_249 = arith.index_cast %get3A_247 : i32 to index
      %get3A_250 = arith.constant 112 : index
      %get3A_251 = tpu.vector_load %arg5[%get3A_248, %get3A_249, %get3A_250] {strides = array<i32>} : memref<40x2x128xi32, #tpu.memory_space<vmem>>, vector<16xi32>,
      %eq3A_252 = arith.cmpi eq, %get3A_246, %get3A_251 : vector<16xi32>
      %jit3A_253 = arith.constant 10000 : i32
      %broadcast_in_dim3A_254 = vector.broadcast %jit3A_253 : i32 to vector<16xi32>
      %select_n3A_255 = arith.select %eq3A_252, %broadcast_in_dim3A_254, %get3A_246 : vector<16xi1>, vector<16xi32>
      %swap3A_256 = arith.constant 0 : i32
      %swap3A_257 = arith.index_cast %scan3A_113 : i32 to index
      %swap3A_258 = arith.index_cast %swap3A_256 : i32 to index
      %swap3A_259 = arith.constant 112 : index
      %swap3A_260 = tpu.vector_load %arg5[%swap3A_257, %swap3A_258, %swap3A_259] {strides = array<i32>} : memref<40x2x128xi32, #tpu.memory_space<vmem>>, vector<16xi32>,
      tpu.vector_store %arg5[%swap3A_257, %swap3A_258, %swap3A_259], %select_n3A_255 {strides = array<i32>} : memref<40x2x128xi32, #tpu.memory_space<vmem>>, vector<16xi32>,
    }
    %scan3A_30 = arith.constant 40 : i32
    %dma_start3A = arith.constant 0 : i32
    %dma_start3A_31 = arith.constant 0 : i32
    %dma_start3A_32 = arith.constant 0 : i32
    %dma_start3A_33 = tpu.memref_slice %arg5[%dma_start3A, %dma_start3A_31, %dma_start3A_32] : memref<40x2x128xi32, #tpu.memory_space<vmem>> -> memref<1x1x128xi32, #tpu.memory_space<vmem>>
    %dma_start3A_34 = tpu.memref_squeeze %dma_start3A_33 : memref<1x1x128xi32, #tpu.memory_space<vmem>> -> memref<128xi32, #tpu.memory_space<vmem>>
    %dma_start3A_35 = arith.constant 0 : i32
    %dma_start3A_36 = arith.constant 0 : i32
    %dma_start3A_37 = tpu.memref_slice %arg3[%dma_start3A_35, %dma_start3A_36] : memref<10240x128xf32, #tpu.memory_space<hbm>> -> memref<10240x128xf32, #tpu.memory_space<hbm>>
    tpu.enqueue_indirect_dma source(%dma_start3A_37 : memref<10240x128xf32, #tpu.memory_space<hbm>>) target(%arg6 : memref<128x128xf32, #tpu.memory_space<vmem>>) offsets(%dma_start3A_34 : memref<128xi32, #tpu.memory_space<vmem>>) semaphore(%arg9 : memref<!tpu.dma_semaphore, #tpu.memory_space<semaphore_mem>>)
    %dma_start3A_38 = arith.constant 1 : i32
    %dma_start3A_39 = arith.constant 0 : i32
    %dma_start3A_40 = arith.constant 0 : i32
    %dma_start3A_41 = tpu.memref_slice %arg5[%dma_start3A_38, %dma_start3A_39, %dma_start3A_40] : memref<40x2x128xi32, #tpu.memory_space<vmem>> -> memref<1x1x128xi32, #tpu.memory_space<vmem>>
    %dma_start3A_42 = tpu.memref_squeeze %dma_start3A_41 : memref<1x1x128xi32, #tpu.memory_space<vmem>> -> memref<128xi32, #tpu.memory_space<vmem>>
    %dma_start3A_43 = arith.constant 0 : i32
    %dma_start3A_44 = arith.constant 0 : i32
    %dma_start3A_45 = tpu.memref_slice %arg3[%dma_start3A_43, %dma_start3A_44] : memref<10240x128xf32, #tpu.memory_space<hbm>> -> memref<10240x128xf32, #tpu.memory_space<hbm>>
    tpu.enqueue_indirect_dma source(%dma_start3A_45 : memref<10240x128xf32, #tpu.memory_space<hbm>>) target(%arg7 : memref<128x128xf32, #tpu.memory_space<vmem>>) offsets(%dma_start3A_42 : memref<128xi32, #tpu.memory_space<vmem>>) semaphore(%arg10 : memref<!tpu.dma_semaphore, #tpu.memory_space<semaphore_mem>>)
    %scan3A_46 = arith.constant 0 : i32
    %scan3A_47 = arith.constant 20 : i32
    %scan3A_48 = arith.addi %scan3A_46, %scan3A_47 : i32
    %scan3A_49 = arith.constant 1 : i32
    scf.for %scan3A_113 = %scan3A_46 to %scan3A_48 step %scan3A_49  : i32 {
      %mul3A_114 = arith.constant 2 : i32
      %mul3A_115 = arith.muli %mul3A_114, %scan3A_113 : i32
      %add3A_116 = arith.constant 1 : i32
      %add3A_117 = arith.addi %mul3A_115, %add3A_116 : i32
      %dma_wait3A_118 = arith.constant 0 : i32
      %dma_wait3A_119 = arith.constant 0 : i32
      %dma_wait3A_120 = tpu.memref_slice %arg5[%mul3A_115, %dma_wait3A_118, %dma_wait3A_119] : memref<40x2x128xi32, #tpu.memory_space<vmem>> -> memref<1x1x128xi32, #tpu.memory_space<vmem>>
      %dma_wait3A_121 = tpu.memref_squeeze %dma_wait3A_120 : memref<1x1x128xi32, #tpu.memory_space<vmem>> -> memref<128xi32, #tpu.memory_space<vmem>>
      %dma_wait3A_122 = arith.constant 0 : i32
      %dma_wait3A_123 = arith.constant 0 : i32
      %dma_wait3A_124 = tpu.memref_slice %arg3[%dma_wait3A_122, %dma_wait3A_123] : memref<10240x128xf32, #tpu.memory_space<hbm>> -> memref<10240x128xf32, #tpu.memory_space<hbm>>
      tpu.wait_indirect_dma semaphore(%arg9 : memref<!tpu.dma_semaphore, #tpu.memory_space<semaphore_mem>>) src(%dma_wait3A_124 : memref<10240x128xf32, #tpu.memory_space<hbm>>) dst(%arg6 : memref<128x128xf32, #tpu.memory_space<vmem>>)
      %dma_start3A_125 = arith.constant 1 : i32
      %dma_start3A_126 = arith.constant 0 : i32
      %dma_start3A_127 = tpu.memref_slice %arg5[%mul3A_115, %dma_start3A_125, %dma_start3A_126] : memref<40x2x128xi32, #tpu.memory_space<vmem>> -> memref<1x1x128xi32, #tpu.memory_space<vmem>>
      %dma_start3A_128 = tpu.memref_squeeze %dma_start3A_127 : memref<1x1x128xi32, #tpu.memory_space<vmem>> -> memref<128xi32, #tpu.memory_space<vmem>>
      %dma_start3A_129 = arith.constant 0 : i32
      %dma_start3A_130 = arith.constant 0 : i32
      %dma_start3A_131 = tpu.memref_slice %arg8[%dma_start3A_129, %dma_start3A_130] : memref<10240x128xf32, #tpu.memory_space<vmem_shared>> -> memref<10240x128xf32, #tpu.memory_space<vmem_shared>>
      tpu.enqueue_indirect_dma source(%arg6 : memref<128x128xf32, #tpu.memory_space<vmem>>) target(%dma_start3A_131 : memref<10240x128xf32, #tpu.memory_space<vmem_shared>>) offsets(%dma_start3A_128 : memref<128xi32, #tpu.memory_space<vmem>>) semaphore(%arg11 : memref<!tpu.dma_semaphore, #tpu.memory_space<semaphore_mem>>) {add = true}
      %dma_wait3A_132 = arith.constant 0 : i32
      %dma_wait3A_133 = arith.constant 0 : i32
      %dma_wait3A_134 = tpu.memref_slice %arg5[%add3A_117, %dma_wait3A_132, %dma_wait3A_133] : memref<40x2x128xi32, #tpu.memory_space<vmem>> -> memref<1x1x128xi32, #tpu.memory_space<vmem>>
      %dma_wait3A_135 = tpu.memref_squeeze %dma_wait3A_134 : memref<1x1x128xi32, #tpu.memory_space<vmem>> -> memref<128xi32, #tpu.memory_space<vmem>>
      %dma_wait3A_136 = arith.constant 0 : i32
      %dma_wait3A_137 = arith.constant 0 : i32
      %dma_wait3A_138 = tpu.memref_slice %arg3[%dma_wait3A_136, %dma_wait3A_137] : memref<10240x128xf32, #tpu.memory_space<hbm>> -> memref<10240x128xf32, #tpu.memory_space<hbm>>
      tpu.wait_indirect_dma semaphore(%arg10 : memref<!tpu.dma_semaphore, #tpu.memory_space<semaphore_mem>>) src(%dma_wait3A_138 : memref<10240x128xf32, #tpu.memory_space<hbm>>) dst(%arg7 : memref<128x128xf32, #tpu.memory_space<vmem>>)
      %dma_start3A_139 = arith.constant 1 : i32
      %dma_start3A_140 = arith.constant 0 : i32
      %dma_start3A_141 = tpu.memref_slice %arg5[%add3A_117, %dma_start3A_139, %dma_start3A_140] : memref<40x2x128xi32, #tpu.memory_space<vmem>> -> memref<1x1x128xi32, #tpu.memory_space<vmem>>
      %dma_start3A_142 = tpu.memref_squeeze %dma_start3A_141 : memref<1x1x128xi32, #tpu.memory_space<vmem>> -> memref<128xi32, #tpu.memory_space<vmem>>
      %dma_start3A_143 = arith.constant 0 : i32
      %dma_start3A_144 = arith.constant 0 : i32
      %dma_start3A_145 = tpu.memref_slice %arg8[%dma_start3A_143, %dma_start3A_144] : memref<10240x128xf32, #tpu.memory_space<vmem_shared>> -> memref<10240x128xf32, #tpu.memory_space<vmem_shared>>
      tpu.enqueue_indirect_dma source(%arg7 : memref<128x128xf32, #tpu.memory_space<vmem>>) target(%dma_start3A_145 : memref<10240x128xf32, #tpu.memory_space<vmem_shared>>) offsets(%dma_start3A_142 : memref<128xi32, #tpu.memory_space<vmem>>) semaphore(%arg12 : memref<!tpu.dma_semaphore, #tpu.memory_space<semaphore_mem>>) {add = true}
      %lt3A = arith.constant 19 : i32
      %lt3A_146 = arith.cmpi slt, %scan3A_113, %lt3A : i32
      %convert_element_type3A = arith.extui %lt3A_146 : i1 to i32
      %cond3A = arith.constant 0 : i32
      %cond3A_147 = arith.cmpi ne, %convert_element_type3A, %cond3A : i32
      scf.if %cond3A_147 {
        %dma_wait3A_148 = arith.constant 1 : i32
        %dma_wait3A_149 = arith.constant 0 : i32
        %dma_wait3A_150 = tpu.memref_slice %arg5[%mul3A_115, %dma_wait3A_148, %dma_wait3A_149] : memref<40x2x128xi32, #tpu.memory_space<vmem>> -> memref<1x1x128xi32, #tpu.memory_space<vmem>>
        %dma_wait3A_151 = tpu.memref_squeeze %dma_wait3A_150 : memref<1x1x128xi32, #tpu.memory_space<vmem>> -> memref<128xi32, #tpu.memory_space<vmem>>
        %dma_wait3A_152 = arith.constant 0 : i32
        %dma_wait3A_153 = arith.constant 0 : i32
        %dma_wait3A_154 = tpu.memref_slice %arg8[%dma_wait3A_152, %dma_wait3A_153] : memref<10240x128xf32, #tpu.memory_space<vmem_shared>> -> memref<10240x128xf32, #tpu.memory_space<vmem_shared>>
        tpu.wait_indirect_dma semaphore(%arg11 : memref<!tpu.dma_semaphore, #tpu.memory_space<semaphore_mem>>) src(%arg6 : memref<128x128xf32, #tpu.memory_space<vmem>>) dst(%dma_wait3A_154 : memref<10240x128xf32, #tpu.memory_space<vmem_shared>>)
        %add3A_155 = arith.constant 2 : i32
        %add3A_156 = arith.addi %mul3A_115, %add3A_155 : i32
        %dma_start3A_157 = arith.constant 0 : i32
        %dma_start3A_158 = arith.constant 0 : i32
        %dma_start3A_159 = tpu.memref_slice %arg5[%add3A_156, %dma_start3A_157, %dma_start3A_158] : memref<40x2x128xi32, #tpu.memory_space<vmem>> -> memref<1x1x128xi32, #tpu.memory_space<vmem>>
        %dma_start3A_160 = tpu.memref_squeeze %dma_start3A_159 : memref<1x1x128xi32, #tpu.memory_space<vmem>> -> memref<128xi32, #tpu.memory_space<vmem>>
        %dma_start3A_161 = arith.constant 0 : i32
        %dma_start3A_162 = arith.constant 0 : i32
        %dma_start3A_163 = tpu.memref_slice %arg3[%dma_start3A_161, %dma_start3A_162] : memref<10240x128xf32, #tpu.memory_space<hbm>> -> memref<10240x128xf32, #tpu.memory_space<hbm>>
        tpu.enqueue_indirect_dma source(%dma_start3A_163 : memref<10240x128xf32, #tpu.memory_space<hbm>>) target(%arg6 : memref<128x128xf32, #tpu.memory_space<vmem>>) offsets(%dma_start3A_160 : memref<128xi32, #tpu.memory_space<vmem>>) semaphore(%arg9 : memref<!tpu.dma_semaphore, #tpu.memory_space<semaphore_mem>>)
        %dma_wait3A_164 = arith.constant 1 : i32
        %dma_wait3A_165 = arith.constant 0 : i32
        %dma_wait3A_166 = tpu.memref_slice %arg5[%add3A_117, %dma_wait3A_164, %dma_wait3A_165] : memref<40x2x128xi32, #tpu.memory_space<vmem>> -> memref<1x1x128xi32, #tpu.memory_space<vmem>>
        %dma_wait3A_167 = tpu.memref_squeeze %dma_wait3A_166 : memref<1x1x128xi32, #tpu.memory_space<vmem>> -> memref<128xi32, #tpu.memory_space<vmem>>
        %dma_wait3A_168 = arith.constant 0 : i32
        %dma_wait3A_169 = arith.constant 0 : i32
        %dma_wait3A_170 = tpu.memref_slice %arg8[%dma_wait3A_168, %dma_wait3A_169] : memref<10240x128xf32, #tpu.memory_space<vmem_shared>> -> memref<10240x128xf32, #tpu.memory_space<vmem_shared>>
        tpu.wait_indirect_dma semaphore(%arg12 : memref<!tpu.dma_semaphore, #tpu.memory_space<semaphore_mem>>) src(%arg7 : memref<128x128xf32, #tpu.memory_space<vmem>>) dst(%dma_wait3A_170 : memref<10240x128xf32, #tpu.memory_space<vmem_shared>>)
        %add3A_171 = arith.constant 2 : i32
        %add3A_172 = arith.addi %add3A_117, %add3A_171 : i32
        %dma_start3A_173 = arith.constant 0 : i32
        %dma_start3A_174 = arith.constant 0 : i32
        %dma_start3A_175 = tpu.memref_slice %arg5[%add3A_172, %dma_start3A_173, %dma_start3A_174] : memref<40x2x128xi32, #tpu.memory_space<vmem>> -> memref<1x1x128xi32, #tpu.memory_space<vmem>>
        %dma_start3A_176 = tpu.memref_squeeze %dma_start3A_175 : memref<1x1x128xi32, #tpu.memory_space<vmem>> -> memref<128xi32, #tpu.memory_space<vmem>>
        %dma_start3A_177 = arith.constant 0 : i32
        %dma_start3A_178 = arith.constant 0 : i32
        %dma_start3A_179 = tpu.memref_slice %arg3[%dma_start3A_177, %dma_start3A_178] : memref<10240x128xf32, #tpu.memory_space<hbm>> -> memref<10240x128xf32, #tpu.memory_space<hbm>>
        tpu.enqueue_indirect_dma source(%dma_start3A_179 : memref<10240x128xf32, #tpu.memory_space<hbm>>) target(%arg7 : memref<128x128xf32, #tpu.memory_space<vmem>>) offsets(%dma_start3A_176 : memref<128xi32, #tpu.memory_space<vmem>>) semaphore(%arg10 : memref<!tpu.dma_semaphore, #tpu.memory_space<semaphore_mem>>)
      } else {
      }
    }
    %scan3A_50 = arith.constant 20 : i32
    %dma_wait3A = arith.constant 38 : i32
    %dma_wait3A_51 = arith.constant 1 : i32
    %dma_wait3A_52 = arith.constant 0 : i32
    %dma_wait3A_53 = tpu.memref_slice %arg5[%dma_wait3A, %dma_wait3A_51, %dma_wait3A_52] : memref<40x2x128xi32, #tpu.memory_space<vmem>> -> memref<1x1x128xi32, #tpu.memory_space<vmem>>
    %dma_wait3A_54 = tpu.memref_squeeze %dma_wait3A_53 : memref<1x1x128xi32, #tpu.memory_space<vmem>> -> memref<128xi32, #tpu.memory_space<vmem>>
    %dma_wait3A_55 = arith.constant 0 : i32
    %dma_wait3A_56 = arith.constant 0 : i32
    %dma_wait3A_57 = tpu.memref_slice %arg8[%dma_wait3A_55, %dma_wait3A_56] : memref<10240x128xf32, #tpu.memory_space<vmem_shared>> -> memref<10240x128xf32, #tpu.memory_space<vmem_shared>>
    tpu.wait_indirect_dma semaphore(%arg11 : memref<!tpu.dma_semaphore, #tpu.memory_space<semaphore_mem>>) src(%arg6 : memref<128x128xf32, #tpu.memory_space<vmem>>) dst(%dma_wait3A_57 : memref<10240x128xf32, #tpu.memory_space<vmem_shared>>)
    %dma_wait3A_58 = arith.constant 39 : i32
    %dma_wait3A_59 = arith.constant 1 : i32
    %dma_wait3A_60 = arith.constant 0 : i32
    %dma_wait3A_61 = tpu.memref_slice %arg5[%dma_wait3A_58, %dma_wait3A_59, %dma_wait3A_60] : memref<40x2x128xi32, #tpu.memory_space<vmem>> -> memref<1x1x128xi32, #tpu.memory_space<vmem>>
    %dma_wait3A_62 = tpu.memref_squeeze %dma_wait3A_61 : memref<1x1x128xi32, #tpu.memory_space<vmem>> -> memref<128xi32, #tpu.memory_space<vmem>>
    %dma_wait3A_63 = arith.constant 0 : i32
    %dma_wait3A_64 = arith.constant 0 : i32
    %dma_wait3A_65 = tpu.memref_slice %arg8[%dma_wait3A_63, %dma_wait3A_64] : memref<10240x128xf32, #tpu.memory_space<vmem_shared>> -> memref<10240x128xf32, #tpu.memory_space<vmem_shared>>
    tpu.wait_indirect_dma semaphore(%arg12 : memref<!tpu.dma_semaphore, #tpu.memory_space<semaphore_mem>>) src(%arg7 : memref<128x128xf32, #tpu.memory_space<vmem>>) dst(%dma_wait3A_65 : memref<10240x128xf32, #tpu.memory_space<vmem_shared>>)
    "tpu.region"() ({
      %run_scoped3A = tpu.sem_alloc : memref<!tpu.dma_semaphore, #tpu.memory_space<semaphore_mem>>
      %dma_start3A_113 = arith.constant 0 : i32
      %dma_start3A_114 = arith.constant 0 : i32
      %dma_start3A_115 = arith.constant 0 : i32
      %dma_start3A_116 = tpu.memref_slice %arg2[%add3A, %dma_start3A_113, %dma_start3A_114, %dma_start3A_115] : memref<32x80x2x128xi32, #tpu.memory_space<hbm>> -> memref<1x80x2x128xi32, #tpu.memory_space<hbm>>
      %dma_start3A_117 = tpu.memref_squeeze %dma_start3A_116 : memref<1x80x2x128xi32, #tpu.memory_space<hbm>> -> memref<80x2x128xi32, #tpu.memory_space<hbm>>
      %dma_start3A_118 = arith.constant 40 : i32
      %dma_start3A_119 = arith.constant 0 : i32
      %dma_start3A_120 = arith.constant 0 : i32
      %dma_start3A_121 = tpu.memref_slice %dma_start3A_117[%dma_start3A_118, %dma_start3A_119, %dma_start3A_120] : memref<80x2x128xi32, #tpu.memory_space<hbm>> -> memref<40x2x128xi32, #tpu.memory_space<hbm>>
      %dma_start3A_122 = arith.constant 0 : i32
      %dma_start3A_123 = arith.constant 0 : i32
      %dma_start3A_124 = arith.constant 0 : i32
      %dma_start3A_125 = tpu.memref_slice %arg2[%add3A, %dma_start3A_122, %dma_start3A_123, %dma_start3A_124] : memref<32x80x2x128xi32, #tpu.memory_space<hbm>> -> memref<1x80x2x128xi32, #tpu.memory_space<hbm>>
      %dma_start3A_126 = tpu.memref_squeeze %dma_start3A_125 : memref<1x80x2x128xi32, #tpu.memory_space<hbm>> -> memref<80x2x128xi32, #tpu.memory_space<hbm>>
      %dma_start3A_127 = arith.constant 40 : i32
      %dma_start3A_128 = arith.constant 0 : i32
      %dma_start3A_129 = arith.constant 0 : i32
      %dma_start3A_130 = tpu.memref_slice %dma_start3A_126[%dma_start3A_127, %dma_start3A_128, %dma_start3A_129] : memref<80x2x128xi32, #tpu.memory_space<hbm>> -> memref<40x2x128xi32, #tpu.memory_space<hbm>>
      tpu.enqueue_dma source(%dma_start3A_130 : memref<40x2x128xi32, #tpu.memory_space<hbm>>) target(%arg5 : memref<40x2x128xi32, #tpu.memory_space<vmem>>) target_semaphore(%run_scoped3A : memref<!tpu.dma_semaphore, #tpu.memory_space<semaphore_mem>>)
      %dma_wait3A_131 = arith.constant 0 : i32
      %dma_wait3A_132 = arith.constant 0 : i32
      %dma_wait3A_133 = arith.constant 0 : i32
      %dma_wait3A_134 = tpu.memref_slice %arg2[%add3A, %dma_wait3A_131, %dma_wait3A_132, %dma_wait3A_133] : memref<32x80x2x128xi32, #tpu.memory_space<hbm>> -> memref<1x80x2x128xi32, #tpu.memory_space<hbm>>
      %dma_wait3A_135 = tpu.memref_squeeze %dma_wait3A_134 : memref<1x80x2x128xi32, #tpu.memory_space<hbm>> -> memref<80x2x128xi32, #tpu.memory_space<hbm>>
      %dma_wait3A_136 = arith.constant 40 : i32
      %dma_wait3A_137 = arith.constant 0 : i32
      %dma_wait3A_138 = arith.constant 0 : i32
      %dma_wait3A_139 = tpu.memref_slice %dma_wait3A_135[%dma_wait3A_136, %dma_wait3A_137, %dma_wait3A_138] : memref<80x2x128xi32, #tpu.memory_space<hbm>> -> memref<40x2x128xi32, #tpu.memory_space<hbm>>
      %dma_wait3A_140 = arith.constant 0 : i32
      %dma_wait3A_141 = arith.constant 0 : i32
      %dma_wait3A_142 = arith.constant 0 : i32
      %dma_wait3A_143 = tpu.memref_slice %arg2[%add3A, %dma_wait3A_140, %dma_wait3A_141, %dma_wait3A_142] : memref<32x80x2x128xi32, #tpu.memory_space<hbm>> -> memref<1x80x2x128xi32, #tpu.memory_space<hbm>>
      %dma_wait3A_144 = tpu.memref_squeeze %dma_wait3A_143 : memref<1x80x2x128xi32, #tpu.memory_space<hbm>> -> memref<80x2x128xi32, #tpu.memory_space<hbm>>
      %dma_wait3A_145 = arith.constant 40 : i32
      %dma_wait3A_146 = arith.constant 0 : i32
      %dma_wait3A_147 = arith.constant 0 : i32
      %dma_wait3A_148 = tpu.memref_slice %dma_wait3A_144[%dma_wait3A_145, %dma_wait3A_146, %dma_wait3A_147] : memref<80x2x128xi32, #tpu.memory_space<hbm>> -> memref<40x2x128xi32, #tpu.memory_space<hbm>>
      tpu.wait_dma2 semaphore(%run_scoped3A : memref<!tpu.dma_semaphore, #tpu.memory_space<semaphore_mem>>) src(%dma_wait3A_148 : memref<40x2x128xi32, #tpu.memory_space<hbm>>) dst(%arg5 : memref<40x2x128xi32, #tpu.memory_space<vmem>>)
      tpu.yield
    }) : () -> ()
    %scan3A_66 = arith.constant 0 : i32
    %scan3A_67 = arith.constant 40 : i32
    %scan3A_68 = arith.addi %scan3A_66, %scan3A_67 : i32
    %scan3A_69 = arith.constant 1 : i32
    scf.for %scan3A_113 = %scan3A_66 to %scan3A_68 step %scan3A_69  : i32 {
      %get3A = arith.constant 0 : i32
      %get3A_114 = arith.index_cast %scan3A_113 : i32 to index
      %get3A_115 = arith.index_cast %get3A : i32 to index
      %get3A_116 = arith.constant 0 : index
      %get3A_117 = tpu.vector_load %arg5[%get3A_114, %get3A_115, %get3A_116] {strides = array<i32>} : memref<40x2x128xi32, #tpu.memory_space<vmem>>, vector<16xi32>,
      %get3A_118 = arith.constant 1 : i32
      %get3A_119 = arith.index_cast %scan3A_113 : i32 to index
      %get3A_120 = arith.index_cast %get3A_118 : i32 to index
      %get3A_121 = arith.constant 0 : index
      %get3A_122 = tpu.vector_load %arg5[%get3A_119, %get3A_120, %get3A_121] {strides = array<i32>} : memref<40x2x128xi32, #tpu.memory_space<vmem>>, vector<16xi32>,
      %eq3A = arith.cmpi eq, %get3A_117, %get3A_122 : vector<16xi32>
      %jit3A = arith.constant 10000 : i32
      %broadcast_in_dim3A_123 = vector.broadcast %jit3A : i32 to vector<16xi32>
      %select_n3A = arith.select %eq3A, %broadcast_in_dim3A_123, %get3A_117 : vector<16xi1>, vector<16xi32>
      %swap3A = arith.constant 0 : i32
      %swap3A_124 = arith.index_cast %scan3A_113 : i32 to index
      %swap3A_125 = arith.index_cast %swap3A : i32 to index
      %swap3A_126 = arith.constant 0 : index
      %swap3A_127 = tpu.vector_load %arg5[%swap3A_124, %swap3A_125, %swap3A_126] {strides = array<i32>} : memref<40x2x128xi32, #tpu.memory_space<vmem>>, vector<16xi32>,
      tpu.vector_store %arg5[%swap3A_124, %swap3A_125, %swap3A_126], %select_n3A {strides = array<i32>} : memref<40x2x128xi32, #tpu.memory_space<vmem>>, vector<16xi32>,
      %get3A_128 = arith.constant 0 : i32
      %get3A_129 = arith.index_cast %scan3A_113 : i32 to index
      %get3A_130 = arith.index_cast %get3A_128 : i32 to index
      %get3A_131 = arith.constant 16 : index
      %get3A_132 = tpu.vector_load %arg5[%get3A_129, %get3A_130, %get3A_131] {strides = array<i32>} : memref<40x2x128xi32, #tpu.memory_space<vmem>>, vector<16xi32>,
      %get3A_133 = arith.constant 1 : i32
      %get3A_134 = arith.index_cast %scan3A_113 : i32 to index
      %get3A_135 = arith.index_cast %get3A_133 : i32 to index
      %get3A_136 = arith.constant 16 : index
      %get3A_137 = tpu.vector_load %arg5[%get3A_134, %get3A_135, %get3A_136] {strides = array<i32>} : memref<40x2x128xi32, #tpu.memory_space<vmem>>, vector<16xi32>,
      %eq3A_138 = arith.cmpi eq, %get3A_132, %get3A_137 : vector<16xi32>
      %jit3A_139 = arith.constant 10000 : i32
      %broadcast_in_dim3A_140 = vector.broadcast %jit3A_139 : i32 to vector<16xi32>
      %select_n3A_141 = arith.select %eq3A_138, %broadcast_in_dim3A_140, %get3A_132 : vector<16xi1>, vector<16xi32>
      %swap3A_142 = arith.constant 0 : i32
      %swap3A_143 = arith.index_cast %scan3A_113 : i32 to index
      %swap3A_144 = arith.index_cast %swap3A_142 : i32 to index
      %swap3A_145 = arith.constant 16 : index
      %swap3A_146 = tpu.vector_load %arg5[%swap3A_143, %swap3A_144, %swap3A_145] {strides = array<i32>} : memref<40x2x128xi32, #tpu.memory_space<vmem>>, vector<16xi32>,
      tpu.vector_store %arg5[%swap3A_143, %swap3A_144, %swap3A_145], %select_n3A_141 {strides = array<i32>} : memref<40x2x128xi32, #tpu.memory_space<vmem>>, vector<16xi32>,
      %get3A_147 = arith.constant 0 : i32
      %get3A_148 = arith.index_cast %scan3A_113 : i32 to index
      %get3A_149 = arith.index_cast %get3A_147 : i32 to index
      %get3A_150 = arith.constant 32 : index
      %get3A_151 = tpu.vector_load %arg5[%get3A_148, %get3A_149, %get3A_150] {strides = array<i32>} : memref<40x2x128xi32, #tpu.memory_space<vmem>>, vector<16xi32>,
      %get3A_152 = arith.constant 1 : i32
      %get3A_153 = arith.index_cast %scan3A_113 : i32 to index
      %get3A_154 = arith.index_cast %get3A_152 : i32 to index
      %get3A_155 = arith.constant 32 : index
      %get3A_156 = tpu.vector_load %arg5[%get3A_153, %get3A_154, %get3A_155] {strides = array<i32>} : memref<40x2x128xi32, #tpu.memory_space<vmem>>, vector<16xi32>,
      %eq3A_157 = arith.cmpi eq, %get3A_151, %get3A_156 : vector<16xi32>
      %jit3A_158 = arith.constant 10000 : i32
      %broadcast_in_dim3A_159 = vector.broadcast %jit3A_158 : i32 to vector<16xi32>
      %select_n3A_160 = arith.select %eq3A_157, %broadcast_in_dim3A_159, %get3A_151 : vector<16xi1>, vector<16xi32>
      %swap3A_161 = arith.constant 0 : i32
      %swap3A_162 = arith.index_cast %scan3A_113 : i32 to index
      %swap3A_163 = arith.index_cast %swap3A_161 : i32 to index
      %swap3A_164 = arith.constant 32 : index
      %swap3A_165 = tpu.vector_load %arg5[%swap3A_162, %swap3A_163, %swap3A_164] {strides = array<i32>} : memref<40x2x128xi32, #tpu.memory_space<vmem>>, vector<16xi32>,
      tpu.vector_store %arg5[%swap3A_162, %swap3A_163, %swap3A_164], %select_n3A_160 {strides = array<i32>} : memref<40x2x128xi32, #tpu.memory_space<vmem>>, vector<16xi32>,
      %get3A_166 = arith.constant 0 : i32
      %get3A_167 = arith.index_cast %scan3A_113 : i32 to index
      %get3A_168 = arith.index_cast %get3A_166 : i32 to index
      %get3A_169 = arith.constant 48 : index
      %get3A_170 = tpu.vector_load %arg5[%get3A_167, %get3A_168, %get3A_169] {strides = array<i32>} : memref<40x2x128xi32, #tpu.memory_space<vmem>>, vector<16xi32>,
      %get3A_171 = arith.constant 1 : i32
      %get3A_172 = arith.index_cast %scan3A_113 : i32 to index
      %get3A_173 = arith.index_cast %get3A_171 : i32 to index
      %get3A_174 = arith.constant 48 : index
      %get3A_175 = tpu.vector_load %arg5[%get3A_172, %get3A_173, %get3A_174] {strides = array<i32>} : memref<40x2x128xi32, #tpu.memory_space<vmem>>, vector<16xi32>,
      %eq3A_176 = arith.cmpi eq, %get3A_170, %get3A_175 : vector<16xi32>
      %jit3A_177 = arith.constant 10000 : i32
      %broadcast_in_dim3A_178 = vector.broadcast %jit3A_177 : i32 to vector<16xi32>
      %select_n3A_179 = arith.select %eq3A_176, %broadcast_in_dim3A_178, %get3A_170 : vector<16xi1>, vector<16xi32>
      %swap3A_180 = arith.constant 0 : i32
      %swap3A_181 = arith.index_cast %scan3A_113 : i32 to index
      %swap3A_182 = arith.index_cast %swap3A_180 : i32 to index
      %swap3A_183 = arith.constant 48 : index
      %swap3A_184 = tpu.vector_load %arg5[%swap3A_181, %swap3A_182, %swap3A_183] {strides = array<i32>} : memref<40x2x128xi32, #tpu.memory_space<vmem>>, vector<16xi32>,
      tpu.vector_store %arg5[%swap3A_181, %swap3A_182, %swap3A_183], %select_n3A_179 {strides = array<i32>} : memref<40x2x128xi32, #tpu.memory_space<vmem>>, vector<16xi32>,
      %get3A_185 = arith.constant 0 : i32
      %get3A_186 = arith.index_cast %scan3A_113 : i32 to index
      %get3A_187 = arith.index_cast %get3A_185 : i32 to index
      %get3A_188 = arith.constant 64 : index
      %get3A_189 = tpu.vector_load %arg5[%get3A_186, %get3A_187, %get3A_188] {strides = array<i32>} : memref<40x2x128xi32, #tpu.memory_space<vmem>>, vector<16xi32>,
      %get3A_190 = arith.constant 1 : i32
      %get3A_191 = arith.index_cast %scan3A_113 : i32 to index
      %get3A_192 = arith.index_cast %get3A_190 : i32 to index
      %get3A_193 = arith.constant 64 : index
      %get3A_194 = tpu.vector_load %arg5[%get3A_191, %get3A_192, %get3A_193] {strides = array<i32>} : memref<40x2x128xi32, #tpu.memory_space<vmem>>, vector<16xi32>,
      %eq3A_195 = arith.cmpi eq, %get3A_189, %get3A_194 : vector<16xi32>
      %jit3A_196 = arith.constant 10000 : i32
      %broadcast_in_dim3A_197 = vector.broadcast %jit3A_196 : i32 to vector<16xi32>
      %select_n3A_198 = arith.select %eq3A_195, %broadcast_in_dim3A_197, %get3A_189 : vector<16xi1>, vector<16xi32>
      %swap3A_199 = arith.constant 0 : i32
      %swap3A_200 = arith.index_cast %scan3A_113 : i32 to index
      %swap3A_201 = arith.index_cast %swap3A_199 : i32 to index
      %swap3A_202 = arith.constant 64 : index
      %swap3A_203 = tpu.vector_load %arg5[%swap3A_200, %swap3A_201, %swap3A_202] {strides = array<i32>} : memref<40x2x128xi32, #tpu.memory_space<vmem>>, vector<16xi32>,
      tpu.vector_store %arg5[%swap3A_200, %swap3A_201, %swap3A_202], %select_n3A_198 {strides = array<i32>} : memref<40x2x128xi32, #tpu.memory_space<vmem>>, vector<16xi32>,
      %get3A_204 = arith.constant 0 : i32
      %get3A_205 = arith.index_cast %scan3A_113 : i32 to index
      %get3A_206 = arith.index_cast %get3A_204 : i32 to index
      %get3A_207 = arith.constant 80 : index
      %get3A_208 = tpu.vector_load %arg5[%get3A_205, %get3A_206, %get3A_207] {strides = array<i32>} : memref<40x2x128xi32, #tpu.memory_space<vmem>>, vector<16xi32>,
      %get3A_209 = arith.constant 1 : i32
      %get3A_210 = arith.index_cast %scan3A_113 : i32 to index
      %get3A_211 = arith.index_cast %get3A_209 : i32 to index
      %get3A_212 = arith.constant 80 : index
      %get3A_213 = tpu.vector_load %arg5[%get3A_210, %get3A_211, %get3A_212] {strides = array<i32>} : memref<40x2x128xi32, #tpu.memory_space<vmem>>, vector<16xi32>,
      %eq3A_214 = arith.cmpi eq, %get3A_208, %get3A_213 : vector<16xi32>
      %jit3A_215 = arith.constant 10000 : i32
      %broadcast_in_dim3A_216 = vector.broadcast %jit3A_215 : i32 to vector<16xi32>
      %select_n3A_217 = arith.select %eq3A_214, %broadcast_in_dim3A_216, %get3A_208 : vector<16xi1>, vector<16xi32>
      %swap3A_218 = arith.constant 0 : i32
      %swap3A_219 = arith.index_cast %scan3A_113 : i32 to index
      %swap3A_220 = arith.index_cast %swap3A_218 : i32 to index
      %swap3A_221 = arith.constant 80 : index
      %swap3A_222 = tpu.vector_load %arg5[%swap3A_219, %swap3A_220, %swap3A_221] {strides = array<i32>} : memref<40x2x128xi32, #tpu.memory_space<vmem>>, vector<16xi32>,
      tpu.vector_store %arg5[%swap3A_219, %swap3A_220, %swap3A_221], %select_n3A_217 {strides = array<i32>} : memref<40x2x128xi32, #tpu.memory_space<vmem>>, vector<16xi32>,
      %get3A_223 = arith.constant 0 : i32
      %get3A_224 = arith.index_cast %scan3A_113 : i32 to index
      %get3A_225 = arith.index_cast %get3A_223 : i32 to index
      %get3A_226 = arith.constant 96 : index
      %get3A_227 = tpu.vector_load %arg5[%get3A_224, %get3A_225, %get3A_226] {strides = array<i32>} : memref<40x2x128xi32, #tpu.memory_space<vmem>>, vector<16xi32>,
      %get3A_228 = arith.constant 1 : i32
      %get3A_229 = arith.index_cast %scan3A_113 : i32 to index
      %get3A_230 = arith.index_cast %get3A_228 : i32 to index
      %get3A_231 = arith.constant 96 : index
      %get3A_232 = tpu.vector_load %arg5[%get3A_229, %get3A_230, %get3A_231] {strides = array<i32>} : memref<40x2x128xi32, #tpu.memory_space<vmem>>, vector<16xi32>,
      %eq3A_233 = arith.cmpi eq, %get3A_227, %get3A_232 : vector<16xi32>
      %jit3A_234 = arith.constant 10000 : i32
      %broadcast_in_dim3A_235 = vector.broadcast %jit3A_234 : i32 to vector<16xi32>
      %select_n3A_236 = arith.select %eq3A_233, %broadcast_in_dim3A_235, %get3A_227 : vector<16xi1>, vector<16xi32>
      %swap3A_237 = arith.constant 0 : i32
      %swap3A_238 = arith.index_cast %scan3A_113 : i32 to index
      %swap3A_239 = arith.index_cast %swap3A_237 : i32 to index
      %swap3A_240 = arith.constant 96 : index
      %swap3A_241 = tpu.vector_load %arg5[%swap3A_238, %swap3A_239, %swap3A_240] {strides = array<i32>} : memref<40x2x128xi32, #tpu.memory_space<vmem>>, vector<16xi32>,
      tpu.vector_store %arg5[%swap3A_238, %swap3A_239, %swap3A_240], %select_n3A_236 {strides = array<i32>} : memref<40x2x128xi32, #tpu.memory_space<vmem>>, vector<16xi32>,
      %get3A_242 = arith.constant 0 : i32
      %get3A_243 = arith.index_cast %scan3A_113 : i32 to index
      %get3A_244 = arith.index_cast %get3A_242 : i32 to index
      %get3A_245 = arith.constant 112 : index
      %get3A_246 = tpu.vector_load %arg5[%get3A_243, %get3A_244, %get3A_245] {strides = array<i32>} : memref<40x2x128xi32, #tpu.memory_space<vmem>>, vector<16xi32>,
      %get3A_247 = arith.constant 1 : i32
      %get3A_248 = arith.index_cast %scan3A_113 : i32 to index
      %get3A_249 = arith.index_cast %get3A_247 : i32 to index
      %get3A_250 = arith.constant 112 : index
      %get3A_251 = tpu.vector_load %arg5[%get3A_248, %get3A_249, %get3A_250] {strides = array<i32>} : memref<40x2x128xi32, #tpu.memory_space<vmem>>, vector<16xi32>,
      %eq3A_252 = arith.cmpi eq, %get3A_246, %get3A_251 : vector<16xi32>
      %jit3A_253 = arith.constant 10000 : i32
      %broadcast_in_dim3A_254 = vector.broadcast %jit3A_253 : i32 to vector<16xi32>
      %select_n3A_255 = arith.select %eq3A_252, %broadcast_in_dim3A_254, %get3A_246 : vector<16xi1>, vector<16xi32>
      %swap3A_256 = arith.constant 0 : i32
      %swap3A_257 = arith.index_cast %scan3A_113 : i32 to index
      %swap3A_258 = arith.index_cast %swap3A_256 : i32 to index
      %swap3A_259 = arith.constant 112 : index
      %swap3A_260 = tpu.vector_load %arg5[%swap3A_257, %swap3A_258, %swap3A_259] {strides = array<i32>} : memref<40x2x128xi32, #tpu.memory_space<vmem>>, vector<16xi32>,
      tpu.vector_store %arg5[%swap3A_257, %swap3A_258, %swap3A_259], %select_n3A_255 {strides = array<i32>} : memref<40x2x128xi32, #tpu.memory_space<vmem>>, vector<16xi32>,
    }
    %scan3A_70 = arith.constant 40 : i32
    %dma_start3A_71 = arith.constant 0 : i32
    %dma_start3A_72 = arith.constant 0 : i32
    %dma_start3A_73 = arith.constant 0 : i32
    %dma_start3A_74 = tpu.memref_slice %arg5[%dma_start3A_71, %dma_start3A_72, %dma_start3A_73] : memref<40x2x128xi32, #tpu.memory_space<vmem>> -> memref<1x1x128xi32, #tpu.memory_space<vmem>>
    %dma_start3A_75 = tpu.memref_squeeze %dma_start3A_74 : memref<1x1x128xi32, #tpu.memory_space<vmem>> -> memref<128xi32, #tpu.memory_space<vmem>>
    %dma_start3A_76 = arith.constant 0 : i32
    %dma_start3A_77 = arith.constant 0 : i32
    %dma_start3A_78 = tpu.memref_slice %arg3[%dma_start3A_76, %dma_start3A_77] : memref<10240x128xf32, #tpu.memory_space<hbm>> -> memref<10240x128xf32, #tpu.memory_space<hbm>>
    tpu.enqueue_indirect_dma source(%dma_start3A_78 : memref<10240x128xf32, #tpu.memory_space<hbm>>) target(%arg6 : memref<128x128xf32, #tpu.memory_space<vmem>>) offsets(%dma_start3A_75 : memref<128xi32, #tpu.memory_space<vmem>>) semaphore(%arg9 : memref<!tpu.dma_semaphore, #tpu.memory_space<semaphore_mem>>)
    %dma_start3A_79 = arith.constant 1 : i32
    %dma_start3A_80 = arith.constant 0 : i32
    %dma_start3A_81 = arith.constant 0 : i32
    %dma_start3A_82 = tpu.memref_slice %arg5[%dma_start3A_79, %dma_start3A_80, %dma_start3A_81] : memref<40x2x128xi32, #tpu.memory_space<vmem>> -> memref<1x1x128xi32, #tpu.memory_space<vmem>>
    %dma_start3A_83 = tpu.memref_squeeze %dma_start3A_82 : memref<1x1x128xi32, #tpu.memory_space<vmem>> -> memref<128xi32, #tpu.memory_space<vmem>>
    %dma_start3A_84 = arith.constant 0 : i32
    %dma_start3A_85 = arith.constant 0 : i32
    %dma_start3A_86 = tpu.memref_slice %arg3[%dma_start3A_84, %dma_start3A_85] : memref<10240x128xf32, #tpu.memory_space<hbm>> -> memref<10240x128xf32, #tpu.memory_space<hbm>>
    tpu.enqueue_indirect_dma source(%dma_start3A_86 : memref<10240x128xf32, #tpu.memory_space<hbm>>) target(%arg7 : memref<128x128xf32, #tpu.memory_space<vmem>>) offsets(%dma_start3A_83 : memref<128xi32, #tpu.memory_space<vmem>>) semaphore(%arg10 : memref<!tpu.dma_semaphore, #tpu.memory_space<semaphore_mem>>)
    %scan3A_87 = arith.constant 0 : i32
    %scan3A_88 = arith.constant 20 : i32
    %scan3A_89 = arith.addi %scan3A_87, %scan3A_88 : i32
    %scan3A_90 = arith.constant 1 : i32
    scf.for %scan3A_113 = %scan3A_87 to %scan3A_89 step %scan3A_90  : i32 {
      %mul3A_114 = arith.constant 2 : i32
      %mul3A_115 = arith.muli %mul3A_114, %scan3A_113 : i32
      %add3A_116 = arith.constant 1 : i32
      %add3A_117 = arith.addi %mul3A_115, %add3A_116 : i32
      %dma_wait3A_118 = arith.constant 0 : i32
      %dma_wait3A_119 = arith.constant 0 : i32
      %dma_wait3A_120 = tpu.memref_slice %arg5[%mul3A_115, %dma_wait3A_118, %dma_wait3A_119] : memref<40x2x128xi32, #tpu.memory_space<vmem>> -> memref<1x1x128xi32, #tpu.memory_space<vmem>>
      %dma_wait3A_121 = tpu.memref_squeeze %dma_wait3A_120 : memref<1x1x128xi32, #tpu.memory_space<vmem>> -> memref<128xi32, #tpu.memory_space<vmem>>
      %dma_wait3A_122 = arith.constant 0 : i32
      %dma_wait3A_123 = arith.constant 0 : i32
      %dma_wait3A_124 = tpu.memref_slice %arg3[%dma_wait3A_122, %dma_wait3A_123] : memref<10240x128xf32, #tpu.memory_space<hbm>> -> memref<10240x128xf32, #tpu.memory_space<hbm>>
      tpu.wait_indirect_dma semaphore(%arg9 : memref<!tpu.dma_semaphore, #tpu.memory_space<semaphore_mem>>) src(%dma_wait3A_124 : memref<10240x128xf32, #tpu.memory_space<hbm>>) dst(%arg6 : memref<128x128xf32, #tpu.memory_space<vmem>>)
      %dma_start3A_125 = arith.constant 1 : i32
      %dma_start3A_126 = arith.constant 0 : i32
      %dma_start3A_127 = tpu.memref_slice %arg5[%mul3A_115, %dma_start3A_125, %dma_start3A_126] : memref<40x2x128xi32, #tpu.memory_space<vmem>> -> memref<1x1x128xi32, #tpu.memory_space<vmem>>
      %dma_start3A_128 = tpu.memref_squeeze %dma_start3A_127 : memref<1x1x128xi32, #tpu.memory_space<vmem>> -> memref<128xi32, #tpu.memory_space<vmem>>
      %dma_start3A_129 = arith.constant 0 : i32
      %dma_start3A_130 = arith.constant 0 : i32
      %dma_start3A_131 = tpu.memref_slice %arg8[%dma_start3A_129, %dma_start3A_130] : memref<10240x128xf32, #tpu.memory_space<vmem_shared>> -> memref<10240x128xf32, #tpu.memory_space<vmem_shared>>
      tpu.enqueue_indirect_dma source(%arg6 : memref<128x128xf32, #tpu.memory_space<vmem>>) target(%dma_start3A_131 : memref<10240x128xf32, #tpu.memory_space<vmem_shared>>) offsets(%dma_start3A_128 : memref<128xi32, #tpu.memory_space<vmem>>) semaphore(%arg11 : memref<!tpu.dma_semaphore, #tpu.memory_space<semaphore_mem>>) {add = true}
      %dma_wait3A_132 = arith.constant 0 : i32
      %dma_wait3A_133 = arith.constant 0 : i32
      %dma_wait3A_134 = tpu.memref_slice %arg5[%add3A_117, %dma_wait3A_132, %dma_wait3A_133] : memref<40x2x128xi32, #tpu.memory_space<vmem>> -> memref<1x1x128xi32, #tpu.memory_space<vmem>>
      %dma_wait3A_135 = tpu.memref_squeeze %dma_wait3A_134 : memref<1x1x128xi32, #tpu.memory_space<vmem>> -> memref<128xi32, #tpu.memory_space<vmem>>
      %dma_wait3A_136 = arith.constant 0 : i32
      %dma_wait3A_137 = arith.constant 0 : i32
      %dma_wait3A_138 = tpu.memref_slice %arg3[%dma_wait3A_136, %dma_wait3A_137] : memref<10240x128xf32, #tpu.memory_space<hbm>> -> memref<10240x128xf32, #tpu.memory_space<hbm>>
      tpu.wait_indirect_dma semaphore(%arg10 : memref<!tpu.dma_semaphore, #tpu.memory_space<semaphore_mem>>) src(%dma_wait3A_138 : memref<10240x128xf32, #tpu.memory_space<hbm>>) dst(%arg7 : memref<128x128xf32, #tpu.memory_space<vmem>>)
      %dma_start3A_139 = arith.constant 1 : i32
      %dma_start3A_140 = arith.constant 0 : i32
      %dma_start3A_141 = tpu.memref_slice %arg5[%add3A_117, %dma_start3A_139, %dma_start3A_140] : memref<40x2x128xi32, #tpu.memory_space<vmem>> -> memref<1x1x128xi32, #tpu.memory_space<vmem>>
      %dma_start3A_142 = tpu.memref_squeeze %dma_start3A_141 : memref<1x1x128xi32, #tpu.memory_space<vmem>> -> memref<128xi32, #tpu.memory_space<vmem>>
      %dma_start3A_143 = arith.constant 0 : i32
      %dma_start3A_144 = arith.constant 0 : i32
      %dma_start3A_145 = tpu.memref_slice %arg8[%dma_start3A_143, %dma_start3A_144] : memref<10240x128xf32, #tpu.memory_space<vmem_shared>> -> memref<10240x128xf32, #tpu.memory_space<vmem_shared>>
      tpu.enqueue_indirect_dma source(%arg7 : memref<128x128xf32, #tpu.memory_space<vmem>>) target(%dma_start3A_145 : memref<10240x128xf32, #tpu.memory_space<vmem_shared>>) offsets(%dma_start3A_142 : memref<128xi32, #tpu.memory_space<vmem>>) semaphore(%arg12 : memref<!tpu.dma_semaphore, #tpu.memory_space<semaphore_mem>>) {add = true}
      %lt3A = arith.constant 19 : i32
      %lt3A_146 = arith.cmpi slt, %scan3A_113, %lt3A : i32
      %convert_element_type3A = arith.extui %lt3A_146 : i1 to i32
      %cond3A = arith.constant 0 : i32
      %cond3A_147 = arith.cmpi ne, %convert_element_type3A, %cond3A : i32
      scf.if %cond3A_147 {
        %dma_wait3A_148 = arith.constant 1 : i32
        %dma_wait3A_149 = arith.constant 0 : i32
        %dma_wait3A_150 = tpu.memref_slice %arg5[%mul3A_115, %dma_wait3A_148, %dma_wait3A_149] : memref<40x2x128xi32, #tpu.memory_space<vmem>> -> memref<1x1x128xi32, #tpu.memory_space<vmem>>
        %dma_wait3A_151 = tpu.memref_squeeze %dma_wait3A_150 : memref<1x1x128xi32, #tpu.memory_space<vmem>> -> memref<128xi32, #tpu.memory_space<vmem>>
        %dma_wait3A_152 = arith.constant 0 : i32
        %dma_wait3A_153 = arith.constant 0 : i32
        %dma_wait3A_154 = tpu.memref_slice %arg8[%dma_wait3A_152, %dma_wait3A_153] : memref<10240x128xf32, #tpu.memory_space<vmem_shared>> -> memref<10240x128xf32, #tpu.memory_space<vmem_shared>>
        tpu.wait_indirect_dma semaphore(%arg11 : memref<!tpu.dma_semaphore, #tpu.memory_space<semaphore_mem>>) src(%arg6 : memref<128x128xf32, #tpu.memory_space<vmem>>) dst(%dma_wait3A_154 : memref<10240x128xf32, #tpu.memory_space<vmem_shared>>)
        %add3A_155 = arith.constant 2 : i32
        %add3A_156 = arith.addi %mul3A_115, %add3A_155 : i32
        %dma_start3A_157 = arith.constant 0 : i32
        %dma_start3A_158 = arith.constant 0 : i32
        %dma_start3A_159 = tpu.memref_slice %arg5[%add3A_156, %dma_start3A_157, %dma_start3A_158] : memref<40x2x128xi32, #tpu.memory_space<vmem>> -> memref<1x1x128xi32, #tpu.memory_space<vmem>>
        %dma_start3A_160 = tpu.memref_squeeze %dma_start3A_159 : memref<1x1x128xi32, #tpu.memory_space<vmem>> -> memref<128xi32, #tpu.memory_space<vmem>>
        %dma_start3A_161 = arith.constant 0 : i32
        %dma_start3A_162 = arith.constant 0 : i32
        %dma_start3A_163 = tpu.memref_slice %arg3[%dma_start3A_161, %dma_start3A_162] : memref<10240x128xf32, #tpu.memory_space<hbm>> -> memref<10240x128xf32, #tpu.memory_space<hbm>>
        tpu.enqueue_indirect_dma source(%dma_start3A_163 : memref<10240x128xf32, #tpu.memory_space<hbm>>) target(%arg6 : memref<128x128xf32, #tpu.memory_space<vmem>>) offsets(%dma_start3A_160 : memref<128xi32, #tpu.memory_space<vmem>>) semaphore(%arg9 : memref<!tpu.dma_semaphore, #tpu.memory_space<semaphore_mem>>)
        %dma_wait3A_164 = arith.constant 1 : i32
        %dma_wait3A_165 = arith.constant 0 : i32
        %dma_wait3A_166 = tpu.memref_slice %arg5[%add3A_117, %dma_wait3A_164, %dma_wait3A_165] : memref<40x2x128xi32, #tpu.memory_space<vmem>> -> memref<1x1x128xi32, #tpu.memory_space<vmem>>
        %dma_wait3A_167 = tpu.memref_squeeze %dma_wait3A_166 : memref<1x1x128xi32, #tpu.memory_space<vmem>> -> memref<128xi32, #tpu.memory_space<vmem>>
        %dma_wait3A_168 = arith.constant 0 : i32
        %dma_wait3A_169 = arith.constant 0 : i32
        %dma_wait3A_170 = tpu.memref_slice %arg8[%dma_wait3A_168, %dma_wait3A_169] : memref<10240x128xf32, #tpu.memory_space<vmem_shared>> -> memref<10240x128xf32, #tpu.memory_space<vmem_shared>>
        tpu.wait_indirect_dma semaphore(%arg12 : memref<!tpu.dma_semaphore, #tpu.memory_space<semaphore_mem>>) src(%arg7 : memref<128x128xf32, #tpu.memory_space<vmem>>) dst(%dma_wait3A_170 : memref<10240x128xf32, #tpu.memory_space<vmem_shared>>)
        %add3A_171 = arith.constant 2 : i32
        %add3A_172 = arith.addi %add3A_117, %add3A_171 : i32
        %dma_start3A_173 = arith.constant 0 : i32
        %dma_start3A_174 = arith.constant 0 : i32
        %dma_start3A_175 = tpu.memref_slice %arg5[%add3A_172, %dma_start3A_173, %dma_start3A_174] : memref<40x2x128xi32, #tpu.memory_space<vmem>> -> memref<1x1x128xi32, #tpu.memory_space<vmem>>
        %dma_start3A_176 = tpu.memref_squeeze %dma_start3A_175 : memref<1x1x128xi32, #tpu.memory_space<vmem>> -> memref<128xi32, #tpu.memory_space<vmem>>
        %dma_start3A_177 = arith.constant 0 : i32
        %dma_start3A_178 = arith.constant 0 : i32
        %dma_start3A_179 = tpu.memref_slice %arg3[%dma_start3A_177, %dma_start3A_178] : memref<10240x128xf32, #tpu.memory_space<hbm>> -> memref<10240x128xf32, #tpu.memory_space<hbm>>
        tpu.enqueue_indirect_dma source(%dma_start3A_179 : memref<10240x128xf32, #tpu.memory_space<hbm>>) target(%arg7 : memref<128x128xf32, #tpu.memory_space<vmem>>) offsets(%dma_start3A_176 : memref<128xi32, #tpu.memory_space<vmem>>) semaphore(%arg10 : memref<!tpu.dma_semaphore, #tpu.memory_space<semaphore_mem>>)
      } else {
      }
    }
    %scan3A_91 = arith.constant 20 : i32
    %dma_wait3A_92 = arith.constant 38 : i32
    %dma_wait3A_93 = arith.constant 1 : i32
    %dma_wait3A_94 = arith.constant 0 : i32
    %dma_wait3A_95 = tpu.memref_slice %arg5[%dma_wait3A_92, %dma_wait3A_93, %dma_wait3A_94] : memref<40x2x128xi32, #tpu.memory_space<vmem>> -> memref<1x1x128xi32, #tpu.memory_space<vmem>>
    %dma_wait3A_96 = tpu.memref_squeeze %dma_wait3A_95 : memref<1x1x128xi32, #tpu.memory_space<vmem>> -> memref<128xi32, #tpu.memory_space<vmem>>
    %dma_wait3A_97 = arith.constant 0 : i32
    %dma_wait3A_98 = arith.constant 0 : i32
    %dma_wait3A_99 = tpu.memref_slice %arg8[%dma_wait3A_97, %dma_wait3A_98] : memref<10240x128xf32, #tpu.memory_space<vmem_shared>> -> memref<10240x128xf32, #tpu.memory_space<vmem_shared>>
    tpu.wait_indirect_dma semaphore(%arg11 : memref<!tpu.dma_semaphore, #tpu.memory_space<semaphore_mem>>) src(%arg6 : memref<128x128xf32, #tpu.memory_space<vmem>>) dst(%dma_wait3A_99 : memref<10240x128xf32, #tpu.memory_space<vmem_shared>>)
    %dma_wait3A_100 = arith.constant 39 : i32
    %dma_wait3A_101 = arith.constant 1 : i32
    %dma_wait3A_102 = arith.constant 0 : i32
    %dma_wait3A_103 = tpu.memref_slice %arg5[%dma_wait3A_100, %dma_wait3A_101, %dma_wait3A_102] : memref<40x2x128xi32, #tpu.memory_space<vmem>> -> memref<1x1x128xi32, #tpu.memory_space<vmem>>
    %dma_wait3A_104 = tpu.memref_squeeze %dma_wait3A_103 : memref<1x1x128xi32, #tpu.memory_space<vmem>> -> memref<128xi32, #tpu.memory_space<vmem>>
    %dma_wait3A_105 = arith.constant 0 : i32
    %dma_wait3A_106 = arith.constant 0 : i32
    %dma_wait3A_107 = tpu.memref_slice %arg8[%dma_wait3A_105, %dma_wait3A_106] : memref<10240x128xf32, #tpu.memory_space<vmem_shared>> -> memref<10240x128xf32, #tpu.memory_space<vmem_shared>>
    tpu.wait_indirect_dma semaphore(%arg12 : memref<!tpu.dma_semaphore, #tpu.memory_space<semaphore_mem>>) src(%arg7 : memref<128x128xf32, #tpu.memory_space<vmem>>) dst(%dma_wait3A_107 : memref<10240x128xf32, #tpu.memory_space<vmem_shared>>)
    %barrier3A_108 = arith.constant 0 : index
    tpu.barrier barrier_id(%barrier3A_108)
    %mul3A_109 = arith.constant 640 : i32
    %mul3A_110 = arith.muli %arg1, %mul3A_109 : i32
    %mul3A_111 = arith.constant 640 : i32
    %mul3A_112 = arith.muli %arg1, %mul3A_111 : i32
    "tpu.region"() ({
      %run_scoped3A = tpu.sem_alloc : memref<!tpu.dma_semaphore, #tpu.memory_space<semaphore_mem>>
      %dma_start3A_113 = arith.constant 0 : i32
      %dma_start3A_114 = tpu.memref_slice %arg4[%arg0, %mul3A_112, %dma_start3A_113] : memref<2x10240x128xf32, #tpu.memory_space<hbm>> -> memref<1x640x128xf32, #tpu.memory_space<hbm>>
      %dma_start3A_115 = tpu.memref_squeeze %dma_start3A_114 : memref<1x640x128xf32, #tpu.memory_space<hbm>> -> memref<640x128xf32, #tpu.memory_space<hbm>>
      %dma_start3A_116 = arith.constant 0 : i32
      %dma_start3A_117 = tpu.memref_slice %arg8[%mul3A_110, %dma_start3A_116] : memref<10240x128xf32, #tpu.memory_space<vmem_shared>> -> memref<640x128xf32, #tpu.memory_space<vmem_shared>>
      tpu.enqueue_dma source(%dma_start3A_117 : memref<640x128xf32, #tpu.memory_space<vmem_shared>>) target(%dma_start3A_115 : memref<640x128xf32, #tpu.memory_space<hbm>>) target_semaphore(%run_scoped3A : memref<!tpu.dma_semaphore, #tpu.memory_space<semaphore_mem>>)
      %dma_wait3A_118 = arith.constant 0 : i32
      %dma_wait3A_119 = tpu.memref_slice %arg4[%arg0, %mul3A_112, %dma_wait3A_118] : memref<2x10240x128xf32, #tpu.memory_space<hbm>> -> memref<1x640x128xf32, #tpu.memory_space<hbm>>
      %dma_wait3A_120 = tpu.memref_squeeze %dma_wait3A_119 : memref<1x640x128xf32, #tpu.memory_space<hbm>> -> memref<640x128xf32, #tpu.memory_space<hbm>>
      %dma_wait3A_121 = arith.constant 0 : i32
      %dma_wait3A_122 = tpu.memref_slice %arg8[%mul3A_110, %dma_wait3A_121] : memref<10240x128xf32, #tpu.memory_space<vmem_shared>> -> memref<640x128xf32, #tpu.memory_space<vmem_shared>>
      tpu.wait_dma2 semaphore(%run_scoped3A : memref<!tpu.dma_semaphore, #tpu.memory_space<semaphore_mem>>) src(%dma_wait3A_122 : memref<640x128xf32, #tpu.memory_space<vmem_shared>>) dst(%dma_wait3A_120 : memref<640x128xf32, #tpu.memory_space<hbm>>)
      tpu.yield
    }) : () -> ()
    return
  }
}

#map = affine_map<(d0, d1) -> (0, 0, 0, 0)>
#map1 = affine_map<(d0, d1) -> (0, 0)>
#map2 = affine_map<(d0, d1) -> (0, 0, 0)>
module attributes {stable_mosaic.version = 14 : i64} {
  func.func @_scat_body(%arg0: i32, %arg1: i32, %arg2: memref<32x80x2x128xi32, #tpu.memory_space<hbm>>, %arg3: memref<10240x128xf32, #tpu.memory_space<hbm>>, %arg4: memref<2x10240x128xf32, #tpu.memory_space<hbm>>, %arg5: memref<40x2x128xi32, #tpu.memory_space<vmem>>, %arg6: memref<128x128xf32, #tpu.memory_space<vmem>>, %arg7: memref<128x128xf32, #tpu.memory_space<vmem>>, %arg8: memref<10240x128xf32, #tpu.memory_space<vmem_shared>>, %arg9: memref<!tpu.dma_semaphore, #tpu.memory_space<semaphore_mem>>, %arg10: memref<!tpu.dma_semaphore, #tpu.memory_space<semaphore_mem>>, %arg11: memref<!tpu.dma_semaphore, #tpu.memory_space<semaphore_mem>>, %arg12: memref<!tpu.dma_semaphore, #tpu.memory_space<semaphore_mem>>) attributes {dimension_semantics = [#tpu.dimension_semantics<core_parallel>, #tpu.dimension_semantics<subcore_parallel>], iteration_bounds = array<i64: 2, 16>, scalar_prefetch = 0 : i64, scratch_operands = 8 : i64, tpu.core_type = #tpu.core_type<sc_vector_subcore>, window_params = [{transform_indices = #map}, {transform_indices = #map1}, {transform_indices = #map2}]} {
    %mul3A = arith.constant 16 : i32
    %mul3A_0 = arith.muli %arg0, %mul3A : i32
    %add3A = arith.addi %mul3A_0, %arg1 : i32
    %broadcast_in_dim3A = arith.constant 0.000000e+00 : f32
    %broadcast_in_dim3A_1 = vector.broadcast %broadcast_in_dim3A : f32 to vector<16xf32>
    %scan3A = arith.constant 0 : i32
    %scan3A_2 = arith.constant 128 : i32
    %scan3A_3 = arith.addi %scan3A, %scan3A_2 : i32
    %scan3A_4 = arith.constant 1 : i32
    scf.for %scan3A_113 = %scan3A to %scan3A_3 step %scan3A_4  : i32 {
      %swap3A = arith.index_cast %scan3A_113 : i32 to index
      %swap3A_114 = arith.constant 0 : index
      %swap3A_115 = tpu.vector_load %arg6[%swap3A, %swap3A_114] {strides = array<i32>} : memref<128x128xf32, #tpu.memory_space<vmem>>, vector<16xf32>,
      tpu.vector_store %arg6[%swap3A, %swap3A_114], %broadcast_in_dim3A_1 {strides = array<i32>} : memref<128x128xf32, #tpu.memory_space<vmem>>, vector<16xf32>,
      %swap3A_116 = arith.index_cast %scan3A_113 : i32 to index
      %swap3A_117 = arith.constant 16 : index
      %swap3A_118 = tpu.vector_load %arg6[%swap3A_116, %swap3A_117] {strides = array<i32>} : memref<128x128xf32, #tpu.memory_space<vmem>>, vector<16xf32>,
      tpu.vector_store %arg6[%swap3A_116, %swap3A_117], %broadcast_in_dim3A_1 {strides = array<i32>} : memref<128x128xf32, #tpu.memory_space<vmem>>, vector<16xf32>,
      %swap3A_119 = arith.index_cast %scan3A_113 : i32 to index
      %swap3A_120 = arith.constant 32 : index
      %swap3A_121 = tpu.vector_load %arg6[%swap3A_119, %swap3A_120] {strides = array<i32>} : memref<128x128xf32, #tpu.memory_space<vmem>>, vector<16xf32>,
      tpu.vector_store %arg6[%swap3A_119, %swap3A_120], %broadcast_in_dim3A_1 {strides = array<i32>} : memref<128x128xf32, #tpu.memory_space<vmem>>, vector<16xf32>,
      %swap3A_122 = arith.index_cast %scan3A_113 : i32 to index
      %swap3A_123 = arith.constant 48 : index
      %swap3A_124 = tpu.vector_load %arg6[%swap3A_122, %swap3A_123] {strides = array<i32>} : memref<128x128xf32, #tpu.memory_space<vmem>>, vector<16xf32>,
      tpu.vector_store %arg6[%swap3A_122, %swap3A_123], %broadcast_in_dim3A_1 {strides = array<i32>} : memref<128x128xf32, #tpu.memory_space<vmem>>, vector<16xf32>,
      %swap3A_125 = arith.index_cast %scan3A_113 : i32 to index
      %swap3A_126 = arith.constant 64 : index
      %swap3A_127 = tpu.vector_load %arg6[%swap3A_125, %swap3A_126] {strides = array<i32>} : memref<128x128xf32, #tpu.memory_space<vmem>>, vector<16xf32>,
      tpu.vector_store %arg6[%swap3A_125, %swap3A_126], %broadcast_in_dim3A_1 {strides = array<i32>} : memref<128x128xf32, #tpu.memory_space<vmem>>, vector<16xf32>,
      %swap3A_128 = arith.index_cast %scan3A_113 : i32 to index
      %swap3A_129 = arith.constant 80 : index
      %swap3A_130 = tpu.vector_load %arg6[%swap3A_128, %swap3A_129] {strides = array<i32>} : memref<128x128xf32, #tpu.memory_space<vmem>>, vector<16xf32>,
      tpu.vector_store %arg6[%swap3A_128, %swap3A_129], %broadcast_in_dim3A_1 {strides = array<i32>} : memref<128x128xf32, #tpu.memory_space<vmem>>, vector<16xf32>,
      %swap3A_131 = arith.index_cast %scan3A_113 : i32 to index
      %swap3A_132 = arith.constant 96 : index
      %swap3A_133 = tpu.vector_load %arg6[%swap3A_131, %swap3A_132] {strides = array<i32>} : memref<128x128xf32, #tpu.memory_space<vmem>>, vector<16xf32>,
      tpu.vector_store %arg6[%swap3A_131, %swap3A_132], %broadcast_in_dim3A_1 {strides = array<i32>} : memref<128x128xf32, #tpu.memory_space<vmem>>, vector<16xf32>,
      %swap3A_134 = arith.index_cast %scan3A_113 : i32 to index
      %swap3A_135 = arith.constant 112 : index
      %swap3A_136 = tpu.vector_load %arg6[%swap3A_134, %swap3A_135] {strides = array<i32>} : memref<128x128xf32, #tpu.memory_space<vmem>>, vector<16xf32>,
      tpu.vector_store %arg6[%swap3A_134, %swap3A_135], %broadcast_in_dim3A_1 {strides = array<i32>} : memref<128x128xf32, #tpu.memory_space<vmem>>, vector<16xf32>,
    }
    %scan3A_5 = arith.constant 128 : i32
    %mul3A_6 = arith.constant 640 : i32
    %mul3A_7 = arith.muli %arg1, %mul3A_6 : i32
    %add3A_8 = arith.constant 0 : i32
    %add3A_9 = arith.addi %mul3A_7, %add3A_8 : i32
    "tpu.region"() ({
      %run_scoped3A = tpu.sem_alloc : memref<!tpu.dma_semaphore, #tpu.memory_space<semaphore_mem>>
      %dma_start3A_113 = arith.constant 0 : i32
      %dma_start3A_114 = tpu.memref_slice %arg8[%add3A_9, %dma_start3A_113] : memref<10240x128xf32, #tpu.memory_space<vmem_shared>> -> memref<128x128xf32, #tpu.memory_space<vmem_shared>>
      %dma_start3A_115 = arith.constant 0 : i32
      %dma_start3A_116 = tpu.memref_slice %arg8[%add3A_9, %dma_start3A_115] : memref<10240x128xf32, #tpu.memory_space<vmem_shared>> -> memref<128x128xf32, #tpu.memory_space<vmem_shared>>
      tpu.enqueue_dma source(%arg6 : memref<128x128xf32, #tpu.memory_space<vmem>>) target(%dma_start3A_116 : memref<128x128xf32, #tpu.memory_space<vmem_shared>>) target_semaphore(%run_scoped3A : memref<!tpu.dma_semaphore, #tpu.memory_space<semaphore_mem>>)
      %dma_wait3A_117 = arith.constant 0 : i32
      %dma_wait3A_118 = tpu.memref_slice %arg8[%add3A_9, %dma_wait3A_117] : memref<10240x128xf32, #tpu.memory_space<vmem_shared>> -> memref<128x128xf32, #tpu.memory_space<vmem_shared>>
      %dma_wait3A_119 = arith.constant 0 : i32
      %dma_wait3A_120 = tpu.memref_slice %arg8[%add3A_9, %dma_wait3A_119] : memref<10240x128xf32, #tpu.memory_space<vmem_shared>> -> memref<128x128xf32, #tpu.memory_space<vmem_shared>>
      tpu.wait_dma2 semaphore(%run_scoped3A : memref<!tpu.dma_semaphore, #tpu.memory_space<semaphore_mem>>) src(%arg6 : memref<128x128xf32, #tpu.memory_space<vmem>>) dst(%dma_wait3A_120 : memref<128x128xf32, #tpu.memory_space<vmem_shared>>)
      tpu.yield
    }) : () -> ()
    %mul3A_10 = arith.constant 640 : i32
    %mul3A_11 = arith.muli %arg1, %mul3A_10 : i32
    %add3A_12 = arith.constant 128 : i32
    %add3A_13 = arith.addi %mul3A_11, %add3A_12 : i32
    "tpu.region"() ({
      %run_scoped3A = tpu.sem_alloc : memref<!tpu.dma_semaphore, #tpu.memory_space<semaphore_mem>>
      %dma_start3A_113 = arith.constant 0 : i32
      %dma_start3A_114 = tpu.memref_slice %arg8[%add3A_13, %dma_start3A_113] : memref<10240x128xf32, #tpu.memory_space<vmem_shared>> -> memref<128x128xf32, #tpu.memory_space<vmem_shared>>
      %dma_start3A_115 = arith.constant 0 : i32
      %dma_start3A_116 = tpu.memref_slice %arg8[%add3A_13, %dma_start3A_115] : memref<10240x128xf32, #tpu.memory_space<vmem_shared>> -> memref<128x128xf32, #tpu.memory_space<vmem_shared>>
      tpu.enqueue_dma source(%arg6 : memref<128x128xf32, #tpu.memory_space<vmem>>) target(%dma_start3A_116 : memref<128x128xf32, #tpu.memory_space<vmem_shared>>) target_semaphore(%run_scoped3A : memref<!tpu.dma_semaphore, #tpu.memory_space<semaphore_mem>>)
      %dma_wait3A_117 = arith.constant 0 : i32
      %dma_wait3A_118 = tpu.memref_slice %arg8[%add3A_13, %dma_wait3A_117] : memref<10240x128xf32, #tpu.memory_space<vmem_shared>> -> memref<128x128xf32, #tpu.memory_space<vmem_shared>>
      %dma_wait3A_119 = arith.constant 0 : i32
      %dma_wait3A_120 = tpu.memref_slice %arg8[%add3A_13, %dma_wait3A_119] : memref<10240x128xf32, #tpu.memory_space<vmem_shared>> -> memref<128x128xf32, #tpu.memory_space<vmem_shared>>
      tpu.wait_dma2 semaphore(%run_scoped3A : memref<!tpu.dma_semaphore, #tpu.memory_space<semaphore_mem>>) src(%arg6 : memref<128x128xf32, #tpu.memory_space<vmem>>) dst(%dma_wait3A_120 : memref<128x128xf32, #tpu.memory_space<vmem_shared>>)
      tpu.yield
    }) : () -> ()
    %mul3A_14 = arith.constant 640 : i32
    %mul3A_15 = arith.muli %arg1, %mul3A_14 : i32
    %add3A_16 = arith.constant 256 : i32
    %add3A_17 = arith.addi %mul3A_15, %add3A_16 : i32
    "tpu.region"() ({
      %run_scoped3A = tpu.sem_alloc : memref<!tpu.dma_semaphore, #tpu.memory_space<semaphore_mem>>
      %dma_start3A_113 = arith.constant 0 : i32
      %dma_start3A_114 = tpu.memref_slice %arg8[%add3A_17, %dma_start3A_113] : memref<10240x128xf32, #tpu.memory_space<vmem_shared>> -> memref<128x128xf32, #tpu.memory_space<vmem_shared>>
      %dma_start3A_115 = arith.constant 0 : i32
      %dma_start3A_116 = tpu.memref_slice %arg8[%add3A_17, %dma_start3A_115] : memref<10240x128xf32, #tpu.memory_space<vmem_shared>> -> memref<128x128xf32, #tpu.memory_space<vmem_shared>>
      tpu.enqueue_dma source(%arg6 : memref<128x128xf32, #tpu.memory_space<vmem>>) target(%dma_start3A_116 : memref<128x128xf32, #tpu.memory_space<vmem_shared>>) target_semaphore(%run_scoped3A : memref<!tpu.dma_semaphore, #tpu.memory_space<semaphore_mem>>)
      %dma_wait3A_117 = arith.constant 0 : i32
      %dma_wait3A_118 = tpu.memref_slice %arg8[%add3A_17, %dma_wait3A_117] : memref<10240x128xf32, #tpu.memory_space<vmem_shared>> -> memref<128x128xf32, #tpu.memory_space<vmem_shared>>
      %dma_wait3A_119 = arith.constant 0 : i32
      %dma_wait3A_120 = tpu.memref_slice %arg8[%add3A_17, %dma_wait3A_119] : memref<10240x128xf32, #tpu.memory_space<vmem_shared>> -> memref<128x128xf32, #tpu.memory_space<vmem_shared>>
      tpu.wait_dma2 semaphore(%run_scoped3A : memref<!tpu.dma_semaphore, #tpu.memory_space<semaphore_mem>>) src(%arg6 : memref<128x128xf32, #tpu.memory_space<vmem>>) dst(%dma_wait3A_120 : memref<128x128xf32, #tpu.memory_space<vmem_shared>>)
      tpu.yield
    }) : () -> ()
    %mul3A_18 = arith.constant 640 : i32
    %mul3A_19 = arith.muli %arg1, %mul3A_18 : i32
    %add3A_20 = arith.constant 384 : i32
    %add3A_21 = arith.addi %mul3A_19, %add3A_20 : i32
    "tpu.region"() ({
      %run_scoped3A = tpu.sem_alloc : memref<!tpu.dma_semaphore, #tpu.memory_space<semaphore_mem>>
      %dma_start3A_113 = arith.constant 0 : i32
      %dma_start3A_114 = tpu.memref_slice %arg8[%add3A_21, %dma_start3A_113] : memref<10240x128xf32, #tpu.memory_space<vmem_shared>> -> memref<128x128xf32, #tpu.memory_space<vmem_shared>>
      %dma_start3A_115 = arith.constant 0 : i32
      %dma_start3A_116 = tpu.memref_slice %arg8[%add3A_21, %dma_start3A_115] : memref<10240x128xf32, #tpu.memory_space<vmem_shared>> -> memref<128x128xf32, #tpu.memory_space<vmem_shared>>
      tpu.enqueue_dma source(%arg6 : memref<128x128xf32, #tpu.memory_space<vmem>>) target(%dma_start3A_116 : memref<128x128xf32, #tpu.memory_space<vmem_shared>>) target_semaphore(%run_scoped3A : memref<!tpu.dma_semaphore, #tpu.memory_space<semaphore_mem>>)
      %dma_wait3A_117 = arith.constant 0 : i32
      %dma_wait3A_118 = tpu.memref_slice %arg8[%add3A_21, %dma_wait3A_117] : memref<10240x128xf32, #tpu.memory_space<vmem_shared>> -> memref<128x128xf32, #tpu.memory_space<vmem_shared>>
      %dma_wait3A_119 = arith.constant 0 : i32
      %dma_wait3A_120 = tpu.memref_slice %arg8[%add3A_21, %dma_wait3A_119] : memref<10240x128xf32, #tpu.memory_space<vmem_shared>> -> memref<128x128xf32, #tpu.memory_space<vmem_shared>>
      tpu.wait_dma2 semaphore(%run_scoped3A : memref<!tpu.dma_semaphore, #tpu.memory_space<semaphore_mem>>) src(%arg6 : memref<128x128xf32, #tpu.memory_space<vmem>>) dst(%dma_wait3A_120 : memref<128x128xf32, #tpu.memory_space<vmem_shared>>)
      tpu.yield
    }) : () -> ()
    %mul3A_22 = arith.constant 640 : i32
    %mul3A_23 = arith.muli %arg1, %mul3A_22 : i32
    %add3A_24 = arith.constant 512 : i32
    %add3A_25 = arith.addi %mul3A_23, %add3A_24 : i32
    "tpu.region"() ({
      %run_scoped3A = tpu.sem_alloc : memref<!tpu.dma_semaphore, #tpu.memory_space<semaphore_mem>>
      %dma_start3A_113 = arith.constant 0 : i32
      %dma_start3A_114 = tpu.memref_slice %arg8[%add3A_25, %dma_start3A_113] : memref<10240x128xf32, #tpu.memory_space<vmem_shared>> -> memref<128x128xf32, #tpu.memory_space<vmem_shared>>
      %dma_start3A_115 = arith.constant 0 : i32
      %dma_start3A_116 = tpu.memref_slice %arg8[%add3A_25, %dma_start3A_115] : memref<10240x128xf32, #tpu.memory_space<vmem_shared>> -> memref<128x128xf32, #tpu.memory_space<vmem_shared>>
      tpu.enqueue_dma source(%arg6 : memref<128x128xf32, #tpu.memory_space<vmem>>) target(%dma_start3A_116 : memref<128x128xf32, #tpu.memory_space<vmem_shared>>) target_semaphore(%run_scoped3A : memref<!tpu.dma_semaphore, #tpu.memory_space<semaphore_mem>>)
      %dma_wait3A_117 = arith.constant 0 : i32
      %dma_wait3A_118 = tpu.memref_slice %arg8[%add3A_25, %dma_wait3A_117] : memref<10240x128xf32, #tpu.memory_space<vmem_shared>> -> memref<128x128xf32, #tpu.memory_space<vmem_shared>>
      %dma_wait3A_119 = arith.constant 0 : i32
      %dma_wait3A_120 = tpu.memref_slice %arg8[%add3A_25, %dma_wait3A_119] : memref<10240x128xf32, #tpu.memory_space<vmem_shared>> -> memref<128x128xf32, #tpu.memory_space<vmem_shared>>
      tpu.wait_dma2 semaphore(%run_scoped3A : memref<!tpu.dma_semaphore, #tpu.memory_space<semaphore_mem>>) src(%arg6 : memref<128x128xf32, #tpu.memory_space<vmem>>) dst(%dma_wait3A_120 : memref<128x128xf32, #tpu.memory_space<vmem_shared>>)
      tpu.yield
    }) : () -> ()
    %barrier3A = arith.constant 0 : index
    tpu.barrier barrier_id(%barrier3A)
    "tpu.region"() ({
      %run_scoped3A = tpu.sem_alloc : memref<!tpu.dma_semaphore, #tpu.memory_space<semaphore_mem>>
      %dma_start3A_113 = arith.constant 0 : i32
      %dma_start3A_114 = arith.constant 0 : i32
      %dma_start3A_115 = arith.constant 0 : i32
      %dma_start3A_116 = tpu.memref_slice %arg2[%add3A, %dma_start3A_113, %dma_start3A_114, %dma_start3A_115] : memref<32x80x2x128xi32, #tpu.memory_space<hbm>> -> memref<1x80x2x128xi32, #tpu.memory_space<hbm>>
      %dma_start3A_117 = tpu.memref_squeeze %dma_start3A_116 : memref<1x80x2x128xi32, #tpu.memory_space<hbm>> -> memref<80x2x128xi32, #tpu.memory_space<hbm>>
      %dma_start3A_118 = arith.constant 0 : i32
      %dma_start3A_119 = arith.constant 0 : i32
      %dma_start3A_120 = arith.constant 0 : i32
      %dma_start3A_121 = tpu.memref_slice %dma_start3A_117[%dma_start3A_118, %dma_start3A_119, %dma_start3A_120] : memref<80x2x128xi32, #tpu.memory_space<hbm>> -> memref<40x2x128xi32, #tpu.memory_space<hbm>>
      %dma_start3A_122 = arith.constant 0 : i32
      %dma_start3A_123 = arith.constant 0 : i32
      %dma_start3A_124 = arith.constant 0 : i32
      %dma_start3A_125 = tpu.memref_slice %arg2[%add3A, %dma_start3A_122, %dma_start3A_123, %dma_start3A_124] : memref<32x80x2x128xi32, #tpu.memory_space<hbm>> -> memref<1x80x2x128xi32, #tpu.memory_space<hbm>>
      %dma_start3A_126 = tpu.memref_squeeze %dma_start3A_125 : memref<1x80x2x128xi32, #tpu.memory_space<hbm>> -> memref<80x2x128xi32, #tpu.memory_space<hbm>>
      %dma_start3A_127 = arith.constant 0 : i32
      %dma_start3A_128 = arith.constant 0 : i32
      %dma_start3A_129 = arith.constant 0 : i32
      %dma_start3A_130 = tpu.memref_slice %dma_start3A_126[%dma_start3A_127, %dma_start3A_128, %dma_start3A_129] : memref<80x2x128xi32, #tpu.memory_space<hbm>> -> memref<40x2x128xi32, #tpu.memory_space<hbm>>
      tpu.enqueue_dma source(%dma_start3A_130 : memref<40x2x128xi32, #tpu.memory_space<hbm>>) target(%arg5 : memref<40x2x128xi32, #tpu.memory_space<vmem>>) target_semaphore(%run_scoped3A : memref<!tpu.dma_semaphore, #tpu.memory_space<semaphore_mem>>)
      %dma_wait3A_131 = arith.constant 0 : i32
      %dma_wait3A_132 = arith.constant 0 : i32
      %dma_wait3A_133 = arith.constant 0 : i32
      %dma_wait3A_134 = tpu.memref_slice %arg2[%add3A, %dma_wait3A_131, %dma_wait3A_132, %dma_wait3A_133] : memref<32x80x2x128xi32, #tpu.memory_space<hbm>> -> memref<1x80x2x128xi32, #tpu.memory_space<hbm>>
      %dma_wait3A_135 = tpu.memref_squeeze %dma_wait3A_134 : memref<1x80x2x128xi32, #tpu.memory_space<hbm>> -> memref<80x2x128xi32, #tpu.memory_space<hbm>>
      %dma_wait3A_136 = arith.constant 0 : i32
      %dma_wait3A_137 = arith.constant 0 : i32
      %dma_wait3A_138 = arith.constant 0 : i32
      %dma_wait3A_139 = tpu.memref_slice %dma_wait3A_135[%dma_wait3A_136, %dma_wait3A_137, %dma_wait3A_138] : memref<80x2x128xi32, #tpu.memory_space<hbm>> -> memref<40x2x128xi32, #tpu.memory_space<hbm>>
      %dma_wait3A_140 = arith.constant 0 : i32
      %dma_wait3A_141 = arith.constant 0 : i32
      %dma_wait3A_142 = arith.constant 0 : i32
      %dma_wait3A_143 = tpu.memref_slice %arg2[%add3A, %dma_wait3A_140, %dma_wait3A_141, %dma_wait3A_142] : memref<32x80x2x128xi32, #tpu.memory_space<hbm>> -> memref<1x80x2x128xi32, #tpu.memory_space<hbm>>
      %dma_wait3A_144 = tpu.memref_squeeze %dma_wait3A_143 : memref<1x80x2x128xi32, #tpu.memory_space<hbm>> -> memref<80x2x128xi32, #tpu.memory_space<hbm>>
      %dma_wait3A_145 = arith.constant 0 : i32
      %dma_wait3A_146 = arith.constant 0 : i32
      %dma_wait3A_147 = arith.constant 0 : i32
      %dma_wait3A_148 = tpu.memref_slice %dma_wait3A_144[%dma_wait3A_145, %dma_wait3A_146, %dma_wait3A_147] : memref<80x2x128xi32, #tpu.memory_space<hbm>> -> memref<40x2x128xi32, #tpu.memory_space<hbm>>
      tpu.wait_dma2 semaphore(%run_scoped3A : memref<!tpu.dma_semaphore, #tpu.memory_space<semaphore_mem>>) src(%dma_wait3A_148 : memref<40x2x128xi32, #tpu.memory_space<hbm>>) dst(%arg5 : memref<40x2x128xi32, #tpu.memory_space<vmem>>)
      tpu.yield
    }) : () -> ()
    %scan3A_26 = arith.constant 0 : i32
    %scan3A_27 = arith.constant 40 : i32
    %scan3A_28 = arith.addi %scan3A_26, %scan3A_27 : i32
    %scan3A_29 = arith.constant 1 : i32
    scf.for %scan3A_113 = %scan3A_26 to %scan3A_28 step %scan3A_29  : i32 {
      %get3A = arith.constant 0 : i32
      %get3A_114 = arith.index_cast %scan3A_113 : i32 to index
      %get3A_115 = arith.index_cast %get3A : i32 to index
      %get3A_116 = arith.constant 0 : index
      %get3A_117 = tpu.vector_load %arg5[%get3A_114, %get3A_115, %get3A_116] {strides = array<i32>} : memref<40x2x128xi32, #tpu.memory_space<vmem>>, vector<16xi32>,
      %get3A_118 = arith.constant 1 : i32
      %get3A_119 = arith.index_cast %scan3A_113 : i32 to index
      %get3A_120 = arith.index_cast %get3A_118 : i32 to index
      %get3A_121 = arith.constant 0 : index
      %get3A_122 = tpu.vector_load %arg5[%get3A_119, %get3A_120, %get3A_121] {strides = array<i32>} : memref<40x2x128xi32, #tpu.memory_space<vmem>>, vector<16xi32>,
      %eq3A = arith.cmpi eq, %get3A_117, %get3A_122 : vector<16xi32>
      %jit3A = arith.constant 10000 : i32
      %broadcast_in_dim3A_123 = vector.broadcast %jit3A : i32 to vector<16xi32>
      %select_n3A = arith.select %eq3A, %broadcast_in_dim3A_123, %get3A_117 : vector<16xi1>, vector<16xi32>
      %swap3A = arith.constant 0 : i32
      %swap3A_124 = arith.index_cast %scan3A_113 : i32 to index
      %swap3A_125 = arith.index_cast %swap3A : i32 to index
      %swap3A_126 = arith.constant 0 : index
      %swap3A_127 = tpu.vector_load %arg5[%swap3A_124, %swap3A_125, %swap3A_126] {strides = array<i32>} : memref<40x2x128xi32, #tpu.memory_space<vmem>>, vector<16xi32>,
      tpu.vector_store %arg5[%swap3A_124, %swap3A_125, %swap3A_126], %select_n3A {strides = array<i32>} : memref<40x2x128xi32, #tpu.memory_space<vmem>>, vector<16xi32>,
      %get3A_128 = arith.constant 0 : i32
      %get3A_129 = arith.index_cast %scan3A_113 : i32 to index
      %get3A_130 = arith.index_cast %get3A_128 : i32 to index
      %get3A_131 = arith.constant 16 : index
      %get3A_132 = tpu.vector_load %arg5[%get3A_129, %get3A_130, %get3A_131] {strides = array<i32>} : memref<40x2x128xi32, #tpu.memory_space<vmem>>, vector<16xi32>,
      %get3A_133 = arith.constant 1 : i32
      %get3A_134 = arith.index_cast %scan3A_113 : i32 to index
      %get3A_135 = arith.index_cast %get3A_133 : i32 to index
      %get3A_136 = arith.constant 16 : index
      %get3A_137 = tpu.vector_load %arg5[%get3A_134, %get3A_135, %get3A_136] {strides = array<i32>} : memref<40x2x128xi32, #tpu.memory_space<vmem>>, vector<16xi32>,
      %eq3A_138 = arith.cmpi eq, %get3A_132, %get3A_137 : vector<16xi32>
      %jit3A_139 = arith.constant 10000 : i32
      %broadcast_in_dim3A_140 = vector.broadcast %jit3A_139 : i32 to vector<16xi32>
      %select_n3A_141 = arith.select %eq3A_138, %broadcast_in_dim3A_140, %get3A_132 : vector<16xi1>, vector<16xi32>
      %swap3A_142 = arith.constant 0 : i32
      %swap3A_143 = arith.index_cast %scan3A_113 : i32 to index
      %swap3A_144 = arith.index_cast %swap3A_142 : i32 to index
      %swap3A_145 = arith.constant 16 : index
      %swap3A_146 = tpu.vector_load %arg5[%swap3A_143, %swap3A_144, %swap3A_145] {strides = array<i32>} : memref<40x2x128xi32, #tpu.memory_space<vmem>>, vector<16xi32>,
      tpu.vector_store %arg5[%swap3A_143, %swap3A_144, %swap3A_145], %select_n3A_141 {strides = array<i32>} : memref<40x2x128xi32, #tpu.memory_space<vmem>>, vector<16xi32>,
      %get3A_147 = arith.constant 0 : i32
      %get3A_148 = arith.index_cast %scan3A_113 : i32 to index
      %get3A_149 = arith.index_cast %get3A_147 : i32 to index
      %get3A_150 = arith.constant 32 : index
      %get3A_151 = tpu.vector_load %arg5[%get3A_148, %get3A_149, %get3A_150] {strides = array<i32>} : memref<40x2x128xi32, #tpu.memory_space<vmem>>, vector<16xi32>,
      %get3A_152 = arith.constant 1 : i32
      %get3A_153 = arith.index_cast %scan3A_113 : i32 to index
      %get3A_154 = arith.index_cast %get3A_152 : i32 to index
      %get3A_155 = arith.constant 32 : index
      %get3A_156 = tpu.vector_load %arg5[%get3A_153, %get3A_154, %get3A_155] {strides = array<i32>} : memref<40x2x128xi32, #tpu.memory_space<vmem>>, vector<16xi32>,
      %eq3A_157 = arith.cmpi eq, %get3A_151, %get3A_156 : vector<16xi32>
      %jit3A_158 = arith.constant 10000 : i32
      %broadcast_in_dim3A_159 = vector.broadcast %jit3A_158 : i32 to vector<16xi32>
      %select_n3A_160 = arith.select %eq3A_157, %broadcast_in_dim3A_159, %get3A_151 : vector<16xi1>, vector<16xi32>
      %swap3A_161 = arith.constant 0 : i32
      %swap3A_162 = arith.index_cast %scan3A_113 : i32 to index
      %swap3A_163 = arith.index_cast %swap3A_161 : i32 to index
      %swap3A_164 = arith.constant 32 : index
      %swap3A_165 = tpu.vector_load %arg5[%swap3A_162, %swap3A_163, %swap3A_164] {strides = array<i32>} : memref<40x2x128xi32, #tpu.memory_space<vmem>>, vector<16xi32>,
      tpu.vector_store %arg5[%swap3A_162, %swap3A_163, %swap3A_164], %select_n3A_160 {strides = array<i32>} : memref<40x2x128xi32, #tpu.memory_space<vmem>>, vector<16xi32>,
      %get3A_166 = arith.constant 0 : i32
      %get3A_167 = arith.index_cast %scan3A_113 : i32 to index
      %get3A_168 = arith.index_cast %get3A_166 : i32 to index
      %get3A_169 = arith.constant 48 : index
      %get3A_170 = tpu.vector_load %arg5[%get3A_167, %get3A_168, %get3A_169] {strides = array<i32>} : memref<40x2x128xi32, #tpu.memory_space<vmem>>, vector<16xi32>,
      %get3A_171 = arith.constant 1 : i32
      %get3A_172 = arith.index_cast %scan3A_113 : i32 to index
      %get3A_173 = arith.index_cast %get3A_171 : i32 to index
      %get3A_174 = arith.constant 48 : index
      %get3A_175 = tpu.vector_load %arg5[%get3A_172, %get3A_173, %get3A_174] {strides = array<i32>} : memref<40x2x128xi32, #tpu.memory_space<vmem>>, vector<16xi32>,
      %eq3A_176 = arith.cmpi eq, %get3A_170, %get3A_175 : vector<16xi32>
      %jit3A_177 = arith.constant 10000 : i32
      %broadcast_in_dim3A_178 = vector.broadcast %jit3A_177 : i32 to vector<16xi32>
      %select_n3A_179 = arith.select %eq3A_176, %broadcast_in_dim3A_178, %get3A_170 : vector<16xi1>, vector<16xi32>
      %swap3A_180 = arith.constant 0 : i32
      %swap3A_181 = arith.index_cast %scan3A_113 : i32 to index
      %swap3A_182 = arith.index_cast %swap3A_180 : i32 to index
      %swap3A_183 = arith.constant 48 : index
      %swap3A_184 = tpu.vector_load %arg5[%swap3A_181, %swap3A_182, %swap3A_183] {strides = array<i32>} : memref<40x2x128xi32, #tpu.memory_space<vmem>>, vector<16xi32>,
      tpu.vector_store %arg5[%swap3A_181, %swap3A_182, %swap3A_183], %select_n3A_179 {strides = array<i32>} : memref<40x2x128xi32, #tpu.memory_space<vmem>>, vector<16xi32>,
      %get3A_185 = arith.constant 0 : i32
      %get3A_186 = arith.index_cast %scan3A_113 : i32 to index
      %get3A_187 = arith.index_cast %get3A_185 : i32 to index
      %get3A_188 = arith.constant 64 : index
      %get3A_189 = tpu.vector_load %arg5[%get3A_186, %get3A_187, %get3A_188] {strides = array<i32>} : memref<40x2x128xi32, #tpu.memory_space<vmem>>, vector<16xi32>,
      %get3A_190 = arith.constant 1 : i32
      %get3A_191 = arith.index_cast %scan3A_113 : i32 to index
      %get3A_192 = arith.index_cast %get3A_190 : i32 to index
      %get3A_193 = arith.constant 64 : index
      %get3A_194 = tpu.vector_load %arg5[%get3A_191, %get3A_192, %get3A_193] {strides = array<i32>} : memref<40x2x128xi32, #tpu.memory_space<vmem>>, vector<16xi32>,
      %eq3A_195 = arith.cmpi eq, %get3A_189, %get3A_194 : vector<16xi32>
      %jit3A_196 = arith.constant 10000 : i32
      %broadcast_in_dim3A_197 = vector.broadcast %jit3A_196 : i32 to vector<16xi32>
      %select_n3A_198 = arith.select %eq3A_195, %broadcast_in_dim3A_197, %get3A_189 : vector<16xi1>, vector<16xi32>
      %swap3A_199 = arith.constant 0 : i32
      %swap3A_200 = arith.index_cast %scan3A_113 : i32 to index
      %swap3A_201 = arith.index_cast %swap3A_199 : i32 to index
      %swap3A_202 = arith.constant 64 : index
      %swap3A_203 = tpu.vector_load %arg5[%swap3A_200, %swap3A_201, %swap3A_202] {strides = array<i32>} : memref<40x2x128xi32, #tpu.memory_space<vmem>>, vector<16xi32>,
      tpu.vector_store %arg5[%swap3A_200, %swap3A_201, %swap3A_202], %select_n3A_198 {strides = array<i32>} : memref<40x2x128xi32, #tpu.memory_space<vmem>>, vector<16xi32>,
      %get3A_204 = arith.constant 0 : i32
      %get3A_205 = arith.index_cast %scan3A_113 : i32 to index
      %get3A_206 = arith.index_cast %get3A_204 : i32 to index
      %get3A_207 = arith.constant 80 : index
      %get3A_208 = tpu.vector_load %arg5[%get3A_205, %get3A_206, %get3A_207] {strides = array<i32>} : memref<40x2x128xi32, #tpu.memory_space<vmem>>, vector<16xi32>,
      %get3A_209 = arith.constant 1 : i32
      %get3A_210 = arith.index_cast %scan3A_113 : i32 to index
      %get3A_211 = arith.index_cast %get3A_209 : i32 to index
      %get3A_212 = arith.constant 80 : index
      %get3A_213 = tpu.vector_load %arg5[%get3A_210, %get3A_211, %get3A_212] {strides = array<i32>} : memref<40x2x128xi32, #tpu.memory_space<vmem>>, vector<16xi32>,
      %eq3A_214 = arith.cmpi eq, %get3A_208, %get3A_213 : vector<16xi32>
      %jit3A_215 = arith.constant 10000 : i32
      %broadcast_in_dim3A_216 = vector.broadcast %jit3A_215 : i32 to vector<16xi32>
      %select_n3A_217 = arith.select %eq3A_214, %broadcast_in_dim3A_216, %get3A_208 : vector<16xi1>, vector<16xi32>
      %swap3A_218 = arith.constant 0 : i32
      %swap3A_219 = arith.index_cast %scan3A_113 : i32 to index
      %swap3A_220 = arith.index_cast %swap3A_218 : i32 to index
      %swap3A_221 = arith.constant 80 : index
      %swap3A_222 = tpu.vector_load %arg5[%swap3A_219, %swap3A_220, %swap3A_221] {strides = array<i32>} : memref<40x2x128xi32, #tpu.memory_space<vmem>>, vector<16xi32>,
      tpu.vector_store %arg5[%swap3A_219, %swap3A_220, %swap3A_221], %select_n3A_217 {strides = array<i32>} : memref<40x2x128xi32, #tpu.memory_space<vmem>>, vector<16xi32>,
      %get3A_223 = arith.constant 0 : i32
      %get3A_224 = arith.index_cast %scan3A_113 : i32 to index
      %get3A_225 = arith.index_cast %get3A_223 : i32 to index
      %get3A_226 = arith.constant 96 : index
      %get3A_227 = tpu.vector_load %arg5[%get3A_224, %get3A_225, %get3A_226] {strides = array<i32>} : memref<40x2x128xi32, #tpu.memory_space<vmem>>, vector<16xi32>,
      %get3A_228 = arith.constant 1 : i32
      %get3A_229 = arith.index_cast %scan3A_113 : i32 to index
      %get3A_230 = arith.index_cast %get3A_228 : i32 to index
      %get3A_231 = arith.constant 96 : index
      %get3A_232 = tpu.vector_load %arg5[%get3A_229, %get3A_230, %get3A_231] {strides = array<i32>} : memref<40x2x128xi32, #tpu.memory_space<vmem>>, vector<16xi32>,
      %eq3A_233 = arith.cmpi eq, %get3A_227, %get3A_232 : vector<16xi32>
      %jit3A_234 = arith.constant 10000 : i32
      %broadcast_in_dim3A_235 = vector.broadcast %jit3A_234 : i32 to vector<16xi32>
      %select_n3A_236 = arith.select %eq3A_233, %broadcast_in_dim3A_235, %get3A_227 : vector<16xi1>, vector<16xi32>
      %swap3A_237 = arith.constant 0 : i32
      %swap3A_238 = arith.index_cast %scan3A_113 : i32 to index
      %swap3A_239 = arith.index_cast %swap3A_237 : i32 to index
      %swap3A_240 = arith.constant 96 : index
      %swap3A_241 = tpu.vector_load %arg5[%swap3A_238, %swap3A_239, %swap3A_240] {strides = array<i32>} : memref<40x2x128xi32, #tpu.memory_space<vmem>>, vector<16xi32>,
      tpu.vector_store %arg5[%swap3A_238, %swap3A_239, %swap3A_240], %select_n3A_236 {strides = array<i32>} : memref<40x2x128xi32, #tpu.memory_space<vmem>>, vector<16xi32>,
      %get3A_242 = arith.constant 0 : i32
      %get3A_243 = arith.index_cast %scan3A_113 : i32 to index
      %get3A_244 = arith.index_cast %get3A_242 : i32 to index
      %get3A_245 = arith.constant 112 : index
      %get3A_246 = tpu.vector_load %arg5[%get3A_243, %get3A_244, %get3A_245] {strides = array<i32>} : memref<40x2x128xi32, #tpu.memory_space<vmem>>, vector<16xi32>,
      %get3A_247 = arith.constant 1 : i32
      %get3A_248 = arith.index_cast %scan3A_113 : i32 to index
      %get3A_249 = arith.index_cast %get3A_247 : i32 to index
      %get3A_250 = arith.constant 112 : index
      %get3A_251 = tpu.vector_load %arg5[%get3A_248, %get3A_249, %get3A_250] {strides = array<i32>} : memref<40x2x128xi32, #tpu.memory_space<vmem>>, vector<16xi32>,
      %eq3A_252 = arith.cmpi eq, %get3A_246, %get3A_251 : vector<16xi32>
      %jit3A_253 = arith.constant 10000 : i32
      %broadcast_in_dim3A_254 = vector.broadcast %jit3A_253 : i32 to vector<16xi32>
      %select_n3A_255 = arith.select %eq3A_252, %broadcast_in_dim3A_254, %get3A_246 : vector<16xi1>, vector<16xi32>
      %swap3A_256 = arith.constant 0 : i32
      %swap3A_257 = arith.index_cast %scan3A_113 : i32 to index
      %swap3A_258 = arith.index_cast %swap3A_256 : i32 to index
      %swap3A_259 = arith.constant 112 : index
      %swap3A_260 = tpu.vector_load %arg5[%swap3A_257, %swap3A_258, %swap3A_259] {strides = array<i32>} : memref<40x2x128xi32, #tpu.memory_space<vmem>>, vector<16xi32>,
      tpu.vector_store %arg5[%swap3A_257, %swap3A_258, %swap3A_259], %select_n3A_255 {strides = array<i32>} : memref<40x2x128xi32, #tpu.memory_space<vmem>>, vector<16xi32>,
    }
    %scan3A_30 = arith.constant 40 : i32
    %dma_start3A = arith.constant 0 : i32
    %dma_start3A_31 = arith.constant 0 : i32
    %dma_start3A_32 = arith.constant 0 : i32
    %dma_start3A_33 = tpu.memref_slice %arg5[%dma_start3A, %dma_start3A_31, %dma_start3A_32] : memref<40x2x128xi32, #tpu.memory_space<vmem>> -> memref<1x1x128xi32, #tpu.memory_space<vmem>>
    %dma_start3A_34 = tpu.memref_squeeze %dma_start3A_33 : memref<1x1x128xi32, #tpu.memory_space<vmem>> -> memref<128xi32, #tpu.memory_space<vmem>>
    %dma_start3A_35 = arith.constant 0 : i32
    %dma_start3A_36 = arith.constant 0 : i32
    %dma_start3A_37 = tpu.memref_slice %arg3[%dma_start3A_35, %dma_start3A_36] : memref<10240x128xf32, #tpu.memory_space<hbm>> -> memref<10240x128xf32, #tpu.memory_space<hbm>>
    tpu.enqueue_indirect_dma source(%dma_start3A_37 : memref<10240x128xf32, #tpu.memory_space<hbm>>) target(%arg6 : memref<128x128xf32, #tpu.memory_space<vmem>>) offsets(%dma_start3A_34 : memref<128xi32, #tpu.memory_space<vmem>>) semaphore(%arg9 : memref<!tpu.dma_semaphore, #tpu.memory_space<semaphore_mem>>)
    %dma_start3A_38 = arith.constant 1 : i32
    %dma_start3A_39 = arith.constant 0 : i32
    %dma_start3A_40 = arith.constant 0 : i32
    %dma_start3A_41 = tpu.memref_slice %arg5[%dma_start3A_38, %dma_start3A_39, %dma_start3A_40] : memref<40x2x128xi32, #tpu.memory_space<vmem>> -> memref<1x1x128xi32, #tpu.memory_space<vmem>>
    %dma_start3A_42 = tpu.memref_squeeze %dma_start3A_41 : memref<1x1x128xi32, #tpu.memory_space<vmem>> -> memref<128xi32, #tpu.memory_space<vmem>>
    %dma_start3A_43 = arith.constant 0 : i32
    %dma_start3A_44 = arith.constant 0 : i32
    %dma_start3A_45 = tpu.memref_slice %arg3[%dma_start3A_43, %dma_start3A_44] : memref<10240x128xf32, #tpu.memory_space<hbm>> -> memref<10240x128xf32, #tpu.memory_space<hbm>>
    tpu.enqueue_indirect_dma source(%dma_start3A_45 : memref<10240x128xf32, #tpu.memory_space<hbm>>) target(%arg7 : memref<128x128xf32, #tpu.memory_space<vmem>>) offsets(%dma_start3A_42 : memref<128xi32, #tpu.memory_space<vmem>>) semaphore(%arg10 : memref<!tpu.dma_semaphore, #tpu.memory_space<semaphore_mem>>)
    %scan3A_46 = arith.constant 0 : i32
    %scan3A_47 = arith.constant 20 : i32
    %scan3A_48 = arith.addi %scan3A_46, %scan3A_47 : i32
    %scan3A_49 = arith.constant 1 : i32
    scf.for %scan3A_113 = %scan3A_46 to %scan3A_48 step %scan3A_49  : i32 {
      %mul3A_114 = arith.constant 2 : i32
      %mul3A_115 = arith.muli %mul3A_114, %scan3A_113 : i32
      %add3A_116 = arith.constant 1 : i32
      %add3A_117 = arith.addi %mul3A_115, %add3A_116 : i32
      %dma_wait3A_118 = arith.constant 0 : i32
      %dma_wait3A_119 = arith.constant 0 : i32
      %dma_wait3A_120 = tpu.memref_slice %arg5[%mul3A_115, %dma_wait3A_118, %dma_wait3A_119] : memref<40x2x128xi32, #tpu.memory_space<vmem>> -> memref<1x1x128xi32, #tpu.memory_space<vmem>>
      %dma_wait3A_121 = tpu.memref_squeeze %dma_wait3A_120 : memref<1x1x128xi32, #tpu.memory_space<vmem>> -> memref<128xi32, #tpu.memory_space<vmem>>
      %dma_wait3A_122 = arith.constant 0 : i32
      %dma_wait3A_123 = arith.constant 0 : i32
      %dma_wait3A_124 = tpu.memref_slice %arg3[%dma_wait3A_122, %dma_wait3A_123] : memref<10240x128xf32, #tpu.memory_space<hbm>> -> memref<10240x128xf32, #tpu.memory_space<hbm>>
      tpu.wait_indirect_dma semaphore(%arg9 : memref<!tpu.dma_semaphore, #tpu.memory_space<semaphore_mem>>) src(%dma_wait3A_124 : memref<10240x128xf32, #tpu.memory_space<hbm>>) dst(%arg6 : memref<128x128xf32, #tpu.memory_space<vmem>>)
      %dma_start3A_125 = arith.constant 1 : i32
      %dma_start3A_126 = arith.constant 0 : i32
      %dma_start3A_127 = tpu.memref_slice %arg5[%mul3A_115, %dma_start3A_125, %dma_start3A_126] : memref<40x2x128xi32, #tpu.memory_space<vmem>> -> memref<1x1x128xi32, #tpu.memory_space<vmem>>
      %dma_start3A_128 = tpu.memref_squeeze %dma_start3A_127 : memref<1x1x128xi32, #tpu.memory_space<vmem>> -> memref<128xi32, #tpu.memory_space<vmem>>
      %dma_start3A_129 = arith.constant 0 : i32
      %dma_start3A_130 = arith.constant 0 : i32
      %dma_start3A_131 = tpu.memref_slice %arg8[%dma_start3A_129, %dma_start3A_130] : memref<10240x128xf32, #tpu.memory_space<vmem_shared>> -> memref<10240x128xf32, #tpu.memory_space<vmem_shared>>
      tpu.enqueue_indirect_dma source(%arg6 : memref<128x128xf32, #tpu.memory_space<vmem>>) target(%dma_start3A_131 : memref<10240x128xf32, #tpu.memory_space<vmem_shared>>) offsets(%dma_start3A_128 : memref<128xi32, #tpu.memory_space<vmem>>) semaphore(%arg11 : memref<!tpu.dma_semaphore, #tpu.memory_space<semaphore_mem>>) {add = true}
      %dma_wait3A_132 = arith.constant 0 : i32
      %dma_wait3A_133 = arith.constant 0 : i32
      %dma_wait3A_134 = tpu.memref_slice %arg5[%add3A_117, %dma_wait3A_132, %dma_wait3A_133] : memref<40x2x128xi32, #tpu.memory_space<vmem>> -> memref<1x1x128xi32, #tpu.memory_space<vmem>>
      %dma_wait3A_135 = tpu.memref_squeeze %dma_wait3A_134 : memref<1x1x128xi32, #tpu.memory_space<vmem>> -> memref<128xi32, #tpu.memory_space<vmem>>
      %dma_wait3A_136 = arith.constant 0 : i32
      %dma_wait3A_137 = arith.constant 0 : i32
      %dma_wait3A_138 = tpu.memref_slice %arg3[%dma_wait3A_136, %dma_wait3A_137] : memref<10240x128xf32, #tpu.memory_space<hbm>> -> memref<10240x128xf32, #tpu.memory_space<hbm>>
      tpu.wait_indirect_dma semaphore(%arg10 : memref<!tpu.dma_semaphore, #tpu.memory_space<semaphore_mem>>) src(%dma_wait3A_138 : memref<10240x128xf32, #tpu.memory_space<hbm>>) dst(%arg7 : memref<128x128xf32, #tpu.memory_space<vmem>>)
      %dma_start3A_139 = arith.constant 1 : i32
      %dma_start3A_140 = arith.constant 0 : i32
      %dma_start3A_141 = tpu.memref_slice %arg5[%add3A_117, %dma_start3A_139, %dma_start3A_140] : memref<40x2x128xi32, #tpu.memory_space<vmem>> -> memref<1x1x128xi32, #tpu.memory_space<vmem>>
      %dma_start3A_142 = tpu.memref_squeeze %dma_start3A_141 : memref<1x1x128xi32, #tpu.memory_space<vmem>> -> memref<128xi32, #tpu.memory_space<vmem>>
      %dma_start3A_143 = arith.constant 0 : i32
      %dma_start3A_144 = arith.constant 0 : i32
      %dma_start3A_145 = tpu.memref_slice %arg8[%dma_start3A_143, %dma_start3A_144] : memref<10240x128xf32, #tpu.memory_space<vmem_shared>> -> memref<10240x128xf32, #tpu.memory_space<vmem_shared>>
      tpu.enqueue_indirect_dma source(%arg7 : memref<128x128xf32, #tpu.memory_space<vmem>>) target(%dma_start3A_145 : memref<10240x128xf32, #tpu.memory_space<vmem_shared>>) offsets(%dma_start3A_142 : memref<128xi32, #tpu.memory_space<vmem>>) semaphore(%arg12 : memref<!tpu.dma_semaphore, #tpu.memory_space<semaphore_mem>>) {add = true}
      %lt3A = arith.constant 19 : i32
      %lt3A_146 = arith.cmpi slt, %scan3A_113, %lt3A : i32
      %convert_element_type3A = arith.extui %lt3A_146 : i1 to i32
      %cond3A = arith.constant 0 : i32
      %cond3A_147 = arith.cmpi ne, %convert_element_type3A, %cond3A : i32
      scf.if %cond3A_147 {
        %dma_wait3A_148 = arith.constant 1 : i32
        %dma_wait3A_149 = arith.constant 0 : i32
        %dma_wait3A_150 = tpu.memref_slice %arg5[%mul3A_115, %dma_wait3A_148, %dma_wait3A_149] : memref<40x2x128xi32, #tpu.memory_space<vmem>> -> memref<1x1x128xi32, #tpu.memory_space<vmem>>
        %dma_wait3A_151 = tpu.memref_squeeze %dma_wait3A_150 : memref<1x1x128xi32, #tpu.memory_space<vmem>> -> memref<128xi32, #tpu.memory_space<vmem>>
        %dma_wait3A_152 = arith.constant 0 : i32
        %dma_wait3A_153 = arith.constant 0 : i32
        %dma_wait3A_154 = tpu.memref_slice %arg8[%dma_wait3A_152, %dma_wait3A_153] : memref<10240x128xf32, #tpu.memory_space<vmem_shared>> -> memref<10240x128xf32, #tpu.memory_space<vmem_shared>>
        tpu.wait_indirect_dma semaphore(%arg11 : memref<!tpu.dma_semaphore, #tpu.memory_space<semaphore_mem>>) src(%arg6 : memref<128x128xf32, #tpu.memory_space<vmem>>) dst(%dma_wait3A_154 : memref<10240x128xf32, #tpu.memory_space<vmem_shared>>)
        %add3A_155 = arith.constant 2 : i32
        %add3A_156 = arith.addi %mul3A_115, %add3A_155 : i32
        %dma_start3A_157 = arith.constant 0 : i32
        %dma_start3A_158 = arith.constant 0 : i32
        %dma_start3A_159 = tpu.memref_slice %arg5[%add3A_156, %dma_start3A_157, %dma_start3A_158] : memref<40x2x128xi32, #tpu.memory_space<vmem>> -> memref<1x1x128xi32, #tpu.memory_space<vmem>>
        %dma_start3A_160 = tpu.memref_squeeze %dma_start3A_159 : memref<1x1x128xi32, #tpu.memory_space<vmem>> -> memref<128xi32, #tpu.memory_space<vmem>>
        %dma_start3A_161 = arith.constant 0 : i32
        %dma_start3A_162 = arith.constant 0 : i32
        %dma_start3A_163 = tpu.memref_slice %arg3[%dma_start3A_161, %dma_start3A_162] : memref<10240x128xf32, #tpu.memory_space<hbm>> -> memref<10240x128xf32, #tpu.memory_space<hbm>>
        tpu.enqueue_indirect_dma source(%dma_start3A_163 : memref<10240x128xf32, #tpu.memory_space<hbm>>) target(%arg6 : memref<128x128xf32, #tpu.memory_space<vmem>>) offsets(%dma_start3A_160 : memref<128xi32, #tpu.memory_space<vmem>>) semaphore(%arg9 : memref<!tpu.dma_semaphore, #tpu.memory_space<semaphore_mem>>)
        %dma_wait3A_164 = arith.constant 1 : i32
        %dma_wait3A_165 = arith.constant 0 : i32
        %dma_wait3A_166 = tpu.memref_slice %arg5[%add3A_117, %dma_wait3A_164, %dma_wait3A_165] : memref<40x2x128xi32, #tpu.memory_space<vmem>> -> memref<1x1x128xi32, #tpu.memory_space<vmem>>
        %dma_wait3A_167 = tpu.memref_squeeze %dma_wait3A_166 : memref<1x1x128xi32, #tpu.memory_space<vmem>> -> memref<128xi32, #tpu.memory_space<vmem>>
        %dma_wait3A_168 = arith.constant 0 : i32
        %dma_wait3A_169 = arith.constant 0 : i32
        %dma_wait3A_170 = tpu.memref_slice %arg8[%dma_wait3A_168, %dma_wait3A_169] : memref<10240x128xf32, #tpu.memory_space<vmem_shared>> -> memref<10240x128xf32, #tpu.memory_space<vmem_shared>>
        tpu.wait_indirect_dma semaphore(%arg12 : memref<!tpu.dma_semaphore, #tpu.memory_space<semaphore_mem>>) src(%arg7 : memref<128x128xf32, #tpu.memory_space<vmem>>) dst(%dma_wait3A_170 : memref<10240x128xf32, #tpu.memory_space<vmem_shared>>)
        %add3A_171 = arith.constant 2 : i32
        %add3A_172 = arith.addi %add3A_117, %add3A_171 : i32
        %dma_start3A_173 = arith.constant 0 : i32
        %dma_start3A_174 = arith.constant 0 : i32
        %dma_start3A_175 = tpu.memref_slice %arg5[%add3A_172, %dma_start3A_173, %dma_start3A_174] : memref<40x2x128xi32, #tpu.memory_space<vmem>> -> memref<1x1x128xi32, #tpu.memory_space<vmem>>
        %dma_start3A_176 = tpu.memref_squeeze %dma_start3A_175 : memref<1x1x128xi32, #tpu.memory_space<vmem>> -> memref<128xi32, #tpu.memory_space<vmem>>
        %dma_start3A_177 = arith.constant 0 : i32
        %dma_start3A_178 = arith.constant 0 : i32
        %dma_start3A_179 = tpu.memref_slice %arg3[%dma_start3A_177, %dma_start3A_178] : memref<10240x128xf32, #tpu.memory_space<hbm>> -> memref<10240x128xf32, #tpu.memory_space<hbm>>
        tpu.enqueue_indirect_dma source(%dma_start3A_179 : memref<10240x128xf32, #tpu.memory_space<hbm>>) target(%arg7 : memref<128x128xf32, #tpu.memory_space<vmem>>) offsets(%dma_start3A_176 : memref<128xi32, #tpu.memory_space<vmem>>) semaphore(%arg10 : memref<!tpu.dma_semaphore, #tpu.memory_space<semaphore_mem>>)
      } else {
      }
    }
    %scan3A_50 = arith.constant 20 : i32
    %dma_wait3A = arith.constant 38 : i32
    %dma_wait3A_51 = arith.constant 1 : i32
    %dma_wait3A_52 = arith.constant 0 : i32
    %dma_wait3A_53 = tpu.memref_slice %arg5[%dma_wait3A, %dma_wait3A_51, %dma_wait3A_52] : memref<40x2x128xi32, #tpu.memory_space<vmem>> -> memref<1x1x128xi32, #tpu.memory_space<vmem>>
    %dma_wait3A_54 = tpu.memref_squeeze %dma_wait3A_53 : memref<1x1x128xi32, #tpu.memory_space<vmem>> -> memref<128xi32, #tpu.memory_space<vmem>>
    %dma_wait3A_55 = arith.constant 0 : i32
    %dma_wait3A_56 = arith.constant 0 : i32
    %dma_wait3A_57 = tpu.memref_slice %arg8[%dma_wait3A_55, %dma_wait3A_56] : memref<10240x128xf32, #tpu.memory_space<vmem_shared>> -> memref<10240x128xf32, #tpu.memory_space<vmem_shared>>
    tpu.wait_indirect_dma semaphore(%arg11 : memref<!tpu.dma_semaphore, #tpu.memory_space<semaphore_mem>>) src(%arg6 : memref<128x128xf32, #tpu.memory_space<vmem>>) dst(%dma_wait3A_57 : memref<10240x128xf32, #tpu.memory_space<vmem_shared>>)
    %dma_wait3A_58 = arith.constant 39 : i32
    %dma_wait3A_59 = arith.constant 1 : i32
    %dma_wait3A_60 = arith.constant 0 : i32
    %dma_wait3A_61 = tpu.memref_slice %arg5[%dma_wait3A_58, %dma_wait3A_59, %dma_wait3A_60] : memref<40x2x128xi32, #tpu.memory_space<vmem>> -> memref<1x1x128xi32, #tpu.memory_space<vmem>>
    %dma_wait3A_62 = tpu.memref_squeeze %dma_wait3A_61 : memref<1x1x128xi32, #tpu.memory_space<vmem>> -> memref<128xi32, #tpu.memory_space<vmem>>
    %dma_wait3A_63 = arith.constant 0 : i32
    %dma_wait3A_64 = arith.constant 0 : i32
    %dma_wait3A_65 = tpu.memref_slice %arg8[%dma_wait3A_63, %dma_wait3A_64] : memref<10240x128xf32, #tpu.memory_space<vmem_shared>> -> memref<10240x128xf32, #tpu.memory_space<vmem_shared>>
    tpu.wait_indirect_dma semaphore(%arg12 : memref<!tpu.dma_semaphore, #tpu.memory_space<semaphore_mem>>) src(%arg7 : memref<128x128xf32, #tpu.memory_space<vmem>>) dst(%dma_wait3A_65 : memref<10240x128xf32, #tpu.memory_space<vmem_shared>>)
    "tpu.region"() ({
      %run_scoped3A = tpu.sem_alloc : memref<!tpu.dma_semaphore, #tpu.memory_space<semaphore_mem>>
      %dma_start3A_113 = arith.constant 0 : i32
      %dma_start3A_114 = arith.constant 0 : i32
      %dma_start3A_115 = arith.constant 0 : i32
      %dma_start3A_116 = tpu.memref_slice %arg2[%add3A, %dma_start3A_113, %dma_start3A_114, %dma_start3A_115] : memref<32x80x2x128xi32, #tpu.memory_space<hbm>> -> memref<1x80x2x128xi32, #tpu.memory_space<hbm>>
      %dma_start3A_117 = tpu.memref_squeeze %dma_start3A_116 : memref<1x80x2x128xi32, #tpu.memory_space<hbm>> -> memref<80x2x128xi32, #tpu.memory_space<hbm>>
      %dma_start3A_118 = arith.constant 40 : i32
      %dma_start3A_119 = arith.constant 0 : i32
      %dma_start3A_120 = arith.constant 0 : i32
      %dma_start3A_121 = tpu.memref_slice %dma_start3A_117[%dma_start3A_118, %dma_start3A_119, %dma_start3A_120] : memref<80x2x128xi32, #tpu.memory_space<hbm>> -> memref<40x2x128xi32, #tpu.memory_space<hbm>>
      %dma_start3A_122 = arith.constant 0 : i32
      %dma_start3A_123 = arith.constant 0 : i32
      %dma_start3A_124 = arith.constant 0 : i32
      %dma_start3A_125 = tpu.memref_slice %arg2[%add3A, %dma_start3A_122, %dma_start3A_123, %dma_start3A_124] : memref<32x80x2x128xi32, #tpu.memory_space<hbm>> -> memref<1x80x2x128xi32, #tpu.memory_space<hbm>>
      %dma_start3A_126 = tpu.memref_squeeze %dma_start3A_125 : memref<1x80x2x128xi32, #tpu.memory_space<hbm>> -> memref<80x2x128xi32, #tpu.memory_space<hbm>>
      %dma_start3A_127 = arith.constant 40 : i32
      %dma_start3A_128 = arith.constant 0 : i32
      %dma_start3A_129 = arith.constant 0 : i32
      %dma_start3A_130 = tpu.memref_slice %dma_start3A_126[%dma_start3A_127, %dma_start3A_128, %dma_start3A_129] : memref<80x2x128xi32, #tpu.memory_space<hbm>> -> memref<40x2x128xi32, #tpu.memory_space<hbm>>
      tpu.enqueue_dma source(%dma_start3A_130 : memref<40x2x128xi32, #tpu.memory_space<hbm>>) target(%arg5 : memref<40x2x128xi32, #tpu.memory_space<vmem>>) target_semaphore(%run_scoped3A : memref<!tpu.dma_semaphore, #tpu.memory_space<semaphore_mem>>)
      %dma_wait3A_131 = arith.constant 0 : i32
      %dma_wait3A_132 = arith.constant 0 : i32
      %dma_wait3A_133 = arith.constant 0 : i32
      %dma_wait3A_134 = tpu.memref_slice %arg2[%add3A, %dma_wait3A_131, %dma_wait3A_132, %dma_wait3A_133] : memref<32x80x2x128xi32, #tpu.memory_space<hbm>> -> memref<1x80x2x128xi32, #tpu.memory_space<hbm>>
      %dma_wait3A_135 = tpu.memref_squeeze %dma_wait3A_134 : memref<1x80x2x128xi32, #tpu.memory_space<hbm>> -> memref<80x2x128xi32, #tpu.memory_space<hbm>>
      %dma_wait3A_136 = arith.constant 40 : i32
      %dma_wait3A_137 = arith.constant 0 : i32
      %dma_wait3A_138 = arith.constant 0 : i32
      %dma_wait3A_139 = tpu.memref_slice %dma_wait3A_135[%dma_wait3A_136, %dma_wait3A_137, %dma_wait3A_138] : memref<80x2x128xi32, #tpu.memory_space<hbm>> -> memref<40x2x128xi32, #tpu.memory_space<hbm>>
      %dma_wait3A_140 = arith.constant 0 : i32
      %dma_wait3A_141 = arith.constant 0 : i32
      %dma_wait3A_142 = arith.constant 0 : i32
      %dma_wait3A_143 = tpu.memref_slice %arg2[%add3A, %dma_wait3A_140, %dma_wait3A_141, %dma_wait3A_142] : memref<32x80x2x128xi32, #tpu.memory_space<hbm>> -> memref<1x80x2x128xi32, #tpu.memory_space<hbm>>
      %dma_wait3A_144 = tpu.memref_squeeze %dma_wait3A_143 : memref<1x80x2x128xi32, #tpu.memory_space<hbm>> -> memref<80x2x128xi32, #tpu.memory_space<hbm>>
      %dma_wait3A_145 = arith.constant 40 : i32
      %dma_wait3A_146 = arith.constant 0 : i32
      %dma_wait3A_147 = arith.constant 0 : i32
      %dma_wait3A_148 = tpu.memref_slice %dma_wait3A_144[%dma_wait3A_145, %dma_wait3A_146, %dma_wait3A_147] : memref<80x2x128xi32, #tpu.memory_space<hbm>> -> memref<40x2x128xi32, #tpu.memory_space<hbm>>
      tpu.wait_dma2 semaphore(%run_scoped3A : memref<!tpu.dma_semaphore, #tpu.memory_space<semaphore_mem>>) src(%dma_wait3A_148 : memref<40x2x128xi32, #tpu.memory_space<hbm>>) dst(%arg5 : memref<40x2x128xi32, #tpu.memory_space<vmem>>)
      tpu.yield
    }) : () -> ()
    %scan3A_66 = arith.constant 0 : i32
    %scan3A_67 = arith.constant 40 : i32
    %scan3A_68 = arith.addi %scan3A_66, %scan3A_67 : i32
    %scan3A_69 = arith.constant 1 : i32
    scf.for %scan3A_113 = %scan3A_66 to %scan3A_68 step %scan3A_69  : i32 {
      %get3A = arith.constant 0 : i32
      %get3A_114 = arith.index_cast %scan3A_113 : i32 to index
      %get3A_115 = arith.index_cast %get3A : i32 to index
      %get3A_116 = arith.constant 0 : index
      %get3A_117 = tpu.vector_load %arg5[%get3A_114, %get3A_115, %get3A_116] {strides = array<i32>} : memref<40x2x128xi32, #tpu.memory_space<vmem>>, vector<16xi32>,
      %get3A_118 = arith.constant 1 : i32
      %get3A_119 = arith.index_cast %scan3A_113 : i32 to index
      %get3A_120 = arith.index_cast %get3A_118 : i32 to index
      %get3A_121 = arith.constant 0 : index
      %get3A_122 = tpu.vector_load %arg5[%get3A_119, %get3A_120, %get3A_121] {strides = array<i32>} : memref<40x2x128xi32, #tpu.memory_space<vmem>>, vector<16xi32>,
      %eq3A = arith.cmpi eq, %get3A_117, %get3A_122 : vector<16xi32>
      %jit3A = arith.constant 10000 : i32
      %broadcast_in_dim3A_123 = vector.broadcast %jit3A : i32 to vector<16xi32>
      %select_n3A = arith.select %eq3A, %broadcast_in_dim3A_123, %get3A_117 : vector<16xi1>, vector<16xi32>
      %swap3A = arith.constant 0 : i32
      %swap3A_124 = arith.index_cast %scan3A_113 : i32 to index
      %swap3A_125 = arith.index_cast %swap3A : i32 to index
      %swap3A_126 = arith.constant 0 : index
      %swap3A_127 = tpu.vector_load %arg5[%swap3A_124, %swap3A_125, %swap3A_126] {strides = array<i32>} : memref<40x2x128xi32, #tpu.memory_space<vmem>>, vector<16xi32>,
      tpu.vector_store %arg5[%swap3A_124, %swap3A_125, %swap3A_126], %select_n3A {strides = array<i32>} : memref<40x2x128xi32, #tpu.memory_space<vmem>>, vector<16xi32>,
      %get3A_128 = arith.constant 0 : i32
      %get3A_129 = arith.index_cast %scan3A_113 : i32 to index
      %get3A_130 = arith.index_cast %get3A_128 : i32 to index
      %get3A_131 = arith.constant 16 : index
      %get3A_132 = tpu.vector_load %arg5[%get3A_129, %get3A_130, %get3A_131] {strides = array<i32>} : memref<40x2x128xi32, #tpu.memory_space<vmem>>, vector<16xi32>,
      %get3A_133 = arith.constant 1 : i32
      %get3A_134 = arith.index_cast %scan3A_113 : i32 to index
      %get3A_135 = arith.index_cast %get3A_133 : i32 to index
      %get3A_136 = arith.constant 16 : index
      %get3A_137 = tpu.vector_load %arg5[%get3A_134, %get3A_135, %get3A_136] {strides = array<i32>} : memref<40x2x128xi32, #tpu.memory_space<vmem>>, vector<16xi32>,
      %eq3A_138 = arith.cmpi eq, %get3A_132, %get3A_137 : vector<16xi32>
      %jit3A_139 = arith.constant 10000 : i32
      %broadcast_in_dim3A_140 = vector.broadcast %jit3A_139 : i32 to vector<16xi32>
      %select_n3A_141 = arith.select %eq3A_138, %broadcast_in_dim3A_140, %get3A_132 : vector<16xi1>, vector<16xi32>
      %swap3A_142 = arith.constant 0 : i32
      %swap3A_143 = arith.index_cast %scan3A_113 : i32 to index
      %swap3A_144 = arith.index_cast %swap3A_142 : i32 to index
      %swap3A_145 = arith.constant 16 : index
      %swap3A_146 = tpu.vector_load %arg5[%swap3A_143, %swap3A_144, %swap3A_145] {strides = array<i32>} : memref<40x2x128xi32, #tpu.memory_space<vmem>>, vector<16xi32>,
      tpu.vector_store %arg5[%swap3A_143, %swap3A_144, %swap3A_145], %select_n3A_141 {strides = array<i32>} : memref<40x2x128xi32, #tpu.memory_space<vmem>>, vector<16xi32>,
      %get3A_147 = arith.constant 0 : i32
      %get3A_148 = arith.index_cast %scan3A_113 : i32 to index
      %get3A_149 = arith.index_cast %get3A_147 : i32 to index
      %get3A_150 = arith.constant 32 : index
      %get3A_151 = tpu.vector_load %arg5[%get3A_148, %get3A_149, %get3A_150] {strides = array<i32>} : memref<40x2x128xi32, #tpu.memory_space<vmem>>, vector<16xi32>,
      %get3A_152 = arith.constant 1 : i32
      %get3A_153 = arith.index_cast %scan3A_113 : i32 to index
      %get3A_154 = arith.index_cast %get3A_152 : i32 to index
      %get3A_155 = arith.constant 32 : index
      %get3A_156 = tpu.vector_load %arg5[%get3A_153, %get3A_154, %get3A_155] {strides = array<i32>} : memref<40x2x128xi32, #tpu.memory_space<vmem>>, vector<16xi32>,
      %eq3A_157 = arith.cmpi eq, %get3A_151, %get3A_156 : vector<16xi32>
      %jit3A_158 = arith.constant 10000 : i32
      %broadcast_in_dim3A_159 = vector.broadcast %jit3A_158 : i32 to vector<16xi32>
      %select_n3A_160 = arith.select %eq3A_157, %broadcast_in_dim3A_159, %get3A_151 : vector<16xi1>, vector<16xi32>
      %swap3A_161 = arith.constant 0 : i32
      %swap3A_162 = arith.index_cast %scan3A_113 : i32 to index
      %swap3A_163 = arith.index_cast %swap3A_161 : i32 to index
      %swap3A_164 = arith.constant 32 : index
      %swap3A_165 = tpu.vector_load %arg5[%swap3A_162, %swap3A_163, %swap3A_164] {strides = array<i32>} : memref<40x2x128xi32, #tpu.memory_space<vmem>>, vector<16xi32>,
      tpu.vector_store %arg5[%swap3A_162, %swap3A_163, %swap3A_164], %select_n3A_160 {strides = array<i32>} : memref<40x2x128xi32, #tpu.memory_space<vmem>>, vector<16xi32>,
      %get3A_166 = arith.constant 0 : i32
      %get3A_167 = arith.index_cast %scan3A_113 : i32 to index
      %get3A_168 = arith.index_cast %get3A_166 : i32 to index
      %get3A_169 = arith.constant 48 : index
      %get3A_170 = tpu.vector_load %arg5[%get3A_167, %get3A_168, %get3A_169] {strides = array<i32>} : memref<40x2x128xi32, #tpu.memory_space<vmem>>, vector<16xi32>,
      %get3A_171 = arith.constant 1 : i32
      %get3A_172 = arith.index_cast %scan3A_113 : i32 to index
      %get3A_173 = arith.index_cast %get3A_171 : i32 to index
      %get3A_174 = arith.constant 48 : index
      %get3A_175 = tpu.vector_load %arg5[%get3A_172, %get3A_173, %get3A_174] {strides = array<i32>} : memref<40x2x128xi32, #tpu.memory_space<vmem>>, vector<16xi32>,
      %eq3A_176 = arith.cmpi eq, %get3A_170, %get3A_175 : vector<16xi32>
      %jit3A_177 = arith.constant 10000 : i32
      %broadcast_in_dim3A_178 = vector.broadcast %jit3A_177 : i32 to vector<16xi32>
      %select_n3A_179 = arith.select %eq3A_176, %broadcast_in_dim3A_178, %get3A_170 : vector<16xi1>, vector<16xi32>
      %swap3A_180 = arith.constant 0 : i32
      %swap3A_181 = arith.index_cast %scan3A_113 : i32 to index
      %swap3A_182 = arith.index_cast %swap3A_180 : i32 to index
      %swap3A_183 = arith.constant 48 : index
      %swap3A_184 = tpu.vector_load %arg5[%swap3A_181, %swap3A_182, %swap3A_183] {strides = array<i32>} : memref<40x2x128xi32, #tpu.memory_space<vmem>>, vector<16xi32>,
      tpu.vector_store %arg5[%swap3A_181, %swap3A_182, %swap3A_183], %select_n3A_179 {strides = array<i32>} : memref<40x2x128xi32, #tpu.memory_space<vmem>>, vector<16xi32>,
      %get3A_185 = arith.constant 0 : i32
      %get3A_186 = arith.index_cast %scan3A_113 : i32 to index
      %get3A_187 = arith.index_cast %get3A_185 : i32 to index
      %get3A_188 = arith.constant 64 : index
      %get3A_189 = tpu.vector_load %arg5[%get3A_186, %get3A_187, %get3A_188] {strides = array<i32>} : memref<40x2x128xi32, #tpu.memory_space<vmem>>, vector<16xi32>,
      %get3A_190 = arith.constant 1 : i32
      %get3A_191 = arith.index_cast %scan3A_113 : i32 to index
      %get3A_192 = arith.index_cast %get3A_190 : i32 to index
      %get3A_193 = arith.constant 64 : index
      %get3A_194 = tpu.vector_load %arg5[%get3A_191, %get3A_192, %get3A_193] {strides = array<i32>} : memref<40x2x128xi32, #tpu.memory_space<vmem>>, vector<16xi32>,
      %eq3A_195 = arith.cmpi eq, %get3A_189, %get3A_194 : vector<16xi32>
      %jit3A_196 = arith.constant 10000 : i32
      %broadcast_in_dim3A_197 = vector.broadcast %jit3A_196 : i32 to vector<16xi32>
      %select_n3A_198 = arith.select %eq3A_195, %broadcast_in_dim3A_197, %get3A_189 : vector<16xi1>, vector<16xi32>
      %swap3A_199 = arith.constant 0 : i32
      %swap3A_200 = arith.index_cast %scan3A_113 : i32 to index
      %swap3A_201 = arith.index_cast %swap3A_199 : i32 to index
      %swap3A_202 = arith.constant 64 : index
      %swap3A_203 = tpu.vector_load %arg5[%swap3A_200, %swap3A_201, %swap3A_202] {strides = array<i32>} : memref<40x2x128xi32, #tpu.memory_space<vmem>>, vector<16xi32>,
      tpu.vector_store %arg5[%swap3A_200, %swap3A_201, %swap3A_202], %select_n3A_198 {strides = array<i32>} : memref<40x2x128xi32, #tpu.memory_space<vmem>>, vector<16xi32>,
      %get3A_204 = arith.constant 0 : i32
      %get3A_205 = arith.index_cast %scan3A_113 : i32 to index
      %get3A_206 = arith.index_cast %get3A_204 : i32 to index
      %get3A_207 = arith.constant 80 : index
      %get3A_208 = tpu.vector_load %arg5[%get3A_205, %get3A_206, %get3A_207] {strides = array<i32>} : memref<40x2x128xi32, #tpu.memory_space<vmem>>, vector<16xi32>,
      %get3A_209 = arith.constant 1 : i32
      %get3A_210 = arith.index_cast %scan3A_113 : i32 to index
      %get3A_211 = arith.index_cast %get3A_209 : i32 to index
      %get3A_212 = arith.constant 80 : index
      %get3A_213 = tpu.vector_load %arg5[%get3A_210, %get3A_211, %get3A_212] {strides = array<i32>} : memref<40x2x128xi32, #tpu.memory_space<vmem>>, vector<16xi32>,
      %eq3A_214 = arith.cmpi eq, %get3A_208, %get3A_213 : vector<16xi32>
      %jit3A_215 = arith.constant 10000 : i32
      %broadcast_in_dim3A_216 = vector.broadcast %jit3A_215 : i32 to vector<16xi32>
      %select_n3A_217 = arith.select %eq3A_214, %broadcast_in_dim3A_216, %get3A_208 : vector<16xi1>, vector<16xi32>
      %swap3A_218 = arith.constant 0 : i32
      %swap3A_219 = arith.index_cast %scan3A_113 : i32 to index
      %swap3A_220 = arith.index_cast %swap3A_218 : i32 to index
      %swap3A_221 = arith.constant 80 : index
      %swap3A_222 = tpu.vector_load %arg5[%swap3A_219, %swap3A_220, %swap3A_221] {strides = array<i32>} : memref<40x2x128xi32, #tpu.memory_space<vmem>>, vector<16xi32>,
      tpu.vector_store %arg5[%swap3A_219, %swap3A_220, %swap3A_221], %select_n3A_217 {strides = array<i32>} : memref<40x2x128xi32, #tpu.memory_space<vmem>>, vector<16xi32>,
      %get3A_223 = arith.constant 0 : i32
      %get3A_224 = arith.index_cast %scan3A_113 : i32 to index
      %get3A_225 = arith.index_cast %get3A_223 : i32 to index
      %get3A_226 = arith.constant 96 : index
      %get3A_227 = tpu.vector_load %arg5[%get3A_224, %get3A_225, %get3A_226] {strides = array<i32>} : memref<40x2x128xi32, #tpu.memory_space<vmem>>, vector<16xi32>,
      %get3A_228 = arith.constant 1 : i32
      %get3A_229 = arith.index_cast %scan3A_113 : i32 to index
      %get3A_230 = arith.index_cast %get3A_228 : i32 to index
      %get3A_231 = arith.constant 96 : index
      %get3A_232 = tpu.vector_load %arg5[%get3A_229, %get3A_230, %get3A_231] {strides = array<i32>} : memref<40x2x128xi32, #tpu.memory_space<vmem>>, vector<16xi32>,
      %eq3A_233 = arith.cmpi eq, %get3A_227, %get3A_232 : vector<16xi32>
      %jit3A_234 = arith.constant 10000 : i32
      %broadcast_in_dim3A_235 = vector.broadcast %jit3A_234 : i32 to vector<16xi32>
      %select_n3A_236 = arith.select %eq3A_233, %broadcast_in_dim3A_235, %get3A_227 : vector<16xi1>, vector<16xi32>
      %swap3A_237 = arith.constant 0 : i32
      %swap3A_238 = arith.index_cast %scan3A_113 : i32 to index
      %swap3A_239 = arith.index_cast %swap3A_237 : i32 to index
      %swap3A_240 = arith.constant 96 : index
      %swap3A_241 = tpu.vector_load %arg5[%swap3A_238, %swap3A_239, %swap3A_240] {strides = array<i32>} : memref<40x2x128xi32, #tpu.memory_space<vmem>>, vector<16xi32>,
      tpu.vector_store %arg5[%swap3A_238, %swap3A_239, %swap3A_240], %select_n3A_236 {strides = array<i32>} : memref<40x2x128xi32, #tpu.memory_space<vmem>>, vector<16xi32>,
      %get3A_242 = arith.constant 0 : i32
      %get3A_243 = arith.index_cast %scan3A_113 : i32 to index
      %get3A_244 = arith.index_cast %get3A_242 : i32 to index
      %get3A_245 = arith.constant 112 : index
      %get3A_246 = tpu.vector_load %arg5[%get3A_243, %get3A_244, %get3A_245] {strides = array<i32>} : memref<40x2x128xi32, #tpu.memory_space<vmem>>, vector<16xi32>,
      %get3A_247 = arith.constant 1 : i32
      %get3A_248 = arith.index_cast %scan3A_113 : i32 to index
      %get3A_249 = arith.index_cast %get3A_247 : i32 to index
      %get3A_250 = arith.constant 112 : index
      %get3A_251 = tpu.vector_load %arg5[%get3A_248, %get3A_249, %get3A_250] {strides = array<i32>} : memref<40x2x128xi32, #tpu.memory_space<vmem>>, vector<16xi32>,
      %eq3A_252 = arith.cmpi eq, %get3A_246, %get3A_251 : vector<16xi32>
      %jit3A_253 = arith.constant 10000 : i32
      %broadcast_in_dim3A_254 = vector.broadcast %jit3A_253 : i32 to vector<16xi32>
      %select_n3A_255 = arith.select %eq3A_252, %broadcast_in_dim3A_254, %get3A_246 : vector<16xi1>, vector<16xi32>
      %swap3A_256 = arith.constant 0 : i32
      %swap3A_257 = arith.index_cast %scan3A_113 : i32 to index
      %swap3A_258 = arith.index_cast %swap3A_256 : i32 to index
      %swap3A_259 = arith.constant 112 : index
      %swap3A_260 = tpu.vector_load %arg5[%swap3A_257, %swap3A_258, %swap3A_259] {strides = array<i32>} : memref<40x2x128xi32, #tpu.memory_space<vmem>>, vector<16xi32>,
      tpu.vector_store %arg5[%swap3A_257, %swap3A_258, %swap3A_259], %select_n3A_255 {strides = array<i32>} : memref<40x2x128xi32, #tpu.memory_space<vmem>>, vector<16xi32>,
    }
    %scan3A_70 = arith.constant 40 : i32
    %dma_start3A_71 = arith.constant 0 : i32
    %dma_start3A_72 = arith.constant 0 : i32
    %dma_start3A_73 = arith.constant 0 : i32
    %dma_start3A_74 = tpu.memref_slice %arg5[%dma_start3A_71, %dma_start3A_72, %dma_start3A_73] : memref<40x2x128xi32, #tpu.memory_space<vmem>> -> memref<1x1x128xi32, #tpu.memory_space<vmem>>
    %dma_start3A_75 = tpu.memref_squeeze %dma_start3A_74 : memref<1x1x128xi32, #tpu.memory_space<vmem>> -> memref<128xi32, #tpu.memory_space<vmem>>
    %dma_start3A_76 = arith.constant 0 : i32
    %dma_start3A_77 = arith.constant 0 : i32
    %dma_start3A_78 = tpu.memref_slice %arg3[%dma_start3A_76, %dma_start3A_77] : memref<10240x128xf32, #tpu.memory_space<hbm>> -> memref<10240x128xf32, #tpu.memory_space<hbm>>
    tpu.enqueue_indirect_dma source(%dma_start3A_78 : memref<10240x128xf32, #tpu.memory_space<hbm>>) target(%arg6 : memref<128x128xf32, #tpu.memory_space<vmem>>) offsets(%dma_start3A_75 : memref<128xi32, #tpu.memory_space<vmem>>) semaphore(%arg9 : memref<!tpu.dma_semaphore, #tpu.memory_space<semaphore_mem>>)
    %dma_start3A_79 = arith.constant 1 : i32
    %dma_start3A_80 = arith.constant 0 : i32
    %dma_start3A_81 = arith.constant 0 : i32
    %dma_start3A_82 = tpu.memref_slice %arg5[%dma_start3A_79, %dma_start3A_80, %dma_start3A_81] : memref<40x2x128xi32, #tpu.memory_space<vmem>> -> memref<1x1x128xi32, #tpu.memory_space<vmem>>
    %dma_start3A_83 = tpu.memref_squeeze %dma_start3A_82 : memref<1x1x128xi32, #tpu.memory_space<vmem>> -> memref<128xi32, #tpu.memory_space<vmem>>
    %dma_start3A_84 = arith.constant 0 : i32
    %dma_start3A_85 = arith.constant 0 : i32
    %dma_start3A_86 = tpu.memref_slice %arg3[%dma_start3A_84, %dma_start3A_85] : memref<10240x128xf32, #tpu.memory_space<hbm>> -> memref<10240x128xf32, #tpu.memory_space<hbm>>
    tpu.enqueue_indirect_dma source(%dma_start3A_86 : memref<10240x128xf32, #tpu.memory_space<hbm>>) target(%arg7 : memref<128x128xf32, #tpu.memory_space<vmem>>) offsets(%dma_start3A_83 : memref<128xi32, #tpu.memory_space<vmem>>) semaphore(%arg10 : memref<!tpu.dma_semaphore, #tpu.memory_space<semaphore_mem>>)
    %scan3A_87 = arith.constant 0 : i32
    %scan3A_88 = arith.constant 20 : i32
    %scan3A_89 = arith.addi %scan3A_87, %scan3A_88 : i32
    %scan3A_90 = arith.constant 1 : i32
    scf.for %scan3A_113 = %scan3A_87 to %scan3A_89 step %scan3A_90  : i32 {
      %mul3A_114 = arith.constant 2 : i32
      %mul3A_115 = arith.muli %mul3A_114, %scan3A_113 : i32
      %add3A_116 = arith.constant 1 : i32
      %add3A_117 = arith.addi %mul3A_115, %add3A_116 : i32
      %dma_wait3A_118 = arith.constant 0 : i32
      %dma_wait3A_119 = arith.constant 0 : i32
      %dma_wait3A_120 = tpu.memref_slice %arg5[%mul3A_115, %dma_wait3A_118, %dma_wait3A_119] : memref<40x2x128xi32, #tpu.memory_space<vmem>> -> memref<1x1x128xi32, #tpu.memory_space<vmem>>
      %dma_wait3A_121 = tpu.memref_squeeze %dma_wait3A_120 : memref<1x1x128xi32, #tpu.memory_space<vmem>> -> memref<128xi32, #tpu.memory_space<vmem>>
      %dma_wait3A_122 = arith.constant 0 : i32
      %dma_wait3A_123 = arith.constant 0 : i32
      %dma_wait3A_124 = tpu.memref_slice %arg3[%dma_wait3A_122, %dma_wait3A_123] : memref<10240x128xf32, #tpu.memory_space<hbm>> -> memref<10240x128xf32, #tpu.memory_space<hbm>>
      tpu.wait_indirect_dma semaphore(%arg9 : memref<!tpu.dma_semaphore, #tpu.memory_space<semaphore_mem>>) src(%dma_wait3A_124 : memref<10240x128xf32, #tpu.memory_space<hbm>>) dst(%arg6 : memref<128x128xf32, #tpu.memory_space<vmem>>)
      %dma_start3A_125 = arith.constant 1 : i32
      %dma_start3A_126 = arith.constant 0 : i32
      %dma_start3A_127 = tpu.memref_slice %arg5[%mul3A_115, %dma_start3A_125, %dma_start3A_126] : memref<40x2x128xi32, #tpu.memory_space<vmem>> -> memref<1x1x128xi32, #tpu.memory_space<vmem>>
      %dma_start3A_128 = tpu.memref_squeeze %dma_start3A_127 : memref<1x1x128xi32, #tpu.memory_space<vmem>> -> memref<128xi32, #tpu.memory_space<vmem>>
      %dma_start3A_129 = arith.constant 0 : i32
      %dma_start3A_130 = arith.constant 0 : i32
      %dma_start3A_131 = tpu.memref_slice %arg8[%dma_start3A_129, %dma_start3A_130] : memref<10240x128xf32, #tpu.memory_space<vmem_shared>> -> memref<10240x128xf32, #tpu.memory_space<vmem_shared>>
      tpu.enqueue_indirect_dma source(%arg6 : memref<128x128xf32, #tpu.memory_space<vmem>>) target(%dma_start3A_131 : memref<10240x128xf32, #tpu.memory_space<vmem_shared>>) offsets(%dma_start3A_128 : memref<128xi32, #tpu.memory_space<vmem>>) semaphore(%arg11 : memref<!tpu.dma_semaphore, #tpu.memory_space<semaphore_mem>>) {add = true}
      %dma_wait3A_132 = arith.constant 0 : i32
      %dma_wait3A_133 = arith.constant 0 : i32
      %dma_wait3A_134 = tpu.memref_slice %arg5[%add3A_117, %dma_wait3A_132, %dma_wait3A_133] : memref<40x2x128xi32, #tpu.memory_space<vmem>> -> memref<1x1x128xi32, #tpu.memory_space<vmem>>
      %dma_wait3A_135 = tpu.memref_squeeze %dma_wait3A_134 : memref<1x1x128xi32, #tpu.memory_space<vmem>> -> memref<128xi32, #tpu.memory_space<vmem>>
      %dma_wait3A_136 = arith.constant 0 : i32
      %dma_wait3A_137 = arith.constant 0 : i32
      %dma_wait3A_138 = tpu.memref_slice %arg3[%dma_wait3A_136, %dma_wait3A_137] : memref<10240x128xf32, #tpu.memory_space<hbm>> -> memref<10240x128xf32, #tpu.memory_space<hbm>>
      tpu.wait_indirect_dma semaphore(%arg10 : memref<!tpu.dma_semaphore, #tpu.memory_space<semaphore_mem>>) src(%dma_wait3A_138 : memref<10240x128xf32, #tpu.memory_space<hbm>>) dst(%arg7 : memref<128x128xf32, #tpu.memory_space<vmem>>)
      %dma_start3A_139 = arith.constant 1 : i32
      %dma_start3A_140 = arith.constant 0 : i32
      %dma_start3A_141 = tpu.memref_slice %arg5[%add3A_117, %dma_start3A_139, %dma_start3A_140] : memref<40x2x128xi32, #tpu.memory_space<vmem>> -> memref<1x1x128xi32, #tpu.memory_space<vmem>>
      %dma_start3A_142 = tpu.memref_squeeze %dma_start3A_141 : memref<1x1x128xi32, #tpu.memory_space<vmem>> -> memref<128xi32, #tpu.memory_space<vmem>>
      %dma_start3A_143 = arith.constant 0 : i32
      %dma_start3A_144 = arith.constant 0 : i32
      %dma_start3A_145 = tpu.memref_slice %arg8[%dma_start3A_143, %dma_start3A_144] : memref<10240x128xf32, #tpu.memory_space<vmem_shared>> -> memref<10240x128xf32, #tpu.memory_space<vmem_shared>>
      tpu.enqueue_indirect_dma source(%arg7 : memref<128x128xf32, #tpu.memory_space<vmem>>) target(%dma_start3A_145 : memref<10240x128xf32, #tpu.memory_space<vmem_shared>>) offsets(%dma_start3A_142 : memref<128xi32, #tpu.memory_space<vmem>>) semaphore(%arg12 : memref<!tpu.dma_semaphore, #tpu.memory_space<semaphore_mem>>) {add = true}
      %lt3A = arith.constant 19 : i32
      %lt3A_146 = arith.cmpi slt, %scan3A_113, %lt3A : i32
      %convert_element_type3A = arith.extui %lt3A_146 : i1 to i32
      %cond3A = arith.constant 0 : i32
      %cond3A_147 = arith.cmpi ne, %convert_element_type3A, %cond3A : i32
      scf.if %cond3A_147 {
        %dma_wait3A_148 = arith.constant 1 : i32
        %dma_wait3A_149 = arith.constant 0 : i32
        %dma_wait3A_150 = tpu.memref_slice %arg5[%mul3A_115, %dma_wait3A_148, %dma_wait3A_149] : memref<40x2x128xi32, #tpu.memory_space<vmem>> -> memref<1x1x128xi32, #tpu.memory_space<vmem>>
        %dma_wait3A_151 = tpu.memref_squeeze %dma_wait3A_150 : memref<1x1x128xi32, #tpu.memory_space<vmem>> -> memref<128xi32, #tpu.memory_space<vmem>>
        %dma_wait3A_152 = arith.constant 0 : i32
        %dma_wait3A_153 = arith.constant 0 : i32
        %dma_wait3A_154 = tpu.memref_slice %arg8[%dma_wait3A_152, %dma_wait3A_153] : memref<10240x128xf32, #tpu.memory_space<vmem_shared>> -> memref<10240x128xf32, #tpu.memory_space<vmem_shared>>
        tpu.wait_indirect_dma semaphore(%arg11 : memref<!tpu.dma_semaphore, #tpu.memory_space<semaphore_mem>>) src(%arg6 : memref<128x128xf32, #tpu.memory_space<vmem>>) dst(%dma_wait3A_154 : memref<10240x128xf32, #tpu.memory_space<vmem_shared>>)
        %add3A_155 = arith.constant 2 : i32
        %add3A_156 = arith.addi %mul3A_115, %add3A_155 : i32
        %dma_start3A_157 = arith.constant 0 : i32
        %dma_start3A_158 = arith.constant 0 : i32
        %dma_start3A_159 = tpu.memref_slice %arg5[%add3A_156, %dma_start3A_157, %dma_start3A_158] : memref<40x2x128xi32, #tpu.memory_space<vmem>> -> memref<1x1x128xi32, #tpu.memory_space<vmem>>
        %dma_start3A_160 = tpu.memref_squeeze %dma_start3A_159 : memref<1x1x128xi32, #tpu.memory_space<vmem>> -> memref<128xi32, #tpu.memory_space<vmem>>
        %dma_start3A_161 = arith.constant 0 : i32
        %dma_start3A_162 = arith.constant 0 : i32
        %dma_start3A_163 = tpu.memref_slice %arg3[%dma_start3A_161, %dma_start3A_162] : memref<10240x128xf32, #tpu.memory_space<hbm>> -> memref<10240x128xf32, #tpu.memory_space<hbm>>
        tpu.enqueue_indirect_dma source(%dma_start3A_163 : memref<10240x128xf32, #tpu.memory_space<hbm>>) target(%arg6 : memref<128x128xf32, #tpu.memory_space<vmem>>) offsets(%dma_start3A_160 : memref<128xi32, #tpu.memory_space<vmem>>) semaphore(%arg9 : memref<!tpu.dma_semaphore, #tpu.memory_space<semaphore_mem>>)
        %dma_wait3A_164 = arith.constant 1 : i32
        %dma_wait3A_165 = arith.constant 0 : i32
        %dma_wait3A_166 = tpu.memref_slice %arg5[%add3A_117, %dma_wait3A_164, %dma_wait3A_165] : memref<40x2x128xi32, #tpu.memory_space<vmem>> -> memref<1x1x128xi32, #tpu.memory_space<vmem>>
        %dma_wait3A_167 = tpu.memref_squeeze %dma_wait3A_166 : memref<1x1x128xi32, #tpu.memory_space<vmem>> -> memref<128xi32, #tpu.memory_space<vmem>>
        %dma_wait3A_168 = arith.constant 0 : i32
        %dma_wait3A_169 = arith.constant 0 : i32
        %dma_wait3A_170 = tpu.memref_slice %arg8[%dma_wait3A_168, %dma_wait3A_169] : memref<10240x128xf32, #tpu.memory_space<vmem_shared>> -> memref<10240x128xf32, #tpu.memory_space<vmem_shared>>
        tpu.wait_indirect_dma semaphore(%arg12 : memref<!tpu.dma_semaphore, #tpu.memory_space<semaphore_mem>>) src(%arg7 : memref<128x128xf32, #tpu.memory_space<vmem>>) dst(%dma_wait3A_170 : memref<10240x128xf32, #tpu.memory_space<vmem_shared>>)
        %add3A_171 = arith.constant 2 : i32
        %add3A_172 = arith.addi %add3A_117, %add3A_171 : i32
        %dma_start3A_173 = arith.constant 0 : i32
        %dma_start3A_174 = arith.constant 0 : i32
        %dma_start3A_175 = tpu.memref_slice %arg5[%add3A_172, %dma_start3A_173, %dma_start3A_174] : memref<40x2x128xi32, #tpu.memory_space<vmem>> -> memref<1x1x128xi32, #tpu.memory_space<vmem>>
        %dma_start3A_176 = tpu.memref_squeeze %dma_start3A_175 : memref<1x1x128xi32, #tpu.memory_space<vmem>> -> memref<128xi32, #tpu.memory_space<vmem>>
        %dma_start3A_177 = arith.constant 0 : i32
        %dma_start3A_178 = arith.constant 0 : i32
        %dma_start3A_179 = tpu.memref_slice %arg3[%dma_start3A_177, %dma_start3A_178] : memref<10240x128xf32, #tpu.memory_space<hbm>> -> memref<10240x128xf32, #tpu.memory_space<hbm>>
        tpu.enqueue_indirect_dma source(%dma_start3A_179 : memref<10240x128xf32, #tpu.memory_space<hbm>>) target(%arg7 : memref<128x128xf32, #tpu.memory_space<vmem>>) offsets(%dma_start3A_176 : memref<128xi32, #tpu.memory_space<vmem>>) semaphore(%arg10 : memref<!tpu.dma_semaphore, #tpu.memory_space<semaphore_mem>>)
      } else {
      }
    }
    %scan3A_91 = arith.constant 20 : i32
    %dma_wait3A_92 = arith.constant 38 : i32
    %dma_wait3A_93 = arith.constant 1 : i32
    %dma_wait3A_94 = arith.constant 0 : i32
    %dma_wait3A_95 = tpu.memref_slice %arg5[%dma_wait3A_92, %dma_wait3A_93, %dma_wait3A_94] : memref<40x2x128xi32, #tpu.memory_space<vmem>> -> memref<1x1x128xi32, #tpu.memory_space<vmem>>
    %dma_wait3A_96 = tpu.memref_squeeze %dma_wait3A_95 : memref<1x1x128xi32, #tpu.memory_space<vmem>> -> memref<128xi32, #tpu.memory_space<vmem>>
    %dma_wait3A_97 = arith.constant 0 : i32
    %dma_wait3A_98 = arith.constant 0 : i32
    %dma_wait3A_99 = tpu.memref_slice %arg8[%dma_wait3A_97, %dma_wait3A_98] : memref<10240x128xf32, #tpu.memory_space<vmem_shared>> -> memref<10240x128xf32, #tpu.memory_space<vmem_shared>>
    tpu.wait_indirect_dma semaphore(%arg11 : memref<!tpu.dma_semaphore, #tpu.memory_space<semaphore_mem>>) src(%arg6 : memref<128x128xf32, #tpu.memory_space<vmem>>) dst(%dma_wait3A_99 : memref<10240x128xf32, #tpu.memory_space<vmem_shared>>)
    %dma_wait3A_100 = arith.constant 39 : i32
    %dma_wait3A_101 = arith.constant 1 : i32
    %dma_wait3A_102 = arith.constant 0 : i32
    %dma_wait3A_103 = tpu.memref_slice %arg5[%dma_wait3A_100, %dma_wait3A_101, %dma_wait3A_102] : memref<40x2x128xi32, #tpu.memory_space<vmem>> -> memref<1x1x128xi32, #tpu.memory_space<vmem>>
    %dma_wait3A_104 = tpu.memref_squeeze %dma_wait3A_103 : memref<1x1x128xi32, #tpu.memory_space<vmem>> -> memref<128xi32, #tpu.memory_space<vmem>>
    %dma_wait3A_105 = arith.constant 0 : i32
    %dma_wait3A_106 = arith.constant 0 : i32
    %dma_wait3A_107 = tpu.memref_slice %arg8[%dma_wait3A_105, %dma_wait3A_106] : memref<10240x128xf32, #tpu.memory_space<vmem_shared>> -> memref<10240x128xf32, #tpu.memory_space<vmem_shared>>
    tpu.wait_indirect_dma semaphore(%arg12 : memref<!tpu.dma_semaphore, #tpu.memory_space<semaphore_mem>>) src(%arg7 : memref<128x128xf32, #tpu.memory_space<vmem>>) dst(%dma_wait3A_107 : memref<10240x128xf32, #tpu.memory_space<vmem_shared>>)
    %barrier3A_108 = arith.constant 0 : index
    tpu.barrier barrier_id(%barrier3A_108)
    %mul3A_109 = arith.constant 640 : i32
    %mul3A_110 = arith.muli %arg1, %mul3A_109 : i32
    %mul3A_111 = arith.constant 640 : i32
    %mul3A_112 = arith.muli %arg1, %mul3A_111 : i32
    "tpu.region"() ({
      %run_scoped3A = tpu.sem_alloc : memref<!tpu.dma_semaphore, #tpu.memory_space<semaphore_mem>>
      %dma_start3A_113 = arith.constant 0 : i32
      %dma_start3A_114 = tpu.memref_slice %arg4[%arg0, %mul3A_112, %dma_start3A_113] : memref<2x10240x128xf32, #tpu.memory_space<hbm>> -> memref<1x640x128xf32, #tpu.memory_space<hbm>>
      %dma_start3A_115 = tpu.memref_squeeze %dma_start3A_114 : memref<1x640x128xf32, #tpu.memory_space<hbm>> -> memref<640x128xf32, #tpu.memory_space<hbm>>
      %dma_start3A_116 = arith.constant 0 : i32
      %dma_start3A_117 = tpu.memref_slice %arg8[%mul3A_110, %dma_start3A_116] : memref<10240x128xf32, #tpu.memory_space<vmem_shared>> -> memref<640x128xf32, #tpu.memory_space<vmem_shared>>
      tpu.enqueue_dma source(%dma_start3A_117 : memref<640x128xf32, #tpu.memory_space<vmem_shared>>) target(%dma_start3A_115 : memref<640x128xf32, #tpu.memory_space<hbm>>) target_semaphore(%run_scoped3A : memref<!tpu.dma_semaphore, #tpu.memory_space<semaphore_mem>>)
      %dma_wait3A_118 = arith.constant 0 : i32
      %dma_wait3A_119 = tpu.memref_slice %arg4[%arg0, %mul3A_112, %dma_wait3A_118] : memref<2x10240x128xf32, #tpu.memory_space<hbm>> -> memref<1x640x128xf32, #tpu.memory_space<hbm>>
      %dma_wait3A_120 = tpu.memref_squeeze %dma_wait3A_119 : memref<1x640x128xf32, #tpu.memory_space<hbm>> -> memref<640x128xf32, #tpu.memory_space<hbm>>
      %dma_wait3A_121 = arith.constant 0 : i32
      %dma_wait3A_122 = tpu.memref_slice %arg8[%mul3A_110, %dma_wait3A_121] : memref<10240x128xf32, #tpu.memory_space<vmem_shared>> -> memref<640x128xf32, #tpu.memory_space<vmem_shared>>
      tpu.wait_dma2 semaphore(%run_scoped3A : memref<!tpu.dma_semaphore, #tpu.memory_space<semaphore_mem>>) src(%dma_wait3A_122 : memref<640x128xf32, #tpu.memory_space<vmem_shared>>) dst(%dma_wait3A_120 : memref<640x128xf32, #tpu.memory_space<hbm>>)
      tpu.yield
    }) : () -> ()
    return
  }
}

module attributes {stable_mosaic.version = 14 : i64} {
  func.func @_prep1_body(%arg0: i32, %arg1: memref<1024x128xf32, #tpu.memory_space<vmem>>, %arg2: memref<128x128xf32, #tpu.memory_space<vmem>>, %arg3: memref<128x128xf32, #tpu.memory_space<vmem>>, %arg4: memref<1024x1xf32, #tpu.memory_space<vmem>>, %arg5: memref<1024x1xf32, #tpu.memory_space<vmem>>, %arg6: memref<1024x128xf32, #tpu.memory_space<vmem>>, %arg7: memref<1024x128xf32, #tpu.memory_space<vmem>>, %arg8: memref<1024x128xf32, #tpu.memory_space<vmem>>, %arg9: memref<1024x1xf32, #tpu.memory_space<vmem>>, %arg10: memref<1024x1xf32, #tpu.memory_space<vmem>>) attributes {dimension_semantics = [#tpu.dimension_semantics<arbitrary>], iteration_bounds = array<i64: 10>, scalar_prefetch = 0 : i64, scratch_operands = 0 : i64, tpu.core_type = #tpu.core_type<tc>, window_params = [{transform_indices = @transform_0, window_bounds = array<i64: 1024, 128>}, {pipeline_mode = #tpu.pipeline_mode<synchronous>, transform_indices = @transform_1, window_bounds = array<i64: 128, 128>}, {pipeline_mode = #tpu.pipeline_mode<synchronous>, transform_indices = @transform_2, window_bounds = array<i64: 128, 128>}, {transform_indices = @transform_3, window_bounds = array<i64: 1024, 1>}, {transform_indices = @transform_4, window_bounds = array<i64: 1024, 1>}, {transform_indices = @transform_5, window_bounds = array<i64: 1024, 128>}, {transform_indices = @transform_6, window_bounds = array<i64: 1024, 128>}, {transform_indices = @transform_7, window_bounds = array<i64: 1024, 128>}, {transform_indices = @transform_8, window_bounds = array<i64: 1024, 1>}, {transform_indices = @transform_9, window_bounds = array<i64: 1024, 1>}]} {
    %get3A = arith.constant 0 : index
    %get3A_0 = arith.constant 0 : index
    %get3A_1 = vector.load %arg1[%get3A, %get3A_0] : memref<1024x128xf32, #tpu.memory_space<vmem>>, vector<1024x128xf32>
    %get3A_2 = arith.constant 0 : index
    %get3A_3 = arith.constant 0 : index
    %get3A_4 = vector.load %arg2[%get3A_2, %get3A_3] : memref<128x128xf32, #tpu.memory_space<vmem>>, vector<128x128xf32>
    %dot_general3A = arith.constant dense<0.000000e+00> : vector<1024x128xf32>
    %dot_general3A_5 = tpu.matmul %get3A_1, %get3A_4, %dot_general3A {dimension_numbers = #tpu.dot_dimension_numbers<[1], [0], [0], [1], [0, 0, 1, 1], [], []>, transpose_lhs_hint = false} : vector<1024x128xf32>, vector<128x128xf32>, vector<1024x128xf32> -> vector<1024x128xf32>
    %swap3A = arith.constant 0 : index
    %swap3A_6 = arith.constant 0 : index
    %swap3A_7 = vector.load %arg6[%swap3A, %swap3A_6] : memref<1024x128xf32, #tpu.memory_space<vmem>>, vector<1024x128xf32>
    tpu.vector_store %arg6[%swap3A, %swap3A_6], %dot_general3A_5 {strides = array<i32>} : memref<1024x128xf32, #tpu.memory_space<vmem>>, vector<1024x128xf32>,
    %get3A_8 = arith.constant 0 : index
    %get3A_9 = arith.constant 0 : index
    %get3A_10 = vector.load %arg3[%get3A_8, %get3A_9] : memref<128x128xf32, #tpu.memory_space<vmem>>, vector<128x128xf32>
    %dot_general3A_11 = arith.constant dense<0.000000e+00> : vector<1024x128xf32>
    %dot_general3A_12 = tpu.matmul %get3A_1, %get3A_10, %dot_general3A_11 {dimension_numbers = #tpu.dot_dimension_numbers<[1], [0], [0], [1], [0, 0, 1, 1], [], []>, transpose_lhs_hint = false} : vector<1024x128xf32>, vector<128x128xf32>, vector<1024x128xf32> -> vector<1024x128xf32>
    %swap3A_13 = arith.constant 0 : index
    %swap3A_14 = arith.constant 0 : index
    %swap3A_15 = vector.load %arg7[%swap3A_13, %swap3A_14] : memref<1024x128xf32, #tpu.memory_space<vmem>>, vector<1024x128xf32>
    tpu.vector_store %arg7[%swap3A_13, %swap3A_14], %dot_general3A_12 {strides = array<i32>} : memref<1024x128xf32, #tpu.memory_space<vmem>>, vector<1024x128xf32>,
    %get3A_16 = arith.constant 0 : index
    %get3A_17 = arith.constant 0 : index
    %get3A_18 = vector.load %arg4[%get3A_16, %get3A_17] : memref<1024x1xf32, #tpu.memory_space<vmem>>, vector<1024x1xf32>
    %get3A_19 = arith.constant 0 : index
    %get3A_20 = arith.constant 0 : index
    %get3A_21 = vector.load %arg5[%get3A_19, %get3A_20] : memref<1024x1xf32, #tpu.memory_space<vmem>>, vector<1024x1xf32>
    %add3A = arith.addf %get3A_18, %get3A_21 : vector<1024x1xf32>
    %gt3A = arith.constant 0.000000e+00 : f32
    %gt3A_22 = vector.broadcast %gt3A : f32 to vector<1024x1xf32>
    %gt3A_23 = arith.cmpf ogt, %add3A, %gt3A_22 : vector<1024x1xf32>
    %jit3A = arith.constant 1.000000e+00 : f32
    %broadcast_in_dim3A = vector.broadcast %jit3A : f32 to vector<1024x1xf32>
    %select_n3A = arith.select %gt3A_23, %add3A, %broadcast_in_dim3A : vector<1024x1xi1>, vector<1024x1xf32>
    %rsqrt3A = math.rsqrt %select_n3A : vector<1024x1xf32>
    %jit3A_24 = arith.constant 0.000000e+00 : f32
    %broadcast_in_dim3A_25 = vector.broadcast %jit3A_24 : f32 to vector<1024x1xf32>
    %select_n3A_26 = arith.select %gt3A_23, %rsqrt3A, %broadcast_in_dim3A_25 : vector<1024x1xi1>, vector<1024x1xf32>
    %swap3A_27 = arith.constant 0 : index
    %swap3A_28 = arith.constant 0 : index
    %swap3A_29 = vector.load %arg9[%swap3A_27, %swap3A_28] : memref<1024x1xf32, #tpu.memory_space<vmem>>, vector<1024x1xf32>
    tpu.vector_store %arg9[%swap3A_27, %swap3A_28], %select_n3A_26 {strides = array<i32>} : memref<1024x1xf32, #tpu.memory_space<vmem>>, vector<1024x1xf32>,
    %jit3A_30 = arith.constant 0.000000e+00 : f32
    %jit3A_31 = arith.constant -1.000000e+00 : f32
    %broadcast_in_dim3A_32 = vector.broadcast %jit3A_30 : f32 to vector<1024x1xf32>
    %broadcast_in_dim3A_33 = vector.broadcast %jit3A_31 : f32 to vector<1024x1xf32>
    %select_n3A_34 = arith.select %gt3A_23, %broadcast_in_dim3A_32, %broadcast_in_dim3A_33 : vector<1024x1xi1>, vector<1024x1xf32>
    %swap3A_35 = arith.constant 0 : index
    %swap3A_36 = arith.constant 0 : index
    %swap3A_37 = vector.load %arg10[%swap3A_35, %swap3A_36] : memref<1024x1xf32, #tpu.memory_space<vmem>>, vector<1024x1xf32>
    tpu.vector_store %arg10[%swap3A_35, %swap3A_36], %select_n3A_34 {strides = array<i32>} : memref<1024x1xf32, #tpu.memory_space<vmem>>, vector<1024x1xf32>,
    %mul3A = vector.broadcast %select_n3A_26 : vector<1024x1xf32> to vector<1024x128xf32>
    %mul3A_38 = arith.mulf %mul3A, %dot_general3A_12 : vector<1024x128xf32>
    %swap3A_39 = arith.constant 0 : index
    %swap3A_40 = arith.constant 0 : index
    %swap3A_41 = vector.load %arg8[%swap3A_39, %swap3A_40] : memref<1024x128xf32, #tpu.memory_space<vmem>>, vector<1024x128xf32>
    tpu.vector_store %arg8[%swap3A_39, %swap3A_40], %mul3A_38 {strides = array<i32>} : memref<1024x128xf32, #tpu.memory_space<vmem>>, vector<1024x128xf32>,
    return
  }
  func.func @transform_0(%arg0: i32) -> (i32, i32) {
    %c0_i32 = arith.constant 0 : i32
    %c0_i32_0 = arith.constant 0 : i32
    return %arg0, %c0_i32 : i32, i32
  }
  func.func @transform_1(%arg0: i32) -> (i32, i32) {
    %c0_i32 = arith.constant 0 : i32
    %c0_i32_0 = arith.constant 0 : i32
    %c0_i32_1 = arith.constant 0 : i32
    return %c0_i32, %c0_i32_0 : i32, i32
  }
  func.func @transform_2(%arg0: i32) -> (i32, i32) {
    %c0_i32 = arith.constant 0 : i32
    %c0_i32_0 = arith.constant 0 : i32
    %c0_i32_1 = arith.constant 0 : i32
    return %c0_i32, %c0_i32_0 : i32, i32
  }
  func.func @transform_3(%arg0: i32) -> (i32, i32) {
    %c0_i32 = arith.constant 0 : i32
    %c0_i32_0 = arith.constant 0 : i32
    return %arg0, %c0_i32 : i32, i32
  }
  func.func @transform_4(%arg0: i32) -> (i32, i32) {
    %c0_i32 = arith.constant 0 : i32
    %c0_i32_0 = arith.constant 0 : i32
    return %arg0, %c0_i32 : i32, i32
  }
  func.func @transform_5(%arg0: i32) -> (i32, i32) {
    %c0_i32 = arith.constant 0 : i32
    %c0_i32_0 = arith.constant 0 : i32
    return %arg0, %c0_i32 : i32, i32
  }
  func.func @transform_6(%arg0: i32) -> (i32, i32) {
    %c0_i32 = arith.constant 0 : i32
    %c0_i32_0 = arith.constant 0 : i32
    return %arg0, %c0_i32 : i32, i32
  }
  func.func @transform_7(%arg0: i32) -> (i32, i32) {
    %c0_i32 = arith.constant 0 : i32
    %c0_i32_0 = arith.constant 0 : i32
    return %arg0, %c0_i32 : i32, i32
  }
  func.func @transform_8(%arg0: i32) -> (i32, i32) {
    %c0_i32 = arith.constant 0 : i32
    %c0_i32_0 = arith.constant 0 : i32
    return %arg0, %c0_i32 : i32, i32
  }
  func.func @transform_9(%arg0: i32) -> (i32, i32) {
    %c0_i32 = arith.constant 0 : i32
    %c0_i32_0 = arith.constant 0 : i32
    return %arg0, %c0_i32 : i32, i32
  }
}

module attributes {stable_mosaic.version = 14 : i64} {
  func.func @_mid_body(%arg0: i32, %arg1: memref<1024x128xf32, #tpu.memory_space<vmem>>, %arg2: memref<1024x128xf32, #tpu.memory_space<vmem>>, %arg3: memref<1024x1xf32, #tpu.memory_space<vmem>>, %arg4: memref<1024x1xf32, #tpu.memory_space<vmem>>, %arg5: memref<2x1024x128xf32, #tpu.memory_space<vmem>>, %arg6: memref<1x128xf32, #tpu.memory_space<vmem>>, %arg7: memref<128x128xf32, #tpu.memory_space<vmem>>, %arg8: memref<128x128xf32, #tpu.memory_space<vmem>>, %arg9: memref<1024x128xf32, #tpu.memory_space<vmem>>, %arg10: memref<1024x128xf32, #tpu.memory_space<vmem>>, %arg11: memref<1024x128xf32, #tpu.memory_space<vmem>>) attributes {dimension_semantics = [#tpu.dimension_semantics<arbitrary>], iteration_bounds = array<i64: 10>, scalar_prefetch = 0 : i64, scratch_operands = 0 : i64, tpu.core_type = #tpu.core_type<tc>, window_params = [{transform_indices = @transform_0, window_bounds = array<i64: 1024, 128>}, {transform_indices = @transform_1, window_bounds = array<i64: 1024, 128>}, {transform_indices = @transform_2, window_bounds = array<i64: 1024, 1>}, {transform_indices = @transform_3, window_bounds = array<i64: 1024, 1>}, {transform_indices = @transform_4, window_bounds = array<i64: 2, 1024, 128>}, {pipeline_mode = #tpu.pipeline_mode<synchronous>, transform_indices = @transform_5, window_bounds = array<i64: 1, 128>}, {pipeline_mode = #tpu.pipeline_mode<synchronous>, transform_indices = @transform_6, window_bounds = array<i64: 128, 128>}, {pipeline_mode = #tpu.pipeline_mode<synchronous>, transform_indices = @transform_7, window_bounds = array<i64: 128, 128>}, {transform_indices = @transform_8, window_bounds = array<i64: 1024, 128>}, {transform_indices = @transform_9, window_bounds = array<i64: 1024, 128>}, {transform_indices = @transform_10, window_bounds = array<i64: 1024, 128>}]} {
    %get3A = arith.constant 0 : index
    %get3A_0 = arith.constant 0 : index
    %get3A_1 = vector.load %arg4[%get3A, %get3A_0] : memref<1024x1xf32, #tpu.memory_space<vmem>>, vector<1024x1xf32>
    %neg3A = arith.constant 0.000000e+00 : f32
    %neg3A_2 = vector.broadcast %neg3A : f32 to vector<1024x1xf32>
    %neg3A_3 = arith.subf %neg3A_2, %get3A_1 : vector<1024x1xf32>
    %get3A_4 = arith.constant 0 : index
    %get3A_5 = arith.constant 0 : index
    %get3A_6 = arith.constant 0 : index
    %get3A_7 = vector.load %arg5[%get3A_4, %get3A_5, %get3A_6] : memref<2x1024x128xf32, #tpu.memory_space<vmem>>, vector<1x1024x128xf32>
    %get3A_8 = vector.shape_cast %get3A_7 : vector<1x1024x128xf32> to vector<1024x128xf32>
    %get3A_9 = arith.constant 1 : index
    %get3A_10 = arith.constant 0 : index
    %get3A_11 = arith.constant 0 : index
    %get3A_12 = vector.load %arg5[%get3A_9, %get3A_10, %get3A_11] : memref<2x1024x128xf32, #tpu.memory_space<vmem>>, vector<1x1024x128xf32>
    %get3A_13 = vector.shape_cast %get3A_12 : vector<1x1024x128xf32> to vector<1024x128xf32>
    %add3A = arith.addf %get3A_8, %get3A_13 : vector<1024x128xf32>
    %mul3A = vector.broadcast %neg3A_3 : vector<1024x1xf32> to vector<1024x128xf32>
    %mul3A_14 = arith.mulf %mul3A, %add3A : vector<1024x128xf32>
    %get3A_15 = arith.constant 0 : index
    %get3A_16 = arith.constant 0 : index
    %get3A_17 = vector.load %arg1[%get3A_15, %get3A_16] : memref<1024x128xf32, #tpu.memory_space<vmem>>, vector<1024x128xf32>
    %get3A_18 = arith.constant 0 : index
    %get3A_19 = arith.constant 0 : index
    %get3A_20 = vector.load %arg3[%get3A_18, %get3A_19] : memref<1024x1xf32, #tpu.memory_space<vmem>>, vector<1024x1xf32>
    %get3A_21 = arith.constant 0 : index
    %get3A_22 = arith.constant 0 : index
    %get3A_23 = vector.load %arg2[%get3A_21, %get3A_22] : memref<1024x128xf32, #tpu.memory_space<vmem>>, vector<1024x128xf32>
    %mul3A_24 = vector.broadcast %get3A_20 : vector<1024x1xf32> to vector<1024x128xf32>
    %mul3A_25 = arith.mulf %mul3A_24, %get3A_23 : vector<1024x128xf32>
    %add3A_26 = arith.addf %get3A_17, %mul3A_25 : vector<1024x128xf32>
    %add3A_27 = arith.addf %add3A_26, %mul3A_14 : vector<1024x128xf32>
    %get3A_28 = arith.constant 0 : index
    %get3A_29 = arith.constant 0 : index
    %get3A_30 = vector.load %arg6[%get3A_28, %get3A_29] : memref<1x128xf32, #tpu.memory_space<vmem>>, vector<1x128xf32>
    %add3A_31 = vector.broadcast %get3A_30 : vector<1x128xf32> to vector<1024x128xf32>
    %add3A_32 = arith.addf %add3A_27, %add3A_31 : vector<1024x128xf32>
    %max3A = arith.constant 0.000000e+00 : f32
    %max3A_33 = vector.broadcast %max3A : f32 to vector<1024x128xf32>
    %max3A_34 = arith.maximumf %add3A_32, %max3A_33 : vector<1024x128xf32>
    %get3A_35 = arith.constant 0 : index
    %get3A_36 = arith.constant 0 : index
    %get3A_37 = vector.load %arg7[%get3A_35, %get3A_36] : memref<128x128xf32, #tpu.memory_space<vmem>>, vector<128x128xf32>
    %dot_general3A = arith.constant dense<0.000000e+00> : vector<1024x128xf32>
    %dot_general3A_38 = tpu.matmul %max3A_34, %get3A_37, %dot_general3A {dimension_numbers = #tpu.dot_dimension_numbers<[1], [0], [0], [1], [0, 0, 1, 1], [], []>, transpose_lhs_hint = false} : vector<1024x128xf32>, vector<128x128xf32>, vector<1024x128xf32> -> vector<1024x128xf32>
    %swap3A = arith.constant 0 : index
    %swap3A_39 = arith.constant 0 : index
    %swap3A_40 = vector.load %arg9[%swap3A, %swap3A_39] : memref<1024x128xf32, #tpu.memory_space<vmem>>, vector<1024x128xf32>
    tpu.vector_store %arg9[%swap3A, %swap3A_39], %dot_general3A_38 {strides = array<i32>} : memref<1024x128xf32, #tpu.memory_space<vmem>>, vector<1024x128xf32>,
    %get3A_41 = arith.constant 0 : index
    %get3A_42 = arith.constant 0 : index
    %get3A_43 = vector.load %arg8[%get3A_41, %get3A_42] : memref<128x128xf32, #tpu.memory_space<vmem>>, vector<128x128xf32>
    %dot_general3A_44 = arith.constant dense<0.000000e+00> : vector<1024x128xf32>
    %dot_general3A_45 = tpu.matmul %max3A_34, %get3A_43, %dot_general3A_44 {dimension_numbers = #tpu.dot_dimension_numbers<[1], [0], [0], [1], [0, 0, 1, 1], [], []>, transpose_lhs_hint = false} : vector<1024x128xf32>, vector<128x128xf32>, vector<1024x128xf32> -> vector<1024x128xf32>
    %swap3A_46 = arith.constant 0 : index
    %swap3A_47 = arith.constant 0 : index
    %swap3A_48 = vector.load %arg10[%swap3A_46, %swap3A_47] : memref<1024x128xf32, #tpu.memory_space<vmem>>, vector<1024x128xf32>
    tpu.vector_store %arg10[%swap3A_46, %swap3A_47], %dot_general3A_45 {strides = array<i32>} : memref<1024x128xf32, #tpu.memory_space<vmem>>, vector<1024x128xf32>,
    %mul3A_49 = vector.broadcast %get3A_1 : vector<1024x1xf32> to vector<1024x128xf32>
    %mul3A_50 = arith.mulf %mul3A_49, %dot_general3A_45 : vector<1024x128xf32>
    %swap3A_51 = arith.constant 0 : index
    %swap3A_52 = arith.constant 0 : index
    %swap3A_53 = vector.load %arg11[%swap3A_51, %swap3A_52] : memref<1024x128xf32, #tpu.memory_space<vmem>>, vector<1024x128xf32>
    tpu.vector_store %arg11[%swap3A_51, %swap3A_52], %mul3A_50 {strides = array<i32>} : memref<1024x128xf32, #tpu.memory_space<vmem>>, vector<1024x128xf32>,
    return
  }
  func.func @transform_0(%arg0: i32) -> (i32, i32) {
    %c0_i32 = arith.constant 0 : i32
    %c0_i32_0 = arith.constant 0 : i32
    return %arg0, %c0_i32 : i32, i32
  }
  func.func @transform_1(%arg0: i32) -> (i32, i32) {
    %c0_i32 = arith.constant 0 : i32
    %c0_i32_0 = arith.constant 0 : i32
    return %arg0, %c0_i32 : i32, i32
  }
  func.func @transform_2(%arg0: i32) -> (i32, i32) {
    %c0_i32 = arith.constant 0 : i32
    %c0_i32_0 = arith.constant 0 : i32
    return %arg0, %c0_i32 : i32, i32
  }
  func.func @transform_3(%arg0: i32) -> (i32, i32) {
    %c0_i32 = arith.constant 0 : i32
    %c0_i32_0 = arith.constant 0 : i32
    return %arg0, %c0_i32 : i32, i32
  }
  func.func @transform_4(%arg0: i32) -> (i32, i32, i32) {
    %c0_i32 = arith.constant 0 : i32
    %c0_i32_0 = arith.constant 0 : i32
    %c0_i32_1 = arith.constant 0 : i32
    return %c0_i32, %arg0, %c0_i32_0 : i32, i32, i32
  }
  func.func @transform_5(%arg0: i32) -> (i32, i32) {
    %c0_i32 = arith.constant 0 : i32
    %c0_i32_0 = arith.constant 0 : i32
    %c0_i32_1 = arith.constant 0 : i32
    return %c0_i32, %c0_i32_0 : i32, i32
  }
  func.func @transform_6(%arg0: i32) -> (i32, i32) {
    %c0_i32 = arith.constant 0 : i32
    %c0_i32_0 = arith.constant 0 : i32
    %c0_i32_1 = arith.constant 0 : i32
    return %c0_i32, %c0_i32_0 : i32, i32
  }
  func.func @transform_7(%arg0: i32) -> (i32, i32) {
    %c0_i32 = arith.constant 0 : i32
    %c0_i32_0 = arith.constant 0 : i32
    %c0_i32_1 = arith.constant 0 : i32
    return %c0_i32, %c0_i32_0 : i32, i32
  }
  func.func @transform_8(%arg0: i32) -> (i32, i32) {
    %c0_i32 = arith.constant 0 : i32
    %c0_i32_0 = arith.constant 0 : i32
    return %arg0, %c0_i32 : i32, i32
  }
  func.func @transform_9(%arg0: i32) -> (i32, i32) {
    %c0_i32 = arith.constant 0 : i32
    %c0_i32_0 = arith.constant 0 : i32
    return %arg0, %c0_i32 : i32, i32
  }
  func.func @transform_10(%arg0: i32) -> (i32, i32) {
    %c0_i32 = arith.constant 0 : i32
    %c0_i32_0 = arith.constant 0 : i32
    return %arg0, %c0_i32 : i32, i32
  }
}

module attributes {stable_mosaic.version = 14 : i64} {
  func.func @_fuse_body_lsm(%arg0: i32, %arg1: memref<1024x128xf32, #tpu.memory_space<vmem>>, %arg2: memref<1024x128xf32, #tpu.memory_space<vmem>>, %arg3: memref<1024x1xf32, #tpu.memory_space<vmem>>, %arg4: memref<1024x1xf32, #tpu.memory_space<vmem>>, %arg5: memref<2x1024x128xf32, #tpu.memory_space<vmem>>, %arg6: memref<1x128xf32, #tpu.memory_space<vmem>>, %arg7: memref<1024x128xf32, #tpu.memory_space<vmem>>) attributes {dimension_semantics = [#tpu.dimension_semantics<arbitrary>], iteration_bounds = array<i64: 10>, scalar_prefetch = 0 : i64, scratch_operands = 0 : i64, tpu.core_type = #tpu.core_type<tc>, window_params = [{transform_indices = @transform_0, window_bounds = array<i64: 1024, 128>}, {transform_indices = @transform_1, window_bounds = array<i64: 1024, 128>}, {transform_indices = @transform_2, window_bounds = array<i64: 1024, 1>}, {transform_indices = @transform_3, window_bounds = array<i64: 1024, 1>}, {transform_indices = @transform_4, window_bounds = array<i64: 2, 1024, 128>}, {pipeline_mode = #tpu.pipeline_mode<synchronous>, transform_indices = @transform_5, window_bounds = array<i64: 1, 128>}, {transform_indices = @transform_6, window_bounds = array<i64: 1024, 128>}]} {
    %get3A = arith.constant 0 : index
    %get3A_0 = arith.constant 0 : index
    %get3A_1 = vector.load %arg4[%get3A, %get3A_0] : memref<1024x1xf32, #tpu.memory_space<vmem>>, vector<1024x1xf32>
    %neg3A = arith.constant 0.000000e+00 : f32
    %neg3A_2 = vector.broadcast %neg3A : f32 to vector<1024x1xf32>
    %neg3A_3 = arith.subf %neg3A_2, %get3A_1 : vector<1024x1xf32>
    %get3A_4 = arith.constant 0 : index
    %get3A_5 = arith.constant 0 : index
    %get3A_6 = arith.constant 0 : index
    %get3A_7 = vector.load %arg5[%get3A_4, %get3A_5, %get3A_6] : memref<2x1024x128xf32, #tpu.memory_space<vmem>>, vector<1x1024x128xf32>
    %get3A_8 = vector.shape_cast %get3A_7 : vector<1x1024x128xf32> to vector<1024x128xf32>
    %get3A_9 = arith.constant 1 : index
    %get3A_10 = arith.constant 0 : index
    %get3A_11 = arith.constant 0 : index
    %get3A_12 = vector.load %arg5[%get3A_9, %get3A_10, %get3A_11] : memref<2x1024x128xf32, #tpu.memory_space<vmem>>, vector<1x1024x128xf32>
    %get3A_13 = vector.shape_cast %get3A_12 : vector<1x1024x128xf32> to vector<1024x128xf32>
    %add3A = arith.addf %get3A_8, %get3A_13 : vector<1024x128xf32>
    %mul3A = vector.broadcast %neg3A_3 : vector<1024x1xf32> to vector<1024x128xf32>
    %mul3A_14 = arith.mulf %mul3A, %add3A : vector<1024x128xf32>
    %get3A_15 = arith.constant 0 : index
    %get3A_16 = arith.constant 0 : index
    %get3A_17 = vector.load %arg1[%get3A_15, %get3A_16] : memref<1024x128xf32, #tpu.memory_space<vmem>>, vector<1024x128xf32>
    %get3A_18 = arith.constant 0 : index
    %get3A_19 = arith.constant 0 : index
    %get3A_20 = vector.load %arg3[%get3A_18, %get3A_19] : memref<1024x1xf32, #tpu.memory_space<vmem>>, vector<1024x1xf32>
    %get3A_21 = arith.constant 0 : index
    %get3A_22 = arith.constant 0 : index
    %get3A_23 = vector.load %arg2[%get3A_21, %get3A_22] : memref<1024x128xf32, #tpu.memory_space<vmem>>, vector<1024x128xf32>
    %mul3A_24 = vector.broadcast %get3A_20 : vector<1024x1xf32> to vector<1024x128xf32>
    %mul3A_25 = arith.mulf %mul3A_24, %get3A_23 : vector<1024x128xf32>
    %add3A_26 = arith.addf %get3A_17, %mul3A_25 : vector<1024x128xf32>
    %add3A_27 = arith.addf %add3A_26, %mul3A_14 : vector<1024x128xf32>
    %get3A_28 = arith.constant 0 : index
    %get3A_29 = arith.constant 0 : index
    %get3A_30 = vector.load %arg6[%get3A_28, %get3A_29] : memref<1x128xf32, #tpu.memory_space<vmem>>, vector<1x128xf32>
    %add3A_31 = vector.broadcast %get3A_30 : vector<1x128xf32> to vector<1024x128xf32>
    %add3A_32 = arith.addf %add3A_27, %add3A_31 : vector<1024x128xf32>
    %reduce_max3A = arith.constant dense<0xFF800000> : vector<1024xf32>
    %reduce_max3A_33 = vector.multi_reduction <maximumf>, %add3A_32, %reduce_max3A [1] : vector<1024x128xf32> to vector<1024xf32>
    %broadcast_in_dim3A = vector.shape_cast %reduce_max3A_33 : vector<1024xf32> to vector<1024x1xf32>
    %sub3A = vector.broadcast %broadcast_in_dim3A : vector<1024x1xf32> to vector<1024x128xf32>
    %sub3A_34 = arith.subf %add3A_32, %sub3A : vector<1024x128xf32>
    %exp3A = math.exp %sub3A_34 : vector<1024x128xf32>
    %reduce_sum3A = arith.constant dense<0.000000e+00> : vector<1024xf32>
    %reduce_sum3A_35 = vector.multi_reduction <add>, %exp3A, %reduce_sum3A [1] : vector<1024x128xf32> to vector<1024xf32>
    %broadcast_in_dim3A_36 = vector.shape_cast %reduce_sum3A_35 : vector<1024xf32> to vector<1024x1xf32>
    %log3A = math.log %broadcast_in_dim3A_36 : vector<1024x1xf32>
    %sub3A_37 = vector.broadcast %log3A : vector<1024x1xf32> to vector<1024x128xf32>
    %sub3A_38 = arith.subf %sub3A_34, %sub3A_37 : vector<1024x128xf32>
    %swap3A = arith.constant 0 : index
    %swap3A_39 = arith.constant 0 : index
    %swap3A_40 = vector.load %arg7[%swap3A, %swap3A_39] : memref<1024x128xf32, #tpu.memory_space<vmem>>, vector<1024x128xf32>
    tpu.vector_store %arg7[%swap3A, %swap3A_39], %sub3A_38 {strides = array<i32>} : memref<1024x128xf32, #tpu.memory_space<vmem>>, vector<1024x128xf32>,
    return
  }
  func.func @transform_0(%arg0: i32) -> (i32, i32) {
    %c0_i32 = arith.constant 0 : i32
    %c0_i32_0 = arith.constant 0 : i32
    return %arg0, %c0_i32 : i32, i32
  }
  func.func @transform_1(%arg0: i32) -> (i32, i32) {
    %c0_i32 = arith.constant 0 : i32
    %c0_i32_0 = arith.constant 0 : i32
    return %arg0, %c0_i32 : i32, i32
  }
  func.func @transform_2(%arg0: i32) -> (i32, i32) {
    %c0_i32 = arith.constant 0 : i32
    %c0_i32_0 = arith.constant 0 : i32
    return %arg0, %c0_i32 : i32, i32
  }
  func.func @transform_3(%arg0: i32) -> (i32, i32) {
    %c0_i32 = arith.constant 0 : i32
    %c0_i32_0 = arith.constant 0 : i32
    return %arg0, %c0_i32 : i32, i32
  }
  func.func @transform_4(%arg0: i32) -> (i32, i32, i32) {
    %c0_i32 = arith.constant 0 : i32
    %c0_i32_0 = arith.constant 0 : i32
    %c0_i32_1 = arith.constant 0 : i32
    return %c0_i32, %arg0, %c0_i32_0 : i32, i32, i32
  }
  func.func @transform_5(%arg0: i32) -> (i32, i32) {
    %c0_i32 = arith.constant 0 : i32
    %c0_i32_0 = arith.constant 0 : i32
    %c0_i32_1 = arith.constant 0 : i32
    return %c0_i32, %c0_i32_0 : i32, i32
  }
  func.func @transform_6(%arg0: i32) -> (i32, i32) {
    %c0_i32 = arith.constant 0 : i32
    %c0_i32_0 = arith.constant 0 : i32
    return %arg0, %c0_i32 : i32, i32
  }
}

</mosaic_0001>

<sc_bundles>
// kernel: kernel.11.cloned.1.call-start
scs
__scs_entry_jumppad:
0x0: {  	(pc) =	sbr.rel $0x88, $3  }
0x1: {  	(tag) =	ssettag $0x0;
	lr =	simm.s32 $0x1  }
0x2: {  	[smem:$0x3F99] =	sst lr;
	_ =	strace $0xD0000000  }
0x3: {  	_ = 	snop  }
0x4: {  	_ = 	snop  }
0x5: {  	_ = 	snop  }
0x6: {  	_ = 	snop  }
0x7: {  	_ = 	snop  }
__scs_overlays_trampoline_lowered:
0x8: {  	[smem:$0x3FA8] =	sst s0  }
0x9: {  	[smem:$0x3FA9] =	sst s1  }
0xa: {  	[smem:$0x3FAA] =	sst s2  }
0xb: {  	[smem:$0x3FAB] =	sst s3  }
0xc: {  	[smem:$0x3FAC] =	sst s4  }
0xd: {  	[smem:$0x3FAD] =	sst s5  }
0xe: {  	[smem:$0x3FAE] =	sst s6  }
0xf: {  	[smem:$0x3FAF] =	sst s7  }
0x10: {  	[smem:$0x3FB0] =	sst s8  }
0x11: {  	[smem:$0x3FB1] =	sst s9;
	s0 =	simm.s32 @!p0 $0x0  }
0x12: {  	s1 =	sld [smem:$0x3F97];
	s0 =	simm.s32 @p0 $0x1  }
0x13: {  	[smem:$0x3FB2] =	sst s0;
	s0 =	simm.s32 @!p1 $0x0  }
0x14: {  	s2 =	sld [smem:$0x3F96];
	s0 =	simm.s32 @p1 $0x1  }
0x15: {  	[smem:$0x3FB3] =	sst s0;
	s0 =	simm.s32 @!p2 $0x0  }
0x16: {  	s3 =	sld [smem:$0x3FDB];
	s0 =	simm.s32 @p2 $0x1  }
0x17: {  	s4 =	simm.s32 $0x1BF5;
	[smem:$0x3FB5] =	sst s0  }
0x18: {  	s0 =	sld [smem:$0x3F98];
	_ =	swait.ge [sflag:s4], $0x0  }
0x19: {  	s7 =	sld [smem:$0x3F99]  }
0x1a: {  	s8 =	sadd.s32 $0xFFFFE003, lr  }
0x1b: {  	s9 =	sadd.s32 $0xFFFFFEF7, lr;
	s5 =	simm.s32 $0xFFFFFFFF;
	p2 =	slt.u32 s8, $0xFFFFF086  }
0x1c: {  	p1 =	slt.u32 s9, $0xF7A;
	s5 =	simm.s32 @!p2 $0x0  }
0x1d: {  	s5 =	simm.s32 @p1 $0x1;
	p0 =	seq.s32 s7, s2  }
0x1e: {  	s7 =	smul.u32 @!p0 $0xF7A, s2;
	p2 =	seq.s32 @!p0 s5, $0x0  }
0x1f: {  	s9 =	smul.u32 $0xF7A, s1;
	s8 =	simm.s32 @!p0 $0x1BF5;
	p2 =	por !p2, p0  }
0x20: {  	[sflag:s8] =	ssyncset.s32 @!p0 $0xFFFFF086;
	s6 =	sadd.s32 @!p0 s3, s7;
	s7 =	simm.s32 @!p0 $0x108  }
0x21: {  	s3 =	sadd.s32 s3, s9;
	s6 =	sadd.s32 @!p0 $0x88, s6;
	s7 =	simm.s32 @p2 $0x1082  }
0x22: {  	[simem:s7], [sflag:s8] =	dma.local @!p0 [hbm:s6], $0xF7A  }
0x23: {  	s9 =	sor.u32 $0xD0000000, s2;
	s6 =	simm.s32 $0x108;
	_ =	swait.ge @!p0 [sflag:s8], $0x0  }
0x24: {  	s3 =	sadd.s32 $0x88, s3;
	s6 =	simm.s32 @!p1 $0x1082;
	[sflag:s4] =	ssyncset.s32 $0xFFFFF086  }
0x25: {  	[simem:s6], [sflag:s4] =	dma.local [hbm:s3], $0xF7A  }
0x26: {  	[smem:$0x3F99] =	sst s1;
	(tag) =	ssettag s2;
	_ =	strace s9  }
0x27: {  	s1 =	sld [smem:$0x3FA9]  }
0x28: {  	s2 =	sld [smem:$0x3FAA]  }
0x29: {  	s4 =	sld [smem:$0x3FAC]  }
0x2a: {  	p0 =	seq.s32 s5, $0x0;
	s5 =	sld [smem:$0x3FAD]  }
0x2b: {  	s6 =	sld [smem:$0x3FAE]  }
0x2c: {  	s7 =	sld [smem:$0x3FAF]  }
0x2d: {  	s3 =	simm.s32 $0x108;
	s8 =	sld [smem:$0x3FB0]  }
0x2e: {  	s3 =	simm.s32 @!p0 $0x1082;
	s9 =	sld [smem:$0x3FB1]  }
0x2f: {  	lr =	sadd.s32 s0, s3;
	s0 =	sld [smem:$0x3FA8]  }
0x30: {  	s3 =	sld [smem:$0x3FAB]  }
0x31: {  	[smem:$0x3FB4] =	sst s10  }
0x32: {  	s10 =	sld [smem:$0x3FB2];
	_ =	sdelay $0x3  }
0x33: {  	p0 =	seq.s32 s10, $0x1;
	s10 =	sld [smem:$0x3FB4];
	_ =	sdelay $0x3  }
0x34: {  	[smem:$0x3FB4] =	sst s10  }
0x35: {  	s10 =	sld [smem:$0x3FB3];
	_ =	sdelay $0x3  }
0x36: {  	p1 =	seq.s32 s10, $0x1;
	s10 =	sld [smem:$0x3FB4];
	_ =	sdelay $0x3  }
0x37: {  	[smem:$0x3FB4] =	sst s10  }
0x38: {  	s10 =	sld [smem:$0x3FB5]  }
0x39: {  	_ = 	snop;
	(pc) =	sbr.ind lr, $3  }
0x3a: {  	_ = 	snop  }
0x3b: {  	_ = 	snop  }
0x3c: {  	p2 =	seq.s32 s10, $0x1;
	s10 =	sld [smem:$0x3FB4]  }
0x3d: {  	_ =	shalt  }
0x3e: {  	_ =	shalt  }
0x3f: {  	_ =	shalt  }
0x40: {  	_ =	shalt  }
0x41: {  	_ =	shalt  }
0x42: {  	_ =	shalt  }
0x43: {  	_ =	shalt  }
0x44: {  	_ =	shalt  }
0x45: {  	_ =	shalt  }
0x46: {  	_ =	shalt  }
0x47: {  	_ =	shalt  }
0x48: {  	_ =	shalt  }
0x49: {  	_ =	shalt  }
0x4a: {  	_ =	shalt  }
0x4b: {  	_ =	shalt  }
0x4c: {  	_ =	shalt  }
0x4d: {  	_ =	shalt  }
0x4e: {  	_ =	shalt  }
0x4f: {  	_ =	shalt  }
0x50: {  	_ =	shalt  }
0x51: {  	_ =	shalt  }
0x52: {  	_ =	shalt  }
0x53: {  	_ =	shalt  }
0x54: {  	_ =	shalt  }
0x55: {  	_ =	shalt  }
0x56: {  	_ =	shalt  }
0x57: {  	_ =	shalt  }
0x58: {  	_ =	shalt  }
0x59: {  	_ =	shalt  }
0x5a: {  	_ =	shalt  }
0x5b: {  	_ =	shalt  }
0x5c: {  	_ =	shalt  }
0x5d: {  	_ =	shalt  }
0x5e: {  	_ =	shalt  }
0x5f: {  	_ =	shalt  }
0x60: {  	_ =	shalt  }
0x61: {  	_ =	shalt  }
0x62: {  	_ =	shalt  }
0x63: {  	_ =	shalt  }
0x64: {  	_ =	shalt  }
0x65: {  	_ =	shalt  }
0x66: {  	_ =	shalt  }
0x67: {  	_ =	shalt  }
0x68: {  	_ =	shalt  }
0x69: {  	_ =	shalt  }
0x6a: {  	_ =	shalt  }
0x6b: {  	_ =	shalt  }
0x6c: {  	_ =	shalt  }
0x6d: {  	_ =	shalt  }
0x6e: {  	_ =	shalt  }
0x6f: {  	_ =	shalt  }
0x70: {  	_ =	shalt  }
0x71: {  	_ =	shalt  }
0x72: {  	_ =	shalt  }
0x73: {  	_ =	shalt  }
0x74: {  	_ =	shalt  }
0x75: {  	_ =	shalt  }
0x76: {  	_ =	shalt  }
0x77: {  	_ =	shalt  }
0x78: {  	_ =	shalt  }
0x79: {  	_ =	shalt  }
0x7a: {  	_ =	shalt  }
0x7b: {  	_ =	shalt  }
0x7c: {  	_ =	shalt  }
0x7d: {  	_ =	shalt  }
0x7e: {  	_ =	shalt  }
0x7f: {  	_ =	shalt  }
0x80: {  	_ =	shalt  }
0x81: {  	_ =	shalt  }
0x82: {  	_ =	shalt  }
0x83: {  	_ =	shalt  }
0x84: {  	_ =	shalt  }
0x85: {  	_ =	shalt  }
0x86: {  	_ =	shalt  }
0x87: {  	_ =	shalt  }
.Lfunc_end0:
.L_simem_size_0:
called_computation.1_lowered:
.L_overlay_start_0:
0x88: {  	s2 =	sld [smem:$0x3FD9]  }
0x89: {  	s3 =	sld [smem:$0x3FFE];
	_ =	sdelay $0x1  }
0x8a: {  	s1 =	srdreg.scid  }
0x8b: {  	s0 =	sand.u32 $0x1, s1  }
0x8c: {  	s17 =	sshll.u32 s0, $0xA;
	s2 =	sadd.s32 s3, s2  }
0x8d: {  	s2 =	sadd.s32 s2, s17  }
0x8e: {  	[smem:$0x3FC0] =	sst s2  }
0x8f: {  	_ = 	snop  }
0x90: {  	s2 =	sld [smem:$0x3FD0];
	(tm) =	ssettm $0x1  }
0x91: {  	s18 =	sld [smem:$0x3FFB];
	_ =	sdelay $0x3  }
0x92: {  	_ =	strace s18  }
0x93: {  	s3 =	sld [smem:$0x3FFC];
	_ =	sdelay $0x3  }
0x94: {  	_ =	strace s3  }
0x95: {  	s3 =	sld [smem:$0x3FFD];
	_ =	sdelay $0x3  }
0x96: {  	_ =	strace s3  }
0x97: {  	_ =	strace $0x8FFFFFFF  }
0x98: {  	s19 =	sld [smem:$0x3FDB];
	_ =	sdelay $0x1  }
0x99: {  	s4 =	simm.s32 $_scs_section_size  }
0x9a: {  	s5 =	simm.s32 $_size__tile_overlayer_lowered;
	s6 =	simm.s32 $_tile_overlayer_lowered  }
0x9b: {  	s22 =	simm.s32 $0x1BFF;
	s21 =	sshll.u32 s6, $0x1;
	s3 =	sadd.s32 s4, s19  }
0x9c: {  	s7 =	simm.s32 $0x0;
	s20 =	sshll.u32 s5, $0x1;
	s5 =	sadd.s32 s21, s3  }
0x9d: {  	[timem:s7], [sflag:s22] =	dma.local [hbm:s5], s20  }
0x9e: {  	_ =	swait.ge [sflag:s22], s20  }
0x9f: {  	s4 =	ssub.s32 $0x0, s20;
	[sflag:s22] =	ssyncset.done $0x0  }
0xa0: {  	[sflag:s22] =	ssyncadd.s32 s4;
	_ =	sdelay $0x1  }
0xa1: {  	s23 =	simm.s32 $0x1B8B  }
0xa2: {  	_ =	swait.ge [sflag:s23], $0x1  }
0xa3: {  	[sflag:s23] =	ssyncset.done $0x0  }
0xa4: {  	s25 =	simm.s32 $0x1B8E;
	s24 =	sld [smem:$0x3FFE];
	[sflag:s23] =	ssyncadd.s32 $0xFFFFFFFF  }
0xa5: {  	s26 =	simm.s32 $execute0_lowered;
	[smem:$0x3FD2] =	sst s25  }
0xa6: {  	s5 =	sshll.u32 s26, $0x1;
	_ =	strace $0x80000049;
	[dreg:$0x1] =	wrdreg $0xFFFFFFFF  }
0xa7: {  	s28 =	simm.s32 $_size_execute0_lowered;
	s3 =	sadd.s32 s3, s5;
	[dreg:$0x0] =	wrdreg $0x0  }
0xa8: {  	s5 =	sshll.u32 s28, $0x1;
	[dreg:$0x2] =	wrdreg s3  }
0xa9: {  	[dreg:$0x3] =	wrdreg s5  }
0xaa: {  	[dreg:$0x4] =	wrdreg $0xC0  }
0xab: {  	_ =	task [dreg:s7], $0x5FFFF  }
0xac: {  	[dreg:$0x1] =	wrdreg $0xFFFFFFFF  }
0xad: {  	[dreg:$0x0] =	wrdreg $0x60  }
0xae: {  	[dreg:$0x2] =	wrdreg s2  }
0xaf: {  	[dreg:$0x3] =	wrdreg s24  }
0xb0: {  	[dreg:$0x4] =	wrdreg $0xA8000  }
0xb1: {  	[dreg:$0x5] =	wrdreg $0x9  }
0xb2: {  	_ =	task.clear_ibuf [dreg:s7], $0x6FFFF;
	_ =	strace $0x90000049  }
0xb3: {  	s29 =	simm.s32 $0x9;
	_ =	strace $0x8000004B  }
0xb4: {  	_ =	swait.ge [sflag:s29], $0x1  }
0xb5: {  	[sflag:s29] =	ssyncadd.s32 $0xFFFFFFFF  }
0xb6: {  	_ =	strace $0x9000004B  }
0xb7: {  	_ =	sfence  }
0xb8: {  	s30 =	sld [smem:$0x0];
	_ =	sdelay $0x2  }
0xb9: {  	s31 =	sshll.u32 s1, $0xD;
	s1 =	sshrl.u32 s1, $0x2  }
0xba: {  	s3 =	sand.u32 $0x4000, s31;
	s1 =	sadd.s32 s1, s30  }
0xbb: {  	s0 =	sor.u32 s3, s0;
	s1 =	sshll.u32 s1, $0x11  }
0xbc: {  	s0 =	sor.u32 s1, s0  }
0xbd: {  	s0 =	sadd.s32 $0x8F2B, s0  }
0xbe: {  	[sflag:s0] =	ssyncadd.remote.s32 $0x1  }
0xbf: {  	_ =	sfence.sel $0xFFFF  }
0xc0: {  	[dreg:$0x0] =	wrdreg $0xFFFFFFFF;
	(pc) =	sbr.abs _section_cstart, $3  }
0xc1: {  	[dreg:$0x1] =	wrdreg $0xFFFFFFFF  }
0xc2: {  	_ =	task.clear_ibuf [dreg:s7], $0x2FFFF;
	_ =	strace $0x9FFFFFFF  }
0xc3: {  	(tm) =	ssettm $0x7FFFFFFF  }
tec
execute0_lowered:
.L_overlay_start_1:
0x0: {  	(tag) =	ssettag $0x1  }
0x1: {  	s10 =	rddreg [dreg:$0x0]  }
0x2: {  	s6 =	rddreg [dreg:$0x1]  }
0x3: {  	s2 =	rddreg [dreg:$0x2]  }
0x4: {  	s0 =	srdreg.scid;
	s1 =	rddreg [dreg:$0x3]  }
0x5: {  	s3 =	simm.s32 $0x0;
	s14 =	simm.s32 $0x5;
	s15 =	simm.s32 $0x80  }
0x6: {  	s16 =	simm.s32 $0x100;
	s17 =	simm.s32 $0x6800;
	s18 =	simm.s32 $0x1  }
0x7: {  	s19 =	simm.s32 $0x2;
	s20 =	simm.s32 $0x3;
	s5 =	sand.u32 $0x1, s0  }
0x8: {  	s21 =	simm.s32 $0x4;
	s0 =	stileid.u32;
	s4 =	smul.u32 $0x140000, s5  }
0x9: {  	s22 =	simm.s32 $0x2680;
	s23 =	simm.s32 $0x2780;
	s7 =	smul.u32 $0x14000, s0  }
0xa: {  	s24 =	simm.s32 $0x0;
	[smem:$0x7FF] =	sst s3;
	s8 =	smul.u32 $0x50000, s0  }
0xb: {  	_ =	strace $0x8000004A;
	s29 =	ssub.s32 $0x2, s5;
	s5 =	sshll.u32 s5, $0x4  }
0xc: {  	s31 =	sshrl.u32 s29, $0x1;
	s9 =	sor.u32 s0, s5;
	s4 =	sadd.s32 s7, s4  }
0xd: {  	s30 =	sshrl.u32 s8, $0x2;
	s12 =	ssub.s32 s29, s31;
	s13 =	smul.u32 $0xA00, s9  }
0xe: {  	s7 =	sshrl.u32 s4, $0x3;
	s4 =	sadd.s32 $0x2B200, s6;
	s5 =	sadd.s32 s30, s2  }
0xf: {  	s12 =	smax.u32 s12, $0x1;
	s11 =	sadd.s32 s7, s6;
	s6 =	sadd.s32 $0x4000, s5  }
0x10: {  	s7 =	sadd.s32 $0x8000, s5;
	s8 =	sadd.s32 $0xC000, s5;
	s9 =	sadd.s32 $0x10000, s5  }
0x11: {  	v0 =	vimm.f32 $0.0e+00;
	s10 =	sadd.s32 s10, s13;
	s13 =	simm.s32 $0x2800;
	s11 =	sadd.s32 $0xCB200, s11  }
.LBB2_1:
0x12: {  	s25 =	simm.s32 $0x0;
	s26 =	simm.s32 $0x200  }
.LBB2_2:
0x13: {  	p0 =	sne.s32 s26, $0xFE00;
	[tilespmem:s25+$0x2870] =	vst v0  }
0x14: {  	[tilespmem:s25+$0x2800] =	vst v0  }
0x15: {  	[tilespmem:s25+$0x2810] =	vst v0  }
.Ltmp0:
0x16: {  	[tilespmem:s25+$0x2820] =	vst v0;
	(pc) =	sbr.rel @p0 .LBB2_2-.Ltmp0, $4  }
0x17: {  	[tilespmem:s25+$0x2830] =	vst v0  }
0x18: {  	[tilespmem:s25+$0x2840] =	vst v0  }
0x19: {  	[tilespmem:s25+$0x2850] =	vst v0  }
0x1a: {  	[tilespmem:s25+$0x2860] =	vst v0;
	s25 =	sshra.s32 s26, $0x2;
	s26 =	sadd.s32 $0x200, s26  }
0x1b: {  	[tilespmem:s25+$0x2870] =	vst v0  }
0x1c: {  	[tilespmem:s25+$0x2800] =	vst v0  }
0x1d: {  	[tilespmem:s25+$0x2810] =	vst v0  }
0x1e: {  	[tilespmem:s25+$0x2820] =	vst v0  }
0x1f: {  	[tilespmem:s25+$0x2830] =	vst v0  }
0x20: {  	[tilespmem:s25+$0x2840] =	vst v0  }
0x21: {  	[tilespmem:s25+$0x2850] =	vst v0  }
0x22: {  	[tilespmem:s25+$0x2860] =	vst v0  }
0x23: {  	[spmem:s5] =	stream.linear.scatter [tilespmem:s13], [sflag:$0x5], $0x4000, $0x38;
	[tilespmem:$0x1E800] =	vst v63  }
0x24: {  	_ =	swait.ge [sflag:s14], $0x4000  }
0x25: {  	[sflag:s14] =	ssyncset.done $0x0  }
0x26: {  	[sflag:s14] =	ssyncadd.s32 $0xFFFFC000  }
0x27: {  	[spmem:s6] =	stream.linear.scatter [tilespmem:s13], [sflag:$0x5], $0x4000, $0x38;
	[tilespmem:$0x1E800] =	vst v63  }
0x28: {  	_ =	swait.ge [sflag:s14], $0x4000  }
0x29: {  	[sflag:s14] =	ssyncset.done $0x0  }
0x2a: {  	[sflag:s14] =	ssyncadd.s32 $0xFFFFC000  }
0x2b: {  	[spmem:s7] =	stream.linear.scatter [tilespmem:s13], [sflag:$0x5], $0x4000, $0x38;
	[tilespmem:$0x1E800] =	vst v63  }
0x2c: {  	_ =	swait.ge [sflag:s14], $0x4000  }
0x2d: {  	[sflag:s14] =	ssyncset.done $0x0  }
0x2e: {  	[sflag:s14] =	ssyncadd.s32 $0xFFFFC000  }
0x2f: {  	[spmem:s8] =	stream.linear.scatter [tilespmem:s13], [sflag:$0x5], $0x4000, $0x38;
	[tilespmem:$0x1E800] =	vst v63  }
0x30: {  	_ =	swait.ge [sflag:s14], $0x4000  }
0x31: {  	[sflag:s14] =	ssyncset.done $0x0  }
0x32: {  	[sflag:s14] =	ssyncadd.s32 $0xFFFFC000  }
0x33: {  	[spmem:s9] =	stream.linear.scatter [tilespmem:s13], [sflag:$0x5], $0x4000, $0x38;
	[tilespmem:$0x1E800] =	vst v63  }
0x34: {  	_ =	swait.ge [sflag:s14], $0x4000  }
0x35: {  	[sflag:s14] =	ssyncset.done $0x0  }
0x36: {  	[sflag:s14] =	ssyncadd.s32 $0xFFFFC000  }
0x37: {  	s31 =	simm.s32 $0x0;
	[bflag:$0x0] =	sbarrier.arrive $0xFFFF  }
0x38: {  	[tilespmem:s31], [sflag:$0x5] =	stream.linear.gather [hbm4b:s10+s31], $0x2800, $0x38;
	[tilespmem:$0x1E800] =	vst v63  }
0x39: {  	_ =	swait.ge [sflag:s14], $0x2800  }
0x3a: {  	[sflag:s14] =	ssyncset.done $0x0  }
0x3b: {  	s25 =	simm.s32 $0x0;
	[sflag:s14] =	ssyncadd.s32 $0xFFFFD800  }
0x3c: {  	v7 =	vld [tilespmem:s25+$0x80]  }
0x3d: {  	v14 =	vld [tilespmem:s25+$0x90]  }
0x3e: {  	v6 =	vld [tilespmem:s25+$0xA0]  }
0x3f: {  	v5 =	vld [tilespmem:s25+$0xB0]  }
0x40: {  	v4 =	vld [tilespmem:s25+$0xC0]  }
0x41: {  	v3 =	vld [tilespmem:s25+$0xD0]  }
0x42: {  	v2 =	vld [tilespmem:s25+$0xE0]  }
0x43: {  	v1 =	vld [tilespmem:s25+$0xF0]  }
0x44: {  	v13 =	vld [tilespmem:s25+$0x0]  }
0x45: {  	v12 =	vld [tilespmem:s25+$0x10]  }
0x46: {  	v11 =	vld [tilespmem:s25+$0x20]  }
0x47: {  	v10 =	vld [tilespmem:s25+$0x30]  }
0x48: {  	v9 =	vld [tilespmem:s25+$0x40]  }
0x49: {  	v8 =	vld [tilespmem:s25+$0x50];
	vm0 =	veq.s32 v13, v7  }
0x4a: {  	s26 =	simm.s32 $0x400;
	v7 =	vld [tilespmem:s25+$0x60];
	v13 =	vsel vm0, $0x2710, v13;
	vm0 =	veq.s32 v12, v14  }
.LBB2_4:
0x4b: {  	s28 =	sshra.s32 s26, $0x2;
	p0 =	sne.s32 s26, $0x9C00;
	[tilespmem:s25+$0x0] =	vst v13;
	v12 =	vsel vm0, $0x2710, v12;
	vm0 =	veq.s32 v11, v6;
	v13 =	vld [tilespmem:s25+$0x70]  }
0x4c: {  	v14 =	vld [tilespmem:s28+$0x80];
	[tilespmem:s25+$0x10] =	vst v12;
	v6 =	vsel vm0, $0x2710, v11;
	vm0 =	veq.s32 v10, v5  }
0x4d: {  	v15 =	vld [tilespmem:s28+$0x90];
	[tilespmem:s25+$0x20] =	vst v6;
	v5 =	vsel vm0, $0x2710, v10;
	vm0 =	veq.s32 v9, v4  }
0x4e: {  	v6 =	vld [tilespmem:s28+$0xA0];
	[tilespmem:s25+$0x30] =	vst v5;
	v4 =	vsel vm0, $0x2710, v9;
	vm0 =	veq.s32 v8, v3  }
0x4f: {  	v5 =	vld [tilespmem:s28+$0xB0];
	[tilespmem:s25+$0x40] =	vst v4;
	v3 =	vsel vm0, $0x2710, v8;
	vm0 =	veq.s32 v7, v2  }
0x50: {  	v4 =	vld [tilespmem:s28+$0xC0];
	[tilespmem:s25+$0x50] =	vst v3;
	v2 =	vsel vm0, $0x2710, v7;
	vm0 =	veq.s32 v13, v1  }
0x51: {  	v3 =	vld [tilespmem:s28+$0xD0];
	[tilespmem:s25+$0x60] =	vst v2;
	v1 =	vsel vm0, $0x2710, v13  }
0x52: {  	v2 =	vld [tilespmem:s28+$0xE0];
	[tilespmem:s25+$0x70] =	vst v1;
	s25 =	smov.u32 s28  }
0x53: {  	v1 =	vld [tilespmem:s25+$0xF0]  }
0x54: {  	v7 =	vld [tilespmem:s25+$0x0]  }
0x55: {  	v12 =	vld [tilespmem:s25+$0x10]  }
.Ltmp1:
0x56: {  	v11 =	vld [tilespmem:s25+$0x20];
	(pc) =	sbr.rel @p0 .LBB2_4-.Ltmp1, $4  }
0x57: {  	v10 =	vld [tilespmem:s25+$0x30]  }
0x58: {  	v9 =	vld [tilespmem:s25+$0x40]  }
0x59: {  	vm0 =	veq.s32 v7, v14;
	v8 =	vld [tilespmem:s25+$0x50]  }
0x5a: {  	s26 =	sadd.s32 $0x400, s26;
	v13 =	vsel vm0, $0x2710, v7;
	vm0 =	veq.s32 v12, v15;
	v7 =	vld [tilespmem:s25+$0x60]  }
0x5b: {  	[tilespmem:s25+$0x0] =	vst v13;
	v12 =	vsel vm0, $0x2710, v12;
	vm10 =	veq.s32 v11, v6;
	v63 =	vld [tilespmem:s25+$0x70]  }
0x5c: {  	[tilespmem:s25+$0x10] =	vst v12;
	v11 =	vsel vm10, $0x2710, v11;
	vm11 =	veq.s32 v10, v5  }
0x5d: {  	[tilespmem:s25+$0x20] =	vst v11;
	v5 =	vsel vm11, $0x2710, v10;
	vm12 =	veq.s32 v9, v4  }
0x5e: {  	[tilespmem:s25+$0x30] =	vst v5;
	v4 =	vsel vm12, $0x2710, v9;
	vm13 =	veq.s32 v8, v3  }
0x5f: {  	[tilespmem:s25+$0x40] =	vst v4;
	v3 =	vsel vm13, $0x2710, v8;
	vm14 =	veq.s32 v7, v2  }
0x60: {  	[tilespmem:s25+$0x50] =	vst v3;
	v2 =	vsel vm14, $0x2710, v7;
	vm15 =	veq.s32 v63, v1  }
0x61: {  	[tilespmem:s25+$0x60] =	vst v2;
	v1 =	vsel vm15, $0x2710, v63  }
0x62: {  	[tilespmem:s25+$0x70] =	vst v1  }
0x63: {  	[tilespmem:s13], [sflag:$0x1] =	stream.indirect.gather [hbm4b:s4+s15], $0x80, s3, s15, $0xb8;
	[tilespmem:$0x1E800] =	vst v63  }
0x64: {  	_ = 	snop  }
0x65: {  	[tilespmem:s17], [sflag:$0x2] =	stream.indirect.gather [hbm4b:s4+s15], $0x80, s16, s15, $0xb8;
	[tilespmem:$0x1E800] =	vst v63  }
0x66: {  	_ =	swait.ge [sflag:s18], $0x4000  }
0x67: {  	[sflag:s18] =	ssyncset.done $0x0  }
0x68: {  	s29 =	simm.s32 $0x80;
	[sflag:s18] =	ssyncadd.s32 $0xFFFFC000  }
0x69: {  	[spmem:s2] =	stream.indirect.scatter.add.f32 [tilespmem:s13], [sflag:$0x3], $0x80, s29, s15, $0xb8;
	[tilespmem:$0x1E800] =	vst v63  }
0x6a: {  	_ =	swait.ge [sflag:s19], $0x4000  }
0x6b: {  	[sflag:s19] =	ssyncset.done $0x0  }
0x6c: {  	s30 =	simm.s32 $0x180;
	[sflag:s19] =	ssyncadd.s32 $0xFFFFC000  }
0x6d: {  	[spmem:s2] =	stream.indirect.scatter.add.f32 [tilespmem:s17], [sflag:$0x4], $0x80, s30, s15, $0xb8;
	[tilespmem:$0x1E800] =	vst v63  }
0x6e: {  	_ =	swait.ge [sflag:s20], $0x4000  }
0x6f: {  	[sflag:s20] =	ssyncset.done $0x0  }
0x70: {  	s31 =	simm.s32 $0x200;
	[sflag:s20] =	ssyncadd.s32 $0xFFFFC000  }
0x71: {  	[tilespmem:s13], [sflag:$0x1] =	stream.indirect.gather [hbm4b:s4+s15], $0x80, s31, s15, $0xb8;
	[tilespmem:$0x1E800] =	vst v63  }
0x72: {  	_ =	swait.ge [sflag:s21], $0x4000  }
0x73: {  	[sflag:s21] =	ssyncset.done $0x0  }
0x74: {  	s26 =	simm.s32 $0x300;
	s25 =	simm.s32 $0xFFFF7000;
	[sflag:s21] =	ssyncadd.s32 $0xFFFFC000  }
.LBB2_6:
0x75: {  	[tilespmem:s17], [sflag:$0x2] =	stream.indirect.gather [hbm4b:s4+s15], $0x80, s26, s15, $0xb8;
	[tilespmem:$0x1E800] =	vst v63  }
0x76: {  	s26 =	smov.u32 s25  }
0x77: {  	p0 =	sne.s32 s25, $0xFFFFF800;
	s25 =	sadd.s32 $0x800, s25;
	_ =	swait.ge [sflag:s18], $0x4000  }
0x78: {  	s26 =	sshra.s32 s26, $0x2;
	[sflag:s18] =	ssyncset.done $0x0  }
0x79: {  	s28 =	sadd.s32 $0x2680, s26;
	[sflag:s18] =	ssyncadd.s32 $0xFFFFC000  }
0x7a: {  	[spmem:s2] =	stream.indirect.scatter.add.f32 [tilespmem:s13], [sflag:$0x3], $0x80, s28, s15, $0xb8;
	[tilespmem:$0x1E800] =	vst v63  }
0x7b: {  	_ =	swait.ge [sflag:s19], $0x4000  }
0x7c: {  	[sflag:s19] =	ssyncset.done $0x0  }
0x7d: {  	s28 =	sadd.s32 $0x2780, s26;
	[sflag:s19] =	ssyncadd.s32 $0xFFFFC000  }
0x7e: {  	[spmem:s2] =	stream.indirect.scatter.add.f32 [tilespmem:s17], [sflag:$0x4], $0x80, s28, s15, $0xb8;
	[tilespmem:$0x1E800] =	vst v63  }
0x7f: {  	_ =	swait.ge [sflag:s20], $0x4000  }
0x80: {  	[sflag:s20] =	ssyncset.done $0x0  }
.Ltmp2:
0x81: {  	s28 =	sadd.s32 $0x2800, s26;
	[sflag:s20] =	ssyncadd.s32 $0xFFFFC000;
	(pc) =	sbr.rel @p0 .LBB2_6-.Ltmp2, $4  }
0x82: {  	[tilespmem:s13], [sflag:$0x1] =	stream.indirect.gather [hbm4b:s4+s15], $0x80, s28, s15, $0xb8;
	[tilespmem:$0x1E800] =	vst v63  }
0x83: {  	_ =	swait.ge [sflag:s21], $0x4000  }
0x84: {  	[sflag:s21] =	ssyncset.done $0x0  }
0x85: {  	s26 =	sadd.s32 $0x2900, s26;
	[sflag:s21] =	ssyncadd.s32 $0xFFFFC000  }
0x86: {  	[tilespmem:s17], [sflag:$0x2] =	stream.indirect.gather [hbm4b:s4+s15], $0x80, s26, s15, $0xb8;
	[tilespmem:$0x1E800] =	vst v63  }
0x87: {  	_ =	swait.ge [sflag:s18], $0x4000  }
0x88: {  	[sflag:s18] =	ssyncset.done $0x0  }
0x89: {  	[sflag:s18] =	ssyncadd.s32 $0xFFFFC000  }
0x8a: {  	[spmem:s2] =	stream.indirect.scatter.add.f32 [tilespmem:s13], [sflag:$0x3], $0x80, s22, s15, $0xb8;
	[tilespmem:$0x1E800] =	vst v63  }
0x8b: {  	_ =	swait.ge [sflag:s19], $0x4000  }
0x8c: {  	[sflag:s19] =	ssyncset.done $0x0  }
0x8d: {  	[sflag:s19] =	ssyncadd.s32 $0xFFFFC000  }
0x8e: {  	[spmem:s2] =	stream.indirect.scatter.add.f32 [tilespmem:s17], [sflag:$0x4], $0x80, s23, s15, $0xb8;
	[tilespmem:$0x1E800] =	vst v63  }
0x8f: {  	_ =	swait.ge [sflag:s20], $0x4000  }
0x90: {  	[sflag:s20] =	ssyncset.done $0x0  }
0x91: {  	[sflag:s20] =	ssyncadd.s32 $0xFFFFC000  }
0x92: {  	_ =	swait.ge [sflag:s21], $0x4000  }
0x93: {  	[sflag:s21] =	ssyncset.done $0x0  }
0x94: {  	s25 =	sadd.s32 $0x500, s10;
	s31 =	simm.s32 $0x0;
	[sflag:s21] =	ssyncadd.s32 $0xFFFFC000  }
0x95: {  	[tilespmem:s31], [sflag:$0x5] =	stream.linear.gather [hbm4b:s25+s31], $0x2800, $0x38;
	[tilespmem:$0x1E800] =	vst v63  }
0x96: {  	_ =	swait.ge [sflag:s14], $0x2800  }
0x97: {  	[sflag:s14] =	ssyncset.done $0x0  }
0x98: {  	s25 =	simm.s32 $0x0;
	[sflag:s14] =	ssyncadd.s32 $0xFFFFD800  }
0x99: {  	v7 =	vld [tilespmem:s25+$0x80]  }
0x9a: {  	v14 =	vld [tilespmem:s25+$0x90]  }
0x9b: {  	v6 =	vld [tilespmem:s25+$0xA0]  }
0x9c: {  	v5 =	vld [tilespmem:s25+$0xB0]  }
0x9d: {  	v4 =	vld [tilespmem:s25+$0xC0]  }
0x9e: {  	v3 =	vld [tilespmem:s25+$0xD0]  }
0x9f: {  	v2 =	vld [tilespmem:s25+$0xE0]  }
0xa0: {  	v1 =	vld [tilespmem:s25+$0xF0]  }
0xa1: {  	v13 =	vld [tilespmem:s25+$0x0]  }
0xa2: {  	v12 =	vld [tilespmem:s25+$0x10]  }
0xa3: {  	v11 =	vld [tilespmem:s25+$0x20]  }
0xa4: {  	v10 =	vld [tilespmem:s25+$0x30]  }
0xa5: {  	v9 =	vld [tilespmem:s25+$0x40]  }
0xa6: {  	v8 =	vld [tilespmem:s25+$0x50];
	vm0 =	veq.s32 v13, v7  }
0xa7: {  	s26 =	simm.s32 $0x400;
	v7 =	vld [tilespmem:s25+$0x60];
	v13 =	vsel vm0, $0x2710, v13;
	vm0 =	veq.s32 v12, v14  }
.LBB2_8:
0xa8: {  	s28 =	sshra.s32 s26, $0x2;
	p0 =	sne.s32 s26, $0x9C00;
	[tilespmem:s25+$0x0] =	vst v13;
	v12 =	vsel vm0, $0x2710, v12;
	vm0 =	veq.s32 v11, v6;
	v13 =	vld [tilespmem:s25+$0x70]  }
0xa9: {  	v14 =	vld [tilespmem:s28+$0x80];
	[tilespmem:s25+$0x10] =	vst v12;
	v6 =	vsel vm0, $0x2710, v11;
	vm0 =	veq.s32 v10, v5  }
0xaa: {  	v15 =	vld [tilespmem:s28+$0x90];
	[tilespmem:s25+$0x20] =	vst v6;
	v5 =	vsel vm0, $0x2710, v10;
	vm0 =	veq.s32 v9, v4  }
0xab: {  	v6 =	vld [tilespmem:s28+$0xA0];
	[tilespmem:s25+$0x30] =	vst v5;
	v4 =	vsel vm0, $0x2710, v9;
	vm0 =	veq.s32 v8, v3  }
0xac: {  	v5 =	vld [tilespmem:s28+$0xB0];
	[tilespmem:s25+$0x40] =	vst v4;
	v3 =	vsel vm0, $0x2710, v8;
	vm0 =	veq.s32 v7, v2  }
0xad: {  	v4 =	vld [tilespmem:s28+$0xC0];
	[tilespmem:s25+$0x50] =	vst v3;
	v2 =	vsel vm0, $0x2710, v7;
	vm0 =	veq.s32 v13, v1  }
0xae: {  	v3 =	vld [tilespmem:s28+$0xD0];
	[tilespmem:s25+$0x60] =	vst v2;
	v1 =	vsel vm0, $0x2710, v13  }
0xaf: {  	v2 =	vld [tilespmem:s28+$0xE0];
	[tilespmem:s25+$0x70] =	vst v1;
	s25 =	smov.u32 s28  }
0xb0: {  	v1 =	vld [tilespmem:s25+$0xF0]  }
0xb1: {  	v7 =	vld [tilespmem:s25+$0x0]  }
0xb2: {  	v12 =	vld [tilespmem:s25+$0x10]  }
.Ltmp3:
0xb3: {  	v11 =	vld [tilespmem:s25+$0x20];
	(pc) =	sbr.rel @p0 .LBB2_8-.Ltmp3, $4  }
0xb4: {  	v10 =	vld [tilespmem:s25+$0x30]  }
0xb5: {  	v9 =	vld [tilespmem:s25+$0x40]  }
0xb6: {  	vm0 =	veq.s32 v7, v14;
	v8 =	vld [tilespmem:s25+$0x50]  }
0xb7: {  	s26 =	sadd.s32 $0x400, s26;
	v13 =	vsel vm0, $0x2710, v7;
	vm0 =	veq.s32 v12, v15;
	v7 =	vld [tilespmem:s25+$0x60]  }
0xb8: {  	[tilespmem:s25+$0x0] =	vst v13;
	v12 =	vsel vm0, $0x2710, v12;
	vm10 =	veq.s32 v11, v6;
	v63 =	vld [tilespmem:s25+$0x70]  }
0xb9: {  	[tilespmem:s25+$0x10] =	vst v12;
	v11 =	vsel vm10, $0x2710, v11;
	vm11 =	veq.s32 v10, v5  }
0xba: {  	[tilespmem:s25+$0x20] =	vst v11;
	v5 =	vsel vm11, $0x2710, v10;
	vm12 =	veq.s32 v9, v4  }
0xbb: {  	[tilespmem:s25+$0x30] =	vst v5;
	v4 =	vsel vm12, $0x2710, v9;
	vm13 =	veq.s32 v8, v3  }
0xbc: {  	[tilespmem:s25+$0x40] =	vst v4;
	v3 =	vsel vm13, $0x2710, v8;
	vm14 =	veq.s32 v7, v2  }
0xbd: {  	[tilespmem:s25+$0x50] =	vst v3;
	v2 =	vsel vm14, $0x2710, v7;
	vm15 =	veq.s32 v63, v1  }
0xbe: {  	[tilespmem:s25+$0x60] =	vst v2;
	v1 =	vsel vm15, $0x2710, v63  }
0xbf: {  	[tilespmem:s25+$0x70] =	vst v1  }
0xc0: {  	[tilespmem:s13], [sflag:$0x1] =	stream.indirect.gather [hbm4b:s4+s15], $0x80, s3, s15, $0xb8;
	[tilespmem:$0x1E800] =	vst v63  }
0xc1: {  	_ = 	snop  }
0xc2: {  	[tilespmem:s17], [sflag:$0x2] =	stream.indirect.gather [hbm4b:s4+s15], $0x80, s16, s15, $0xb8;
	[tilespmem:$0x1E800] =	vst v63  }
0xc3: {  	_ =	swait.ge [sflag:s18], $0x4000  }
0xc4: {  	[sflag:s18] =	ssyncset.done $0x0  }
0xc5: {  	s29 =	simm.s32 $0x80;
	[sflag:s18] =	ssyncadd.s32 $0xFFFFC000  }
0xc6: {  	[spmem:s2] =	stream.indirect.scatter.add.f32 [tilespmem:s13], [sflag:$0x3], $0x80, s29, s15, $0xb8;
	[tilespmem:$0x1E800] =	vst v63  }
0xc7: {  	_ =	swait.ge [sflag:s19], $0x4000  }
0xc8: {  	[sflag:s19] =	ssyncset.done $0x0  }
0xc9: {  	s30 =	simm.s32 $0x180;
	[sflag:s19] =	ssyncadd.s32 $0xFFFFC000  }
0xca: {  	[spmem:s2] =	stream.indirect.scatter.add.f32 [tilespmem:s17], [sflag:$0x4], $0x80, s30, s15, $0xb8;
	[tilespmem:$0x1E800] =	vst v63  }
0xcb: {  	_ =	swait.ge [sflag:s20], $0x4000  }
0xcc: {  	[sflag:s20] =	ssyncset.done $0x0  }
0xcd: {  	s31 =	simm.s32 $0x200;
	[sflag:s20] =	ssyncadd.s32 $0xFFFFC000  }
0xce: {  	[tilespmem:s13], [sflag:$0x1] =	stream.indirect.gather [hbm4b:s4+s15], $0x80, s31, s15, $0xb8;
	[tilespmem:$0x1E800] =	vst v63  }
0xcf: {  	_ =	swait.ge [sflag:s21], $0x4000  }
0xd0: {  	[sflag:s21] =	ssyncset.done $0x0  }
0xd1: {  	s26 =	simm.s32 $0x300;
	s25 =	simm.s32 $0xFFFF7000;
	[sflag:s21] =	ssyncadd.s32 $0xFFFFC000  }
.LBB2_10:
0xd2: {  	[tilespmem:s17], [sflag:$0x2] =	stream.indirect.gather [hbm4b:s4+s15], $0x80, s26, s15, $0xb8;
	[tilespmem:$0x1E800] =	vst v63  }
0xd3: {  	s26 =	smov.u32 s25  }
0xd4: {  	p0 =	sne.s32 s25, $0xFFFFF800;
	s25 =	sadd.s32 $0x800, s25;
	_ =	swait.ge [sflag:s18], $0x4000  }
0xd5: {  	s26 =	sshra.s32 s26, $0x2;
	[sflag:s18] =	ssyncset.done $0x0  }
0xd6: {  	s28 =	sadd.s32 $0x2680, s26;
	[sflag:s18] =	ssyncadd.s32 $0xFFFFC000  }
0xd7: {  	[spmem:s2] =	stream.indirect.scatter.add.f32 [tilespmem:s13], [sflag:$0x3], $0x80, s28, s15, $0xb8;
	[tilespmem:$0x1E800] =	vst v63  }
0xd8: {  	_ =	swait.ge [sflag:s19], $0x4000  }
0xd9: {  	[sflag:s19] =	ssyncset.done $0x0  }
0xda: {  	s28 =	sadd.s32 $0x2780, s26;
	[sflag:s19] =	ssyncadd.s32 $0xFFFFC000  }
0xdb: {  	[spmem:s2] =	stream.indirect.scatter.add.f32 [tilespmem:s17], [sflag:$0x4], $0x80, s28, s15, $0xb8;
	[tilespmem:$0x1E800] =	vst v63  }
0xdc: {  	_ =	swait.ge [sflag:s20], $0x4000  }
0xdd: {  	[sflag:s20] =	ssyncset.done $0x0  }
.Ltmp4:
0xde: {  	s28 =	sadd.s32 $0x2800, s26;
	[sflag:s20] =	ssyncadd.s32 $0xFFFFC000;
	(pc) =	sbr.rel @p0 .LBB2_10-.Ltmp4, $4  }
0xdf: {  	[tilespmem:s13], [sflag:$0x1] =	stream.indirect.gather [hbm4b:s4+s15], $0x80, s28, s15, $0xb8;
	[tilespmem:$0x1E800] =	vst v63  }
0xe0: {  	_ =	swait.ge [sflag:s21], $0x4000  }
0xe1: {  	[sflag:s21] =	ssyncset.done $0x0  }
0xe2: {  	s26 =	sadd.s32 $0x2900, s26;
	[sflag:s21] =	ssyncadd.s32 $0xFFFFC000  }
0xe3: {  	[tilespmem:s17], [sflag:$0x2] =	stream.indirect.gather [hbm4b:s4+s15], $0x80, s26, s15, $0xb8;
	[tilespmem:$0x1E800] =	vst v63  }
0xe4: {  	_ =	swait.ge [sflag:s18], $0x4000  }
0xe5: {  	[sflag:s18] =	ssyncset.done $0x0  }
0xe6: {  	[sflag:s18] =	ssyncadd.s32 $0xFFFFC000  }
0xe7: {  	[spmem:s2] =	stream.indirect.scatter.add.f32 [tilespmem:s13], [sflag:$0x3], $0x80, s22, s15, $0xb8;
	[tilespmem:$0x1E800] =	vst v63  }
0xe8: {  	_ =	swait.ge [sflag:s19], $0x4000  }
0xe9: {  	[sflag:s19] =	ssyncset.done $0x0  }
0xea: {  	[sflag:s19] =	ssyncadd.s32 $0xFFFFC000  }
0xeb: {  	[spmem:s2] =	stream.indirect.scatter.add.f32 [tilespmem:s17], [sflag:$0x4], $0x80, s23, s15, $0xb8;
	[tilespmem:$0x1E800] =	vst v63  }
0xec: {  	_ =	swait.ge [sflag:s20], $0x4000  }
0xed: {  	[sflag:s20] =	ssyncset.done $0x0  }
0xee: {  	[sflag:s20] =	ssyncadd.s32 $0xFFFFC000  }
0xef: {  	_ =	swait.ge [sflag:s21], $0x4000  }
0xf0: {  	s25 =	sshll.u32 s0, $0x6;
	s24 =	sadd.s32 $0x1, s24;
	[sflag:s21] =	ssyncset.done $0x0  }
0xf1: {  	s31 =	sshrl.u32 s5, $0x3;
	p0 =	sne.s32 s24, s12;
	[sflag:s21] =	ssyncadd.s32 $0xFFFFC000  }
.Ltmp5:
0xf2: {  	s25 =	sor.u32 $0x1C05, s25;
	[bflag:$0x0] =	sbarrier.arrive $0xFFFF;
	(pc) =	sbr.rel @p0 .LBB2_1-.Ltmp5, $4  }
0xf3: {  	[hbm:s11], [sflag:s25] =	dma.local [spmem:s31], $0x2800  }
0xf4: {  	_ =	swait.ge [sflag:s14], $0x2800  }
0xf5: {  	[sflag:s14] =	ssyncset.done $0x0  }
0xf6: {  	[sflag:s14] =	ssyncadd.s32 $0xFFFFD800  }
0xf7: {  	_ =	sfence.sel $0x180000  }
0xf8: {  	[bflag:$0x0] =	sbarrier.arrive $0xFFFF  }
0xf9: {  	p0 =	sne.s32 s0, $0x0;
	_ =	strace $0x9000004A  }
0xfa: {  	s0 =	sadd.s32 @!p0 $0x100000, s1;
	[bflag:$0x2] =	sbarrier.arrive $0xFFFF  }
0xfb: {  	[sflag:s0] =	ssyncadd.tile.s32 @!p0 $0x1;
	_ =	shalt  }
.Lfunc_end2:
_tile_overlayer_lowered:
.L_overlay_start_2:
0xfc: {  	(tag) =	ssettag $0x2  }
0xfd: {  	s0 =	rddreg [dreg:$0x0];
	s2 =	stileid.u32  }
0xfe: {  	s1 =	rddreg [dreg:$0x1];
	p0 =	sne.s32 s2, $0x0  }
0xff: {  	s3 =	rddreg [dreg:$0x2];
	[bflag:$0x3] =	sbarrier.arrive $0xFFFF;
	s2 =	simm.s32 @!p0 $0x1C05  }
0x100: {  	[timem:s3], [sflag:s2] =	dma.local @!p0 [hbm:s0], s1  }
0x101: {  	s0 =	simm.s32 @!p0 $0x5  }
0x102: {  	_ =	swait.ge @!p0 [sflag:s0], s1  }
0x103: {  	s1 =	ssub.s32 @!p0 $0x0, s1;
	[sflag:s0] =	ssyncset.done @!p0 $0x0  }
0x104: {  	[sflag:s0] =	ssyncadd.s32 @!p0 s1  }
0x105: {  	[bflag:$0x3] =	sbarrier.arrive $0xFFFF  }
0x106: {  	_ =	shalt  }

// kernel: kernel.14.cloned.1.call-start
scs
__scs_entry_jumppad:
0x0: {  	(pc) =	sbr.rel $0x88, $3  }
0x1: {  	(tag) =	ssettag $0x0;
	lr =	simm.s32 $0x1  }
0x2: {  	[smem:$0x3F99] =	sst lr;
	_ =	strace $0xD0000000  }
0x3: {  	_ = 	snop  }
0x4: {  	_ = 	snop  }
0x5: {  	_ = 	snop  }
0x6: {  	_ = 	snop  }
0x7: {  	_ = 	snop  }
__scs_overlays_trampoline_lowered:
0x8: {  	[smem:$0x3FA8] =	sst s0  }
0x9: {  	[smem:$0x3FA9] =	sst s1  }
0xa: {  	[smem:$0x3FAA] =	sst s2  }
0xb: {  	[smem:$0x3FAB] =	sst s3  }
0xc: {  	[smem:$0x3FAC] =	sst s4  }
0xd: {  	[smem:$0x3FAD] =	sst s5  }
0xe: {  	[smem:$0x3FAE] =	sst s6  }
0xf: {  	[smem:$0x3FAF] =	sst s7  }
0x10: {  	[smem:$0x3FB0] =	sst s8  }
0x11: {  	[smem:$0x3FB1] =	sst s9;
	s0 =	simm.s32 @!p0 $0x0  }
0x12: {  	s1 =	sld [smem:$0x3F97];
	s0 =	simm.s32 @p0 $0x1  }
0x13: {  	[smem:$0x3FB2] =	sst s0;
	s0 =	simm.s32 @!p1 $0x0  }
0x14: {  	s2 =	sld [smem:$0x3F96];
	s0 =	simm.s32 @p1 $0x1  }
0x15: {  	[smem:$0x3FB3] =	sst s0;
	s0 =	simm.s32 @!p2 $0x0  }
0x16: {  	s3 =	sld [smem:$0x3FDB];
	s0 =	simm.s32 @p2 $0x1  }
0x17: {  	s4 =	simm.s32 $0x1BF5;
	[smem:$0x3FB5] =	sst s0  }
0x18: {  	s0 =	sld [smem:$0x3F98];
	_ =	swait.ge [sflag:s4], $0x0  }
0x19: {  	s7 =	sld [smem:$0x3F99]  }
0x1a: {  	s8 =	sadd.s32 $0xFFFFE003, lr  }
0x1b: {  	s9 =	sadd.s32 $0xFFFFFEF7, lr;
	s5 =	simm.s32 $0xFFFFFFFF;
	p2 =	slt.u32 s8, $0xFFFFF086  }
0x1c: {  	p1 =	slt.u32 s9, $0xF7A;
	s5 =	simm.s32 @!p2 $0x0  }
0x1d: {  	s5 =	simm.s32 @p1 $0x1;
	p0 =	seq.s32 s7, s2  }
0x1e: {  	s7 =	smul.u32 @!p0 $0xF7A, s2;
	p2 =	seq.s32 @!p0 s5, $0x0  }
0x1f: {  	s9 =	smul.u32 $0xF7A, s1;
	s8 =	simm.s32 @!p0 $0x1BF5;
	p2 =	por !p2, p0  }
0x20: {  	[sflag:s8] =	ssyncset.s32 @!p0 $0xFFFFF086;
	s6 =	sadd.s32 @!p0 s3, s7;
	s7 =	simm.s32 @!p0 $0x108  }
0x21: {  	s3 =	sadd.s32 s3, s9;
	s6 =	sadd.s32 @!p0 $0x88, s6;
	s7 =	simm.s32 @p2 $0x1082  }
0x22: {  	[simem:s7], [sflag:s8] =	dma.local @!p0 [hbm:s6], $0xF7A  }
0x23: {  	s9 =	sor.u32 $0xD0000000, s2;
	s6 =	simm.s32 $0x108;
	_ =	swait.ge @!p0 [sflag:s8], $0x0  }
0x24: {  	s3 =	sadd.s32 $0x88, s3;
	s6 =	simm.s32 @!p1 $0x1082;
	[sflag:s4] =	ssyncset.s32 $0xFFFFF086  }
0x25: {  	[simem:s6], [sflag:s4] =	dma.local [hbm:s3], $0xF7A  }
0x26: {  	[smem:$0x3F99] =	sst s1;
	(tag) =	ssettag s2;
	_ =	strace s9  }
0x27: {  	s1 =	sld [smem:$0x3FA9]  }
0x28: {  	s2 =	sld [smem:$0x3FAA]  }
0x29: {  	s4 =	sld [smem:$0x3FAC]  }
0x2a: {  	p0 =	seq.s32 s5, $0x0;
	s5 =	sld [smem:$0x3FAD]  }
0x2b: {  	s6 =	sld [smem:$0x3FAE]  }
0x2c: {  	s7 =	sld [smem:$0x3FAF]  }
0x2d: {  	s3 =	simm.s32 $0x108;
	s8 =	sld [smem:$0x3FB0]  }
0x2e: {  	s3 =	simm.s32 @!p0 $0x1082;
	s9 =	sld [smem:$0x3FB1]  }
0x2f: {  	lr =	sadd.s32 s0, s3;
	s0 =	sld [smem:$0x3FA8]  }
0x30: {  	s3 =	sld [smem:$0x3FAB]  }
0x31: {  	[smem:$0x3FB4] =	sst s10  }
0x32: {  	s10 =	sld [smem:$0x3FB2];
	_ =	sdelay $0x3  }
0x33: {  	p0 =	seq.s32 s10, $0x1;
	s10 =	sld [smem:$0x3FB4];
	_ =	sdelay $0x3  }
0x34: {  	[smem:$0x3FB4] =	sst s10  }
0x35: {  	s10 =	sld [smem:$0x3FB3];
	_ =	sdelay $0x3  }
0x36: {  	p1 =	seq.s32 s10, $0x1;
	s10 =	sld [smem:$0x3FB4];
	_ =	sdelay $0x3  }
0x37: {  	[smem:$0x3FB4] =	sst s10  }
0x38: {  	s10 =	sld [smem:$0x3FB5]  }
0x39: {  	_ = 	snop;
	(pc) =	sbr.ind lr, $3  }
0x3a: {  	_ = 	snop  }
0x3b: {  	_ = 	snop  }
0x3c: {  	p2 =	seq.s32 s10, $0x1;
	s10 =	sld [smem:$0x3FB4]  }
0x3d: {  	_ =	shalt  }
0x3e: {  	_ =	shalt  }
0x3f: {  	_ =	shalt  }
0x40: {  	_ =	shalt  }
0x41: {  	_ =	shalt  }
0x42: {  	_ =	shalt  }
0x43: {  	_ =	shalt  }
0x44: {  	_ =	shalt  }
0x45: {  	_ =	shalt  }
0x46: {  	_ =	shalt  }
0x47: {  	_ =	shalt  }
0x48: {  	_ =	shalt  }
0x49: {  	_ =	shalt  }
0x4a: {  	_ =	shalt  }
0x4b: {  	_ =	shalt  }
0x4c: {  	_ =	shalt  }
0x4d: {  	_ =	shalt  }
0x4e: {  	_ =	shalt  }
0x4f: {  	_ =	shalt  }
0x50: {  	_ =	shalt  }
0x51: {  	_ =	shalt  }
0x52: {  	_ =	shalt  }
0x53: {  	_ =	shalt  }
0x54: {  	_ =	shalt  }
0x55: {  	_ =	shalt  }
0x56: {  	_ =	shalt  }
0x57: {  	_ =	shalt  }
0x58: {  	_ =	shalt  }
0x59: {  	_ =	shalt  }
0x5a: {  	_ =	shalt  }
0x5b: {  	_ =	shalt  }
0x5c: {  	_ =	shalt  }
0x5d: {  	_ =	shalt  }
0x5e: {  	_ =	shalt  }
0x5f: {  	_ =	shalt  }
0x60: {  	_ =	shalt  }
0x61: {  	_ =	shalt  }
0x62: {  	_ =	shalt  }
0x63: {  	_ =	shalt  }
0x64: {  	_ =	shalt  }
0x65: {  	_ =	shalt  }
0x66: {  	_ =	shalt  }
0x67: {  	_ =	shalt  }
0x68: {  	_ =	shalt  }
0x69: {  	_ =	shalt  }
0x6a: {  	_ =	shalt  }
0x6b: {  	_ =	shalt  }
0x6c: {  	_ =	shalt  }
0x6d: {  	_ =	shalt  }
0x6e: {  	_ =	shalt  }
0x6f: {  	_ =	shalt  }
0x70: {  	_ =	shalt  }
0x71: {  	_ =	shalt  }
0x72: {  	_ =	shalt  }
0x73: {  	_ =	shalt  }
0x74: {  	_ =	shalt  }
0x75: {  	_ =	shalt  }
0x76: {  	_ =	shalt  }
0x77: {  	_ =	shalt  }
0x78: {  	_ =	shalt  }
0x79: {  	_ =	shalt  }
0x7a: {  	_ =	shalt  }
0x7b: {  	_ =	shalt  }
0x7c: {  	_ =	shalt  }
0x7d: {  	_ =	shalt  }
0x7e: {  	_ =	shalt  }
0x7f: {  	_ =	shalt  }
0x80: {  	_ =	shalt  }
0x81: {  	_ =	shalt  }
0x82: {  	_ =	shalt  }
0x83: {  	_ =	shalt  }
0x84: {  	_ =	shalt  }
0x85: {  	_ =	shalt  }
0x86: {  	_ =	shalt  }
0x87: {  	_ =	shalt  }
.Lfunc_end0:
.L_simem_size_0:
called_computation.2_lowered:
.L_overlay_start_0:
0x88: {  	s2 =	sld [smem:$0x3FD9]  }
0x89: {  	s3 =	sld [smem:$0x3FFE];
	_ =	sdelay $0x1  }
0x8a: {  	s1 =	srdreg.scid  }
0x8b: {  	s0 =	sand.u32 $0x1, s1  }
0x8c: {  	s17 =	sshll.u32 s0, $0xA;
	s2 =	sadd.s32 s3, s2  }
0x8d: {  	s2 =	sadd.s32 s2, s17  }
0x8e: {  	[smem:$0x3FC0] =	sst s2  }
0x8f: {  	_ = 	snop  }
0x90: {  	s2 =	sld [smem:$0x3FD0];
	(tm) =	ssettm $0x1  }
0x91: {  	s18 =	sld [smem:$0x3FFB];
	_ =	sdelay $0x3  }
0x92: {  	_ =	strace s18  }
0x93: {  	s3 =	sld [smem:$0x3FFC];
	_ =	sdelay $0x3  }
0x94: {  	_ =	strace s3  }
0x95: {  	s3 =	sld [smem:$0x3FFD];
	_ =	sdelay $0x3  }
0x96: {  	_ =	strace s3  }
0x97: {  	_ =	strace $0x8FFFFFFF  }
0x98: {  	s19 =	sld [smem:$0x3FDB];
	_ =	sdelay $0x1  }
0x99: {  	s4 =	simm.s32 $_scs_section_size  }
0x9a: {  	s5 =	simm.s32 $_size__tile_overlayer_lowered;
	s6 =	simm.s32 $_tile_overlayer_lowered  }
0x9b: {  	s22 =	simm.s32 $0x1BFF;
	s21 =	sshll.u32 s6, $0x1;
	s3 =	sadd.s32 s4, s19  }
0x9c: {  	s7 =	simm.s32 $0x0;
	s20 =	sshll.u32 s5, $0x1;
	s5 =	sadd.s32 s21, s3  }
0x9d: {  	[timem:s7], [sflag:s22] =	dma.local [hbm:s5], s20  }
0x9e: {  	_ =	swait.ge [sflag:s22], s20  }
0x9f: {  	s4 =	ssub.s32 $0x0, s20;
	[sflag:s22] =	ssyncset.done $0x0  }
0xa0: {  	[sflag:s22] =	ssyncadd.s32 s4;
	_ =	sdelay $0x1  }
0xa1: {  	s23 =	simm.s32 $0x1B8B  }
0xa2: {  	_ =	swait.ge [sflag:s23], $0x1  }
0xa3: {  	[sflag:s23] =	ssyncset.done $0x0  }
0xa4: {  	s25 =	simm.s32 $0x1B8E;
	s24 =	sld [smem:$0x3FFE];
	[sflag:s23] =	ssyncadd.s32 $0xFFFFFFFF  }
0xa5: {  	s26 =	simm.s32 $execute0_lowered;
	[smem:$0x3FD2] =	sst s25  }
0xa6: {  	s5 =	sshll.u32 s26, $0x1;
	_ =	strace $0x8000004C;
	[dreg:$0x1] =	wrdreg $0xFFFFFFFF  }
0xa7: {  	s28 =	simm.s32 $_size_execute0_lowered;
	s3 =	sadd.s32 s3, s5;
	[dreg:$0x0] =	wrdreg $0x0  }
0xa8: {  	s5 =	sshll.u32 s28, $0x1;
	[dreg:$0x2] =	wrdreg s3  }
0xa9: {  	[dreg:$0x3] =	wrdreg s5  }
0xaa: {  	[dreg:$0x4] =	wrdreg $0xC0  }
0xab: {  	_ =	task [dreg:s7], $0x5FFFF  }
0xac: {  	[dreg:$0x1] =	wrdreg $0xFFFFFFFF  }
0xad: {  	[dreg:$0x0] =	wrdreg $0x60  }
0xae: {  	[dreg:$0x2] =	wrdreg s2  }
0xaf: {  	[dreg:$0x3] =	wrdreg s24  }
0xb0: {  	[dreg:$0x4] =	wrdreg $0xA8000  }
0xb1: {  	[dreg:$0x5] =	wrdreg $0x9  }
0xb2: {  	_ =	task.clear_ibuf [dreg:s7], $0x6FFFF;
	_ =	strace $0x9000004C  }
0xb3: {  	s29 =	simm.s32 $0x9;
	_ =	strace $0x8000004E  }
0xb4: {  	_ =	swait.ge [sflag:s29], $0x1  }
0xb5: {  	[sflag:s29] =	ssyncadd.s32 $0xFFFFFFFF  }
0xb6: {  	_ =	strace $0x9000004E  }
0xb7: {  	_ =	sfence  }
0xb8: {  	s30 =	sld [smem:$0x0];
	_ =	sdelay $0x2  }
0xb9: {  	s31 =	sshll.u32 s1, $0xD;
	s1 =	sshrl.u32 s1, $0x2  }
0xba: {  	s3 =	sand.u32 $0x4000, s31;
	s1 =	sadd.s32 s1, s30  }
0xbb: {  	s0 =	sor.u32 s3, s0;
	s1 =	sshll.u32 s1, $0x11  }
0xbc: {  	s0 =	sor.u32 s1, s0  }
0xbd: {  	s0 =	sadd.s32 $0x8F2B, s0  }
0xbe: {  	[sflag:s0] =	ssyncadd.remote.s32 $0x1  }
0xbf: {  	_ =	sfence.sel $0xFFFF  }
0xc0: {  	[dreg:$0x0] =	wrdreg $0xFFFFFFFF;
	(pc) =	sbr.abs _section_cstart, $3  }
0xc1: {  	[dreg:$0x1] =	wrdreg $0xFFFFFFFF  }
0xc2: {  	_ =	task.clear_ibuf [dreg:s7], $0x2FFFF;
	_ =	strace $0x9FFFFFFF  }
0xc3: {  	(tm) =	ssettm $0x7FFFFFFF  }
tec
execute0_lowered:
.L_overlay_start_1:
0x0: {  	(tag) =	ssettag $0x1  }
0x1: {  	s10 =	rddreg [dreg:$0x0]  }
0x2: {  	s6 =	rddreg [dreg:$0x1]  }
0x3: {  	s2 =	rddreg [dreg:$0x2]  }
0x4: {  	s0 =	srdreg.scid;
	s1 =	rddreg [dreg:$0x3]  }
0x5: {  	s3 =	simm.s32 $0x0;
	s14 =	simm.s32 $0x5;
	s15 =	simm.s32 $0x80  }
0x6: {  	s16 =	simm.s32 $0x100;
	s17 =	simm.s32 $0x6800;
	s18 =	simm.s32 $0x1  }
0x7: {  	s19 =	simm.s32 $0x2;
	s20 =	simm.s32 $0x3;
	s5 =	sand.u32 $0x1, s0  }
0x8: {  	s21 =	simm.s32 $0x4;
	s0 =	stileid.u32;
	s4 =	smul.u32 $0x140000, s5  }
0x9: {  	s22 =	simm.s32 $0x2680;
	s23 =	simm.s32 $0x2780;
	s7 =	smul.u32 $0x14000, s0  }
0xa: {  	s24 =	simm.s32 $0x0;
	[smem:$0x7FF] =	sst s3;
	s8 =	smul.u32 $0x50000, s0  }
0xb: {  	_ =	strace $0x8000004D;
	s29 =	ssub.s32 $0x2, s5;
	s5 =	sshll.u32 s5, $0x4  }
0xc: {  	s31 =	sshrl.u32 s29, $0x1;
	s9 =	sor.u32 s0, s5;
	s4 =	sadd.s32 s7, s4  }
0xd: {  	s30 =	sshrl.u32 s8, $0x2;
	s12 =	ssub.s32 s29, s31;
	s13 =	smul.u32 $0xA00, s9  }
0xe: {  	s7 =	sshrl.u32 s4, $0x3;
	s4 =	sadd.s32 $0x2B200, s6;
	s5 =	sadd.s32 s30, s2  }
0xf: {  	s12 =	smax.u32 s12, $0x1;
	s11 =	sadd.s32 s7, s6;
	s6 =	sadd.s32 $0x4000, s5  }
0x10: {  	s7 =	sadd.s32 $0x8000, s5;
	s8 =	sadd.s32 $0xC000, s5;
	s9 =	sadd.s32 $0x10000, s5  }
0x11: {  	v0 =	vimm.f32 $0.0e+00;
	s10 =	sadd.s32 s10, s13;
	s13 =	simm.s32 $0x2800;
	s11 =	sadd.s32 $0x7B200, s11  }
.LBB2_1:
0x12: {  	s25 =	simm.s32 $0x0;
	s26 =	simm.s32 $0x200  }
.LBB2_2:
0x13: {  	p0 =	sne.s32 s26, $0xFE00;
	[tilespmem:s25+$0x2870] =	vst v0  }
0x14: {  	[tilespmem:s25+$0x2800] =	vst v0  }
0x15: {  	[tilespmem:s25+$0x2810] =	vst v0  }
.Ltmp0:
0x16: {  	[tilespmem:s25+$0x2820] =	vst v0;
	(pc) =	sbr.rel @p0 .LBB2_2-.Ltmp0, $4  }
0x17: {  	[tilespmem:s25+$0x2830] =	vst v0  }
0x18: {  	[tilespmem:s25+$0x2840] =	vst v0  }
0x19: {  	[tilespmem:s25+$0x2850] =	vst v0  }
0x1a: {  	[tilespmem:s25+$0x2860] =	vst v0;
	s25 =	sshra.s32 s26, $0x2;
	s26 =	sadd.s32 $0x200, s26  }
0x1b: {  	[tilespmem:s25+$0x2870] =	vst v0  }
0x1c: {  	[tilespmem:s25+$0x2800] =	vst v0  }
0x1d: {  	[tilespmem:s25+$0x2810] =	vst v0  }
0x1e: {  	[tilespmem:s25+$0x2820] =	vst v0  }
0x1f: {  	[tilespmem:s25+$0x2830] =	vst v0  }
0x20: {  	[tilespmem:s25+$0x2840] =	vst v0  }
0x21: {  	[tilespmem:s25+$0x2850] =	vst v0  }
0x22: {  	[tilespmem:s25+$0x2860] =	vst v0  }
0x23: {  	[spmem:s5] =	stream.linear.scatter [tilespmem:s13], [sflag:$0x5], $0x4000, $0x38;
	[tilespmem:$0x1E800] =	vst v63  }
0x24: {  	_ =	swait.ge [sflag:s14], $0x4000  }
0x25: {  	[sflag:s14] =	ssyncset.done $0x0  }
0x26: {  	[sflag:s14] =	ssyncadd.s32 $0xFFFFC000  }
0x27: {  	[spmem:s6] =	stream.linear.scatter [tilespmem:s13], [sflag:$0x5], $0x4000, $0x38;
	[tilespmem:$0x1E800] =	vst v63  }
0x28: {  	_ =	swait.ge [sflag:s14], $0x4000  }
0x29: {  	[sflag:s14] =	ssyncset.done $0x0  }
0x2a: {  	[sflag:s14] =	ssyncadd.s32 $0xFFFFC000  }
0x2b: {  	[spmem:s7] =	stream.linear.scatter [tilespmem:s13], [sflag:$0x5], $0x4000, $0x38;
	[tilespmem:$0x1E800] =	vst v63  }
0x2c: {  	_ =	swait.ge [sflag:s14], $0x4000  }
0x2d: {  	[sflag:s14] =	ssyncset.done $0x0  }
0x2e: {  	[sflag:s14] =	ssyncadd.s32 $0xFFFFC000  }
0x2f: {  	[spmem:s8] =	stream.linear.scatter [tilespmem:s13], [sflag:$0x5], $0x4000, $0x38;
	[tilespmem:$0x1E800] =	vst v63  }
0x30: {  	_ =	swait.ge [sflag:s14], $0x4000  }
0x31: {  	[sflag:s14] =	ssyncset.done $0x0  }
0x32: {  	[sflag:s14] =	ssyncadd.s32 $0xFFFFC000  }
0x33: {  	[spmem:s9] =	stream.linear.scatter [tilespmem:s13], [sflag:$0x5], $0x4000, $0x38;
	[tilespmem:$0x1E800] =	vst v63  }
0x34: {  	_ =	swait.ge [sflag:s14], $0x4000  }
0x35: {  	[sflag:s14] =	ssyncset.done $0x0  }
0x36: {  	[sflag:s14] =	ssyncadd.s32 $0xFFFFC000  }
0x37: {  	s31 =	simm.s32 $0x0;
	[bflag:$0x0] =	sbarrier.arrive $0xFFFF  }
0x38: {  	[tilespmem:s31], [sflag:$0x5] =	stream.linear.gather [hbm4b:s10+s31], $0x2800, $0x38;
	[tilespmem:$0x1E800] =	vst v63  }
0x39: {  	_ =	swait.ge [sflag:s14], $0x2800  }
0x3a: {  	[sflag:s14] =	ssyncset.done $0x0  }
0x3b: {  	s25 =	simm.s32 $0x0;
	[sflag:s14] =	ssyncadd.s32 $0xFFFFD800  }
0x3c: {  	v7 =	vld [tilespmem:s25+$0x80]  }
0x3d: {  	v14 =	vld [tilespmem:s25+$0x90]  }
0x3e: {  	v6 =	vld [tilespmem:s25+$0xA0]  }
0x3f: {  	v5 =	vld [tilespmem:s25+$0xB0]  }
0x40: {  	v4 =	vld [tilespmem:s25+$0xC0]  }
0x41: {  	v3 =	vld [tilespmem:s25+$0xD0]  }
0x42: {  	v2 =	vld [tilespmem:s25+$0xE0]  }
0x43: {  	v1 =	vld [tilespmem:s25+$0xF0]  }
0x44: {  	v13 =	vld [tilespmem:s25+$0x0]  }
0x45: {  	v12 =	vld [tilespmem:s25+$0x10]  }
0x46: {  	v11 =	vld [tilespmem:s25+$0x20]  }
0x47: {  	v10 =	vld [tilespmem:s25+$0x30]  }
0x48: {  	v9 =	vld [tilespmem:s25+$0x40]  }
0x49: {  	v8 =	vld [tilespmem:s25+$0x50];
	vm0 =	veq.s32 v13, v7  }
0x4a: {  	s26 =	simm.s32 $0x400;
	v7 =	vld [tilespmem:s25+$0x60];
	v13 =	vsel vm0, $0x2710, v13;
	vm0 =	veq.s32 v12, v14  }
.LBB2_4:
0x4b: {  	s28 =	sshra.s32 s26, $0x2;
	p0 =	sne.s32 s26, $0x9C00;
	[tilespmem:s25+$0x0] =	vst v13;
	v12 =	vsel vm0, $0x2710, v12;
	vm0 =	veq.s32 v11, v6;
	v13 =	vld [tilespmem:s25+$0x70]  }
0x4c: {  	v14 =	vld [tilespmem:s28+$0x80];
	[tilespmem:s25+$0x10] =	vst v12;
	v6 =	vsel vm0, $0x2710, v11;
	vm0 =	veq.s32 v10, v5  }
0x4d: {  	v15 =	vld [tilespmem:s28+$0x90];
	[tilespmem:s25+$0x20] =	vst v6;
	v5 =	vsel vm0, $0x2710, v10;
	vm0 =	veq.s32 v9, v4  }
0x4e: {  	v6 =	vld [tilespmem:s28+$0xA0];
	[tilespmem:s25+$0x30] =	vst v5;
	v4 =	vsel vm0, $0x2710, v9;
	vm0 =	veq.s32 v8, v3  }
0x4f: {  	v5 =	vld [tilespmem:s28+$0xB0];
	[tilespmem:s25+$0x40] =	vst v4;
	v3 =	vsel vm0, $0x2710, v8;
	vm0 =	veq.s32 v7, v2  }
0x50: {  	v4 =	vld [tilespmem:s28+$0xC0];
	[tilespmem:s25+$0x50] =	vst v3;
	v2 =	vsel vm0, $0x2710, v7;
	vm0 =	veq.s32 v13, v1  }
0x51: {  	v3 =	vld [tilespmem:s28+$0xD0];
	[tilespmem:s25+$0x60] =	vst v2;
	v1 =	vsel vm0, $0x2710, v13  }
0x52: {  	v2 =	vld [tilespmem:s28+$0xE0];
	[tilespmem:s25+$0x70] =	vst v1;
	s25 =	smov.u32 s28  }
0x53: {  	v1 =	vld [tilespmem:s25+$0xF0]  }
0x54: {  	v7 =	vld [tilespmem:s25+$0x0]  }
0x55: {  	v12 =	vld [tilespmem:s25+$0x10]  }
.Ltmp1:
0x56: {  	v11 =	vld [tilespmem:s25+$0x20];
	(pc) =	sbr.rel @p0 .LBB2_4-.Ltmp1, $4  }
0x57: {  	v10 =	vld [tilespmem:s25+$0x30]  }
0x58: {  	v9 =	vld [tilespmem:s25+$0x40]  }
0x59: {  	vm0 =	veq.s32 v7, v14;
	v8 =	vld [tilespmem:s25+$0x50]  }
0x5a: {  	s26 =	sadd.s32 $0x400, s26;
	v13 =	vsel vm0, $0x2710, v7;
	vm0 =	veq.s32 v12, v15;
	v7 =	vld [tilespmem:s25+$0x60]  }
0x5b: {  	[tilespmem:s25+$0x0] =	vst v13;
	v12 =	vsel vm0, $0x2710, v12;
	vm10 =	veq.s32 v11, v6;
	v63 =	vld [tilespmem:s25+$0x70]  }
0x5c: {  	[tilespmem:s25+$0x10] =	vst v12;
	v11 =	vsel vm10, $0x2710, v11;
	vm11 =	veq.s32 v10, v5  }
0x5d: {  	[tilespmem:s25+$0x20] =	vst v11;
	v5 =	vsel vm11, $0x2710, v10;
	vm12 =	veq.s32 v9, v4  }
0x5e: {  	[tilespmem:s25+$0x30] =	vst v5;
	v4 =	vsel vm12, $0x2710, v9;
	vm13 =	veq.s32 v8, v3  }
0x5f: {  	[tilespmem:s25+$0x40] =	vst v4;
	v3 =	vsel vm13, $0x2710, v8;
	vm14 =	veq.s32 v7, v2  }
0x60: {  	[tilespmem:s25+$0x50] =	vst v3;
	v2 =	vsel vm14, $0x2710, v7;
	vm15 =	veq.s32 v63, v1  }
0x61: {  	[tilespmem:s25+$0x60] =	vst v2;
	v1 =	vsel vm15, $0x2710, v63  }
0x62: {  	[tilespmem:s25+$0x70] =	vst v1  }
0x63: {  	[tilespmem:s13], [sflag:$0x1] =	stream.indirect.gather [hbm4b:s4+s15], $0x80, s3, s15, $0xb8;
	[tilespmem:$0x1E800] =	vst v63  }
0x64: {  	_ = 	snop  }
0x65: {  	[tilespmem:s17], [sflag:$0x2] =	stream.indirect.gather [hbm4b:s4+s15], $0x80, s16, s15, $0xb8;
	[tilespmem:$0x1E800] =	vst v63  }
0x66: {  	_ =	swait.ge [sflag:s18], $0x4000  }
0x67: {  	[sflag:s18] =	ssyncset.done $0x0  }
0x68: {  	s29 =	simm.s32 $0x80;
	[sflag:s18] =	ssyncadd.s32 $0xFFFFC000  }
0x69: {  	[spmem:s2] =	stream.indirect.scatter.add.f32 [tilespmem:s13], [sflag:$0x3], $0x80, s29, s15, $0xb8;
	[tilespmem:$0x1E800] =	vst v63  }
0x6a: {  	_ =	swait.ge [sflag:s19], $0x4000  }
0x6b: {  	[sflag:s19] =	ssyncset.done $0x0  }
0x6c: {  	s30 =	simm.s32 $0x180;
	[sflag:s19] =	ssyncadd.s32 $0xFFFFC000  }
0x6d: {  	[spmem:s2] =	stream.indirect.scatter.add.f32 [tilespmem:s17], [sflag:$0x4], $0x80, s30, s15, $0xb8;
	[tilespmem:$0x1E800] =	vst v63  }
0x6e: {  	_ =	swait.ge [sflag:s20], $0x4000  }
0x6f: {  	[sflag:s20] =	ssyncset.done $0x0  }
0x70: {  	s31 =	simm.s32 $0x200;
	[sflag:s20] =	ssyncadd.s32 $0xFFFFC000  }
0x71: {  	[tilespmem:s13], [sflag:$0x1] =	stream.indirect.gather [hbm4b:s4+s15], $0x80, s31, s15, $0xb8;
	[tilespmem:$0x1E800] =	vst v63  }
0x72: {  	_ =	swait.ge [sflag:s21], $0x4000  }
0x73: {  	[sflag:s21] =	ssyncset.done $0x0  }
0x74: {  	s26 =	simm.s32 $0x300;
	s25 =	simm.s32 $0xFFFF7000;
	[sflag:s21] =	ssyncadd.s32 $0xFFFFC000  }
.LBB2_6:
0x75: {  	[tilespmem:s17], [sflag:$0x2] =	stream.indirect.gather [hbm4b:s4+s15], $0x80, s26, s15, $0xb8;
	[tilespmem:$0x1E800] =	vst v63  }
0x76: {  	s26 =	smov.u32 s25  }
0x77: {  	p0 =	sne.s32 s25, $0xFFFFF800;
	s25 =	sadd.s32 $0x800, s25;
	_ =	swait.ge [sflag:s18], $0x4000  }
0x78: {  	s26 =	sshra.s32 s26, $0x2;
	[sflag:s18] =	ssyncset.done $0x0  }
0x79: {  	s28 =	sadd.s32 $0x2680, s26;
	[sflag:s18] =	ssyncadd.s32 $0xFFFFC000  }
0x7a: {  	[spmem:s2] =	stream.indirect.scatter.add.f32 [tilespmem:s13], [sflag:$0x3], $0x80, s28, s15, $0xb8;
	[tilespmem:$0x1E800] =	vst v63  }
0x7b: {  	_ =	swait.ge [sflag:s19], $0x4000  }
0x7c: {  	[sflag:s19] =	ssyncset.done $0x0  }
0x7d: {  	s28 =	sadd.s32 $0x2780, s26;
	[sflag:s19] =	ssyncadd.s32 $0xFFFFC000  }
0x7e: {  	[spmem:s2] =	stream.indirect.scatter.add.f32 [tilespmem:s17], [sflag:$0x4], $0x80, s28, s15, $0xb8;
	[tilespmem:$0x1E800] =	vst v63  }
0x7f: {  	_ =	swait.ge [sflag:s20], $0x4000  }
0x80: {  	[sflag:s20] =	ssyncset.done $0x0  }
.Ltmp2:
0x81: {  	s28 =	sadd.s32 $0x2800, s26;
	[sflag:s20] =	ssyncadd.s32 $0xFFFFC000;
	(pc) =	sbr.rel @p0 .LBB2_6-.Ltmp2, $4  }
0x82: {  	[tilespmem:s13], [sflag:$0x1] =	stream.indirect.gather [hbm4b:s4+s15], $0x80, s28, s15, $0xb8;
	[tilespmem:$0x1E800] =	vst v63  }
0x83: {  	_ =	swait.ge [sflag:s21], $0x4000  }
0x84: {  	[sflag:s21] =	ssyncset.done $0x0  }
0x85: {  	s26 =	sadd.s32 $0x2900, s26;
	[sflag:s21] =	ssyncadd.s32 $0xFFFFC000  }
0x86: {  	[tilespmem:s17], [sflag:$0x2] =	stream.indirect.gather [hbm4b:s4+s15], $0x80, s26, s15, $0xb8;
	[tilespmem:$0x1E800] =	vst v63  }
0x87: {  	_ =	swait.ge [sflag:s18], $0x4000  }
0x88: {  	[sflag:s18] =	ssyncset.done $0x0  }
0x89: {  	[sflag:s18] =	ssyncadd.s32 $0xFFFFC000  }
0x8a: {  	[spmem:s2] =	stream.indirect.scatter.add.f32 [tilespmem:s13], [sflag:$0x3], $0x80, s22, s15, $0xb8;
	[tilespmem:$0x1E800] =	vst v63  }
0x8b: {  	_ =	swait.ge [sflag:s19], $0x4000  }
0x8c: {  	[sflag:s19] =	ssyncset.done $0x0  }
0x8d: {  	[sflag:s19] =	ssyncadd.s32 $0xFFFFC000  }
0x8e: {  	[spmem:s2] =	stream.indirect.scatter.add.f32 [tilespmem:s17], [sflag:$0x4], $0x80, s23, s15, $0xb8;
	[tilespmem:$0x1E800] =	vst v63  }
0x8f: {  	_ =	swait.ge [sflag:s20], $0x4000  }
0x90: {  	[sflag:s20] =	ssyncset.done $0x0  }
0x91: {  	[sflag:s20] =	ssyncadd.s32 $0xFFFFC000  }
0x92: {  	_ =	swait.ge [sflag:s21], $0x4000  }
0x93: {  	[sflag:s21] =	ssyncset.done $0x0  }
0x94: {  	s25 =	sadd.s32 $0x500, s10;
	s31 =	simm.s32 $0x0;
	[sflag:s21] =	ssyncadd.s32 $0xFFFFC000  }
0x95: {  	[tilespmem:s31], [sflag:$0x5] =	stream.linear.gather [hbm4b:s25+s31], $0x2800, $0x38;
	[tilespmem:$0x1E800] =	vst v63  }
0x96: {  	_ =	swait.ge [sflag:s14], $0x2800  }
0x97: {  	[sflag:s14] =	ssyncset.done $0x0  }
0x98: {  	s25 =	simm.s32 $0x0;
	[sflag:s14] =	ssyncadd.s32 $0xFFFFD800  }
0x99: {  	v7 =	vld [tilespmem:s25+$0x80]  }
0x9a: {  	v14 =	vld [tilespmem:s25+$0x90]  }
0x9b: {  	v6 =	vld [tilespmem:s25+$0xA0]  }
0x9c: {  	v5 =	vld [tilespmem:s25+$0xB0]  }
0x9d: {  	v4 =	vld [tilespmem:s25+$0xC0]  }
0x9e: {  	v3 =	vld [tilespmem:s25+$0xD0]  }
0x9f: {  	v2 =	vld [tilespmem:s25+$0xE0]  }
0xa0: {  	v1 =	vld [tilespmem:s25+$0xF0]  }
0xa1: {  	v13 =	vld [tilespmem:s25+$0x0]  }
0xa2: {  	v12 =	vld [tilespmem:s25+$0x10]  }
0xa3: {  	v11 =	vld [tilespmem:s25+$0x20]  }
0xa4: {  	v10 =	vld [tilespmem:s25+$0x30]  }
0xa5: {  	v9 =	vld [tilespmem:s25+$0x40]  }
0xa6: {  	v8 =	vld [tilespmem:s25+$0x50];
	vm0 =	veq.s32 v13, v7  }
0xa7: {  	s26 =	simm.s32 $0x400;
	v7 =	vld [tilespmem:s25+$0x60];
	v13 =	vsel vm0, $0x2710, v13;
	vm0 =	veq.s32 v12, v14  }
.LBB2_8:
0xa8: {  	s28 =	sshra.s32 s26, $0x2;
	p0 =	sne.s32 s26, $0x9C00;
	[tilespmem:s25+$0x0] =	vst v13;
	v12 =	vsel vm0, $0x2710, v12;
	vm0 =	veq.s32 v11, v6;
	v13 =	vld [tilespmem:s25+$0x70]  }
0xa9: {  	v14 =	vld [tilespmem:s28+$0x80];
	[tilespmem:s25+$0x10] =	vst v12;
	v6 =	vsel vm0, $0x2710, v11;
	vm0 =	veq.s32 v10, v5  }
0xaa: {  	v15 =	vld [tilespmem:s28+$0x90];
	[tilespmem:s25+$0x20] =	vst v6;
	v5 =	vsel vm0, $0x2710, v10;
	vm0 =	veq.s32 v9, v4  }
0xab: {  	v6 =	vld [tilespmem:s28+$0xA0];
	[tilespmem:s25+$0x30] =	vst v5;
	v4 =	vsel vm0, $0x2710, v9;
	vm0 =	veq.s32 v8, v3  }
0xac: {  	v5 =	vld [tilespmem:s28+$0xB0];
	[tilespmem:s25+$0x40] =	vst v4;
	v3 =	vsel vm0, $0x2710, v8;
	vm0 =	veq.s32 v7, v2  }
0xad: {  	v4 =	vld [tilespmem:s28+$0xC0];
	[tilespmem:s25+$0x50] =	vst v3;
	v2 =	vsel vm0, $0x2710, v7;
	vm0 =	veq.s32 v13, v1  }
0xae: {  	v3 =	vld [tilespmem:s28+$0xD0];
	[tilespmem:s25+$0x60] =	vst v2;
	v1 =	vsel vm0, $0x2710, v13  }
0xaf: {  	v2 =	vld [tilespmem:s28+$0xE0];
	[tilespmem:s25+$0x70] =	vst v1;
	s25 =	smov.u32 s28  }
0xb0: {  	v1 =	vld [tilespmem:s25+$0xF0]  }
0xb1: {  	v7 =	vld [tilespmem:s25+$0x0]  }
0xb2: {  	v12 =	vld [tilespmem:s25+$0x10]  }
.Ltmp3:
0xb3: {  	v11 =	vld [tilespmem:s25+$0x20];
	(pc) =	sbr.rel @p0 .LBB2_8-.Ltmp3, $4  }
0xb4: {  	v10 =	vld [tilespmem:s25+$0x30]  }
0xb5: {  	v9 =	vld [tilespmem:s25+$0x40]  }
0xb6: {  	vm0 =	veq.s32 v7, v14;
	v8 =	vld [tilespmem:s25+$0x50]  }
0xb7: {  	s26 =	sadd.s32 $0x400, s26;
	v13 =	vsel vm0, $0x2710, v7;
	vm0 =	veq.s32 v12, v15;
	v7 =	vld [tilespmem:s25+$0x60]  }
0xb8: {  	[tilespmem:s25+$0x0] =	vst v13;
	v12 =	vsel vm0, $0x2710, v12;
	vm10 =	veq.s32 v11, v6;
	v63 =	vld [tilespmem:s25+$0x70]  }
0xb9: {  	[tilespmem:s25+$0x10] =	vst v12;
	v11 =	vsel vm10, $0x2710, v11;
	vm11 =	veq.s32 v10, v5  }
0xba: {  	[tilespmem:s25+$0x20] =	vst v11;
	v5 =	vsel vm11, $0x2710, v10;
	vm12 =	veq.s32 v9, v4  }
0xbb: {  	[tilespmem:s25+$0x30] =	vst v5;
	v4 =	vsel vm12, $0x2710, v9;
	vm13 =	veq.s32 v8, v3  }
0xbc: {  	[tilespmem:s25+$0x40] =	vst v4;
	v3 =	vsel vm13, $0x2710, v8;
	vm14 =	veq.s32 v7, v2  }
0xbd: {  	[tilespmem:s25+$0x50] =	vst v3;
	v2 =	vsel vm14, $0x2710, v7;
	vm15 =	veq.s32 v63, v1  }
0xbe: {  	[tilespmem:s25+$0x60] =	vst v2;
	v1 =	vsel vm15, $0x2710, v63  }
0xbf: {  	[tilespmem:s25+$0x70] =	vst v1  }
0xc0: {  	[tilespmem:s13], [sflag:$0x1] =	stream.indirect.gather [hbm4b:s4+s15], $0x80, s3, s15, $0xb8;
	[tilespmem:$0x1E800] =	vst v63  }
0xc1: {  	_ = 	snop  }
0xc2: {  	[tilespmem:s17], [sflag:$0x2] =	stream.indirect.gather [hbm4b:s4+s15], $0x80, s16, s15, $0xb8;
	[tilespmem:$0x1E800] =	vst v63  }
0xc3: {  	_ =	swait.ge [sflag:s18], $0x4000  }
0xc4: {  	[sflag:s18] =	ssyncset.done $0x0  }
0xc5: {  	s29 =	simm.s32 $0x80;
	[sflag:s18] =	ssyncadd.s32 $0xFFFFC000  }
0xc6: {  	[spmem:s2] =	stream.indirect.scatter.add.f32 [tilespmem:s13], [sflag:$0x3], $0x80, s29, s15, $0xb8;
	[tilespmem:$0x1E800] =	vst v63  }
0xc7: {  	_ =	swait.ge [sflag:s19], $0x4000  }
0xc8: {  	[sflag:s19] =	ssyncset.done $0x0  }
0xc9: {  	s30 =	simm.s32 $0x180;
	[sflag:s19] =	ssyncadd.s32 $0xFFFFC000  }
0xca: {  	[spmem:s2] =	stream.indirect.scatter.add.f32 [tilespmem:s17], [sflag:$0x4], $0x80, s30, s15, $0xb8;
	[tilespmem:$0x1E800] =	vst v63  }
0xcb: {  	_ =	swait.ge [sflag:s20], $0x4000  }
0xcc: {  	[sflag:s20] =	ssyncset.done $0x0  }
0xcd: {  	s31 =	simm.s32 $0x200;
	[sflag:s20] =	ssyncadd.s32 $0xFFFFC000  }
0xce: {  	[tilespmem:s13], [sflag:$0x1] =	stream.indirect.gather [hbm4b:s4+s15], $0x80, s31, s15, $0xb8;
	[tilespmem:$0x1E800] =	vst v63  }
0xcf: {  	_ =	swait.ge [sflag:s21], $0x4000  }
0xd0: {  	[sflag:s21] =	ssyncset.done $0x0  }
0xd1: {  	s26 =	simm.s32 $0x300;
	s25 =	simm.s32 $0xFFFF7000;
	[sflag:s21] =	ssyncadd.s32 $0xFFFFC000  }
.LBB2_10:
0xd2: {  	[tilespmem:s17], [sflag:$0x2] =	stream.indirect.gather [hbm4b:s4+s15], $0x80, s26, s15, $0xb8;
	[tilespmem:$0x1E800] =	vst v63  }
0xd3: {  	s26 =	smov.u32 s25  }
0xd4: {  	p0 =	sne.s32 s25, $0xFFFFF800;
	s25 =	sadd.s32 $0x800, s25;
	_ =	swait.ge [sflag:s18], $0x4000  }
0xd5: {  	s26 =	sshra.s32 s26, $0x2;
	[sflag:s18] =	ssyncset.done $0x0  }
0xd6: {  	s28 =	sadd.s32 $0x2680, s26;
	[sflag:s18] =	ssyncadd.s32 $0xFFFFC000  }
0xd7: {  	[spmem:s2] =	stream.indirect.scatter.add.f32 [tilespmem:s13], [sflag:$0x3], $0x80, s28, s15, $0xb8;
	[tilespmem:$0x1E800] =	vst v63  }
0xd8: {  	_ =	swait.ge [sflag:s19], $0x4000  }
0xd9: {  	[sflag:s19] =	ssyncset.done $0x0  }
0xda: {  	s28 =	sadd.s32 $0x2780, s26;
	[sflag:s19] =	ssyncadd.s32 $0xFFFFC000  }
0xdb: {  	[spmem:s2] =	stream.indirect.scatter.add.f32 [tilespmem:s17], [sflag:$0x4], $0x80, s28, s15, $0xb8;
	[tilespmem:$0x1E800] =	vst v63  }
0xdc: {  	_ =	swait.ge [sflag:s20], $0x4000  }
0xdd: {  	[sflag:s20] =	ssyncset.done $0x0  }
.Ltmp4:
0xde: {  	s28 =	sadd.s32 $0x2800, s26;
	[sflag:s20] =	ssyncadd.s32 $0xFFFFC000;
	(pc) =	sbr.rel @p0 .LBB2_10-.Ltmp4, $4  }
0xdf: {  	[tilespmem:s13], [sflag:$0x1] =	stream.indirect.gather [hbm4b:s4+s15], $0x80, s28, s15, $0xb8;
	[tilespmem:$0x1E800] =	vst v63  }
0xe0: {  	_ =	swait.ge [sflag:s21], $0x4000  }
0xe1: {  	[sflag:s21] =	ssyncset.done $0x0  }
0xe2: {  	s26 =	sadd.s32 $0x2900, s26;
	[sflag:s21] =	ssyncadd.s32 $0xFFFFC000  }
0xe3: {  	[tilespmem:s17], [sflag:$0x2] =	stream.indirect.gather [hbm4b:s4+s15], $0x80, s26, s15, $0xb8;
	[tilespmem:$0x1E800] =	vst v63  }
0xe4: {  	_ =	swait.ge [sflag:s18], $0x4000  }
0xe5: {  	[sflag:s18] =	ssyncset.done $0x0  }
0xe6: {  	[sflag:s18] =	ssyncadd.s32 $0xFFFFC000  }
0xe7: {  	[spmem:s2] =	stream.indirect.scatter.add.f32 [tilespmem:s13], [sflag:$0x3], $0x80, s22, s15, $0xb8;
	[tilespmem:$0x1E800] =	vst v63  }
0xe8: {  	_ =	swait.ge [sflag:s19], $0x4000  }
0xe9: {  	[sflag:s19] =	ssyncset.done $0x0  }
0xea: {  	[sflag:s19] =	ssyncadd.s32 $0xFFFFC000  }
0xeb: {  	[spmem:s2] =	stream.indirect.scatter.add.f32 [tilespmem:s17], [sflag:$0x4], $0x80, s23, s15, $0xb8;
	[tilespmem:$0x1E800] =	vst v63  }
0xec: {  	_ =	swait.ge [sflag:s20], $0x4000  }
0xed: {  	[sflag:s20] =	ssyncset.done $0x0  }
0xee: {  	[sflag:s20] =	ssyncadd.s32 $0xFFFFC000  }
0xef: {  	_ =	swait.ge [sflag:s21], $0x4000  }
0xf0: {  	s25 =	sshll.u32 s0, $0x6;
	s24 =	sadd.s32 $0x1, s24;
	[sflag:s21] =	ssyncset.done $0x0  }
0xf1: {  	s31 =	sshrl.u32 s5, $0x3;
	p0 =	sne.s32 s24, s12;
	[sflag:s21] =	ssyncadd.s32 $0xFFFFC000  }
.Ltmp5:
0xf2: {  	s25 =	sor.u32 $0x1C05, s25;
	[bflag:$0x0] =	sbarrier.arrive $0xFFFF;
	(pc) =	sbr.rel @p0 .LBB2_1-.Ltmp5, $4  }
0xf3: {  	[hbm:s11], [sflag:s25] =	dma.local [spmem:s31], $0x2800  }
0xf4: {  	_ =	swait.ge [sflag:s14], $0x2800  }
0xf5: {  	[sflag:s14] =	ssyncset.done $0x0  }
0xf6: {  	[sflag:s14] =	ssyncadd.s32 $0xFFFFD800  }
0xf7: {  	_ =	sfence.sel $0x180000  }
0xf8: {  	[bflag:$0x0] =	sbarrier.arrive $0xFFFF  }
0xf9: {  	p0 =	sne.s32 s0, $0x0;
	_ =	strace $0x9000004D  }
0xfa: {  	s0 =	sadd.s32 @!p0 $0x100000, s1;
	[bflag:$0x2] =	sbarrier.arrive $0xFFFF  }
0xfb: {  	[sflag:s0] =	ssyncadd.tile.s32 @!p0 $0x1;
	_ =	shalt  }
.Lfunc_end2:
_tile_overlayer_lowered:
.L_overlay_start_2:
0xfc: {  	(tag) =	ssettag $0x2  }
0xfd: {  	s0 =	rddreg [dreg:$0x0];
	s2 =	stileid.u32  }
0xfe: {  	s1 =	rddreg [dreg:$0x1];
	p0 =	sne.s32 s2, $0x0  }
0xff: {  	s3 =	rddreg [dreg:$0x2];
	[bflag:$0x3] =	sbarrier.arrive $0xFFFF;
	s2 =	simm.s32 @!p0 $0x1C05  }
0x100: {  	[timem:s3], [sflag:s2] =	dma.local @!p0 [hbm:s0], s1  }
0x101: {  	s0 =	simm.s32 @!p0 $0x5  }
0x102: {  	_ =	swait.ge @!p0 [sflag:s0], s1  }
0x103: {  	s1 =	ssub.s32 @!p0 $0x0, s1;
	[sflag:s0] =	ssyncset.done @!p0 $0x0  }
0x104: {  	[sflag:s0] =	ssyncadd.s32 @!p0 s1  }
0x105: {  	[bflag:$0x3] =	sbarrier.arrive $0xFFFF  }
0x106: {  	_ =	shalt  }

// kernel: kernel.8.cloned.1.call-start
scs
__scs_entry_jumppad:
0x0: {  	(pc) =	sbr.rel $0x88, $3  }
0x1: {  	(tag) =	ssettag $0x0;
	lr =	simm.s32 $0x1  }
0x2: {  	[smem:$0x3F99] =	sst lr;
	_ =	strace $0xD0000000  }
0x3: {  	_ = 	snop  }
0x4: {  	_ = 	snop  }
0x5: {  	_ = 	snop  }
0x6: {  	_ = 	snop  }
0x7: {  	_ = 	snop  }
__scs_overlays_trampoline_lowered:
0x8: {  	[smem:$0x3FA8] =	sst s0  }
0x9: {  	[smem:$0x3FA9] =	sst s1  }
0xa: {  	[smem:$0x3FAA] =	sst s2  }
0xb: {  	[smem:$0x3FAB] =	sst s3  }
0xc: {  	[smem:$0x3FAC] =	sst s4  }
0xd: {  	[smem:$0x3FAD] =	sst s5  }
0xe: {  	[smem:$0x3FAE] =	sst s6  }
0xf: {  	[smem:$0x3FAF] =	sst s7  }
0x10: {  	[smem:$0x3FB0] =	sst s8  }
0x11: {  	[smem:$0x3FB1] =	sst s9;
	s0 =	simm.s32 @!p0 $0x0  }
0x12: {  	s1 =	sld [smem:$0x3F97];
	s0 =	simm.s32 @p0 $0x1  }
0x13: {  	[smem:$0x3FB2] =	sst s0;
	s0 =	simm.s32 @!p1 $0x0  }
0x14: {  	s2 =	sld [smem:$0x3F96];
	s0 =	simm.s32 @p1 $0x1  }
0x15: {  	[smem:$0x3FB3] =	sst s0;
	s0 =	simm.s32 @!p2 $0x0  }
0x16: {  	s3 =	sld [smem:$0x3FDB];
	s0 =	simm.s32 @p2 $0x1  }
0x17: {  	s4 =	simm.s32 $0x1BF5;
	[smem:$0x3FB5] =	sst s0  }
0x18: {  	s0 =	sld [smem:$0x3F98];
	_ =	swait.ge [sflag:s4], $0x0  }
0x19: {  	s7 =	sld [smem:$0x3F99]  }
0x1a: {  	s8 =	sadd.s32 $0xFFFFE003, lr  }
0x1b: {  	s9 =	sadd.s32 $0xFFFFFEF7, lr;
	s5 =	simm.s32 $0xFFFFFFFF;
	p2 =	slt.u32 s8, $0xFFFFF086  }
0x1c: {  	p1 =	slt.u32 s9, $0xF7A;
	s5 =	simm.s32 @!p2 $0x0  }
0x1d: {  	s5 =	simm.s32 @p1 $0x1;
	p0 =	seq.s32 s7, s2  }
0x1e: {  	s7 =	smul.u32 @!p0 $0xF7A, s2;
	p2 =	seq.s32 @!p0 s5, $0x0  }
0x1f: {  	s9 =	smul.u32 $0xF7A, s1;
	s8 =	simm.s32 @!p0 $0x1BF5;
	p2 =	por !p2, p0  }
0x20: {  	[sflag:s8] =	ssyncset.s32 @!p0 $0xFFFFF086;
	s6 =	sadd.s32 @!p0 s3, s7;
	s7 =	simm.s32 @!p0 $0x108  }
0x21: {  	s3 =	sadd.s32 s3, s9;
	s6 =	sadd.s32 @!p0 $0x88, s6;
	s7 =	simm.s32 @p2 $0x1082  }
0x22: {  	[simem:s7], [sflag:s8] =	dma.local @!p0 [hbm:s6], $0xF7A  }
0x23: {  	s9 =	sor.u32 $0xD0000000, s2;
	s6 =	simm.s32 $0x108;
	_ =	swait.ge @!p0 [sflag:s8], $0x0  }
0x24: {  	s3 =	sadd.s32 $0x88, s3;
	s6 =	simm.s32 @!p1 $0x1082;
	[sflag:s4] =	ssyncset.s32 $0xFFFFF086  }
0x25: {  	[simem:s6], [sflag:s4] =	dma.local [hbm:s3], $0xF7A  }
0x26: {  	[smem:$0x3F99] =	sst s1;
	(tag) =	ssettag s2;
	_ =	strace s9  }
0x27: {  	s1 =	sld [smem:$0x3FA9]  }
0x28: {  	s2 =	sld [smem:$0x3FAA]  }
0x29: {  	s4 =	sld [smem:$0x3FAC]  }
0x2a: {  	p0 =	seq.s32 s5, $0x0;
	s5 =	sld [smem:$0x3FAD]  }
0x2b: {  	s6 =	sld [smem:$0x3FAE]  }
0x2c: {  	s7 =	sld [smem:$0x3FAF]  }
0x2d: {  	s3 =	simm.s32 $0x108;
	s8 =	sld [smem:$0x3FB0]  }
0x2e: {  	s3 =	simm.s32 @!p0 $0x1082;
	s9 =	sld [smem:$0x3FB1]  }
0x2f: {  	lr =	sadd.s32 s0, s3;
	s0 =	sld [smem:$0x3FA8]  }
0x30: {  	s3 =	sld [smem:$0x3FAB]  }
0x31: {  	[smem:$0x3FB4] =	sst s10  }
0x32: {  	s10 =	sld [smem:$0x3FB2];
	_ =	sdelay $0x3  }
0x33: {  	p0 =	seq.s32 s10, $0x1;
	s10 =	sld [smem:$0x3FB4];
	_ =	sdelay $0x3  }
0x34: {  	[smem:$0x3FB4] =	sst s10  }
0x35: {  	s10 =	sld [smem:$0x3FB3];
	_ =	sdelay $0x3  }
0x36: {  	p1 =	seq.s32 s10, $0x1;
	s10 =	sld [smem:$0x3FB4];
	_ =	sdelay $0x3  }
0x37: {  	[smem:$0x3FB4] =	sst s10  }
0x38: {  	s10 =	sld [smem:$0x3FB5]  }
0x39: {  	_ = 	snop;
	(pc) =	sbr.ind lr, $3  }
0x3a: {  	_ = 	snop  }
0x3b: {  	_ = 	snop  }
0x3c: {  	p2 =	seq.s32 s10, $0x1;
	s10 =	sld [smem:$0x3FB4]  }
0x3d: {  	_ =	shalt  }
0x3e: {  	_ =	shalt  }
0x3f: {  	_ =	shalt  }
0x40: {  	_ =	shalt  }
0x41: {  	_ =	shalt  }
0x42: {  	_ =	shalt  }
0x43: {  	_ =	shalt  }
0x44: {  	_ =	shalt  }
0x45: {  	_ =	shalt  }
0x46: {  	_ =	shalt  }
0x47: {  	_ =	shalt  }
0x48: {  	_ =	shalt  }
0x49: {  	_ =	shalt  }
0x4a: {  	_ =	shalt  }
0x4b: {  	_ =	shalt  }
0x4c: {  	_ =	shalt  }
0x4d: {  	_ =	shalt  }
0x4e: {  	_ =	shalt  }
0x4f: {  	_ =	shalt  }
0x50: {  	_ =	shalt  }
0x51: {  	_ =	shalt  }
0x52: {  	_ =	shalt  }
0x53: {  	_ =	shalt  }
0x54: {  	_ =	shalt  }
0x55: {  	_ =	shalt  }
0x56: {  	_ =	shalt  }
0x57: {  	_ =	shalt  }
0x58: {  	_ =	shalt  }
0x59: {  	_ =	shalt  }
0x5a: {  	_ =	shalt  }
0x5b: {  	_ =	shalt  }
0x5c: {  	_ =	shalt  }
0x5d: {  	_ =	shalt  }
0x5e: {  	_ =	shalt  }
0x5f: {  	_ =	shalt  }
0x60: {  	_ =	shalt  }
0x61: {  	_ =	shalt  }
0x62: {  	_ =	shalt  }
0x63: {  	_ =	shalt  }
0x64: {  	_ =	shalt  }
0x65: {  	_ =	shalt  }
0x66: {  	_ =	shalt  }
0x67: {  	_ =	shalt  }
0x68: {  	_ =	shalt  }
0x69: {  	_ =	shalt  }
0x6a: {  	_ =	shalt  }
0x6b: {  	_ =	shalt  }
0x6c: {  	_ =	shalt  }
0x6d: {  	_ =	shalt  }
0x6e: {  	_ =	shalt  }
0x6f: {  	_ =	shalt  }
0x70: {  	_ =	shalt  }
0x71: {  	_ =	shalt  }
0x72: {  	_ =	shalt  }
0x73: {  	_ =	shalt  }
0x74: {  	_ =	shalt  }
0x75: {  	_ =	shalt  }
0x76: {  	_ =	shalt  }
0x77: {  	_ =	shalt  }
0x78: {  	_ =	shalt  }
0x79: {  	_ =	shalt  }
0x7a: {  	_ =	shalt  }
0x7b: {  	_ =	shalt  }
0x7c: {  	_ =	shalt  }
0x7d: {  	_ =	shalt  }
0x7e: {  	_ =	shalt  }
0x7f: {  	_ =	shalt  }
0x80: {  	_ =	shalt  }
0x81: {  	_ =	shalt  }
0x82: {  	_ =	shalt  }
0x83: {  	_ =	shalt  }
0x84: {  	_ =	shalt  }
0x85: {  	_ =	shalt  }
0x86: {  	_ =	shalt  }
0x87: {  	_ =	shalt  }
.Lfunc_end0:
.L_simem_size_0:
called_computation_lowered:
.L_overlay_start_0:
0x88: {  	s2 =	sld [smem:$0x3FD9]  }
0x89: {  	s3 =	sld [smem:$0x3FFE];
	_ =	sdelay $0x1  }
0x8a: {  	s1 =	srdreg.scid  }
0x8b: {  	s0 =	sand.u32 $0x1, s1  }
0x8c: {  	s17 =	sshll.u32 s0, $0xA;
	s2 =	sadd.s32 s3, s2  }
0x8d: {  	s2 =	sadd.s32 s2, s17  }
0x8e: {  	[smem:$0x3FC0] =	sst s2  }
0x8f: {  	_ = 	snop  }
0x90: {  	s2 =	sld [smem:$0x3FD0];
	(tm) =	ssettm $0x1  }
0x91: {  	s18 =	sld [smem:$0x3FFB];
	_ =	sdelay $0x3  }
0x92: {  	_ =	strace s18  }
0x93: {  	s3 =	sld [smem:$0x3FFC];
	_ =	sdelay $0x3  }
0x94: {  	_ =	strace s3  }
0x95: {  	s3 =	sld [smem:$0x3FFD];
	_ =	sdelay $0x3  }
0x96: {  	_ =	strace s3  }
0x97: {  	_ =	strace $0x8FFFFFFF  }
0x98: {  	s19 =	sld [smem:$0x3FDB];
	_ =	sdelay $0x1  }
0x99: {  	s4 =	simm.s32 $_scs_section_size  }
0x9a: {  	s5 =	simm.s32 $_size__tile_overlayer_lowered;
	s6 =	simm.s32 $_tile_overlayer_lowered  }
0x9b: {  	s22 =	simm.s32 $0x1BFF;
	s21 =	sshll.u32 s6, $0x1;
	s3 =	sadd.s32 s4, s19  }
0x9c: {  	s7 =	simm.s32 $0x0;
	s20 =	sshll.u32 s5, $0x1;
	s5 =	sadd.s32 s21, s3  }
0x9d: {  	[timem:s7], [sflag:s22] =	dma.local [hbm:s5], s20  }
0x9e: {  	_ =	swait.ge [sflag:s22], s20  }
0x9f: {  	s4 =	ssub.s32 $0x0, s20;
	[sflag:s22] =	ssyncset.done $0x0  }
0xa0: {  	[sflag:s22] =	ssyncadd.s32 s4;
	_ =	sdelay $0x1  }
0xa1: {  	s23 =	simm.s32 $0x1B8B  }
0xa2: {  	_ =	swait.ge [sflag:s23], $0x1  }
0xa3: {  	[sflag:s23] =	ssyncset.done $0x0  }
0xa4: {  	s25 =	simm.s32 $0x1B8E;
	s24 =	sld [smem:$0x3FFE];
	[sflag:s23] =	ssyncadd.s32 $0xFFFFFFFF  }
0xa5: {  	s26 =	simm.s32 $execute0_lowered;
	[smem:$0x3FD2] =	sst s25  }
0xa6: {  	s5 =	sshll.u32 s26, $0x1;
	_ =	strace $0x80000046;
	[dreg:$0x1] =	wrdreg $0xFFFFFFFF  }
0xa7: {  	s28 =	simm.s32 $_size_execute0_lowered;
	s3 =	sadd.s32 s3, s5;
	[dreg:$0x0] =	wrdreg $0x0  }
0xa8: {  	s5 =	sshll.u32 s28, $0x1;
	[dreg:$0x2] =	wrdreg s3  }
0xa9: {  	[dreg:$0x3] =	wrdreg s5  }
0xaa: {  	[dreg:$0x4] =	wrdreg $0xC0  }
0xab: {  	_ =	task [dreg:s7], $0x5FFFF  }
0xac: {  	[dreg:$0x1] =	wrdreg $0xFFFFFFFF  }
0xad: {  	[dreg:$0x0] =	wrdreg $0x60  }
0xae: {  	[dreg:$0x2] =	wrdreg s2  }
0xaf: {  	[dreg:$0x3] =	wrdreg s24  }
0xb0: {  	[dreg:$0x4] =	wrdreg $0x68000  }
0xb1: {  	[dreg:$0x5] =	wrdreg $0x9  }
0xb2: {  	_ =	task.clear_ibuf [dreg:s7], $0x6FFFF;
	_ =	strace $0x90000046  }
0xb3: {  	s29 =	simm.s32 $0x9;
	_ =	strace $0x80000048  }
0xb4: {  	_ =	swait.ge [sflag:s29], $0x1  }
0xb5: {  	[sflag:s29] =	ssyncadd.s32 $0xFFFFFFFF  }
0xb6: {  	_ =	strace $0x90000048  }
0xb7: {  	_ =	sfence  }
0xb8: {  	s30 =	sld [smem:$0x0];
	_ =	sdelay $0x2  }
0xb9: {  	s31 =	sshll.u32 s1, $0xD;
	s1 =	sshrl.u32 s1, $0x2  }
0xba: {  	s3 =	sand.u32 $0x4000, s31;
	s1 =	sadd.s32 s1, s30  }
0xbb: {  	s0 =	sor.u32 s3, s0;
	s1 =	sshll.u32 s1, $0x11  }
0xbc: {  	s0 =	sor.u32 s1, s0  }
0xbd: {  	s0 =	sadd.s32 $0x8F2B, s0  }
0xbe: {  	[sflag:s0] =	ssyncadd.remote.s32 $0x1  }
0xbf: {  	_ =	sfence.sel $0xFFFF  }
0xc0: {  	[dreg:$0x0] =	wrdreg $0xFFFFFFFF;
	(pc) =	sbr.abs _section_cstart, $3  }
0xc1: {  	[dreg:$0x1] =	wrdreg $0xFFFFFFFF  }
0xc2: {  	_ =	task.clear_ibuf [dreg:s7], $0x2FFFF;
	_ =	strace $0x9FFFFFFF  }
0xc3: {  	(tm) =	ssettm $0x7FFFFFFF  }
tec
execute0_lowered:
.L_overlay_start_1:
0x0: {  	(tag) =	ssettag $0x1  }
0x1: {  	s9 =	rddreg [dreg:$0x0]  }
0x2: {  	s6 =	rddreg [dreg:$0x1]  }
0x3: {  	s2 =	rddreg [dreg:$0x2]  }
0x4: {  	s0 =	srdreg.scid;
	s1 =	rddreg [dreg:$0x3]  }
0x5: {  	s3 =	simm.s32 $0x0;
	s13 =	simm.s32 $0x3;
	s14 =	simm.s32 $0x80  }
0x6: {  	s15 =	simm.s32 $0x100;
	s16 =	simm.s32 $0x1;
	s4 =	sand.u32 $0x1, s0  }
0x7: {  	s17 =	simm.s32 $0x2;
	s0 =	stileid.u32;
	s5 =	smul.u32 $0x140000, s4  }
0x8: {  	s18 =	simm.s32 $0x0;
	[smem:$0x7FF] =	sst s3;
	s7 =	smul.u32 $0x14000, s0  }
0x9: {  	s26 =	smul.u32 $0x50000, s0;
	_ =	strace $0x80000047;
	s29 =	ssub.s32 $0x2, s4  }
0xa: {  	s28 =	sshll.u32 s4, $0x4;
	s31 =	sshrl.u32 s29, $0x1;
	s5 =	sadd.s32 s7, s5  }
0xb: {  	s30 =	sshrl.u32 s26, $0x2;
	s12 =	ssub.s32 s29, s31;
	s5 =	sshrl.u32 s5, $0x3  }
0xc: {  	s4 =	sadd.s32 s30, s2;
	s10 =	sadd.s32 s5, s6;
	s5 =	sor.u32 s0, s28  }
0xd: {  	s6 =	sadd.s32 $0x8000, s4;
	s7 =	sadd.s32 $0xC000, s4;
	s11 =	smul.u32 $0xA00, s5  }
0xe: {  	v0 =	vimm.f32 $0.0e+00;
	vm0 =	vcmask $0x300;
	s8 =	sadd.s32 $0x10000, s4;
	s5 =	sadd.s32 $0x4000, s4;
	s10 =	sadd.s32 $0x3200, s10  }
0xf: {  	v1 =	vsel vm0, $0x3F800000, v0;
	s9 =	sadd.s32 s9, s11;
	s11 =	smax.u32 s12, $0x1;
	s12 =	simm.s32 $0x2800  }
.LBB2_1:
0x10: {  	s19 =	simm.s32 $0x0;
	s20 =	simm.s32 $0x200  }
.LBB2_2:
0x11: {  	p0 =	sne.s32 s20, $0xFE00;
	[tilespmem:s19+$0x2870] =	vst v0  }
0x12: {  	[tilespmem:s19+$0x2800] =	vst v0  }
0x13: {  	[tilespmem:s19+$0x2810] =	vst v0  }
.Ltmp0:
0x14: {  	[tilespmem:s19+$0x2820] =	vst v0;
	(pc) =	sbr.rel @p0 .LBB2_2-.Ltmp0, $4  }
0x15: {  	[tilespmem:s19+$0x2830] =	vst v0  }
0x16: {  	[tilespmem:s19+$0x2840] =	vst v0  }
0x17: {  	[tilespmem:s19+$0x2850] =	vst v0  }
0x18: {  	[tilespmem:s19+$0x2860] =	vst v0;
	s19 =	sshra.s32 s20, $0x2;
	s20 =	sadd.s32 $0x200, s20  }
0x19: {  	[tilespmem:s19+$0x2870] =	vst v0  }
0x1a: {  	[tilespmem:s19+$0x2800] =	vst v0  }
0x1b: {  	[tilespmem:s19+$0x2810] =	vst v0  }
0x1c: {  	[tilespmem:s19+$0x2820] =	vst v0  }
0x1d: {  	[tilespmem:s19+$0x2830] =	vst v0  }
0x1e: {  	[tilespmem:s19+$0x2840] =	vst v0  }
0x1f: {  	[tilespmem:s19+$0x2850] =	vst v0  }
0x20: {  	[tilespmem:s19+$0x2860] =	vst v0  }
0x21: {  	[spmem:s4] =	stream.linear.scatter [tilespmem:s12], [sflag:$0x3], $0x4000, $0x38;
	[tilespmem:$0x1A800] =	vst v63  }
0x22: {  	_ =	swait.ge [sflag:s13], $0x4000  }
0x23: {  	[sflag:s13] =	ssyncset.done $0x0  }
0x24: {  	[sflag:s13] =	ssyncadd.s32 $0xFFFFC000  }
0x25: {  	[spmem:s5] =	stream.linear.scatter [tilespmem:s12], [sflag:$0x3], $0x4000, $0x38;
	[tilespmem:$0x1A800] =	vst v63  }
0x26: {  	_ =	swait.ge [sflag:s13], $0x4000  }
0x27: {  	[sflag:s13] =	ssyncset.done $0x0  }
0x28: {  	[sflag:s13] =	ssyncadd.s32 $0xFFFFC000  }
0x29: {  	[spmem:s6] =	stream.linear.scatter [tilespmem:s12], [sflag:$0x3], $0x4000, $0x38;
	[tilespmem:$0x1A800] =	vst v63  }
0x2a: {  	_ =	swait.ge [sflag:s13], $0x4000  }
0x2b: {  	[sflag:s13] =	ssyncset.done $0x0  }
0x2c: {  	[sflag:s13] =	ssyncadd.s32 $0xFFFFC000  }
0x2d: {  	[spmem:s7] =	stream.linear.scatter [tilespmem:s12], [sflag:$0x3], $0x4000, $0x38;
	[tilespmem:$0x1A800] =	vst v63  }
0x2e: {  	_ =	swait.ge [sflag:s13], $0x4000  }
0x2f: {  	[sflag:s13] =	ssyncset.done $0x0  }
0x30: {  	[sflag:s13] =	ssyncadd.s32 $0xFFFFC000  }
0x31: {  	[spmem:s8] =	stream.linear.scatter [tilespmem:s12], [sflag:$0x3], $0x4000, $0x38;
	[tilespmem:$0x1A800] =	vst v63  }
0x32: {  	_ =	swait.ge [sflag:s13], $0x4000  }
0x33: {  	[sflag:s13] =	ssyncset.done $0x0  }
0x34: {  	s19 =	simm.s32 $0x200;
	s20 =	simm.s32 $0x0;
	[sflag:s13] =	ssyncadd.s32 $0xFFFFC000  }
.LBB2_4:
0x35: {  	p0 =	sne.s32 s19, $0xFE00;
	[tilespmem:s20+$0x2800] =	vst v1;
	s20 =	smov.u32 s19;
	s19 =	sadd.s32 $0x200, s19  }
.Ltmp1:
0x36: {  	(pc) =	sbr.rel @p0 .LBB2_4-.Ltmp1, $2  }
0x37: {  	_ =	sdelay $0x2  }
0x38: {  	s20 =	sshra.s32 s20, $0x2  }
0x39: {  	[tilespmem:s20+$0x2800] =	vst v1  }
0x3a: {  	s19 =	simm.s32 $0x0;
	[bflag:$0x0] =	sbarrier.arrive $0xFFFF  }
0x3b: {  	[tilespmem:s19], [sflag:$0x3] =	stream.linear.gather [hbm4b:s9+s19], $0x2800, $0x38;
	[tilespmem:$0x1A800] =	vst v63  }
0x3c: {  	_ =	swait.ge [sflag:s13], $0x2800  }
0x3d: {  	[sflag:s13] =	ssyncset.done $0x0  }
0x3e: {  	s19 =	simm.s32 $0x0;
	[sflag:s13] =	ssyncadd.s32 $0xFFFFD800  }
0x3f: {  	v8 =	vld [tilespmem:s19+$0x80]  }
0x40: {  	v15 =	vld [tilespmem:s19+$0x90]  }
0x41: {  	v7 =	vld [tilespmem:s19+$0xA0]  }
0x42: {  	v6 =	vld [tilespmem:s19+$0xB0]  }
0x43: {  	v5 =	vld [tilespmem:s19+$0xC0]  }
0x44: {  	v4 =	vld [tilespmem:s19+$0xD0]  }
0x45: {  	v3 =	vld [tilespmem:s19+$0xE0]  }
0x46: {  	v2 =	vld [tilespmem:s19+$0xF0]  }
0x47: {  	v14 =	vld [tilespmem:s19+$0x0]  }
0x48: {  	v13 =	vld [tilespmem:s19+$0x10]  }
0x49: {  	v12 =	vld [tilespmem:s19+$0x20]  }
0x4a: {  	v11 =	vld [tilespmem:s19+$0x30]  }
0x4b: {  	v10 =	vld [tilespmem:s19+$0x40]  }
0x4c: {  	v9 =	vld [tilespmem:s19+$0x50];
	vm0 =	veq.s32 v14, v8  }
0x4d: {  	s20 =	simm.s32 $0x400;
	v8 =	vld [tilespmem:s19+$0x60];
	v14 =	vsel vm0, $0x2710, v14;
	vm0 =	veq.s32 v13, v15  }
.LBB2_6:
0x4e: {  	s21 =	sshra.s32 s20, $0x2;
	p0 =	sne.s32 s20, $0x9C00;
	[tilespmem:s19+$0x0] =	vst v14;
	v13 =	vsel vm0, $0x2710, v13;
	vm0 =	veq.s32 v12, v7;
	v14 =	vld [tilespmem:s19+$0x70]  }
0x4f: {  	v15 =	vld [tilespmem:s21+$0x80];
	[tilespmem:s19+$0x10] =	vst v13;
	v7 =	vsel vm0, $0x2710, v12;
	vm0 =	veq.s32 v11, v6  }
0x50: {  	v16 =	vld [tilespmem:s21+$0x90];
	[tilespmem:s19+$0x20] =	vst v7;
	v6 =	vsel vm0, $0x2710, v11;
	vm0 =	veq.s32 v10, v5  }
0x51: {  	v7 =	vld [tilespmem:s21+$0xA0];
	[tilespmem:s19+$0x30] =	vst v6;
	v5 =	vsel vm0, $0x2710, v10;
	vm0 =	veq.s32 v9, v4  }
0x52: {  	v6 =	vld [tilespmem:s21+$0xB0];
	[tilespmem:s19+$0x40] =	vst v5;
	v4 =	vsel vm0, $0x2710, v9;
	vm0 =	veq.s32 v8, v3  }
0x53: {  	v5 =	vld [tilespmem:s21+$0xC0];
	[tilespmem:s19+$0x50] =	vst v4;
	v3 =	vsel vm0, $0x2710, v8;
	vm0 =	veq.s32 v14, v2  }
0x54: {  	v4 =	vld [tilespmem:s21+$0xD0];
	[tilespmem:s19+$0x60] =	vst v3;
	v2 =	vsel vm0, $0x2710, v14  }
0x55: {  	v3 =	vld [tilespmem:s21+$0xE0];
	[tilespmem:s19+$0x70] =	vst v2;
	s19 =	smov.u32 s21  }
0x56: {  	v2 =	vld [tilespmem:s19+$0xF0]  }
0x57: {  	v8 =	vld [tilespmem:s19+$0x0]  }
0x58: {  	v13 =	vld [tilespmem:s19+$0x10]  }
.Ltmp2:
0x59: {  	v12 =	vld [tilespmem:s19+$0x20];
	(pc) =	sbr.rel @p0 .LBB2_6-.Ltmp2, $4  }
0x5a: {  	v11 =	vld [tilespmem:s19+$0x30]  }
0x5b: {  	v10 =	vld [tilespmem:s19+$0x40]  }
0x5c: {  	vm0 =	veq.s32 v8, v15;
	v9 =	vld [tilespmem:s19+$0x50]  }
0x5d: {  	s20 =	sadd.s32 $0x400, s20;
	v14 =	vsel vm0, $0x2710, v8;
	vm0 =	veq.s32 v13, v16;
	v8 =	vld [tilespmem:s19+$0x60]  }
0x5e: {  	[tilespmem:s19+$0x0] =	vst v14;
	v13 =	vsel vm0, $0x2710, v13;
	vm10 =	veq.s32 v12, v7;
	v63 =	vld [tilespmem:s19+$0x70]  }
0x5f: {  	[tilespmem:s19+$0x10] =	vst v13;
	v12 =	vsel vm10, $0x2710, v12;
	vm11 =	veq.s32 v11, v6  }
0x60: {  	[tilespmem:s19+$0x20] =	vst v12;
	v6 =	vsel vm11, $0x2710, v11;
	vm12 =	veq.s32 v10, v5  }
0x61: {  	[tilespmem:s19+$0x30] =	vst v6;
	v5 =	vsel vm12, $0x2710, v10;
	vm13 =	veq.s32 v9, v4  }
0x62: {  	[tilespmem:s19+$0x40] =	vst v5;
	v4 =	vsel vm13, $0x2710, v9;
	vm14 =	veq.s32 v8, v3  }
0x63: {  	[tilespmem:s19+$0x50] =	vst v4;
	v3 =	vsel vm14, $0x2710, v8;
	vm15 =	veq.s32 v63, v2  }
0x64: {  	[tilespmem:s19+$0x60] =	vst v3;
	v2 =	vsel vm15, $0x2710, v63  }
0x65: {  	[tilespmem:s19+$0x70] =	vst v2  }
0x66: {  	[spmem:s2] =	stream.indirect.scatter.add.f32 [tilespmem:s12], [sflag:$0x1], $0x80, s3, s14, $0xb8;
	[tilespmem:$0x1A800] =	vst v63  }
0x67: {  	_ = 	snop  }
0x68: {  	[spmem:s2] =	stream.indirect.scatter.add.f32 [tilespmem:s12], [sflag:$0x2], $0x80, s15, s14, $0xb8;
	[tilespmem:$0x1A800] =	vst v63  }
0x69: {  	_ =	swait.ge [sflag:s16], $0x4000  }
0x6a: {  	[sflag:s16] =	ssyncset.done $0x0  }
0x6b: {  	s31 =	simm.s32 $0x200;
	[sflag:s16] =	ssyncadd.s32 $0xFFFFC000  }
0x6c: {  	[spmem:s2] =	stream.indirect.scatter.add.f32 [tilespmem:s12], [sflag:$0x1], $0x80, s31, s14, $0xb8;
	[tilespmem:$0x1A800] =	vst v63  }
0x6d: {  	_ =	swait.ge [sflag:s17], $0x4000  }
0x6e: {  	[sflag:s17] =	ssyncset.done $0x0  }
0x6f: {  	s20 =	simm.s32 $0x300;
	s19 =	simm.s32 $0xFFFF7000;
	[sflag:s17] =	ssyncadd.s32 $0xFFFFC000  }
.LBB2_8:
0x70: {  	[spmem:s2] =	stream.indirect.scatter.add.f32 [tilespmem:s12], [sflag:$0x2], $0x80, s20, s14, $0xb8;
	[tilespmem:$0x1A800] =	vst v63  }
0x71: {  	s20 =	smov.u32 s19  }
0x72: {  	p0 =	sne.s32 s19, $0xFFFFF800;
	s19 =	sadd.s32 $0x800, s19;
	_ =	swait.ge [sflag:s16], $0x4000  }
0x73: {  	s20 =	sshra.s32 s20, $0x2;
	[sflag:s16] =	ssyncset.done $0x0  }
.Ltmp3:
0x74: {  	s21 =	sadd.s32 $0x2800, s20;
	[sflag:s16] =	ssyncadd.s32 $0xFFFFC000;
	(pc) =	sbr.rel @p0 .LBB2_8-.Ltmp3, $4  }
0x75: {  	[spmem:s2] =	stream.indirect.scatter.add.f32 [tilespmem:s12], [sflag:$0x1], $0x80, s21, s14, $0xb8;
	[tilespmem:$0x1A800] =	vst v63  }
0x76: {  	_ =	swait.ge [sflag:s17], $0x4000  }
0x77: {  	[sflag:s17] =	ssyncset.done $0x0  }
0x78: {  	s20 =	sadd.s32 $0x2900, s20;
	[sflag:s17] =	ssyncadd.s32 $0xFFFFC000  }
0x79: {  	[spmem:s2] =	stream.indirect.scatter.add.f32 [tilespmem:s12], [sflag:$0x2], $0x80, s20, s14, $0xb8;
	[tilespmem:$0x1A800] =	vst v63  }
0x7a: {  	_ =	swait.ge [sflag:s16], $0x4000  }
0x7b: {  	[sflag:s16] =	ssyncset.done $0x0  }
0x7c: {  	[sflag:s16] =	ssyncadd.s32 $0xFFFFC000  }
0x7d: {  	_ =	swait.ge [sflag:s17], $0x4000  }
0x7e: {  	[sflag:s17] =	ssyncset.done $0x0  }
0x7f: {  	s19 =	sadd.s32 $0x500, s9;
	s31 =	simm.s32 $0x0;
	[sflag:s17] =	ssyncadd.s32 $0xFFFFC000  }
0x80: {  	[tilespmem:s31], [sflag:$0x3] =	stream.linear.gather [hbm4b:s19+s31], $0x2800, $0x38;
	[tilespmem:$0x1A800] =	vst v63  }
0x81: {  	_ =	swait.ge [sflag:s13], $0x2800  }
0x82: {  	[sflag:s13] =	ssyncset.done $0x0  }
0x83: {  	s19 =	simm.s32 $0x0;
	[sflag:s13] =	ssyncadd.s32 $0xFFFFD800  }
0x84: {  	v8 =	vld [tilespmem:s19+$0x80]  }
0x85: {  	v15 =	vld [tilespmem:s19+$0x90]  }
0x86: {  	v7 =	vld [tilespmem:s19+$0xA0]  }
0x87: {  	v6 =	vld [tilespmem:s19+$0xB0]  }
0x88: {  	v5 =	vld [tilespmem:s19+$0xC0]  }
0x89: {  	v4 =	vld [tilespmem:s19+$0xD0]  }
0x8a: {  	v3 =	vld [tilespmem:s19+$0xE0]  }
0x8b: {  	v2 =	vld [tilespmem:s19+$0xF0]  }
0x8c: {  	v14 =	vld [tilespmem:s19+$0x0]  }
0x8d: {  	v13 =	vld [tilespmem:s19+$0x10]  }
0x8e: {  	v12 =	vld [tilespmem:s19+$0x20]  }
0x8f: {  	v11 =	vld [tilespmem:s19+$0x30]  }
0x90: {  	v10 =	vld [tilespmem:s19+$0x40]  }
0x91: {  	v9 =	vld [tilespmem:s19+$0x50];
	vm0 =	veq.s32 v14, v8  }
0x92: {  	s20 =	simm.s32 $0x400;
	v8 =	vld [tilespmem:s19+$0x60];
	v14 =	vsel vm0, $0x2710, v14;
	vm0 =	veq.s32 v13, v15  }
.LBB2_10:
0x93: {  	s21 =	sshra.s32 s20, $0x2;
	p0 =	sne.s32 s20, $0x9C00;
	[tilespmem:s19+$0x0] =	vst v14;
	v13 =	vsel vm0, $0x2710, v13;
	vm0 =	veq.s32 v12, v7;
	v14 =	vld [tilespmem:s19+$0x70]  }
0x94: {  	v15 =	vld [tilespmem:s21+$0x80];
	[tilespmem:s19+$0x10] =	vst v13;
	v7 =	vsel vm0, $0x2710, v12;
	vm0 =	veq.s32 v11, v6  }
0x95: {  	v16 =	vld [tilespmem:s21+$0x90];
	[tilespmem:s19+$0x20] =	vst v7;
	v6 =	vsel vm0, $0x2710, v11;
	vm0 =	veq.s32 v10, v5  }
0x96: {  	v7 =	vld [tilespmem:s21+$0xA0];
	[tilespmem:s19+$0x30] =	vst v6;
	v5 =	vsel vm0, $0x2710, v10;
	vm0 =	veq.s32 v9, v4  }
0x97: {  	v6 =	vld [tilespmem:s21+$0xB0];
	[tilespmem:s19+$0x40] =	vst v5;
	v4 =	vsel vm0, $0x2710, v9;
	vm0 =	veq.s32 v8, v3  }
0x98: {  	v5 =	vld [tilespmem:s21+$0xC0];
	[tilespmem:s19+$0x50] =	vst v4;
	v3 =	vsel vm0, $0x2710, v8;
	vm0 =	veq.s32 v14, v2  }
0x99: {  	v4 =	vld [tilespmem:s21+$0xD0];
	[tilespmem:s19+$0x60] =	vst v3;
	v2 =	vsel vm0, $0x2710, v14  }
0x9a: {  	v3 =	vld [tilespmem:s21+$0xE0];
	[tilespmem:s19+$0x70] =	vst v2;
	s19 =	smov.u32 s21  }
0x9b: {  	v2 =	vld [tilespmem:s19+$0xF0]  }
0x9c: {  	v8 =	vld [tilespmem:s19+$0x0]  }
0x9d: {  	v13 =	vld [tilespmem:s19+$0x10]  }
.Ltmp4:
0x9e: {  	v12 =	vld [tilespmem:s19+$0x20];
	(pc) =	sbr.rel @p0 .LBB2_10-.Ltmp4, $4  }
0x9f: {  	v11 =	vld [tilespmem:s19+$0x30]  }
0xa0: {  	v10 =	vld [tilespmem:s19+$0x40]  }
0xa1: {  	vm0 =	veq.s32 v8, v15;
	v9 =	vld [tilespmem:s19+$0x50]  }
0xa2: {  	s20 =	sadd.s32 $0x400, s20;
	v14 =	vsel vm0, $0x2710, v8;
	vm0 =	veq.s32 v13, v16;
	v8 =	vld [tilespmem:s19+$0x60]  }
0xa3: {  	[tilespmem:s19+$0x0] =	vst v14;
	v13 =	vsel vm0, $0x2710, v13;
	vm10 =	veq.s32 v12, v7;
	v63 =	vld [tilespmem:s19+$0x70]  }
0xa4: {  	[tilespmem:s19+$0x10] =	vst v13;
	v12 =	vsel vm10, $0x2710, v12;
	vm11 =	veq.s32 v11, v6  }
0xa5: {  	[tilespmem:s19+$0x20] =	vst v12;
	v6 =	vsel vm11, $0x2710, v11;
	vm12 =	veq.s32 v10, v5  }
0xa6: {  	[tilespmem:s19+$0x30] =	vst v6;
	v5 =	vsel vm12, $0x2710, v10;
	vm13 =	veq.s32 v9, v4  }
0xa7: {  	[tilespmem:s19+$0x40] =	vst v5;
	v4 =	vsel vm13, $0x2710, v9;
	vm14 =	veq.s32 v8, v3  }
0xa8: {  	[tilespmem:s19+$0x50] =	vst v4;
	v3 =	vsel vm14, $0x2710, v8;
	vm15 =	veq.s32 v63, v2  }
0xa9: {  	[tilespmem:s19+$0x60] =	vst v3;
	v2 =	vsel vm15, $0x2710, v63  }
0xaa: {  	[tilespmem:s19+$0x70] =	vst v2  }
0xab: {  	[spmem:s2] =	stream.indirect.scatter.add.f32 [tilespmem:s12], [sflag:$0x1], $0x80, s3, s14, $0xb8;
	[tilespmem:$0x1A800] =	vst v63  }
0xac: {  	_ = 	snop  }
0xad: {  	[spmem:s2] =	stream.indirect.scatter.add.f32 [tilespmem:s12], [sflag:$0x2], $0x80, s15, s14, $0xb8;
	[tilespmem:$0x1A800] =	vst v63  }
0xae: {  	_ =	swait.ge [sflag:s16], $0x4000  }
0xaf: {  	[sflag:s16] =	ssyncset.done $0x0  }
0xb0: {  	s31 =	simm.s32 $0x200;
	[sflag:s16] =	ssyncadd.s32 $0xFFFFC000  }
0xb1: {  	[spmem:s2] =	stream.indirect.scatter.add.f32 [tilespmem:s12], [sflag:$0x1], $0x80, s31, s14, $0xb8;
	[tilespmem:$0x1A800] =	vst v63  }
0xb2: {  	_ =	swait.ge [sflag:s17], $0x4000  }
0xb3: {  	[sflag:s17] =	ssyncset.done $0x0  }
0xb4: {  	s20 =	simm.s32 $0x300;
	s19 =	simm.s32 $0xFFFF7000;
	[sflag:s17] =	ssyncadd.s32 $0xFFFFC000  }
.LBB2_12:
0xb5: {  	[spmem:s2] =	stream.indirect.scatter.add.f32 [tilespmem:s12], [sflag:$0x2], $0x80, s20, s14, $0xb8;
	[tilespmem:$0x1A800] =	vst v63  }
0xb6: {  	s20 =	smov.u32 s19  }
0xb7: {  	p0 =	sne.s32 s19, $0xFFFFF800;
	s19 =	sadd.s32 $0x800, s19;
	_ =	swait.ge [sflag:s16], $0x4000  }
0xb8: {  	s20 =	sshra.s32 s20, $0x2;
	[sflag:s16] =	ssyncset.done $0x0  }
.Ltmp5:
0xb9: {  	s21 =	sadd.s32 $0x2800, s20;
	[sflag:s16] =	ssyncadd.s32 $0xFFFFC000;
	(pc) =	sbr.rel @p0 .LBB2_12-.Ltmp5, $4  }
0xba: {  	[spmem:s2] =	stream.indirect.scatter.add.f32 [tilespmem:s12], [sflag:$0x1], $0x80, s21, s14, $0xb8;
	[tilespmem:$0x1A800] =	vst v63  }
0xbb: {  	_ =	swait.ge [sflag:s17], $0x4000  }
0xbc: {  	[sflag:s17] =	ssyncset.done $0x0  }
0xbd: {  	s20 =	sadd.s32 $0x2900, s20;
	[sflag:s17] =	ssyncadd.s32 $0xFFFFC000  }
0xbe: {  	[spmem:s2] =	stream.indirect.scatter.add.f32 [tilespmem:s12], [sflag:$0x2], $0x80, s20, s14, $0xb8;
	[tilespmem:$0x1A800] =	vst v63  }
0xbf: {  	_ =	swait.ge [sflag:s16], $0x4000  }
0xc0: {  	[sflag:s16] =	ssyncset.done $0x0  }
0xc1: {  	[sflag:s16] =	ssyncadd.s32 $0xFFFFC000  }
0xc2: {  	_ =	swait.ge [sflag:s17], $0x4000  }
0xc3: {  	s19 =	sshll.u32 s0, $0x6;
	s18 =	sadd.s32 $0x1, s18;
	[sflag:s17] =	ssyncset.done $0x0  }
0xc4: {  	s31 =	sshrl.u32 s4, $0x3;
	p0 =	sne.s32 s18, s11;
	[sflag:s17] =	ssyncadd.s32 $0xFFFFC000  }
.Ltmp6:
0xc5: {  	s19 =	sor.u32 $0x1C03, s19;
	[bflag:$0x0] =	sbarrier.arrive $0xFFFF;
	(pc) =	sbr.rel @p0 .LBB2_1-.Ltmp6, $4  }
0xc6: {  	[hbm:s10], [sflag:s19] =	dma.local [spmem:s31], $0x2800  }
0xc7: {  	_ =	swait.ge [sflag:s13], $0x2800  }
0xc8: {  	[sflag:s13] =	ssyncset.done $0x0  }
0xc9: {  	[sflag:s13] =	ssyncadd.s32 $0xFFFFD800  }
0xca: {  	_ =	sfence.sel $0x180000  }
0xcb: {  	[bflag:$0x0] =	sbarrier.arrive $0xFFFF  }
0xcc: {  	p0 =	sne.s32 s0, $0x0;
	_ =	strace $0x90000047  }
0xcd: {  	s0 =	sadd.s32 @!p0 $0x100000, s1;
	[bflag:$0x2] =	sbarrier.arrive $0xFFFF  }
0xce: {  	[sflag:s0] =	ssyncadd.tile.s32 @!p0 $0x1;
	_ =	shalt  }
.Lfunc_end2:
_tile_overlayer_lowered:
.L_overlay_start_2:
0xcf: {  	(tag) =	ssettag $0x2  }
0xd0: {  	s0 =	rddreg [dreg:$0x0];
	s2 =	stileid.u32  }
0xd1: {  	s1 =	rddreg [dreg:$0x1];
	p0 =	sne.s32 s2, $0x0  }
0xd2: {  	s3 =	rddreg [dreg:$0x2];
	[bflag:$0x3] =	sbarrier.arrive $0xFFFF;
	s2 =	simm.s32 @!p0 $0x1C03  }
0xd3: {  	[timem:s3], [sflag:s2] =	dma.local @!p0 [hbm:s0], s1  }
0xd4: {  	s0 =	simm.s32 @!p0 $0x3  }
0xd5: {  	_ =	swait.ge @!p0 [sflag:s0], s1  }
0xd6: {  	s1 =	ssub.s32 @!p0 $0x0, s1;
	[sflag:s0] =	ssyncset.done @!p0 $0x0  }
0xd7: {  	[sflag:s0] =	ssyncadd.s32 @!p0 s1  }
0xd8: {  	[bflag:$0x3] =	sbarrier.arrive $0xFFFF  }
0xd9: {  	_ =	shalt  }

</sc_bundles>
